<compile_context>
chip_gen: v7x
topology: tpu7x:2x2x1
jax: 0.10.2.dev20260603
libtpu: 0.0.44.dev20260713+nightly
codegen_flags: <defaults>
</compile_context>

<pallas_src>
import functools

import jax
import jax.numpy as jnp
import numpy as np
from jax import lax
from jax.experimental import pallas as pl
from jax.experimental.pallas import tpu as pltpu
from jax.experimental.pallas import tpu_sc as plsc

LANES = 16
G = 128
NBUF = 4
LOOK = 2
PITCH = 129


def _emb_sc(table, xt, n_b1, D):
    scale = float(D) ** 0.5
    info = plsc.get_sparse_core_info()
    NC, NS = info.num_cores, info.num_subcores
    NW = NC * NS
    DB = D // 8

    mesh = plsc.VectorSubcoreMesh(core_axis_name="c", subcore_axis_name="s")

    @functools.partial(
        pl.kernel,
        mesh=mesh,
        compiler_params=pltpu.CompilerParams(
            use_tc_tiling_on_sc=False, needs_layout_passes=False),
        out_type=jax.ShapeDtypeStruct((n_b1, DB, NW, 8, G), jnp.float32),
        scratch_types=[
            pltpu.VMEM((n_b1, G), jnp.int32),
            pltpu.VMEM((NBUF, G, D), jnp.float32),
            pltpu.VMEM((NBUF, D, PITCH), jnp.float32),
            [pltpu.SemaphoreType.DMA] * NBUF,
            [pltpu.SemaphoreType.DMA] * NBUF,
        ],
    )
    def emb(table_hbm, xt_hbm, out_hbm, idx_v, rows_v, tbuf, gsems, wsems):
        c_ax = lax.axis_index("c")
        s_ax = lax.axis_index("s")
        w = s_ax * NC + c_ax
        pltpu.sync_copy(xt_hbm.at[:, pl.ds(w * G, G)], idx_v)

        def fire_gather(b, g):
            pltpu.async_copy(table_hbm.at[idx_v.at[g]], rows_v.at[b], gsems[b])

        def wait_gather(b, g):
            pltpu.make_async_copy(
                table_hbm.at[idx_v.at[g]], rows_v.at[b], gsems[b]).wait()

        def fire_writes(b, g):
            for k in range(DB):
                pltpu.async_copy(
                    tbuf.at[b, pl.ds(k * 8, 8), pl.ds(0, G)],
                    out_hbm.at[g, k, w], wsems[b])

        def wait_writes(b, g):
            for k in range(DB):
                pltpu.make_async_copy(
                    tbuf.at[b, pl.ds(k * 8, 8), pl.ds(0, G)],
                    out_hbm.at[g, k, w], wsems[b]).wait()

        base_iota = lax.iota(jnp.int32, LANES)
        row_idx = [base_iota + d0 for d0 in range(0, D, LANES)]

        for b in range(LOOK):
            fire_gather(b, b)

        def outer(o, carry):
            for b in range(NBUF):
                g = o * NBUF + b
                bf = (b + LOOK) % NBUF
                pf = g + LOOK

                @pl.when(pf < n_b1)
                def _():
                    @pl.when(g >= LOOK)
                    def _():
                        wait_writes(bf, g - LOOK)
                    fire_gather(bf, pf)

                wait_gather(b, g)

                @plsc.parallel_loop(0, G, unroll=4)
                def col_body(c):
                    col = jnp.full((LANES,), c, dtype=jnp.int32)
                    for j in range(D // LANES):
                        vals = rows_v[b, c, pl.ds(j * LANES, LANES)] * scale
                        plsc.store_scatter(
                            tbuf.at[b], [row_idx[j], col], vals)
                fire_writes(b, g)
            return carry

        lax.fori_loop(0, n_b1 // NBUF, outer, 0)

        for b in range(NBUF):
            wait_writes(b, n_b1 - NBUF + b)

    return emb(table, xt)


def kernel(x, table):
    B0, B1 = x.shape
    D = table.shape[1]
    xt = jnp.swapaxes(x, 0, 1).astype(jnp.int32)
    out5 = _emb_sc(table, xt, B1, D)
    return out5.transpose(2, 4, 0, 1, 3).reshape(B0, B1, D)

# --- scband reference (transcript-rebuilt; emitter-appended) ---
"""Pipeline reference for scband-token-embedding-11914239279171 (READ-ONLY COPY).

The authoritative reference and input builder live on the scoring server;
editing this copy changes nothing except your own understanding.
"""

import math
import jax, jax.numpy as jnp
import numpy as np

VOCAB = 1000000
D_MODEL = 64

def setup_inputs(seed: int = 0) -> dict:
    key = jax.random.key(seed)
    k1, k2 = jax.random.split(key)
    x = jax.random.randint(k1, (4096, 200), 0, VOCAB, dtype=jnp.int64 if jax.config.jax_enable_x64 else jnp.int32)
    table = jax.random.normal(k2, (VOCAB, D_MODEL), dtype=jnp.float32)
    return {"x": x, "table": table}

def reference(x, table):
    # TokenEmbedding.forward: embedding(x) * sqrt(d_model)
    emb = jnp.take(table, x, axis=0)
    return emb * math.sqrt(D_MODEL)

if __name__ == "__main__":
    import jax
    _d = setup_inputs()
    print(jax.jit(kernel)(*tuple(_d.values())))

</pallas_src>

<mosaic_0001>
#map = affine_map<(d0, d1) -> (0, 0)>
#map1 = affine_map<(d0, d1) -> (0, 0, 0, 0, 0)>
module attributes {stable_mosaic.version = 14 : i64} {
  func.func @emb(%arg0: i32, %arg1: i32, %arg2: memref<1000000x64xf32, #tpu.memory_space<hbm>>, %arg3: memref<200x4096xi32, #tpu.memory_space<hbm>>, %arg4: memref<200x8x32x8x128xf32, #tpu.memory_space<hbm>>, %arg5: memref<200x128xi32, #tpu.memory_space<vmem>>, %arg6: memref<4x128x64xf32, #tpu.memory_space<vmem>>, %arg7: memref<4x64x129xf32, #tpu.memory_space<vmem>>, %arg8: memref<!tpu.dma_semaphore, #tpu.memory_space<semaphore_mem>>, %arg9: memref<!tpu.dma_semaphore, #tpu.memory_space<semaphore_mem>>, %arg10: memref<!tpu.dma_semaphore, #tpu.memory_space<semaphore_mem>>, %arg11: memref<!tpu.dma_semaphore, #tpu.memory_space<semaphore_mem>>, %arg12: memref<!tpu.dma_semaphore, #tpu.memory_space<semaphore_mem>>, %arg13: memref<!tpu.dma_semaphore, #tpu.memory_space<semaphore_mem>>, %arg14: memref<!tpu.dma_semaphore, #tpu.memory_space<semaphore_mem>>, %arg15: memref<!tpu.dma_semaphore, #tpu.memory_space<semaphore_mem>>) attributes {dimension_semantics = [#tpu.dimension_semantics<core_parallel>, #tpu.dimension_semantics<subcore_parallel>], iteration_bounds = array<i64: 2, 16>, scalar_prefetch = 0 : i64, scratch_operands = 11 : i64, tpu.core_type = #tpu.core_type<sc_vector_subcore>, window_params = [{transform_indices = #map}, {transform_indices = #map}, {transform_indices = #map1}]} {
    %mul3A = arith.constant 2 : i32
    %mul3A_0 = arith.muli %arg1, %mul3A : i32
    %add3A = arith.addi %mul3A_0, %arg0 : i32
    %mul3A_1 = arith.constant 128 : i32
    %mul3A_2 = arith.muli %add3A, %mul3A_1 : i32
    "tpu.region"() ({
      %run_scoped3A = tpu.sem_alloc : memref<!tpu.dma_semaphore, #tpu.memory_space<semaphore_mem>>
      %dma_start3A_650 = arith.constant 0 : i32
      %dma_start3A_651 = tpu.memref_slice %arg3[%dma_start3A_650, %mul3A_2] : memref<200x4096xi32, #tpu.memory_space<hbm>> -> memref<200x128xi32, #tpu.memory_space<hbm>>
      %dma_start3A_652 = arith.constant 0 : i32
      %dma_start3A_653 = tpu.memref_slice %arg3[%dma_start3A_652, %mul3A_2] : memref<200x4096xi32, #tpu.memory_space<hbm>> -> memref<200x128xi32, #tpu.memory_space<hbm>>
      tpu.enqueue_dma source(%dma_start3A_653 : memref<200x128xi32, #tpu.memory_space<hbm>>) target(%arg5 : memref<200x128xi32, #tpu.memory_space<vmem>>) target_semaphore(%run_scoped3A : memref<!tpu.dma_semaphore, #tpu.memory_space<semaphore_mem>>)
      %dma_wait3A_654 = arith.constant 0 : i32
      %dma_wait3A_655 = tpu.memref_slice %arg3[%dma_wait3A_654, %mul3A_2] : memref<200x4096xi32, #tpu.memory_space<hbm>> -> memref<200x128xi32, #tpu.memory_space<hbm>>
      %dma_wait3A_656 = arith.constant 0 : i32
      %dma_wait3A_657 = tpu.memref_slice %arg3[%dma_wait3A_656, %mul3A_2] : memref<200x4096xi32, #tpu.memory_space<hbm>> -> memref<200x128xi32, #tpu.memory_space<hbm>>
      tpu.wait_dma2 semaphore(%run_scoped3A : memref<!tpu.dma_semaphore, #tpu.memory_space<semaphore_mem>>) src(%dma_wait3A_657 : memref<200x128xi32, #tpu.memory_space<hbm>>) dst(%arg5 : memref<200x128xi32, #tpu.memory_space<vmem>>)
      tpu.yield
    }) : () -> ()
    %iota3A = tpu.iota {dimensions = array<i32: 0>} : vector<16xi32>
    %add3A_3 = arith.constant 0 : i32
    %add3A_4 = vector.broadcast %add3A_3 : i32 to vector<16xi32>
    %add3A_5 = arith.addi %iota3A, %add3A_4 : vector<16xi32>
    %add3A_6 = arith.constant 16 : i32
    %add3A_7 = vector.broadcast %add3A_6 : i32 to vector<16xi32>
    %add3A_8 = arith.addi %iota3A, %add3A_7 : vector<16xi32>
    %add3A_9 = arith.constant 32 : i32
    %add3A_10 = vector.broadcast %add3A_9 : i32 to vector<16xi32>
    %add3A_11 = arith.addi %iota3A, %add3A_10 : vector<16xi32>
    %add3A_12 = arith.constant 48 : i32
    %add3A_13 = vector.broadcast %add3A_12 : i32 to vector<16xi32>
    %add3A_14 = arith.addi %iota3A, %add3A_13 : vector<16xi32>
    %dma_start3A = arith.constant 0 : i32
    %dma_start3A_15 = arith.constant 0 : i32
    %dma_start3A_16 = arith.constant 0 : i32
    %dma_start3A_17 = arith.constant 0 : i32
    %dma_start3A_18 = tpu.memref_slice %arg6[%dma_start3A_15, %dma_start3A_16, %dma_start3A_17] : memref<4x128x64xf32, #tpu.memory_space<vmem>> -> memref<1x128x64xf32, #tpu.memory_space<vmem>>
    %dma_start3A_19 = tpu.memref_squeeze %dma_start3A_18 : memref<1x128x64xf32, #tpu.memory_space<vmem>> -> memref<128x64xf32, #tpu.memory_space<vmem>>
    %dma_start3A_20 = arith.constant 0 : i32
    %dma_start3A_21 = tpu.memref_slice %arg5[%dma_start3A, %dma_start3A_20] : memref<200x128xi32, #tpu.memory_space<vmem>> -> memref<1x128xi32, #tpu.memory_space<vmem>>
    %dma_start3A_22 = tpu.memref_squeeze %dma_start3A_21 : memref<1x128xi32, #tpu.memory_space<vmem>> -> memref<128xi32, #tpu.memory_space<vmem>>
    %dma_start3A_23 = arith.constant 0 : i32
    %dma_start3A_24 = arith.constant 0 : i32
    %dma_start3A_25 = tpu.memref_slice %arg2[%dma_start3A_23, %dma_start3A_24] : memref<1000000x64xf32, #tpu.memory_space<hbm>> -> memref<1000000x64xf32, #tpu.memory_space<hbm>>
    tpu.enqueue_indirect_dma source(%dma_start3A_25 : memref<1000000x64xf32, #tpu.memory_space<hbm>>) target(%dma_start3A_19 : memref<128x64xf32, #tpu.memory_space<vmem>>) offsets(%dma_start3A_22 : memref<128xi32, #tpu.memory_space<vmem>>) semaphore(%arg8 : memref<!tpu.dma_semaphore, #tpu.memory_space<semaphore_mem>>)
    %dma_start3A_26 = arith.constant 1 : i32
    %dma_start3A_27 = arith.constant 1 : i32
    %dma_start3A_28 = arith.constant 0 : i32
    %dma_start3A_29 = arith.constant 0 : i32
    %dma_start3A_30 = tpu.memref_slice %arg6[%dma_start3A_27, %dma_start3A_28, %dma_start3A_29] : memref<4x128x64xf32, #tpu.memory_space<vmem>> -> memref<1x128x64xf32, #tpu.memory_space<vmem>>
    %dma_start3A_31 = tpu.memref_squeeze %dma_start3A_30 : memref<1x128x64xf32, #tpu.memory_space<vmem>> -> memref<128x64xf32, #tpu.memory_space<vmem>>
    %dma_start3A_32 = arith.constant 0 : i32
    %dma_start3A_33 = tpu.memref_slice %arg5[%dma_start3A_26, %dma_start3A_32] : memref<200x128xi32, #tpu.memory_space<vmem>> -> memref<1x128xi32, #tpu.memory_space<vmem>>
    %dma_start3A_34 = tpu.memref_squeeze %dma_start3A_33 : memref<1x128xi32, #tpu.memory_space<vmem>> -> memref<128xi32, #tpu.memory_space<vmem>>
    %dma_start3A_35 = arith.constant 0 : i32
    %dma_start3A_36 = arith.constant 0 : i32
    %dma_start3A_37 = tpu.memref_slice %arg2[%dma_start3A_35, %dma_start3A_36] : memref<1000000x64xf32, #tpu.memory_space<hbm>> -> memref<1000000x64xf32, #tpu.memory_space<hbm>>
    tpu.enqueue_indirect_dma source(%dma_start3A_37 : memref<1000000x64xf32, #tpu.memory_space<hbm>>) target(%dma_start3A_31 : memref<128x64xf32, #tpu.memory_space<vmem>>) offsets(%dma_start3A_34 : memref<128xi32, #tpu.memory_space<vmem>>) semaphore(%arg9 : memref<!tpu.dma_semaphore, #tpu.memory_space<semaphore_mem>>)
    %scan3A = arith.constant 0 : i32
    %scan3A_38 = arith.constant 0 : i32
    %scan3A_39 = arith.constant 50 : i32
    %scan3A_40 = arith.addi %scan3A_38, %scan3A_39 : i32
    %scan3A_41 = arith.constant 1 : i32
    scf.for %scan3A_650 = %scan3A_38 to %scan3A_40 step %scan3A_41  : i32 {
      %mul3A_651 = arith.constant 4 : i32
      %mul3A_652 = arith.muli %scan3A_650, %mul3A_651 : i32
      %add3A_653 = arith.constant 0 : i32
      %add3A_654 = arith.addi %mul3A_652, %add3A_653 : i32
      %add3A_655 = arith.constant 2 : i32
      %add3A_656 = arith.addi %add3A_654, %add3A_655 : i32
      %lt3A = arith.constant 200 : i32
      %lt3A_657 = arith.cmpi slt, %add3A_656, %lt3A : i32
      %convert_element_type3A = arith.extui %lt3A_657 : i1 to i32
      %cond3A = arith.constant 0 : i32
      %cond3A_658 = arith.cmpi ne, %convert_element_type3A, %cond3A : i32
      scf.if %cond3A_658 {
        %ge3A = arith.constant 2 : i32
        %ge3A_1323 = arith.cmpi sge, %add3A_654, %ge3A : i32
        %convert_element_type3A_1324 = arith.extui %ge3A_1323 : i1 to i32
        %cond3A_1325 = arith.constant 0 : i32
        %cond3A_1326 = arith.cmpi ne, %convert_element_type3A_1324, %cond3A_1325 : i32
        scf.if %cond3A_1326 {
          %sub3A = arith.constant 2 : i32
          %sub3A_1338 = arith.subi %add3A_654, %sub3A : i32
          %dma_wait3A_1339 = arith.constant 2 : i32
          %dma_wait3A_1340 = arith.constant 0 : i32
          %dma_wait3A_1341 = arith.constant 0 : i32
          %dma_wait3A_1342 = arith.constant 0 : i32
          %dma_wait3A_1343 = tpu.memref_slice %arg7[%dma_wait3A_1339, %dma_wait3A_1341, %dma_wait3A_1342] : memref<4x64x129xf32, #tpu.memory_space<vmem>> -> memref<1x8x128xf32, #tpu.memory_space<vmem>>
          %dma_wait3A_1344 = tpu.memref_squeeze %dma_wait3A_1343 : memref<1x8x128xf32, #tpu.memory_space<vmem>> -> memref<8x128xf32, #tpu.memory_space<vmem>>
          %dma_wait3A_1345 = arith.constant 0 : i32
          %dma_wait3A_1346 = arith.constant 0 : i32
          %dma_wait3A_1347 = tpu.memref_slice %arg4[%sub3A_1338, %dma_wait3A_1340, %add3A, %dma_wait3A_1345, %dma_wait3A_1346] : memref<200x8x32x8x128xf32, #tpu.memory_space<hbm>> -> memref<1x1x1x8x128xf32, #tpu.memory_space<hbm>>
          %dma_wait3A_1348 = tpu.memref_squeeze %dma_wait3A_1347 : memref<1x1x1x8x128xf32, #tpu.memory_space<hbm>> -> memref<8x128xf32, #tpu.memory_space<hbm>>
          %dma_wait3A_1349 = arith.constant 0 : i32
          %dma_wait3A_1350 = arith.constant 0 : i32
          %dma_wait3A_1351 = tpu.memref_slice %arg4[%sub3A_1338, %dma_wait3A_1340, %add3A, %dma_wait3A_1349, %dma_wait3A_1350] : memref<200x8x32x8x128xf32, #tpu.memory_space<hbm>> -> memref<1x1x1x8x128xf32, #tpu.memory_space<hbm>>
          %dma_wait3A_1352 = tpu.memref_squeeze %dma_wait3A_1351 : memref<1x1x1x8x128xf32, #tpu.memory_space<hbm>> -> memref<8x128xf32, #tpu.memory_space<hbm>>
          %dma_wait3A_1353 = arith.constant 0 : i32
          %dma_wait3A_1354 = arith.constant 0 : i32
          %dma_wait3A_1355 = tpu.memref_slice %arg7[%dma_wait3A_1339, %dma_wait3A_1353, %dma_wait3A_1354] : memref<4x64x129xf32, #tpu.memory_space<vmem>> -> memref<1x8x128xf32, #tpu.memory_space<vmem>>
          %dma_wait3A_1356 = tpu.memref_squeeze %dma_wait3A_1355 : memref<1x8x128xf32, #tpu.memory_space<vmem>> -> memref<8x128xf32, #tpu.memory_space<vmem>>
          tpu.wait_dma2 semaphore(%arg14 : memref<!tpu.dma_semaphore, #tpu.memory_space<semaphore_mem>>) src(%dma_wait3A_1356 : memref<8x128xf32, #tpu.memory_space<vmem>>) dst(%dma_wait3A_1352 : memref<8x128xf32, #tpu.memory_space<hbm>>)
          %dma_wait3A_1357 = arith.constant 2 : i32
          %dma_wait3A_1358 = arith.constant 1 : i32
          %dma_wait3A_1359 = arith.constant 8 : i32
          %dma_wait3A_1360 = arith.constant 0 : i32
          %dma_wait3A_1361 = tpu.memref_slice %arg7[%dma_wait3A_1357, %dma_wait3A_1359, %dma_wait3A_1360] : memref<4x64x129xf32, #tpu.memory_space<vmem>> -> memref<1x8x128xf32, #tpu.memory_space<vmem>>
          %dma_wait3A_1362 = tpu.memref_squeeze %dma_wait3A_1361 : memref<1x8x128xf32, #tpu.memory_space<vmem>> -> memref<8x128xf32, #tpu.memory_space<vmem>>
          %dma_wait3A_1363 = arith.constant 0 : i32
          %dma_wait3A_1364 = arith.constant 0 : i32
          %dma_wait3A_1365 = tpu.memref_slice %arg4[%sub3A_1338, %dma_wait3A_1358, %add3A, %dma_wait3A_1363, %dma_wait3A_1364] : memref<200x8x32x8x128xf32, #tpu.memory_space<hbm>> -> memref<1x1x1x8x128xf32, #tpu.memory_space<hbm>>
          %dma_wait3A_1366 = tpu.memref_squeeze %dma_wait3A_1365 : memref<1x1x1x8x128xf32, #tpu.memory_space<hbm>> -> memref<8x128xf32, #tpu.memory_space<hbm>>
          %dma_wait3A_1367 = arith.constant 0 : i32
          %dma_wait3A_1368 = arith.constant 0 : i32
          %dma_wait3A_1369 = tpu.memref_slice %arg4[%sub3A_1338, %dma_wait3A_1358, %add3A, %dma_wait3A_1367, %dma_wait3A_1368] : memref<200x8x32x8x128xf32, #tpu.memory_space<hbm>> -> memref<1x1x1x8x128xf32, #tpu.memory_space<hbm>>
          %dma_wait3A_1370 = tpu.memref_squeeze %dma_wait3A_1369 : memref<1x1x1x8x128xf32, #tpu.memory_space<hbm>> -> memref<8x128xf32, #tpu.memory_space<hbm>>
          %dma_wait3A_1371 = arith.constant 8 : i32
          %dma_wait3A_1372 = arith.constant 0 : i32
          %dma_wait3A_1373 = tpu.memref_slice %arg7[%dma_wait3A_1357, %dma_wait3A_1371, %dma_wait3A_1372] : memref<4x64x129xf32, #tpu.memory_space<vmem>> -> memref<1x8x128xf32, #tpu.memory_space<vmem>>
          %dma_wait3A_1374 = tpu.memref_squeeze %dma_wait3A_1373 : memref<1x8x128xf32, #tpu.memory_space<vmem>> -> memref<8x128xf32, #tpu.memory_space<vmem>>
          tpu.wait_dma2 semaphore(%arg14 : memref<!tpu.dma_semaphore, #tpu.memory_space<semaphore_mem>>) src(%dma_wait3A_1374 : memref<8x128xf32, #tpu.memory_space<vmem>>) dst(%dma_wait3A_1370 : memref<8x128xf32, #tpu.memory_space<hbm>>)
          %dma_wait3A_1375 = arith.constant 2 : i32
          %dma_wait3A_1376 = arith.constant 2 : i32
          %dma_wait3A_1377 = arith.constant 16 : i32
          %dma_wait3A_1378 = arith.constant 0 : i32
          %dma_wait3A_1379 = tpu.memref_slice %arg7[%dma_wait3A_1375, %dma_wait3A_1377, %dma_wait3A_1378] : memref<4x64x129xf32, #tpu.memory_space<vmem>> -> memref<1x8x128xf32, #tpu.memory_space<vmem>>
          %dma_wait3A_1380 = tpu.memref_squeeze %dma_wait3A_1379 : memref<1x8x128xf32, #tpu.memory_space<vmem>> -> memref<8x128xf32, #tpu.memory_space<vmem>>
          %dma_wait3A_1381 = arith.constant 0 : i32
          %dma_wait3A_1382 = arith.constant 0 : i32
          %dma_wait3A_1383 = tpu.memref_slice %arg4[%sub3A_1338, %dma_wait3A_1376, %add3A, %dma_wait3A_1381, %dma_wait3A_1382] : memref<200x8x32x8x128xf32, #tpu.memory_space<hbm>> -> memref<1x1x1x8x128xf32, #tpu.memory_space<hbm>>
          %dma_wait3A_1384 = tpu.memref_squeeze %dma_wait3A_1383 : memref<1x1x1x8x128xf32, #tpu.memory_space<hbm>> -> memref<8x128xf32, #tpu.memory_space<hbm>>
          %dma_wait3A_1385 = arith.constant 0 : i32
          %dma_wait3A_1386 = arith.constant 0 : i32
          %dma_wait3A_1387 = tpu.memref_slice %arg4[%sub3A_1338, %dma_wait3A_1376, %add3A, %dma_wait3A_1385, %dma_wait3A_1386] : memref<200x8x32x8x128xf32, #tpu.memory_space<hbm>> -> memref<1x1x1x8x128xf32, #tpu.memory_space<hbm>>
          %dma_wait3A_1388 = tpu.memref_squeeze %dma_wait3A_1387 : memref<1x1x1x8x128xf32, #tpu.memory_space<hbm>> -> memref<8x128xf32, #tpu.memory_space<hbm>>
          %dma_wait3A_1389 = arith.constant 16 : i32
          %dma_wait3A_1390 = arith.constant 0 : i32
          %dma_wait3A_1391 = tpu.memref_slice %arg7[%dma_wait3A_1375, %dma_wait3A_1389, %dma_wait3A_1390] : memref<4x64x129xf32, #tpu.memory_space<vmem>> -> memref<1x8x128xf32, #tpu.memory_space<vmem>>
          %dma_wait3A_1392 = tpu.memref_squeeze %dma_wait3A_1391 : memref<1x8x128xf32, #tpu.memory_space<vmem>> -> memref<8x128xf32, #tpu.memory_space<vmem>>
          tpu.wait_dma2 semaphore(%arg14 : memref<!tpu.dma_semaphore, #tpu.memory_space<semaphore_mem>>) src(%dma_wait3A_1392 : memref<8x128xf32, #tpu.memory_space<vmem>>) dst(%dma_wait3A_1388 : memref<8x128xf32, #tpu.memory_space<hbm>>)
          %dma_wait3A_1393 = arith.constant 2 : i32
          %dma_wait3A_1394 = arith.constant 3 : i32
          %dma_wait3A_1395 = arith.constant 24 : i32
          %dma_wait3A_1396 = arith.constant 0 : i32
          %dma_wait3A_1397 = tpu.memref_slice %arg7[%dma_wait3A_1393, %dma_wait3A_1395, %dma_wait3A_1396] : memref<4x64x129xf32, #tpu.memory_space<vmem>> -> memref<1x8x128xf32, #tpu.memory_space<vmem>>
          %dma_wait3A_1398 = tpu.memref_squeeze %dma_wait3A_1397 : memref<1x8x128xf32, #tpu.memory_space<vmem>> -> memref<8x128xf32, #tpu.memory_space<vmem>>
          %dma_wait3A_1399 = arith.constant 0 : i32
          %dma_wait3A_1400 = arith.constant 0 : i32
          %dma_wait3A_1401 = tpu.memref_slice %arg4[%sub3A_1338, %dma_wait3A_1394, %add3A, %dma_wait3A_1399, %dma_wait3A_1400] : memref<200x8x32x8x128xf32, #tpu.memory_space<hbm>> -> memref<1x1x1x8x128xf32, #tpu.memory_space<hbm>>
          %dma_wait3A_1402 = tpu.memref_squeeze %dma_wait3A_1401 : memref<1x1x1x8x128xf32, #tpu.memory_space<hbm>> -> memref<8x128xf32, #tpu.memory_space<hbm>>
          %dma_wait3A_1403 = arith.constant 0 : i32
          %dma_wait3A_1404 = arith.constant 0 : i32
          %dma_wait3A_1405 = tpu.memref_slice %arg4[%sub3A_1338, %dma_wait3A_1394, %add3A, %dma_wait3A_1403, %dma_wait3A_1404] : memref<200x8x32x8x128xf32, #tpu.memory_space<hbm>> -> memref<1x1x1x8x128xf32, #tpu.memory_space<hbm>>
          %dma_wait3A_1406 = tpu.memref_squeeze %dma_wait3A_1405 : memref<1x1x1x8x128xf32, #tpu.memory_space<hbm>> -> memref<8x128xf32, #tpu.memory_space<hbm>>
          %dma_wait3A_1407 = arith.constant 24 : i32
          %dma_wait3A_1408 = arith.constant 0 : i32
          %dma_wait3A_1409 = tpu.memref_slice %arg7[%dma_wait3A_1393, %dma_wait3A_1407, %dma_wait3A_1408] : memref<4x64x129xf32, #tpu.memory_space<vmem>> -> memref<1x8x128xf32, #tpu.memory_space<vmem>>
          %dma_wait3A_1410 = tpu.memref_squeeze %dma_wait3A_1409 : memref<1x8x128xf32, #tpu.memory_space<vmem>> -> memref<8x128xf32, #tpu.memory_space<vmem>>
          tpu.wait_dma2 semaphore(%arg14 : memref<!tpu.dma_semaphore, #tpu.memory_space<semaphore_mem>>) src(%dma_wait3A_1410 : memref<8x128xf32, #tpu.memory_space<vmem>>) dst(%dma_wait3A_1406 : memref<8x128xf32, #tpu.memory_space<hbm>>)
          %dma_wait3A_1411 = arith.constant 2 : i32
          %dma_wait3A_1412 = arith.constant 4 : i32
          %dma_wait3A_1413 = arith.constant 32 : i32
          %dma_wait3A_1414 = arith.constant 0 : i32
          %dma_wait3A_1415 = tpu.memref_slice %arg7[%dma_wait3A_1411, %dma_wait3A_1413, %dma_wait3A_1414] : memref<4x64x129xf32, #tpu.memory_space<vmem>> -> memref<1x8x128xf32, #tpu.memory_space<vmem>>
          %dma_wait3A_1416 = tpu.memref_squeeze %dma_wait3A_1415 : memref<1x8x128xf32, #tpu.memory_space<vmem>> -> memref<8x128xf32, #tpu.memory_space<vmem>>
          %dma_wait3A_1417 = arith.constant 0 : i32
          %dma_wait3A_1418 = arith.constant 0 : i32
          %dma_wait3A_1419 = tpu.memref_slice %arg4[%sub3A_1338, %dma_wait3A_1412, %add3A, %dma_wait3A_1417, %dma_wait3A_1418] : memref<200x8x32x8x128xf32, #tpu.memory_space<hbm>> -> memref<1x1x1x8x128xf32, #tpu.memory_space<hbm>>
          %dma_wait3A_1420 = tpu.memref_squeeze %dma_wait3A_1419 : memref<1x1x1x8x128xf32, #tpu.memory_space<hbm>> -> memref<8x128xf32, #tpu.memory_space<hbm>>
          %dma_wait3A_1421 = arith.constant 0 : i32
          %dma_wait3A_1422 = arith.constant 0 : i32
          %dma_wait3A_1423 = tpu.memref_slice %arg4[%sub3A_1338, %dma_wait3A_1412, %add3A, %dma_wait3A_1421, %dma_wait3A_1422] : memref<200x8x32x8x128xf32, #tpu.memory_space<hbm>> -> memref<1x1x1x8x128xf32, #tpu.memory_space<hbm>>
          %dma_wait3A_1424 = tpu.memref_squeeze %dma_wait3A_1423 : memref<1x1x1x8x128xf32, #tpu.memory_space<hbm>> -> memref<8x128xf32, #tpu.memory_space<hbm>>
          %dma_wait3A_1425 = arith.constant 32 : i32
          %dma_wait3A_1426 = arith.constant 0 : i32
          %dma_wait3A_1427 = tpu.memref_slice %arg7[%dma_wait3A_1411, %dma_wait3A_1425, %dma_wait3A_1426] : memref<4x64x129xf32, #tpu.memory_space<vmem>> -> memref<1x8x128xf32, #tpu.memory_space<vmem>>
          %dma_wait3A_1428 = tpu.memref_squeeze %dma_wait3A_1427 : memref<1x8x128xf32, #tpu.memory_space<vmem>> -> memref<8x128xf32, #tpu.memory_space<vmem>>
          tpu.wait_dma2 semaphore(%arg14 : memref<!tpu.dma_semaphore, #tpu.memory_space<semaphore_mem>>) src(%dma_wait3A_1428 : memref<8x128xf32, #tpu.memory_space<vmem>>) dst(%dma_wait3A_1424 : memref<8x128xf32, #tpu.memory_space<hbm>>)
          %dma_wait3A_1429 = arith.constant 2 : i32
          %dma_wait3A_1430 = arith.constant 5 : i32
          %dma_wait3A_1431 = arith.constant 40 : i32
          %dma_wait3A_1432 = arith.constant 0 : i32
          %dma_wait3A_1433 = tpu.memref_slice %arg7[%dma_wait3A_1429, %dma_wait3A_1431, %dma_wait3A_1432] : memref<4x64x129xf32, #tpu.memory_space<vmem>> -> memref<1x8x128xf32, #tpu.memory_space<vmem>>
          %dma_wait3A_1434 = tpu.memref_squeeze %dma_wait3A_1433 : memref<1x8x128xf32, #tpu.memory_space<vmem>> -> memref<8x128xf32, #tpu.memory_space<vmem>>
          %dma_wait3A_1435 = arith.constant 0 : i32
          %dma_wait3A_1436 = arith.constant 0 : i32
          %dma_wait3A_1437 = tpu.memref_slice %arg4[%sub3A_1338, %dma_wait3A_1430, %add3A, %dma_wait3A_1435, %dma_wait3A_1436] : memref<200x8x32x8x128xf32, #tpu.memory_space<hbm>> -> memref<1x1x1x8x128xf32, #tpu.memory_space<hbm>>
          %dma_wait3A_1438 = tpu.memref_squeeze %dma_wait3A_1437 : memref<1x1x1x8x128xf32, #tpu.memory_space<hbm>> -> memref<8x128xf32, #tpu.memory_space<hbm>>
          %dma_wait3A_1439 = arith.constant 0 : i32
          %dma_wait3A_1440 = arith.constant 0 : i32
          %dma_wait3A_1441 = tpu.memref_slice %arg4[%sub3A_1338, %dma_wait3A_1430, %add3A, %dma_wait3A_1439, %dma_wait3A_1440] : memref<200x8x32x8x128xf32, #tpu.memory_space<hbm>> -> memref<1x1x1x8x128xf32, #tpu.memory_space<hbm>>
          %dma_wait3A_1442 = tpu.memref_squeeze %dma_wait3A_1441 : memref<1x1x1x8x128xf32, #tpu.memory_space<hbm>> -> memref<8x128xf32, #tpu.memory_space<hbm>>
          %dma_wait3A_1443 = arith.constant 40 : i32
          %dma_wait3A_1444 = arith.constant 0 : i32
          %dma_wait3A_1445 = tpu.memref_slice %arg7[%dma_wait3A_1429, %dma_wait3A_1443, %dma_wait3A_1444] : memref<4x64x129xf32, #tpu.memory_space<vmem>> -> memref<1x8x128xf32, #tpu.memory_space<vmem>>
          %dma_wait3A_1446 = tpu.memref_squeeze %dma_wait3A_1445 : memref<1x8x128xf32, #tpu.memory_space<vmem>> -> memref<8x128xf32, #tpu.memory_space<vmem>>
          tpu.wait_dma2 semaphore(%arg14 : memref<!tpu.dma_semaphore, #tpu.memory_space<semaphore_mem>>) src(%dma_wait3A_1446 : memref<8x128xf32, #tpu.memory_space<vmem>>) dst(%dma_wait3A_1442 : memref<8x128xf32, #tpu.memory_space<hbm>>)
          %dma_wait3A_1447 = arith.constant 2 : i32
          %dma_wait3A_1448 = arith.constant 6 : i32
          %dma_wait3A_1449 = arith.constant 48 : i32
          %dma_wait3A_1450 = arith.constant 0 : i32
          %dma_wait3A_1451 = tpu.memref_slice %arg7[%dma_wait3A_1447, %dma_wait3A_1449, %dma_wait3A_1450] : memref<4x64x129xf32, #tpu.memory_space<vmem>> -> memref<1x8x128xf32, #tpu.memory_space<vmem>>
          %dma_wait3A_1452 = tpu.memref_squeeze %dma_wait3A_1451 : memref<1x8x128xf32, #tpu.memory_space<vmem>> -> memref<8x128xf32, #tpu.memory_space<vmem>>
          %dma_wait3A_1453 = arith.constant 0 : i32
          %dma_wait3A_1454 = arith.constant 0 : i32
          %dma_wait3A_1455 = tpu.memref_slice %arg4[%sub3A_1338, %dma_wait3A_1448, %add3A, %dma_wait3A_1453, %dma_wait3A_1454] : memref<200x8x32x8x128xf32, #tpu.memory_space<hbm>> -> memref<1x1x1x8x128xf32, #tpu.memory_space<hbm>>
          %dma_wait3A_1456 = tpu.memref_squeeze %dma_wait3A_1455 : memref<1x1x1x8x128xf32, #tpu.memory_space<hbm>> -> memref<8x128xf32, #tpu.memory_space<hbm>>
          %dma_wait3A_1457 = arith.constant 0 : i32
          %dma_wait3A_1458 = arith.constant 0 : i32
          %dma_wait3A_1459 = tpu.memref_slice %arg4[%sub3A_1338, %dma_wait3A_1448, %add3A, %dma_wait3A_1457, %dma_wait3A_1458] : memref<200x8x32x8x128xf32, #tpu.memory_space<hbm>> -> memref<1x1x1x8x128xf32, #tpu.memory_space<hbm>>
          %dma_wait3A_1460 = tpu.memref_squeeze %dma_wait3A_1459 : memref<1x1x1x8x128xf32, #tpu.memory_space<hbm>> -> memref<8x128xf32, #tpu.memory_space<hbm>>
          %dma_wait3A_1461 = arith.constant 48 : i32
          %dma_wait3A_1462 = arith.constant 0 : i32
          %dma_wait3A_1463 = tpu.memref_slice %arg7[%dma_wait3A_1447, %dma_wait3A_1461, %dma_wait3A_1462] : memref<4x64x129xf32, #tpu.memory_space<vmem>> -> memref<1x8x128xf32, #tpu.memory_space<vmem>>
          %dma_wait3A_1464 = tpu.memref_squeeze %dma_wait3A_1463 : memref<1x8x128xf32, #tpu.memory_space<vmem>> -> memref<8x128xf32, #tpu.memory_space<vmem>>
          tpu.wait_dma2 semaphore(%arg14 : memref<!tpu.dma_semaphore, #tpu.memory_space<semaphore_mem>>) src(%dma_wait3A_1464 : memref<8x128xf32, #tpu.memory_space<vmem>>) dst(%dma_wait3A_1460 : memref<8x128xf32, #tpu.memory_space<hbm>>)
          %dma_wait3A_1465 = arith.constant 2 : i32
          %dma_wait3A_1466 = arith.constant 7 : i32
          %dma_wait3A_1467 = arith.constant 56 : i32
          %dma_wait3A_1468 = arith.constant 0 : i32
          %dma_wait3A_1469 = tpu.memref_slice %arg7[%dma_wait3A_1465, %dma_wait3A_1467, %dma_wait3A_1468] : memref<4x64x129xf32, #tpu.memory_space<vmem>> -> memref<1x8x128xf32, #tpu.memory_space<vmem>>
          %dma_wait3A_1470 = tpu.memref_squeeze %dma_wait3A_1469 : memref<1x8x128xf32, #tpu.memory_space<vmem>> -> memref<8x128xf32, #tpu.memory_space<vmem>>
          %dma_wait3A_1471 = arith.constant 0 : i32
          %dma_wait3A_1472 = arith.constant 0 : i32
          %dma_wait3A_1473 = tpu.memref_slice %arg4[%sub3A_1338, %dma_wait3A_1466, %add3A, %dma_wait3A_1471, %dma_wait3A_1472] : memref<200x8x32x8x128xf32, #tpu.memory_space<hbm>> -> memref<1x1x1x8x128xf32, #tpu.memory_space<hbm>>
          %dma_wait3A_1474 = tpu.memref_squeeze %dma_wait3A_1473 : memref<1x1x1x8x128xf32, #tpu.memory_space<hbm>> -> memref<8x128xf32, #tpu.memory_space<hbm>>
          %dma_wait3A_1475 = arith.constant 0 : i32
          %dma_wait3A_1476 = arith.constant 0 : i32
          %dma_wait3A_1477 = tpu.memref_slice %arg4[%sub3A_1338, %dma_wait3A_1466, %add3A, %dma_wait3A_1475, %dma_wait3A_1476] : memref<200x8x32x8x128xf32, #tpu.memory_space<hbm>> -> memref<1x1x1x8x128xf32, #tpu.memory_space<hbm>>
          %dma_wait3A_1478 = tpu.memref_squeeze %dma_wait3A_1477 : memref<1x1x1x8x128xf32, #tpu.memory_space<hbm>> -> memref<8x128xf32, #tpu.memory_space<hbm>>
          %dma_wait3A_1479 = arith.constant 56 : i32
          %dma_wait3A_1480 = arith.constant 0 : i32
          %dma_wait3A_1481 = tpu.memref_slice %arg7[%dma_wait3A_1465, %dma_wait3A_1479, %dma_wait3A_1480] : memref<4x64x129xf32, #tpu.memory_space<vmem>> -> memref<1x8x128xf32, #tpu.memory_space<vmem>>
          %dma_wait3A_1482 = tpu.memref_squeeze %dma_wait3A_1481 : memref<1x8x128xf32, #tpu.memory_space<vmem>> -> memref<8x128xf32, #tpu.memory_space<vmem>>
          tpu.wait_dma2 semaphore(%arg14 : memref<!tpu.dma_semaphore, #tpu.memory_space<semaphore_mem>>) src(%dma_wait3A_1482 : memref<8x128xf32, #tpu.memory_space<vmem>>) dst(%dma_wait3A_1478 : memref<8x128xf32, #tpu.memory_space<hbm>>)
        } else {
        }
        %dma_start3A_1327 = arith.constant 2 : i32
        %dma_start3A_1328 = arith.constant 0 : i32
        %dma_start3A_1329 = arith.constant 0 : i32
        %dma_start3A_1330 = tpu.memref_slice %arg6[%dma_start3A_1327, %dma_start3A_1328, %dma_start3A_1329] : memref<4x128x64xf32, #tpu.memory_space<vmem>> -> memref<1x128x64xf32, #tpu.memory_space<vmem>>
        %dma_start3A_1331 = tpu.memref_squeeze %dma_start3A_1330 : memref<1x128x64xf32, #tpu.memory_space<vmem>> -> memref<128x64xf32, #tpu.memory_space<vmem>>
        %dma_start3A_1332 = arith.constant 0 : i32
        %dma_start3A_1333 = tpu.memref_slice %arg5[%add3A_656, %dma_start3A_1332] : memref<200x128xi32, #tpu.memory_space<vmem>> -> memref<1x128xi32, #tpu.memory_space<vmem>>
        %dma_start3A_1334 = tpu.memref_squeeze %dma_start3A_1333 : memref<1x128xi32, #tpu.memory_space<vmem>> -> memref<128xi32, #tpu.memory_space<vmem>>
        %dma_start3A_1335 = arith.constant 0 : i32
        %dma_start3A_1336 = arith.constant 0 : i32
        %dma_start3A_1337 = tpu.memref_slice %arg2[%dma_start3A_1335, %dma_start3A_1336] : memref<1000000x64xf32, #tpu.memory_space<hbm>> -> memref<1000000x64xf32, #tpu.memory_space<hbm>>
        tpu.enqueue_indirect_dma source(%dma_start3A_1337 : memref<1000000x64xf32, #tpu.memory_space<hbm>>) target(%dma_start3A_1331 : memref<128x64xf32, #tpu.memory_space<vmem>>) offsets(%dma_start3A_1334 : memref<128xi32, #tpu.memory_space<vmem>>) semaphore(%arg10 : memref<!tpu.dma_semaphore, #tpu.memory_space<semaphore_mem>>)
      } else {
      }
      %dma_wait3A_659 = arith.constant 0 : i32
      %dma_wait3A_660 = arith.constant 0 : i32
      %dma_wait3A_661 = arith.constant 0 : i32
      %dma_wait3A_662 = tpu.memref_slice %arg6[%dma_wait3A_659, %dma_wait3A_660, %dma_wait3A_661] : memref<4x128x64xf32, #tpu.memory_space<vmem>> -> memref<1x128x64xf32, #tpu.memory_space<vmem>>
      %dma_wait3A_663 = tpu.memref_squeeze %dma_wait3A_662 : memref<1x128x64xf32, #tpu.memory_space<vmem>> -> memref<128x64xf32, #tpu.memory_space<vmem>>
      %dma_wait3A_664 = arith.constant 0 : i32
      %dma_wait3A_665 = tpu.memref_slice %arg5[%add3A_654, %dma_wait3A_664] : memref<200x128xi32, #tpu.memory_space<vmem>> -> memref<1x128xi32, #tpu.memory_space<vmem>>
      %dma_wait3A_666 = tpu.memref_squeeze %dma_wait3A_665 : memref<1x128xi32, #tpu.memory_space<vmem>> -> memref<128xi32, #tpu.memory_space<vmem>>
      %dma_wait3A_667 = arith.constant 0 : i32
      %dma_wait3A_668 = arith.constant 0 : i32
      %dma_wait3A_669 = tpu.memref_slice %arg2[%dma_wait3A_667, %dma_wait3A_668] : memref<1000000x64xf32, #tpu.memory_space<hbm>> -> memref<1000000x64xf32, #tpu.memory_space<hbm>>
      tpu.wait_indirect_dma semaphore(%arg8 : memref<!tpu.dma_semaphore, #tpu.memory_space<semaphore_mem>>) src(%dma_wait3A_669 : memref<1000000x64xf32, #tpu.memory_space<hbm>>) dst(%dma_wait3A_663 : memref<128x64xf32, #tpu.memory_space<vmem>>)
      %parallel_loop3A = arith.constant 0 : i32
      %parallel_loop3A_670 = arith.constant 128 : i32
      %parallel_loop3A_671 = arith.constant 1 : i32
      scf.for %parallel_loop3A_1323 = %parallel_loop3A to %parallel_loop3A_670 step %parallel_loop3A_671  : i32 {
        %parallel_loop3A_1324 = vector.broadcast %parallel_loop3A_1323 : i32 to vector<16xi32>
        %parallel_loop3A_1325 = arith.constant 0 : i32
        %parallel_loop3A_1326 = arith.index_cast %parallel_loop3A_1325 : i32 to index
        %parallel_loop3A_1327 = arith.index_cast %parallel_loop3A_1323 : i32 to index
        %parallel_loop3A_1328 = arith.constant 0 : index
        %parallel_loop3A_1329 = tpu.vector_load %arg6[%parallel_loop3A_1326, %parallel_loop3A_1327, %parallel_loop3A_1328] {strides = array<i32>} : memref<4x128x64xf32, #tpu.memory_space<vmem>>, vector<16xf32>,
        %parallel_loop3A_1330 = arith.constant 8.000000e+00 : f32
        %parallel_loop3A_1331 = vector.broadcast %parallel_loop3A_1330 : f32 to vector<16xf32>
        %parallel_loop3A_1332 = arith.mulf %parallel_loop3A_1329, %parallel_loop3A_1331 : vector<16xf32>
        %parallel_loop3A_1333 = arith.constant 0 : i32
        %parallel_loop3A_1334 = arith.constant 0 : i32
        %parallel_loop3A_1335 = arith.constant 0 : i32
        %parallel_loop3A_1336 = tpu.memref_slice %arg7[%parallel_loop3A_1333, %parallel_loop3A_1334, %parallel_loop3A_1335] : memref<4x64x129xf32, #tpu.memory_space<vmem>> -> memref<1x64x129xf32, #tpu.memory_space<vmem>>
        %parallel_loop3A_1337 = tpu.memref_squeeze %parallel_loop3A_1336 : memref<1x64x129xf32, #tpu.memory_space<vmem>> -> memref<64x129xf32, #tpu.memory_space<vmem>>
        tpu.vector_store_idx %parallel_loop3A_1337[%add3A_5, %parallel_loop3A_1324], %parallel_loop3A_1332 : memref<64x129xf32, #tpu.memory_space<vmem>>[vector<16xi32>, vector<16xi32>], vector<16xf32>,
        %parallel_loop3A_1338 = arith.constant 0 : i32
        %parallel_loop3A_1339 = arith.index_cast %parallel_loop3A_1338 : i32 to index
        %parallel_loop3A_1340 = arith.index_cast %parallel_loop3A_1323 : i32 to index
        %parallel_loop3A_1341 = arith.constant 16 : index
        %parallel_loop3A_1342 = tpu.vector_load %arg6[%parallel_loop3A_1339, %parallel_loop3A_1340, %parallel_loop3A_1341] {strides = array<i32>} : memref<4x128x64xf32, #tpu.memory_space<vmem>>, vector<16xf32>,
        %parallel_loop3A_1343 = arith.constant 8.000000e+00 : f32
        %parallel_loop3A_1344 = vector.broadcast %parallel_loop3A_1343 : f32 to vector<16xf32>
        %parallel_loop3A_1345 = arith.mulf %parallel_loop3A_1342, %parallel_loop3A_1344 : vector<16xf32>
        %parallel_loop3A_1346 = arith.constant 0 : i32
        %parallel_loop3A_1347 = arith.constant 0 : i32
        %parallel_loop3A_1348 = arith.constant 0 : i32
        %parallel_loop3A_1349 = tpu.memref_slice %arg7[%parallel_loop3A_1346, %parallel_loop3A_1347, %parallel_loop3A_1348] : memref<4x64x129xf32, #tpu.memory_space<vmem>> -> memref<1x64x129xf32, #tpu.memory_space<vmem>>
        %parallel_loop3A_1350 = tpu.memref_squeeze %parallel_loop3A_1349 : memref<1x64x129xf32, #tpu.memory_space<vmem>> -> memref<64x129xf32, #tpu.memory_space<vmem>>
        tpu.vector_store_idx %parallel_loop3A_1350[%add3A_8, %parallel_loop3A_1324], %parallel_loop3A_1345 : memref<64x129xf32, #tpu.memory_space<vmem>>[vector<16xi32>, vector<16xi32>], vector<16xf32>,
        %parallel_loop3A_1351 = arith.constant 0 : i32
        %parallel_loop3A_1352 = arith.index_cast %parallel_loop3A_1351 : i32 to index
        %parallel_loop3A_1353 = arith.index_cast %parallel_loop3A_1323 : i32 to index
        %parallel_loop3A_1354 = arith.constant 32 : index
        %parallel_loop3A_1355 = tpu.vector_load %arg6[%parallel_loop3A_1352, %parallel_loop3A_1353, %parallel_loop3A_1354] {strides = array<i32>} : memref<4x128x64xf32, #tpu.memory_space<vmem>>, vector<16xf32>,
        %parallel_loop3A_1356 = arith.constant 8.000000e+00 : f32
        %parallel_loop3A_1357 = vector.broadcast %parallel_loop3A_1356 : f32 to vector<16xf32>
        %parallel_loop3A_1358 = arith.mulf %parallel_loop3A_1355, %parallel_loop3A_1357 : vector<16xf32>
        %parallel_loop3A_1359 = arith.constant 0 : i32
        %parallel_loop3A_1360 = arith.constant 0 : i32
        %parallel_loop3A_1361 = arith.constant 0 : i32
        %parallel_loop3A_1362 = tpu.memref_slice %arg7[%parallel_loop3A_1359, %parallel_loop3A_1360, %parallel_loop3A_1361] : memref<4x64x129xf32, #tpu.memory_space<vmem>> -> memref<1x64x129xf32, #tpu.memory_space<vmem>>
        %parallel_loop3A_1363 = tpu.memref_squeeze %parallel_loop3A_1362 : memref<1x64x129xf32, #tpu.memory_space<vmem>> -> memref<64x129xf32, #tpu.memory_space<vmem>>
        tpu.vector_store_idx %parallel_loop3A_1363[%add3A_11, %parallel_loop3A_1324], %parallel_loop3A_1358 : memref<64x129xf32, #tpu.memory_space<vmem>>[vector<16xi32>, vector<16xi32>], vector<16xf32>,
        %parallel_loop3A_1364 = arith.constant 0 : i32
        %parallel_loop3A_1365 = arith.index_cast %parallel_loop3A_1364 : i32 to index
        %parallel_loop3A_1366 = arith.index_cast %parallel_loop3A_1323 : i32 to index
        %parallel_loop3A_1367 = arith.constant 48 : index
        %parallel_loop3A_1368 = tpu.vector_load %arg6[%parallel_loop3A_1365, %parallel_loop3A_1366, %parallel_loop3A_1367] {strides = array<i32>} : memref<4x128x64xf32, #tpu.memory_space<vmem>>, vector<16xf32>,
        %parallel_loop3A_1369 = arith.constant 8.000000e+00 : f32
        %parallel_loop3A_1370 = vector.broadcast %parallel_loop3A_1369 : f32 to vector<16xf32>
        %parallel_loop3A_1371 = arith.mulf %parallel_loop3A_1368, %parallel_loop3A_1370 : vector<16xf32>
        %parallel_loop3A_1372 = arith.constant 0 : i32
        %parallel_loop3A_1373 = arith.constant 0 : i32
        %parallel_loop3A_1374 = arith.constant 0 : i32
        %parallel_loop3A_1375 = tpu.memref_slice %arg7[%parallel_loop3A_1372, %parallel_loop3A_1373, %parallel_loop3A_1374] : memref<4x64x129xf32, #tpu.memory_space<vmem>> -> memref<1x64x129xf32, #tpu.memory_space<vmem>>
        %parallel_loop3A_1376 = tpu.memref_squeeze %parallel_loop3A_1375 : memref<1x64x129xf32, #tpu.memory_space<vmem>> -> memref<64x129xf32, #tpu.memory_space<vmem>>
        tpu.vector_store_idx %parallel_loop3A_1376[%add3A_14, %parallel_loop3A_1324], %parallel_loop3A_1371 : memref<64x129xf32, #tpu.memory_space<vmem>>[vector<16xi32>, vector<16xi32>], vector<16xf32>,
      } {sc.loop_unroll_factor = 4 : i64, sc.parallel_access}
      %dma_start3A_672 = arith.constant 0 : i32
      %dma_start3A_673 = arith.constant 0 : i32
      %dma_start3A_674 = arith.constant 0 : i32
      %dma_start3A_675 = arith.constant 0 : i32
      %dma_start3A_676 = tpu.memref_slice %arg7[%dma_start3A_672, %dma_start3A_674, %dma_start3A_675] : memref<4x64x129xf32, #tpu.memory_space<vmem>> -> memref<1x8x128xf32, #tpu.memory_space<vmem>>
      %dma_start3A_677 = tpu.memref_squeeze %dma_start3A_676 : memref<1x8x128xf32, #tpu.memory_space<vmem>> -> memref<8x128xf32, #tpu.memory_space<vmem>>
      %dma_start3A_678 = arith.constant 0 : i32
      %dma_start3A_679 = arith.constant 0 : i32
      %dma_start3A_680 = tpu.memref_slice %arg4[%add3A_654, %dma_start3A_673, %add3A, %dma_start3A_678, %dma_start3A_679] : memref<200x8x32x8x128xf32, #tpu.memory_space<hbm>> -> memref<1x1x1x8x128xf32, #tpu.memory_space<hbm>>
      %dma_start3A_681 = tpu.memref_squeeze %dma_start3A_680 : memref<1x1x1x8x128xf32, #tpu.memory_space<hbm>> -> memref<8x128xf32, #tpu.memory_space<hbm>>
      %dma_start3A_682 = arith.constant 0 : i32
      %dma_start3A_683 = arith.constant 0 : i32
      %dma_start3A_684 = tpu.memref_slice %arg4[%add3A_654, %dma_start3A_673, %add3A, %dma_start3A_682, %dma_start3A_683] : memref<200x8x32x8x128xf32, #tpu.memory_space<hbm>> -> memref<1x1x1x8x128xf32, #tpu.memory_space<hbm>>
      %dma_start3A_685 = tpu.memref_squeeze %dma_start3A_684 : memref<1x1x1x8x128xf32, #tpu.memory_space<hbm>> -> memref<8x128xf32, #tpu.memory_space<hbm>>
      %dma_start3A_686 = arith.constant 0 : i32
      %dma_start3A_687 = arith.constant 0 : i32
      %dma_start3A_688 = tpu.memref_slice %arg7[%dma_start3A_672, %dma_start3A_686, %dma_start3A_687] : memref<4x64x129xf32, #tpu.memory_space<vmem>> -> memref<1x8x128xf32, #tpu.memory_space<vmem>>
      %dma_start3A_689 = tpu.memref_squeeze %dma_start3A_688 : memref<1x8x128xf32, #tpu.memory_space<vmem>> -> memref<8x128xf32, #tpu.memory_space<vmem>>
      tpu.enqueue_dma source(%dma_start3A_689 : memref<8x128xf32, #tpu.memory_space<vmem>>) target(%dma_start3A_685 : memref<8x128xf32, #tpu.memory_space<hbm>>) target_semaphore(%arg12 : memref<!tpu.dma_semaphore, #tpu.memory_space<semaphore_mem>>)
      %dma_start3A_690 = arith.constant 0 : i32
      %dma_start3A_691 = arith.constant 1 : i32
      %dma_start3A_692 = arith.constant 8 : i32
      %dma_start3A_693 = arith.constant 0 : i32
      %dma_start3A_694 = tpu.memref_slice %arg7[%dma_start3A_690, %dma_start3A_692, %dma_start3A_693] : memref<4x64x129xf32, #tpu.memory_space<vmem>> -> memref<1x8x128xf32, #tpu.memory_space<vmem>>
      %dma_start3A_695 = tpu.memref_squeeze %dma_start3A_694 : memref<1x8x128xf32, #tpu.memory_space<vmem>> -> memref<8x128xf32, #tpu.memory_space<vmem>>
      %dma_start3A_696 = arith.constant 0 : i32
      %dma_start3A_697 = arith.constant 0 : i32
      %dma_start3A_698 = tpu.memref_slice %arg4[%add3A_654, %dma_start3A_691, %add3A, %dma_start3A_696, %dma_start3A_697] : memref<200x8x32x8x128xf32, #tpu.memory_space<hbm>> -> memref<1x1x1x8x128xf32, #tpu.memory_space<hbm>>
      %dma_start3A_699 = tpu.memref_squeeze %dma_start3A_698 : memref<1x1x1x8x128xf32, #tpu.memory_space<hbm>> -> memref<8x128xf32, #tpu.memory_space<hbm>>
      %dma_start3A_700 = arith.constant 0 : i32
      %dma_start3A_701 = arith.constant 0 : i32
      %dma_start3A_702 = tpu.memref_slice %arg4[%add3A_654, %dma_start3A_691, %add3A, %dma_start3A_700, %dma_start3A_701] : memref<200x8x32x8x128xf32, #tpu.memory_space<hbm>> -> memref<1x1x1x8x128xf32, #tpu.memory_space<hbm>>
      %dma_start3A_703 = tpu.memref_squeeze %dma_start3A_702 : memref<1x1x1x8x128xf32, #tpu.memory_space<hbm>> -> memref<8x128xf32, #tpu.memory_space<hbm>>
      %dma_start3A_704 = arith.constant 8 : i32
      %dma_start3A_705 = arith.constant 0 : i32
      %dma_start3A_706 = tpu.memref_slice %arg7[%dma_start3A_690, %dma_start3A_704, %dma_start3A_705] : memref<4x64x129xf32, #tpu.memory_space<vmem>> -> memref<1x8x128xf32, #tpu.memory_space<vmem>>
      %dma_start3A_707 = tpu.memref_squeeze %dma_start3A_706 : memref<1x8x128xf32, #tpu.memory_space<vmem>> -> memref<8x128xf32, #tpu.memory_space<vmem>>
      tpu.enqueue_dma source(%dma_start3A_707 : memref<8x128xf32, #tpu.memory_space<vmem>>) target(%dma_start3A_703 : memref<8x128xf32, #tpu.memory_space<hbm>>) target_semaphore(%arg12 : memref<!tpu.dma_semaphore, #tpu.memory_space<semaphore_mem>>)
      %dma_start3A_708 = arith.constant 0 : i32
      %dma_start3A_709 = arith.constant 2 : i32
      %dma_start3A_710 = arith.constant 16 : i32
      %dma_start3A_711 = arith.constant 0 : i32
      %dma_start3A_712 = tpu.memref_slice %arg7[%dma_start3A_708, %dma_start3A_710, %dma_start3A_711] : memref<4x64x129xf32, #tpu.memory_space<vmem>> -> memref<1x8x128xf32, #tpu.memory_space<vmem>>
      %dma_start3A_713 = tpu.memref_squeeze %dma_start3A_712 : memref<1x8x128xf32, #tpu.memory_space<vmem>> -> memref<8x128xf32, #tpu.memory_space<vmem>>
      %dma_start3A_714 = arith.constant 0 : i32
      %dma_start3A_715 = arith.constant 0 : i32
      %dma_start3A_716 = tpu.memref_slice %arg4[%add3A_654, %dma_start3A_709, %add3A, %dma_start3A_714, %dma_start3A_715] : memref<200x8x32x8x128xf32, #tpu.memory_space<hbm>> -> memref<1x1x1x8x128xf32, #tpu.memory_space<hbm>>
      %dma_start3A_717 = tpu.memref_squeeze %dma_start3A_716 : memref<1x1x1x8x128xf32, #tpu.memory_space<hbm>> -> memref<8x128xf32, #tpu.memory_space<hbm>>
      %dma_start3A_718 = arith.constant 0 : i32
      %dma_start3A_719 = arith.constant 0 : i32
      %dma_start3A_720 = tpu.memref_slice %arg4[%add3A_654, %dma_start3A_709, %add3A, %dma_start3A_718, %dma_start3A_719] : memref<200x8x32x8x128xf32, #tpu.memory_space<hbm>> -> memref<1x1x1x8x128xf32, #tpu.memory_space<hbm>>
      %dma_start3A_721 = tpu.memref_squeeze %dma_start3A_720 : memref<1x1x1x8x128xf32, #tpu.memory_space<hbm>> -> memref<8x128xf32, #tpu.memory_space<hbm>>
      %dma_start3A_722 = arith.constant 16 : i32
      %dma_start3A_723 = arith.constant 0 : i32
      %dma_start3A_724 = tpu.memref_slice %arg7[%dma_start3A_708, %dma_start3A_722, %dma_start3A_723] : memref<4x64x129xf32, #tpu.memory_space<vmem>> -> memref<1x8x128xf32, #tpu.memory_space<vmem>>
      %dma_start3A_725 = tpu.memref_squeeze %dma_start3A_724 : memref<1x8x128xf32, #tpu.memory_space<vmem>> -> memref<8x128xf32, #tpu.memory_space<vmem>>
      tpu.enqueue_dma source(%dma_start3A_725 : memref<8x128xf32, #tpu.memory_space<vmem>>) target(%dma_start3A_721 : memref<8x128xf32, #tpu.memory_space<hbm>>) target_semaphore(%arg12 : memref<!tpu.dma_semaphore, #tpu.memory_space<semaphore_mem>>)
      %dma_start3A_726 = arith.constant 0 : i32
      %dma_start3A_727 = arith.constant 3 : i32
      %dma_start3A_728 = arith.constant 24 : i32
      %dma_start3A_729 = arith.constant 0 : i32
      %dma_start3A_730 = tpu.memref_slice %arg7[%dma_start3A_726, %dma_start3A_728, %dma_start3A_729] : memref<4x64x129xf32, #tpu.memory_space<vmem>> -> memref<1x8x128xf32, #tpu.memory_space<vmem>>
      %dma_start3A_731 = tpu.memref_squeeze %dma_start3A_730 : memref<1x8x128xf32, #tpu.memory_space<vmem>> -> memref<8x128xf32, #tpu.memory_space<vmem>>
      %dma_start3A_732 = arith.constant 0 : i32
      %dma_start3A_733 = arith.constant 0 : i32
      %dma_start3A_734 = tpu.memref_slice %arg4[%add3A_654, %dma_start3A_727, %add3A, %dma_start3A_732, %dma_start3A_733] : memref<200x8x32x8x128xf32, #tpu.memory_space<hbm>> -> memref<1x1x1x8x128xf32, #tpu.memory_space<hbm>>
      %dma_start3A_735 = tpu.memref_squeeze %dma_start3A_734 : memref<1x1x1x8x128xf32, #tpu.memory_space<hbm>> -> memref<8x128xf32, #tpu.memory_space<hbm>>
      %dma_start3A_736 = arith.constant 0 : i32
      %dma_start3A_737 = arith.constant 0 : i32
      %dma_start3A_738 = tpu.memref_slice %arg4[%add3A_654, %dma_start3A_727, %add3A, %dma_start3A_736, %dma_start3A_737] : memref<200x8x32x8x128xf32, #tpu.memory_space<hbm>> -> memref<1x1x1x8x128xf32, #tpu.memory_space<hbm>>
      %dma_start3A_739 = tpu.memref_squeeze %dma_start3A_738 : memref<1x1x1x8x128xf32, #tpu.memory_space<hbm>> -> memref<8x128xf32, #tpu.memory_space<hbm>>
      %dma_start3A_740 = arith.constant 24 : i32
      %dma_start3A_741 = arith.constant 0 : i32
      %dma_start3A_742 = tpu.memref_slice %arg7[%dma_start3A_726, %dma_start3A_740, %dma_start3A_741] : memref<4x64x129xf32, #tpu.memory_space<vmem>> -> memref<1x8x128xf32, #tpu.memory_space<vmem>>
      %dma_start3A_743 = tpu.memref_squeeze %dma_start3A_742 : memref<1x8x128xf32, #tpu.memory_space<vmem>> -> memref<8x128xf32, #tpu.memory_space<vmem>>
      tpu.enqueue_dma source(%dma_start3A_743 : memref<8x128xf32, #tpu.memory_space<vmem>>) target(%dma_start3A_739 : memref<8x128xf32, #tpu.memory_space<hbm>>) target_semaphore(%arg12 : memref<!tpu.dma_semaphore, #tpu.memory_space<semaphore_mem>>)
      %dma_start3A_744 = arith.constant 0 : i32
      %dma_start3A_745 = arith.constant 4 : i32
      %dma_start3A_746 = arith.constant 32 : i32
      %dma_start3A_747 = arith.constant 0 : i32
      %dma_start3A_748 = tpu.memref_slice %arg7[%dma_start3A_744, %dma_start3A_746, %dma_start3A_747] : memref<4x64x129xf32, #tpu.memory_space<vmem>> -> memref<1x8x128xf32, #tpu.memory_space<vmem>>
      %dma_start3A_749 = tpu.memref_squeeze %dma_start3A_748 : memref<1x8x128xf32, #tpu.memory_space<vmem>> -> memref<8x128xf32, #tpu.memory_space<vmem>>
      %dma_start3A_750 = arith.constant 0 : i32
      %dma_start3A_751 = arith.constant 0 : i32
      %dma_start3A_752 = tpu.memref_slice %arg4[%add3A_654, %dma_start3A_745, %add3A, %dma_start3A_750, %dma_start3A_751] : memref<200x8x32x8x128xf32, #tpu.memory_space<hbm>> -> memref<1x1x1x8x128xf32, #tpu.memory_space<hbm>>
      %dma_start3A_753 = tpu.memref_squeeze %dma_start3A_752 : memref<1x1x1x8x128xf32, #tpu.memory_space<hbm>> -> memref<8x128xf32, #tpu.memory_space<hbm>>
      %dma_start3A_754 = arith.constant 0 : i32
      %dma_start3A_755 = arith.constant 0 : i32
      %dma_start3A_756 = tpu.memref_slice %arg4[%add3A_654, %dma_start3A_745, %add3A, %dma_start3A_754, %dma_start3A_755] : memref<200x8x32x8x128xf32, #tpu.memory_space<hbm>> -> memref<1x1x1x8x128xf32, #tpu.memory_space<hbm>>
      %dma_start3A_757 = tpu.memref_squeeze %dma_start3A_756 : memref<1x1x1x8x128xf32, #tpu.memory_space<hbm>> -> memref<8x128xf32, #tpu.memory_space<hbm>>
      %dma_start3A_758 = arith.constant 32 : i32
      %dma_start3A_759 = arith.constant 0 : i32
      %dma_start3A_760 = tpu.memref_slice %arg7[%dma_start3A_744, %dma_start3A_758, %dma_start3A_759] : memref<4x64x129xf32, #tpu.memory_space<vmem>> -> memref<1x8x128xf32, #tpu.memory_space<vmem>>
      %dma_start3A_761 = tpu.memref_squeeze %dma_start3A_760 : memref<1x8x128xf32, #tpu.memory_space<vmem>> -> memref<8x128xf32, #tpu.memory_space<vmem>>
      tpu.enqueue_dma source(%dma_start3A_761 : memref<8x128xf32, #tpu.memory_space<vmem>>) target(%dma_start3A_757 : memref<8x128xf32, #tpu.memory_space<hbm>>) target_semaphore(%arg12 : memref<!tpu.dma_semaphore, #tpu.memory_space<semaphore_mem>>)
      %dma_start3A_762 = arith.constant 0 : i32
      %dma_start3A_763 = arith.constant 5 : i32
      %dma_start3A_764 = arith.constant 40 : i32
      %dma_start3A_765 = arith.constant 0 : i32
      %dma_start3A_766 = tpu.memref_slice %arg7[%dma_start3A_762, %dma_start3A_764, %dma_start3A_765] : memref<4x64x129xf32, #tpu.memory_space<vmem>> -> memref<1x8x128xf32, #tpu.memory_space<vmem>>
      %dma_start3A_767 = tpu.memref_squeeze %dma_start3A_766 : memref<1x8x128xf32, #tpu.memory_space<vmem>> -> memref<8x128xf32, #tpu.memory_space<vmem>>
      %dma_start3A_768 = arith.constant 0 : i32
      %dma_start3A_769 = arith.constant 0 : i32
      %dma_start3A_770 = tpu.memref_slice %arg4[%add3A_654, %dma_start3A_763, %add3A, %dma_start3A_768, %dma_start3A_769] : memref<200x8x32x8x128xf32, #tpu.memory_space<hbm>> -> memref<1x1x1x8x128xf32, #tpu.memory_space<hbm>>
      %dma_start3A_771 = tpu.memref_squeeze %dma_start3A_770 : memref<1x1x1x8x128xf32, #tpu.memory_space<hbm>> -> memref<8x128xf32, #tpu.memory_space<hbm>>
      %dma_start3A_772 = arith.constant 0 : i32
      %dma_start3A_773 = arith.constant 0 : i32
      %dma_start3A_774 = tpu.memref_slice %arg4[%add3A_654, %dma_start3A_763, %add3A, %dma_start3A_772, %dma_start3A_773] : memref<200x8x32x8x128xf32, #tpu.memory_space<hbm>> -> memref<1x1x1x8x128xf32, #tpu.memory_space<hbm>>
      %dma_start3A_775 = tpu.memref_squeeze %dma_start3A_774 : memref<1x1x1x8x128xf32, #tpu.memory_space<hbm>> -> memref<8x128xf32, #tpu.memory_space<hbm>>
      %dma_start3A_776 = arith.constant 40 : i32
      %dma_start3A_777 = arith.constant 0 : i32
      %dma_start3A_778 = tpu.memref_slice %arg7[%dma_start3A_762, %dma_start3A_776, %dma_start3A_777] : memref<4x64x129xf32, #tpu.memory_space<vmem>> -> memref<1x8x128xf32, #tpu.memory_space<vmem>>
      %dma_start3A_779 = tpu.memref_squeeze %dma_start3A_778 : memref<1x8x128xf32, #tpu.memory_space<vmem>> -> memref<8x128xf32, #tpu.memory_space<vmem>>
      tpu.enqueue_dma source(%dma_start3A_779 : memref<8x128xf32, #tpu.memory_space<vmem>>) target(%dma_start3A_775 : memref<8x128xf32, #tpu.memory_space<hbm>>) target_semaphore(%arg12 : memref<!tpu.dma_semaphore, #tpu.memory_space<semaphore_mem>>)
      %dma_start3A_780 = arith.constant 0 : i32
      %dma_start3A_781 = arith.constant 6 : i32
      %dma_start3A_782 = arith.constant 48 : i32
      %dma_start3A_783 = arith.constant 0 : i32
      %dma_start3A_784 = tpu.memref_slice %arg7[%dma_start3A_780, %dma_start3A_782, %dma_start3A_783] : memref<4x64x129xf32, #tpu.memory_space<vmem>> -> memref<1x8x128xf32, #tpu.memory_space<vmem>>
      %dma_start3A_785 = tpu.memref_squeeze %dma_start3A_784 : memref<1x8x128xf32, #tpu.memory_space<vmem>> -> memref<8x128xf32, #tpu.memory_space<vmem>>
      %dma_start3A_786 = arith.constant 0 : i32
      %dma_start3A_787 = arith.constant 0 : i32
      %dma_start3A_788 = tpu.memref_slice %arg4[%add3A_654, %dma_start3A_781, %add3A, %dma_start3A_786, %dma_start3A_787] : memref<200x8x32x8x128xf32, #tpu.memory_space<hbm>> -> memref<1x1x1x8x128xf32, #tpu.memory_space<hbm>>
      %dma_start3A_789 = tpu.memref_squeeze %dma_start3A_788 : memref<1x1x1x8x128xf32, #tpu.memory_space<hbm>> -> memref<8x128xf32, #tpu.memory_space<hbm>>
      %dma_start3A_790 = arith.constant 0 : i32
      %dma_start3A_791 = arith.constant 0 : i32
      %dma_start3A_792 = tpu.memref_slice %arg4[%add3A_654, %dma_start3A_781, %add3A, %dma_start3A_790, %dma_start3A_791] : memref<200x8x32x8x128xf32, #tpu.memory_space<hbm>> -> memref<1x1x1x8x128xf32, #tpu.memory_space<hbm>>
      %dma_start3A_793 = tpu.memref_squeeze %dma_start3A_792 : memref<1x1x1x8x128xf32, #tpu.memory_space<hbm>> -> memref<8x128xf32, #tpu.memory_space<hbm>>
      %dma_start3A_794 = arith.constant 48 : i32
      %dma_start3A_795 = arith.constant 0 : i32
      %dma_start3A_796 = tpu.memref_slice %arg7[%dma_start3A_780, %dma_start3A_794, %dma_start3A_795] : memref<4x64x129xf32, #tpu.memory_space<vmem>> -> memref<1x8x128xf32, #tpu.memory_space<vmem>>
      %dma_start3A_797 = tpu.memref_squeeze %dma_start3A_796 : memref<1x8x128xf32, #tpu.memory_space<vmem>> -> memref<8x128xf32, #tpu.memory_space<vmem>>
      tpu.enqueue_dma source(%dma_start3A_797 : memref<8x128xf32, #tpu.memory_space<vmem>>) target(%dma_start3A_793 : memref<8x128xf32, #tpu.memory_space<hbm>>) target_semaphore(%arg12 : memref<!tpu.dma_semaphore, #tpu.memory_space<semaphore_mem>>)
      %dma_start3A_798 = arith.constant 0 : i32
      %dma_start3A_799 = arith.constant 7 : i32
      %dma_start3A_800 = arith.constant 56 : i32
      %dma_start3A_801 = arith.constant 0 : i32
      %dma_start3A_802 = tpu.memref_slice %arg7[%dma_start3A_798, %dma_start3A_800, %dma_start3A_801] : memref<4x64x129xf32, #tpu.memory_space<vmem>> -> memref<1x8x128xf32, #tpu.memory_space<vmem>>
      %dma_start3A_803 = tpu.memref_squeeze %dma_start3A_802 : memref<1x8x128xf32, #tpu.memory_space<vmem>> -> memref<8x128xf32, #tpu.memory_space<vmem>>
      %dma_start3A_804 = arith.constant 0 : i32
      %dma_start3A_805 = arith.constant 0 : i32
      %dma_start3A_806 = tpu.memref_slice %arg4[%add3A_654, %dma_start3A_799, %add3A, %dma_start3A_804, %dma_start3A_805] : memref<200x8x32x8x128xf32, #tpu.memory_space<hbm>> -> memref<1x1x1x8x128xf32, #tpu.memory_space<hbm>>
      %dma_start3A_807 = tpu.memref_squeeze %dma_start3A_806 : memref<1x1x1x8x128xf32, #tpu.memory_space<hbm>> -> memref<8x128xf32, #tpu.memory_space<hbm>>
      %dma_start3A_808 = arith.constant 0 : i32
      %dma_start3A_809 = arith.constant 0 : i32
      %dma_start3A_810 = tpu.memref_slice %arg4[%add3A_654, %dma_start3A_799, %add3A, %dma_start3A_808, %dma_start3A_809] : memref<200x8x32x8x128xf32, #tpu.memory_space<hbm>> -> memref<1x1x1x8x128xf32, #tpu.memory_space<hbm>>
      %dma_start3A_811 = tpu.memref_squeeze %dma_start3A_810 : memref<1x1x1x8x128xf32, #tpu.memory_space<hbm>> -> memref<8x128xf32, #tpu.memory_space<hbm>>
      %dma_start3A_812 = arith.constant 56 : i32
      %dma_start3A_813 = arith.constant 0 : i32
      %dma_start3A_814 = tpu.memref_slice %arg7[%dma_start3A_798, %dma_start3A_812, %dma_start3A_813] : memref<4x64x129xf32, #tpu.memory_space<vmem>> -> memref<1x8x128xf32, #tpu.memory_space<vmem>>
      %dma_start3A_815 = tpu.memref_squeeze %dma_start3A_814 : memref<1x8x128xf32, #tpu.memory_space<vmem>> -> memref<8x128xf32, #tpu.memory_space<vmem>>
      tpu.enqueue_dma source(%dma_start3A_815 : memref<8x128xf32, #tpu.memory_space<vmem>>) target(%dma_start3A_811 : memref<8x128xf32, #tpu.memory_space<hbm>>) target_semaphore(%arg12 : memref<!tpu.dma_semaphore, #tpu.memory_space<semaphore_mem>>)
      %mul3A_816 = arith.constant 4 : i32
      %mul3A_817 = arith.muli %scan3A_650, %mul3A_816 : i32
      %add3A_818 = arith.constant 1 : i32
      %add3A_819 = arith.addi %mul3A_817, %add3A_818 : i32
      %add3A_820 = arith.constant 2 : i32
      %add3A_821 = arith.addi %add3A_819, %add3A_820 : i32
      %lt3A_822 = arith.constant 200 : i32
      %lt3A_823 = arith.cmpi slt, %add3A_821, %lt3A_822 : i32
      %convert_element_type3A_824 = arith.extui %lt3A_823 : i1 to i32
      %cond3A_825 = arith.constant 0 : i32
      %cond3A_826 = arith.cmpi ne, %convert_element_type3A_824, %cond3A_825 : i32
      scf.if %cond3A_826 {
        %ge3A = arith.constant 2 : i32
        %ge3A_1323 = arith.cmpi sge, %add3A_819, %ge3A : i32
        %convert_element_type3A_1324 = arith.extui %ge3A_1323 : i1 to i32
        %cond3A_1325 = arith.constant 0 : i32
        %cond3A_1326 = arith.cmpi ne, %convert_element_type3A_1324, %cond3A_1325 : i32
        scf.if %cond3A_1326 {
          %sub3A = arith.constant 2 : i32
          %sub3A_1338 = arith.subi %add3A_819, %sub3A : i32
          %dma_wait3A_1339 = arith.constant 3 : i32
          %dma_wait3A_1340 = arith.constant 0 : i32
          %dma_wait3A_1341 = arith.constant 0 : i32
          %dma_wait3A_1342 = arith.constant 0 : i32
          %dma_wait3A_1343 = tpu.memref_slice %arg7[%dma_wait3A_1339, %dma_wait3A_1341, %dma_wait3A_1342] : memref<4x64x129xf32, #tpu.memory_space<vmem>> -> memref<1x8x128xf32, #tpu.memory_space<vmem>>
          %dma_wait3A_1344 = tpu.memref_squeeze %dma_wait3A_1343 : memref<1x8x128xf32, #tpu.memory_space<vmem>> -> memref<8x128xf32, #tpu.memory_space<vmem>>
          %dma_wait3A_1345 = arith.constant 0 : i32
          %dma_wait3A_1346 = arith.constant 0 : i32
          %dma_wait3A_1347 = tpu.memref_slice %arg4[%sub3A_1338, %dma_wait3A_1340, %add3A, %dma_wait3A_1345, %dma_wait3A_1346] : memref<200x8x32x8x128xf32, #tpu.memory_space<hbm>> -> memref<1x1x1x8x128xf32, #tpu.memory_space<hbm>>
          %dma_wait3A_1348 = tpu.memref_squeeze %dma_wait3A_1347 : memref<1x1x1x8x128xf32, #tpu.memory_space<hbm>> -> memref<8x128xf32, #tpu.memory_space<hbm>>
          %dma_wait3A_1349 = arith.constant 0 : i32
          %dma_wait3A_1350 = arith.constant 0 : i32
          %dma_wait3A_1351 = tpu.memref_slice %arg4[%sub3A_1338, %dma_wait3A_1340, %add3A, %dma_wait3A_1349, %dma_wait3A_1350] : memref<200x8x32x8x128xf32, #tpu.memory_space<hbm>> -> memref<1x1x1x8x128xf32, #tpu.memory_space<hbm>>
          %dma_wait3A_1352 = tpu.memref_squeeze %dma_wait3A_1351 : memref<1x1x1x8x128xf32, #tpu.memory_space<hbm>> -> memref<8x128xf32, #tpu.memory_space<hbm>>
          %dma_wait3A_1353 = arith.constant 0 : i32
          %dma_wait3A_1354 = arith.constant 0 : i32
          %dma_wait3A_1355 = tpu.memref_slice %arg7[%dma_wait3A_1339, %dma_wait3A_1353, %dma_wait3A_1354] : memref<4x64x129xf32, #tpu.memory_space<vmem>> -> memref<1x8x128xf32, #tpu.memory_space<vmem>>
          %dma_wait3A_1356 = tpu.memref_squeeze %dma_wait3A_1355 : memref<1x8x128xf32, #tpu.memory_space<vmem>> -> memref<8x128xf32, #tpu.memory_space<vmem>>
          tpu.wait_dma2 semaphore(%arg15 : memref<!tpu.dma_semaphore, #tpu.memory_space<semaphore_mem>>) src(%dma_wait3A_1356 : memref<8x128xf32, #tpu.memory_space<vmem>>) dst(%dma_wait3A_1352 : memref<8x128xf32, #tpu.memory_space<hbm>>)
          %dma_wait3A_1357 = arith.constant 3 : i32
          %dma_wait3A_1358 = arith.constant 1 : i32
          %dma_wait3A_1359 = arith.constant 8 : i32
          %dma_wait3A_1360 = arith.constant 0 : i32
          %dma_wait3A_1361 = tpu.memref_slice %arg7[%dma_wait3A_1357, %dma_wait3A_1359, %dma_wait3A_1360] : memref<4x64x129xf32, #tpu.memory_space<vmem>> -> memref<1x8x128xf32, #tpu.memory_space<vmem>>
          %dma_wait3A_1362 = tpu.memref_squeeze %dma_wait3A_1361 : memref<1x8x128xf32, #tpu.memory_space<vmem>> -> memref<8x128xf32, #tpu.memory_space<vmem>>
          %dma_wait3A_1363 = arith.constant 0 : i32
          %dma_wait3A_1364 = arith.constant 0 : i32
          %dma_wait3A_1365 = tpu.memref_slice %arg4[%sub3A_1338, %dma_wait3A_1358, %add3A, %dma_wait3A_1363, %dma_wait3A_1364] : memref<200x8x32x8x128xf32, #tpu.memory_space<hbm>> -> memref<1x1x1x8x128xf32, #tpu.memory_space<hbm>>
          %dma_wait3A_1366 = tpu.memref_squeeze %dma_wait3A_1365 : memref<1x1x1x8x128xf32, #tpu.memory_space<hbm>> -> memref<8x128xf32, #tpu.memory_space<hbm>>
          %dma_wait3A_1367 = arith.constant 0 : i32
          %dma_wait3A_1368 = arith.constant 0 : i32
          %dma_wait3A_1369 = tpu.memref_slice %arg4[%sub3A_1338, %dma_wait3A_1358, %add3A, %dma_wait3A_1367, %dma_wait3A_1368] : memref<200x8x32x8x128xf32, #tpu.memory_space<hbm>> -> memref<1x1x1x8x128xf32, #tpu.memory_space<hbm>>
          %dma_wait3A_1370 = tpu.memref_squeeze %dma_wait3A_1369 : memref<1x1x1x8x128xf32, #tpu.memory_space<hbm>> -> memref<8x128xf32, #tpu.memory_space<hbm>>
          %dma_wait3A_1371 = arith.constant 8 : i32
          %dma_wait3A_1372 = arith.constant 0 : i32
          %dma_wait3A_1373 = tpu.memref_slice %arg7[%dma_wait3A_1357, %dma_wait3A_1371, %dma_wait3A_1372] : memref<4x64x129xf32, #tpu.memory_space<vmem>> -> memref<1x8x128xf32, #tpu.memory_space<vmem>>
          %dma_wait3A_1374 = tpu.memref_squeeze %dma_wait3A_1373 : memref<1x8x128xf32, #tpu.memory_space<vmem>> -> memref<8x128xf32, #tpu.memory_space<vmem>>
          tpu.wait_dma2 semaphore(%arg15 : memref<!tpu.dma_semaphore, #tpu.memory_space<semaphore_mem>>) src(%dma_wait3A_1374 : memref<8x128xf32, #tpu.memory_space<vmem>>) dst(%dma_wait3A_1370 : memref<8x128xf32, #tpu.memory_space<hbm>>)
          %dma_wait3A_1375 = arith.constant 3 : i32
          %dma_wait3A_1376 = arith.constant 2 : i32
          %dma_wait3A_1377 = arith.constant 16 : i32
          %dma_wait3A_1378 = arith.constant 0 : i32
          %dma_wait3A_1379 = tpu.memref_slice %arg7[%dma_wait3A_1375, %dma_wait3A_1377, %dma_wait3A_1378] : memref<4x64x129xf32, #tpu.memory_space<vmem>> -> memref<1x8x128xf32, #tpu.memory_space<vmem>>
          %dma_wait3A_1380 = tpu.memref_squeeze %dma_wait3A_1379 : memref<1x8x128xf32, #tpu.memory_space<vmem>> -> memref<8x128xf32, #tpu.memory_space<vmem>>
          %dma_wait3A_1381 = arith.constant 0 : i32
          %dma_wait3A_1382 = arith.constant 0 : i32
          %dma_wait3A_1383 = tpu.memref_slice %arg4[%sub3A_1338, %dma_wait3A_1376, %add3A, %dma_wait3A_1381, %dma_wait3A_1382] : memref<200x8x32x8x128xf32, #tpu.memory_space<hbm>> -> memref<1x1x1x8x128xf32, #tpu.memory_space<hbm>>
          %dma_wait3A_1384 = tpu.memref_squeeze %dma_wait3A_1383 : memref<1x1x1x8x128xf32, #tpu.memory_space<hbm>> -> memref<8x128xf32, #tpu.memory_space<hbm>>
          %dma_wait3A_1385 = arith.constant 0 : i32
          %dma_wait3A_1386 = arith.constant 0 : i32
          %dma_wait3A_1387 = tpu.memref_slice %arg4[%sub3A_1338, %dma_wait3A_1376, %add3A, %dma_wait3A_1385, %dma_wait3A_1386] : memref<200x8x32x8x128xf32, #tpu.memory_space<hbm>> -> memref<1x1x1x8x128xf32, #tpu.memory_space<hbm>>
          %dma_wait3A_1388 = tpu.memref_squeeze %dma_wait3A_1387 : memref<1x1x1x8x128xf32, #tpu.memory_space<hbm>> -> memref<8x128xf32, #tpu.memory_space<hbm>>
          %dma_wait3A_1389 = arith.constant 16 : i32
          %dma_wait3A_1390 = arith.constant 0 : i32
          %dma_wait3A_1391 = tpu.memref_slice %arg7[%dma_wait3A_1375, %dma_wait3A_1389, %dma_wait3A_1390] : memref<4x64x129xf32, #tpu.memory_space<vmem>> -> memref<1x8x128xf32, #tpu.memory_space<vmem>>
          %dma_wait3A_1392 = tpu.memref_squeeze %dma_wait3A_1391 : memref<1x8x128xf32, #tpu.memory_space<vmem>> -> memref<8x128xf32, #tpu.memory_space<vmem>>
          tpu.wait_dma2 semaphore(%arg15 : memref<!tpu.dma_semaphore, #tpu.memory_space<semaphore_mem>>) src(%dma_wait3A_1392 : memref<8x128xf32, #tpu.memory_space<vmem>>) dst(%dma_wait3A_1388 : memref<8x128xf32, #tpu.memory_space<hbm>>)
          %dma_wait3A_1393 = arith.constant 3 : i32
          %dma_wait3A_1394 = arith.constant 3 : i32
          %dma_wait3A_1395 = arith.constant 24 : i32
          %dma_wait3A_1396 = arith.constant 0 : i32
          %dma_wait3A_1397 = tpu.memref_slice %arg7[%dma_wait3A_1393, %dma_wait3A_1395, %dma_wait3A_1396] : memref<4x64x129xf32, #tpu.memory_space<vmem>> -> memref<1x8x128xf32, #tpu.memory_space<vmem>>
          %dma_wait3A_1398 = tpu.memref_squeeze %dma_wait3A_1397 : memref<1x8x128xf32, #tpu.memory_space<vmem>> -> memref<8x128xf32, #tpu.memory_space<vmem>>
          %dma_wait3A_1399 = arith.constant 0 : i32
          %dma_wait3A_1400 = arith.constant 0 : i32
          %dma_wait3A_1401 = tpu.memref_slice %arg4[%sub3A_1338, %dma_wait3A_1394, %add3A, %dma_wait3A_1399, %dma_wait3A_1400] : memref<200x8x32x8x128xf32, #tpu.memory_space<hbm>> -> memref<1x1x1x8x128xf32, #tpu.memory_space<hbm>>
          %dma_wait3A_1402 = tpu.memref_squeeze %dma_wait3A_1401 : memref<1x1x1x8x128xf32, #tpu.memory_space<hbm>> -> memref<8x128xf32, #tpu.memory_space<hbm>>
          %dma_wait3A_1403 = arith.constant 0 : i32
          %dma_wait3A_1404 = arith.constant 0 : i32
          %dma_wait3A_1405 = tpu.memref_slice %arg4[%sub3A_1338, %dma_wait3A_1394, %add3A, %dma_wait3A_1403, %dma_wait3A_1404] : memref<200x8x32x8x128xf32, #tpu.memory_space<hbm>> -> memref<1x1x1x8x128xf32, #tpu.memory_space<hbm>>
          %dma_wait3A_1406 = tpu.memref_squeeze %dma_wait3A_1405 : memref<1x1x1x8x128xf32, #tpu.memory_space<hbm>> -> memref<8x128xf32, #tpu.memory_space<hbm>>
          %dma_wait3A_1407 = arith.constant 24 : i32
          %dma_wait3A_1408 = arith.constant 0 : i32
          %dma_wait3A_1409 = tpu.memref_slice %arg7[%dma_wait3A_1393, %dma_wait3A_1407, %dma_wait3A_1408] : memref<4x64x129xf32, #tpu.memory_space<vmem>> -> memref<1x8x128xf32, #tpu.memory_space<vmem>>
          %dma_wait3A_1410 = tpu.memref_squeeze %dma_wait3A_1409 : memref<1x8x128xf32, #tpu.memory_space<vmem>> -> memref<8x128xf32, #tpu.memory_space<vmem>>
          tpu.wait_dma2 semaphore(%arg15 : memref<!tpu.dma_semaphore, #tpu.memory_space<semaphore_mem>>) src(%dma_wait3A_1410 : memref<8x128xf32, #tpu.memory_space<vmem>>) dst(%dma_wait3A_1406 : memref<8x128xf32, #tpu.memory_space<hbm>>)
          %dma_wait3A_1411 = arith.constant 3 : i32
          %dma_wait3A_1412 = arith.constant 4 : i32
          %dma_wait3A_1413 = arith.constant 32 : i32
          %dma_wait3A_1414 = arith.constant 0 : i32
          %dma_wait3A_1415 = tpu.memref_slice %arg7[%dma_wait3A_1411, %dma_wait3A_1413, %dma_wait3A_1414] : memref<4x64x129xf32, #tpu.memory_space<vmem>> -> memref<1x8x128xf32, #tpu.memory_space<vmem>>
          %dma_wait3A_1416 = tpu.memref_squeeze %dma_wait3A_1415 : memref<1x8x128xf32, #tpu.memory_space<vmem>> -> memref<8x128xf32, #tpu.memory_space<vmem>>
          %dma_wait3A_1417 = arith.constant 0 : i32
          %dma_wait3A_1418 = arith.constant 0 : i32
          %dma_wait3A_1419 = tpu.memref_slice %arg4[%sub3A_1338, %dma_wait3A_1412, %add3A, %dma_wait3A_1417, %dma_wait3A_1418] : memref<200x8x32x8x128xf32, #tpu.memory_space<hbm>> -> memref<1x1x1x8x128xf32, #tpu.memory_space<hbm>>
          %dma_wait3A_1420 = tpu.memref_squeeze %dma_wait3A_1419 : memref<1x1x1x8x128xf32, #tpu.memory_space<hbm>> -> memref<8x128xf32, #tpu.memory_space<hbm>>
          %dma_wait3A_1421 = arith.constant 0 : i32
          %dma_wait3A_1422 = arith.constant 0 : i32
          %dma_wait3A_1423 = tpu.memref_slice %arg4[%sub3A_1338, %dma_wait3A_1412, %add3A, %dma_wait3A_1421, %dma_wait3A_1422] : memref<200x8x32x8x128xf32, #tpu.memory_space<hbm>> -> memref<1x1x1x8x128xf32, #tpu.memory_space<hbm>>
          %dma_wait3A_1424 = tpu.memref_squeeze %dma_wait3A_1423 : memref<1x1x1x8x128xf32, #tpu.memory_space<hbm>> -> memref<8x128xf32, #tpu.memory_space<hbm>>
          %dma_wait3A_1425 = arith.constant 32 : i32
          %dma_wait3A_1426 = arith.constant 0 : i32
          %dma_wait3A_1427 = tpu.memref_slice %arg7[%dma_wait3A_1411, %dma_wait3A_1425, %dma_wait3A_1426] : memref<4x64x129xf32, #tpu.memory_space<vmem>> -> memref<1x8x128xf32, #tpu.memory_space<vmem>>
          %dma_wait3A_1428 = tpu.memref_squeeze %dma_wait3A_1427 : memref<1x8x128xf32, #tpu.memory_space<vmem>> -> memref<8x128xf32, #tpu.memory_space<vmem>>
          tpu.wait_dma2 semaphore(%arg15 : memref<!tpu.dma_semaphore, #tpu.memory_space<semaphore_mem>>) src(%dma_wait3A_1428 : memref<8x128xf32, #tpu.memory_space<vmem>>) dst(%dma_wait3A_1424 : memref<8x128xf32, #tpu.memory_space<hbm>>)
          %dma_wait3A_1429 = arith.constant 3 : i32
          %dma_wait3A_1430 = arith.constant 5 : i32
          %dma_wait3A_1431 = arith.constant 40 : i32
          %dma_wait3A_1432 = arith.constant 0 : i32
          %dma_wait3A_1433 = tpu.memref_slice %arg7[%dma_wait3A_1429, %dma_wait3A_1431, %dma_wait3A_1432] : memref<4x64x129xf32, #tpu.memory_space<vmem>> -> memref<1x8x128xf32, #tpu.memory_space<vmem>>
          %dma_wait3A_1434 = tpu.memref_squeeze %dma_wait3A_1433 : memref<1x8x128xf32, #tpu.memory_space<vmem>> -> memref<8x128xf32, #tpu.memory_space<vmem>>
          %dma_wait3A_1435 = arith.constant 0 : i32
          %dma_wait3A_1436 = arith.constant 0 : i32
          %dma_wait3A_1437 = tpu.memref_slice %arg4[%sub3A_1338, %dma_wait3A_1430, %add3A, %dma_wait3A_1435, %dma_wait3A_1436] : memref<200x8x32x8x128xf32, #tpu.memory_space<hbm>> -> memref<1x1x1x8x128xf32, #tpu.memory_space<hbm>>
          %dma_wait3A_1438 = tpu.memref_squeeze %dma_wait3A_1437 : memref<1x1x1x8x128xf32, #tpu.memory_space<hbm>> -> memref<8x128xf32, #tpu.memory_space<hbm>>
          %dma_wait3A_1439 = arith.constant 0 : i32
          %dma_wait3A_1440 = arith.constant 0 : i32
          %dma_wait3A_1441 = tpu.memref_slice %arg4[%sub3A_1338, %dma_wait3A_1430, %add3A, %dma_wait3A_1439, %dma_wait3A_1440] : memref<200x8x32x8x128xf32, #tpu.memory_space<hbm>> -> memref<1x1x1x8x128xf32, #tpu.memory_space<hbm>>
          %dma_wait3A_1442 = tpu.memref_squeeze %dma_wait3A_1441 : memref<1x1x1x8x128xf32, #tpu.memory_space<hbm>> -> memref<8x128xf32, #tpu.memory_space<hbm>>
          %dma_wait3A_1443 = arith.constant 40 : i32
          %dma_wait3A_1444 = arith.constant 0 : i32
          %dma_wait3A_1445 = tpu.memref_slice %arg7[%dma_wait3A_1429, %dma_wait3A_1443, %dma_wait3A_1444] : memref<4x64x129xf32, #tpu.memory_space<vmem>> -> memref<1x8x128xf32, #tpu.memory_space<vmem>>
          %dma_wait3A_1446 = tpu.memref_squeeze %dma_wait3A_1445 : memref<1x8x128xf32, #tpu.memory_space<vmem>> -> memref<8x128xf32, #tpu.memory_space<vmem>>
          tpu.wait_dma2 semaphore(%arg15 : memref<!tpu.dma_semaphore, #tpu.memory_space<semaphore_mem>>) src(%dma_wait3A_1446 : memref<8x128xf32, #tpu.memory_space<vmem>>) dst(%dma_wait3A_1442 : memref<8x128xf32, #tpu.memory_space<hbm>>)
          %dma_wait3A_1447 = arith.constant 3 : i32
          %dma_wait3A_1448 = arith.constant 6 : i32
          %dma_wait3A_1449 = arith.constant 48 : i32
          %dma_wait3A_1450 = arith.constant 0 : i32
          %dma_wait3A_1451 = tpu.memref_slice %arg7[%dma_wait3A_1447, %dma_wait3A_1449, %dma_wait3A_1450] : memref<4x64x129xf32, #tpu.memory_space<vmem>> -> memref<1x8x128xf32, #tpu.memory_space<vmem>>
          %dma_wait3A_1452 = tpu.memref_squeeze %dma_wait3A_1451 : memref<1x8x128xf32, #tpu.memory_space<vmem>> -> memref<8x128xf32, #tpu.memory_space<vmem>>
          %dma_wait3A_1453 = arith.constant 0 : i32
          %dma_wait3A_1454 = arith.constant 0 : i32
          %dma_wait3A_1455 = tpu.memref_slice %arg4[%sub3A_1338, %dma_wait3A_1448, %add3A, %dma_wait3A_1453, %dma_wait3A_1454] : memref<200x8x32x8x128xf32, #tpu.memory_space<hbm>> -> memref<1x1x1x8x128xf32, #tpu.memory_space<hbm>>
          %dma_wait3A_1456 = tpu.memref_squeeze %dma_wait3A_1455 : memref<1x1x1x8x128xf32, #tpu.memory_space<hbm>> -> memref<8x128xf32, #tpu.memory_space<hbm>>
          %dma_wait3A_1457 = arith.constant 0 : i32
          %dma_wait3A_1458 = arith.constant 0 : i32
          %dma_wait3A_1459 = tpu.memref_slice %arg4[%sub3A_1338, %dma_wait3A_1448, %add3A, %dma_wait3A_1457, %dma_wait3A_1458] : memref<200x8x32x8x128xf32, #tpu.memory_space<hbm>> -> memref<1x1x1x8x128xf32, #tpu.memory_space<hbm>>
          %dma_wait3A_1460 = tpu.memref_squeeze %dma_wait3A_1459 : memref<1x1x1x8x128xf32, #tpu.memory_space<hbm>> -> memref<8x128xf32, #tpu.memory_space<hbm>>
          %dma_wait3A_1461 = arith.constant 48 : i32
          %dma_wait3A_1462 = arith.constant 0 : i32
          %dma_wait3A_1463 = tpu.memref_slice %arg7[%dma_wait3A_1447, %dma_wait3A_1461, %dma_wait3A_1462] : memref<4x64x129xf32, #tpu.memory_space<vmem>> -> memref<1x8x128xf32, #tpu.memory_space<vmem>>
          %dma_wait3A_1464 = tpu.memref_squeeze %dma_wait3A_1463 : memref<1x8x128xf32, #tpu.memory_space<vmem>> -> memref<8x128xf32, #tpu.memory_space<vmem>>
          tpu.wait_dma2 semaphore(%arg15 : memref<!tpu.dma_semaphore, #tpu.memory_space<semaphore_mem>>) src(%dma_wait3A_1464 : memref<8x128xf32, #tpu.memory_space<vmem>>) dst(%dma_wait3A_1460 : memref<8x128xf32, #tpu.memory_space<hbm>>)
          %dma_wait3A_1465 = arith.constant 3 : i32
          %dma_wait3A_1466 = arith.constant 7 : i32
          %dma_wait3A_1467 = arith.constant 56 : i32
          %dma_wait3A_1468 = arith.constant 0 : i32
          %dma_wait3A_1469 = tpu.memref_slice %arg7[%dma_wait3A_1465, %dma_wait3A_1467, %dma_wait3A_1468] : memref<4x64x129xf32, #tpu.memory_space<vmem>> -> memref<1x8x128xf32, #tpu.memory_space<vmem>>
          %dma_wait3A_1470 = tpu.memref_squeeze %dma_wait3A_1469 : memref<1x8x128xf32, #tpu.memory_space<vmem>> -> memref<8x128xf32, #tpu.memory_space<vmem>>
          %dma_wait3A_1471 = arith.constant 0 : i32
          %dma_wait3A_1472 = arith.constant 0 : i32
          %dma_wait3A_1473 = tpu.memref_slice %arg4[%sub3A_1338, %dma_wait3A_1466, %add3A, %dma_wait3A_1471, %dma_wait3A_1472] : memref<200x8x32x8x128xf32, #tpu.memory_space<hbm>> -> memref<1x1x1x8x128xf32, #tpu.memory_space<hbm>>
          %dma_wait3A_1474 = tpu.memref_squeeze %dma_wait3A_1473 : memref<1x1x1x8x128xf32, #tpu.memory_space<hbm>> -> memref<8x128xf32, #tpu.memory_space<hbm>>
          %dma_wait3A_1475 = arith.constant 0 : i32
          %dma_wait3A_1476 = arith.constant 0 : i32
          %dma_wait3A_1477 = tpu.memref_slice %arg4[%sub3A_1338, %dma_wait3A_1466, %add3A, %dma_wait3A_1475, %dma_wait3A_1476] : memref<200x8x32x8x128xf32, #tpu.memory_space<hbm>> -> memref<1x1x1x8x128xf32, #tpu.memory_space<hbm>>
          %dma_wait3A_1478 = tpu.memref_squeeze %dma_wait3A_1477 : memref<1x1x1x8x128xf32, #tpu.memory_space<hbm>> -> memref<8x128xf32, #tpu.memory_space<hbm>>
          %dma_wait3A_1479 = arith.constant 56 : i32
          %dma_wait3A_1480 = arith.constant 0 : i32
          %dma_wait3A_1481 = tpu.memref_slice %arg7[%dma_wait3A_1465, %dma_wait3A_1479, %dma_wait3A_1480] : memref<4x64x129xf32, #tpu.memory_space<vmem>> -> memref<1x8x128xf32, #tpu.memory_space<vmem>>
          %dma_wait3A_1482 = tpu.memref_squeeze %dma_wait3A_1481 : memref<1x8x128xf32, #tpu.memory_space<vmem>> -> memref<8x128xf32, #tpu.memory_space<vmem>>
          tpu.wait_dma2 semaphore(%arg15 : memref<!tpu.dma_semaphore, #tpu.memory_space<semaphore_mem>>) src(%dma_wait3A_1482 : memref<8x128xf32, #tpu.memory_space<vmem>>) dst(%dma_wait3A_1478 : memref<8x128xf32, #tpu.memory_space<hbm>>)
        } else {
        }
        %dma_start3A_1327 = arith.constant 3 : i32
        %dma_start3A_1328 = arith.constant 0 : i32
        %dma_start3A_1329 = arith.constant 0 : i32
        %dma_start3A_1330 = tpu.memref_slice %arg6[%dma_start3A_1327, %dma_start3A_1328, %dma_start3A_1329] : memref<4x128x64xf32, #tpu.memory_space<vmem>> -> memref<1x128x64xf32, #tpu.memory_space<vmem>>
        %dma_start3A_1331 = tpu.memref_squeeze %dma_start3A_1330 : memref<1x128x64xf32, #tpu.memory_space<vmem>> -> memref<128x64xf32, #tpu.memory_space<vmem>>
        %dma_start3A_1332 = arith.constant 0 : i32
        %dma_start3A_1333 = tpu.memref_slice %arg5[%add3A_821, %dma_start3A_1332] : memref<200x128xi32, #tpu.memory_space<vmem>> -> memref<1x128xi32, #tpu.memory_space<vmem>>
        %dma_start3A_1334 = tpu.memref_squeeze %dma_start3A_1333 : memref<1x128xi32, #tpu.memory_space<vmem>> -> memref<128xi32, #tpu.memory_space<vmem>>
        %dma_start3A_1335 = arith.constant 0 : i32
        %dma_start3A_1336 = arith.constant 0 : i32
        %dma_start3A_1337 = tpu.memref_slice %arg2[%dma_start3A_1335, %dma_start3A_1336] : memref<1000000x64xf32, #tpu.memory_space<hbm>> -> memref<1000000x64xf32, #tpu.memory_space<hbm>>
        tpu.enqueue_indirect_dma source(%dma_start3A_1337 : memref<1000000x64xf32, #tpu.memory_space<hbm>>) target(%dma_start3A_1331 : memref<128x64xf32, #tpu.memory_space<vmem>>) offsets(%dma_start3A_1334 : memref<128xi32, #tpu.memory_space<vmem>>) semaphore(%arg11 : memref<!tpu.dma_semaphore, #tpu.memory_space<semaphore_mem>>)
      } else {
      }
      %dma_wait3A_827 = arith.constant 1 : i32
      %dma_wait3A_828 = arith.constant 0 : i32
      %dma_wait3A_829 = arith.constant 0 : i32
      %dma_wait3A_830 = tpu.memref_slice %arg6[%dma_wait3A_827, %dma_wait3A_828, %dma_wait3A_829] : memref<4x128x64xf32, #tpu.memory_space<vmem>> -> memref<1x128x64xf32, #tpu.memory_space<vmem>>
      %dma_wait3A_831 = tpu.memref_squeeze %dma_wait3A_830 : memref<1x128x64xf32, #tpu.memory_space<vmem>> -> memref<128x64xf32, #tpu.memory_space<vmem>>
      %dma_wait3A_832 = arith.constant 0 : i32
      %dma_wait3A_833 = tpu.memref_slice %arg5[%add3A_819, %dma_wait3A_832] : memref<200x128xi32, #tpu.memory_space<vmem>> -> memref<1x128xi32, #tpu.memory_space<vmem>>
      %dma_wait3A_834 = tpu.memref_squeeze %dma_wait3A_833 : memref<1x128xi32, #tpu.memory_space<vmem>> -> memref<128xi32, #tpu.memory_space<vmem>>
      %dma_wait3A_835 = arith.constant 0 : i32
      %dma_wait3A_836 = arith.constant 0 : i32
      %dma_wait3A_837 = tpu.memref_slice %arg2[%dma_wait3A_835, %dma_wait3A_836] : memref<1000000x64xf32, #tpu.memory_space<hbm>> -> memref<1000000x64xf32, #tpu.memory_space<hbm>>
      tpu.wait_indirect_dma semaphore(%arg9 : memref<!tpu.dma_semaphore, #tpu.memory_space<semaphore_mem>>) src(%dma_wait3A_837 : memref<1000000x64xf32, #tpu.memory_space<hbm>>) dst(%dma_wait3A_831 : memref<128x64xf32, #tpu.memory_space<vmem>>)
      %parallel_loop3A_838 = arith.constant 0 : i32
      %parallel_loop3A_839 = arith.constant 128 : i32
      %parallel_loop3A_840 = arith.constant 1 : i32
      scf.for %parallel_loop3A_1323 = %parallel_loop3A_838 to %parallel_loop3A_839 step %parallel_loop3A_840  : i32 {
        %parallel_loop3A_1324 = vector.broadcast %parallel_loop3A_1323 : i32 to vector<16xi32>
        %parallel_loop3A_1325 = arith.constant 1 : i32
        %parallel_loop3A_1326 = arith.index_cast %parallel_loop3A_1325 : i32 to index
        %parallel_loop3A_1327 = arith.index_cast %parallel_loop3A_1323 : i32 to index
        %parallel_loop3A_1328 = arith.constant 0 : index
        %parallel_loop3A_1329 = tpu.vector_load %arg6[%parallel_loop3A_1326, %parallel_loop3A_1327, %parallel_loop3A_1328] {strides = array<i32>} : memref<4x128x64xf32, #tpu.memory_space<vmem>>, vector<16xf32>,
        %parallel_loop3A_1330 = arith.constant 8.000000e+00 : f32
        %parallel_loop3A_1331 = vector.broadcast %parallel_loop3A_1330 : f32 to vector<16xf32>
        %parallel_loop3A_1332 = arith.mulf %parallel_loop3A_1329, %parallel_loop3A_1331 : vector<16xf32>
        %parallel_loop3A_1333 = arith.constant 1 : i32
        %parallel_loop3A_1334 = arith.constant 0 : i32
        %parallel_loop3A_1335 = arith.constant 0 : i32
        %parallel_loop3A_1336 = tpu.memref_slice %arg7[%parallel_loop3A_1333, %parallel_loop3A_1334, %parallel_loop3A_1335] : memref<4x64x129xf32, #tpu.memory_space<vmem>> -> memref<1x64x129xf32, #tpu.memory_space<vmem>>
        %parallel_loop3A_1337 = tpu.memref_squeeze %parallel_loop3A_1336 : memref<1x64x129xf32, #tpu.memory_space<vmem>> -> memref<64x129xf32, #tpu.memory_space<vmem>>
        tpu.vector_store_idx %parallel_loop3A_1337[%add3A_5, %parallel_loop3A_1324], %parallel_loop3A_1332 : memref<64x129xf32, #tpu.memory_space<vmem>>[vector<16xi32>, vector<16xi32>], vector<16xf32>,
        %parallel_loop3A_1338 = arith.constant 1 : i32
        %parallel_loop3A_1339 = arith.index_cast %parallel_loop3A_1338 : i32 to index
        %parallel_loop3A_1340 = arith.index_cast %parallel_loop3A_1323 : i32 to index
        %parallel_loop3A_1341 = arith.constant 16 : index
        %parallel_loop3A_1342 = tpu.vector_load %arg6[%parallel_loop3A_1339, %parallel_loop3A_1340, %parallel_loop3A_1341] {strides = array<i32>} : memref<4x128x64xf32, #tpu.memory_space<vmem>>, vector<16xf32>,
        %parallel_loop3A_1343 = arith.constant 8.000000e+00 : f32
        %parallel_loop3A_1344 = vector.broadcast %parallel_loop3A_1343 : f32 to vector<16xf32>
        %parallel_loop3A_1345 = arith.mulf %parallel_loop3A_1342, %parallel_loop3A_1344 : vector<16xf32>
        %parallel_loop3A_1346 = arith.constant 1 : i32
        %parallel_loop3A_1347 = arith.constant 0 : i32
        %parallel_loop3A_1348 = arith.constant 0 : i32
        %parallel_loop3A_1349 = tpu.memref_slice %arg7[%parallel_loop3A_1346, %parallel_loop3A_1347, %parallel_loop3A_1348] : memref<4x64x129xf32, #tpu.memory_space<vmem>> -> memref<1x64x129xf32, #tpu.memory_space<vmem>>
        %parallel_loop3A_1350 = tpu.memref_squeeze %parallel_loop3A_1349 : memref<1x64x129xf32, #tpu.memory_space<vmem>> -> memref<64x129xf32, #tpu.memory_space<vmem>>
        tpu.vector_store_idx %parallel_loop3A_1350[%add3A_8, %parallel_loop3A_1324], %parallel_loop3A_1345 : memref<64x129xf32, #tpu.memory_space<vmem>>[vector<16xi32>, vector<16xi32>], vector<16xf32>,
        %parallel_loop3A_1351 = arith.constant 1 : i32
        %parallel_loop3A_1352 = arith.index_cast %parallel_loop3A_1351 : i32 to index
        %parallel_loop3A_1353 = arith.index_cast %parallel_loop3A_1323 : i32 to index
        %parallel_loop3A_1354 = arith.constant 32 : index
        %parallel_loop3A_1355 = tpu.vector_load %arg6[%parallel_loop3A_1352, %parallel_loop3A_1353, %parallel_loop3A_1354] {strides = array<i32>} : memref<4x128x64xf32, #tpu.memory_space<vmem>>, vector<16xf32>,
        %parallel_loop3A_1356 = arith.constant 8.000000e+00 : f32
        %parallel_loop3A_1357 = vector.broadcast %parallel_loop3A_1356 : f32 to vector<16xf32>
        %parallel_loop3A_1358 = arith.mulf %parallel_loop3A_1355, %parallel_loop3A_1357 : vector<16xf32>
        %parallel_loop3A_1359 = arith.constant 1 : i32
        %parallel_loop3A_1360 = arith.constant 0 : i32
        %parallel_loop3A_1361 = arith.constant 0 : i32
        %parallel_loop3A_1362 = tpu.memref_slice %arg7[%parallel_loop3A_1359, %parallel_loop3A_1360, %parallel_loop3A_1361] : memref<4x64x129xf32, #tpu.memory_space<vmem>> -> memref<1x64x129xf32, #tpu.memory_space<vmem>>
        %parallel_loop3A_1363 = tpu.memref_squeeze %parallel_loop3A_1362 : memref<1x64x129xf32, #tpu.memory_space<vmem>> -> memref<64x129xf32, #tpu.memory_space<vmem>>
        tpu.vector_store_idx %parallel_loop3A_1363[%add3A_11, %parallel_loop3A_1324], %parallel_loop3A_1358 : memref<64x129xf32, #tpu.memory_space<vmem>>[vector<16xi32>, vector<16xi32>], vector<16xf32>,
        %parallel_loop3A_1364 = arith.constant 1 : i32
        %parallel_loop3A_1365 = arith.index_cast %parallel_loop3A_1364 : i32 to index
        %parallel_loop3A_1366 = arith.index_cast %parallel_loop3A_1323 : i32 to index
        %parallel_loop3A_1367 = arith.constant 48 : index
        %parallel_loop3A_1368 = tpu.vector_load %arg6[%parallel_loop3A_1365, %parallel_loop3A_1366, %parallel_loop3A_1367] {strides = array<i32>} : memref<4x128x64xf32, #tpu.memory_space<vmem>>, vector<16xf32>,
        %parallel_loop3A_1369 = arith.constant 8.000000e+00 : f32
        %parallel_loop3A_1370 = vector.broadcast %parallel_loop3A_1369 : f32 to vector<16xf32>
        %parallel_loop3A_1371 = arith.mulf %parallel_loop3A_1368, %parallel_loop3A_1370 : vector<16xf32>
        %parallel_loop3A_1372 = arith.constant 1 : i32
        %parallel_loop3A_1373 = arith.constant 0 : i32
        %parallel_loop3A_1374 = arith.constant 0 : i32
        %parallel_loop3A_1375 = tpu.memref_slice %arg7[%parallel_loop3A_1372, %parallel_loop3A_1373, %parallel_loop3A_1374] : memref<4x64x129xf32, #tpu.memory_space<vmem>> -> memref<1x64x129xf32, #tpu.memory_space<vmem>>
        %parallel_loop3A_1376 = tpu.memref_squeeze %parallel_loop3A_1375 : memref<1x64x129xf32, #tpu.memory_space<vmem>> -> memref<64x129xf32, #tpu.memory_space<vmem>>
        tpu.vector_store_idx %parallel_loop3A_1376[%add3A_14, %parallel_loop3A_1324], %parallel_loop3A_1371 : memref<64x129xf32, #tpu.memory_space<vmem>>[vector<16xi32>, vector<16xi32>], vector<16xf32>,
      } {sc.loop_unroll_factor = 4 : i64, sc.parallel_access}
      %dma_start3A_841 = arith.constant 1 : i32
      %dma_start3A_842 = arith.constant 0 : i32
      %dma_start3A_843 = arith.constant 0 : i32
      %dma_start3A_844 = arith.constant 0 : i32
      %dma_start3A_845 = tpu.memref_slice %arg7[%dma_start3A_841, %dma_start3A_843, %dma_start3A_844] : memref<4x64x129xf32, #tpu.memory_space<vmem>> -> memref<1x8x128xf32, #tpu.memory_space<vmem>>
      %dma_start3A_846 = tpu.memref_squeeze %dma_start3A_845 : memref<1x8x128xf32, #tpu.memory_space<vmem>> -> memref<8x128xf32, #tpu.memory_space<vmem>>
      %dma_start3A_847 = arith.constant 0 : i32
      %dma_start3A_848 = arith.constant 0 : i32
      %dma_start3A_849 = tpu.memref_slice %arg4[%add3A_819, %dma_start3A_842, %add3A, %dma_start3A_847, %dma_start3A_848] : memref<200x8x32x8x128xf32, #tpu.memory_space<hbm>> -> memref<1x1x1x8x128xf32, #tpu.memory_space<hbm>>
      %dma_start3A_850 = tpu.memref_squeeze %dma_start3A_849 : memref<1x1x1x8x128xf32, #tpu.memory_space<hbm>> -> memref<8x128xf32, #tpu.memory_space<hbm>>
      %dma_start3A_851 = arith.constant 0 : i32
      %dma_start3A_852 = arith.constant 0 : i32
      %dma_start3A_853 = tpu.memref_slice %arg4[%add3A_819, %dma_start3A_842, %add3A, %dma_start3A_851, %dma_start3A_852] : memref<200x8x32x8x128xf32, #tpu.memory_space<hbm>> -> memref<1x1x1x8x128xf32, #tpu.memory_space<hbm>>
      %dma_start3A_854 = tpu.memref_squeeze %dma_start3A_853 : memref<1x1x1x8x128xf32, #tpu.memory_space<hbm>> -> memref<8x128xf32, #tpu.memory_space<hbm>>
      %dma_start3A_855 = arith.constant 0 : i32
      %dma_start3A_856 = arith.constant 0 : i32
      %dma_start3A_857 = tpu.memref_slice %arg7[%dma_start3A_841, %dma_start3A_855, %dma_start3A_856] : memref<4x64x129xf32, #tpu.memory_space<vmem>> -> memref<1x8x128xf32, #tpu.memory_space<vmem>>
      %dma_start3A_858 = tpu.memref_squeeze %dma_start3A_857 : memref<1x8x128xf32, #tpu.memory_space<vmem>> -> memref<8x128xf32, #tpu.memory_space<vmem>>
      tpu.enqueue_dma source(%dma_start3A_858 : memref<8x128xf32, #tpu.memory_space<vmem>>) target(%dma_start3A_854 : memref<8x128xf32, #tpu.memory_space<hbm>>) target_semaphore(%arg13 : memref<!tpu.dma_semaphore, #tpu.memory_space<semaphore_mem>>)
      %dma_start3A_859 = arith.constant 1 : i32
      %dma_start3A_860 = arith.constant 1 : i32
      %dma_start3A_861 = arith.constant 8 : i32
      %dma_start3A_862 = arith.constant 0 : i32
      %dma_start3A_863 = tpu.memref_slice %arg7[%dma_start3A_859, %dma_start3A_861, %dma_start3A_862] : memref<4x64x129xf32, #tpu.memory_space<vmem>> -> memref<1x8x128xf32, #tpu.memory_space<vmem>>
      %dma_start3A_864 = tpu.memref_squeeze %dma_start3A_863 : memref<1x8x128xf32, #tpu.memory_space<vmem>> -> memref<8x128xf32, #tpu.memory_space<vmem>>
      %dma_start3A_865 = arith.constant 0 : i32
      %dma_start3A_866 = arith.constant 0 : i32
      %dma_start3A_867 = tpu.memref_slice %arg4[%add3A_819, %dma_start3A_860, %add3A, %dma_start3A_865, %dma_start3A_866] : memref<200x8x32x8x128xf32, #tpu.memory_space<hbm>> -> memref<1x1x1x8x128xf32, #tpu.memory_space<hbm>>
      %dma_start3A_868 = tpu.memref_squeeze %dma_start3A_867 : memref<1x1x1x8x128xf32, #tpu.memory_space<hbm>> -> memref<8x128xf32, #tpu.memory_space<hbm>>
      %dma_start3A_869 = arith.constant 0 : i32
      %dma_start3A_870 = arith.constant 0 : i32
      %dma_start3A_871 = tpu.memref_slice %arg4[%add3A_819, %dma_start3A_860, %add3A, %dma_start3A_869, %dma_start3A_870] : memref<200x8x32x8x128xf32, #tpu.memory_space<hbm>> -> memref<1x1x1x8x128xf32, #tpu.memory_space<hbm>>
      %dma_start3A_872 = tpu.memref_squeeze %dma_start3A_871 : memref<1x1x1x8x128xf32, #tpu.memory_space<hbm>> -> memref<8x128xf32, #tpu.memory_space<hbm>>
      %dma_start3A_873 = arith.constant 8 : i32
      %dma_start3A_874 = arith.constant 0 : i32
      %dma_start3A_875 = tpu.memref_slice %arg7[%dma_start3A_859, %dma_start3A_873, %dma_start3A_874] : memref<4x64x129xf32, #tpu.memory_space<vmem>> -> memref<1x8x128xf32, #tpu.memory_space<vmem>>
      %dma_start3A_876 = tpu.memref_squeeze %dma_start3A_875 : memref<1x8x128xf32, #tpu.memory_space<vmem>> -> memref<8x128xf32, #tpu.memory_space<vmem>>
      tpu.enqueue_dma source(%dma_start3A_876 : memref<8x128xf32, #tpu.memory_space<vmem>>) target(%dma_start3A_872 : memref<8x128xf32, #tpu.memory_space<hbm>>) target_semaphore(%arg13 : memref<!tpu.dma_semaphore, #tpu.memory_space<semaphore_mem>>)
      %dma_start3A_877 = arith.constant 1 : i32
      %dma_start3A_878 = arith.constant 2 : i32
      %dma_start3A_879 = arith.constant 16 : i32
      %dma_start3A_880 = arith.constant 0 : i32
      %dma_start3A_881 = tpu.memref_slice %arg7[%dma_start3A_877, %dma_start3A_879, %dma_start3A_880] : memref<4x64x129xf32, #tpu.memory_space<vmem>> -> memref<1x8x128xf32, #tpu.memory_space<vmem>>
      %dma_start3A_882 = tpu.memref_squeeze %dma_start3A_881 : memref<1x8x128xf32, #tpu.memory_space<vmem>> -> memref<8x128xf32, #tpu.memory_space<vmem>>
      %dma_start3A_883 = arith.constant 0 : i32
      %dma_start3A_884 = arith.constant 0 : i32
      %dma_start3A_885 = tpu.memref_slice %arg4[%add3A_819, %dma_start3A_878, %add3A, %dma_start3A_883, %dma_start3A_884] : memref<200x8x32x8x128xf32, #tpu.memory_space<hbm>> -> memref<1x1x1x8x128xf32, #tpu.memory_space<hbm>>
      %dma_start3A_886 = tpu.memref_squeeze %dma_start3A_885 : memref<1x1x1x8x128xf32, #tpu.memory_space<hbm>> -> memref<8x128xf32, #tpu.memory_space<hbm>>
      %dma_start3A_887 = arith.constant 0 : i32
      %dma_start3A_888 = arith.constant 0 : i32
      %dma_start3A_889 = tpu.memref_slice %arg4[%add3A_819, %dma_start3A_878, %add3A, %dma_start3A_887, %dma_start3A_888] : memref<200x8x32x8x128xf32, #tpu.memory_space<hbm>> -> memref<1x1x1x8x128xf32, #tpu.memory_space<hbm>>
      %dma_start3A_890 = tpu.memref_squeeze %dma_start3A_889 : memref<1x1x1x8x128xf32, #tpu.memory_space<hbm>> -> memref<8x128xf32, #tpu.memory_space<hbm>>
      %dma_start3A_891 = arith.constant 16 : i32
      %dma_start3A_892 = arith.constant 0 : i32
      %dma_start3A_893 = tpu.memref_slice %arg7[%dma_start3A_877, %dma_start3A_891, %dma_start3A_892] : memref<4x64x129xf32, #tpu.memory_space<vmem>> -> memref<1x8x128xf32, #tpu.memory_space<vmem>>
      %dma_start3A_894 = tpu.memref_squeeze %dma_start3A_893 : memref<1x8x128xf32, #tpu.memory_space<vmem>> -> memref<8x128xf32, #tpu.memory_space<vmem>>
      tpu.enqueue_dma source(%dma_start3A_894 : memref<8x128xf32, #tpu.memory_space<vmem>>) target(%dma_start3A_890 : memref<8x128xf32, #tpu.memory_space<hbm>>) target_semaphore(%arg13 : memref<!tpu.dma_semaphore, #tpu.memory_space<semaphore_mem>>)
      %dma_start3A_895 = arith.constant 1 : i32
      %dma_start3A_896 = arith.constant 3 : i32
      %dma_start3A_897 = arith.constant 24 : i32
      %dma_start3A_898 = arith.constant 0 : i32
      %dma_start3A_899 = tpu.memref_slice %arg7[%dma_start3A_895, %dma_start3A_897, %dma_start3A_898] : memref<4x64x129xf32, #tpu.memory_space<vmem>> -> memref<1x8x128xf32, #tpu.memory_space<vmem>>
      %dma_start3A_900 = tpu.memref_squeeze %dma_start3A_899 : memref<1x8x128xf32, #tpu.memory_space<vmem>> -> memref<8x128xf32, #tpu.memory_space<vmem>>
      %dma_start3A_901 = arith.constant 0 : i32
      %dma_start3A_902 = arith.constant 0 : i32
      %dma_start3A_903 = tpu.memref_slice %arg4[%add3A_819, %dma_start3A_896, %add3A, %dma_start3A_901, %dma_start3A_902] : memref<200x8x32x8x128xf32, #tpu.memory_space<hbm>> -> memref<1x1x1x8x128xf32, #tpu.memory_space<hbm>>
      %dma_start3A_904 = tpu.memref_squeeze %dma_start3A_903 : memref<1x1x1x8x128xf32, #tpu.memory_space<hbm>> -> memref<8x128xf32, #tpu.memory_space<hbm>>
      %dma_start3A_905 = arith.constant 0 : i32
      %dma_start3A_906 = arith.constant 0 : i32
      %dma_start3A_907 = tpu.memref_slice %arg4[%add3A_819, %dma_start3A_896, %add3A, %dma_start3A_905, %dma_start3A_906] : memref<200x8x32x8x128xf32, #tpu.memory_space<hbm>> -> memref<1x1x1x8x128xf32, #tpu.memory_space<hbm>>
      %dma_start3A_908 = tpu.memref_squeeze %dma_start3A_907 : memref<1x1x1x8x128xf32, #tpu.memory_space<hbm>> -> memref<8x128xf32, #tpu.memory_space<hbm>>
      %dma_start3A_909 = arith.constant 24 : i32
      %dma_start3A_910 = arith.constant 0 : i32
      %dma_start3A_911 = tpu.memref_slice %arg7[%dma_start3A_895, %dma_start3A_909, %dma_start3A_910] : memref<4x64x129xf32, #tpu.memory_space<vmem>> -> memref<1x8x128xf32, #tpu.memory_space<vmem>>
      %dma_start3A_912 = tpu.memref_squeeze %dma_start3A_911 : memref<1x8x128xf32, #tpu.memory_space<vmem>> -> memref<8x128xf32, #tpu.memory_space<vmem>>
      tpu.enqueue_dma source(%dma_start3A_912 : memref<8x128xf32, #tpu.memory_space<vmem>>) target(%dma_start3A_908 : memref<8x128xf32, #tpu.memory_space<hbm>>) target_semaphore(%arg13 : memref<!tpu.dma_semaphore, #tpu.memory_space<semaphore_mem>>)
      %dma_start3A_913 = arith.constant 1 : i32
      %dma_start3A_914 = arith.constant 4 : i32
      %dma_start3A_915 = arith.constant 32 : i32
      %dma_start3A_916 = arith.constant 0 : i32
      %dma_start3A_917 = tpu.memref_slice %arg7[%dma_start3A_913, %dma_start3A_915, %dma_start3A_916] : memref<4x64x129xf32, #tpu.memory_space<vmem>> -> memref<1x8x128xf32, #tpu.memory_space<vmem>>
      %dma_start3A_918 = tpu.memref_squeeze %dma_start3A_917 : memref<1x8x128xf32, #tpu.memory_space<vmem>> -> memref<8x128xf32, #tpu.memory_space<vmem>>
      %dma_start3A_919 = arith.constant 0 : i32
      %dma_start3A_920 = arith.constant 0 : i32
      %dma_start3A_921 = tpu.memref_slice %arg4[%add3A_819, %dma_start3A_914, %add3A, %dma_start3A_919, %dma_start3A_920] : memref<200x8x32x8x128xf32, #tpu.memory_space<hbm>> -> memref<1x1x1x8x128xf32, #tpu.memory_space<hbm>>
      %dma_start3A_922 = tpu.memref_squeeze %dma_start3A_921 : memref<1x1x1x8x128xf32, #tpu.memory_space<hbm>> -> memref<8x128xf32, #tpu.memory_space<hbm>>
      %dma_start3A_923 = arith.constant 0 : i32
      %dma_start3A_924 = arith.constant 0 : i32
      %dma_start3A_925 = tpu.memref_slice %arg4[%add3A_819, %dma_start3A_914, %add3A, %dma_start3A_923, %dma_start3A_924] : memref<200x8x32x8x128xf32, #tpu.memory_space<hbm>> -> memref<1x1x1x8x128xf32, #tpu.memory_space<hbm>>
      %dma_start3A_926 = tpu.memref_squeeze %dma_start3A_925 : memref<1x1x1x8x128xf32, #tpu.memory_space<hbm>> -> memref<8x128xf32, #tpu.memory_space<hbm>>
      %dma_start3A_927 = arith.constant 32 : i32
      %dma_start3A_928 = arith.constant 0 : i32
      %dma_start3A_929 = tpu.memref_slice %arg7[%dma_start3A_913, %dma_start3A_927, %dma_start3A_928] : memref<4x64x129xf32, #tpu.memory_space<vmem>> -> memref<1x8x128xf32, #tpu.memory_space<vmem>>
      %dma_start3A_930 = tpu.memref_squeeze %dma_start3A_929 : memref<1x8x128xf32, #tpu.memory_space<vmem>> -> memref<8x128xf32, #tpu.memory_space<vmem>>
      tpu.enqueue_dma source(%dma_start3A_930 : memref<8x128xf32, #tpu.memory_space<vmem>>) target(%dma_start3A_926 : memref<8x128xf32, #tpu.memory_space<hbm>>) target_semaphore(%arg13 : memref<!tpu.dma_semaphore, #tpu.memory_space<semaphore_mem>>)
      %dma_start3A_931 = arith.constant 1 : i32
      %dma_start3A_932 = arith.constant 5 : i32
      %dma_start3A_933 = arith.constant 40 : i32
      %dma_start3A_934 = arith.constant 0 : i32
      %dma_start3A_935 = tpu.memref_slice %arg7[%dma_start3A_931, %dma_start3A_933, %dma_start3A_934] : memref<4x64x129xf32, #tpu.memory_space<vmem>> -> memref<1x8x128xf32, #tpu.memory_space<vmem>>
      %dma_start3A_936 = tpu.memref_squeeze %dma_start3A_935 : memref<1x8x128xf32, #tpu.memory_space<vmem>> -> memref<8x128xf32, #tpu.memory_space<vmem>>
      %dma_start3A_937 = arith.constant 0 : i32
      %dma_start3A_938 = arith.constant 0 : i32
      %dma_start3A_939 = tpu.memref_slice %arg4[%add3A_819, %dma_start3A_932, %add3A, %dma_start3A_937, %dma_start3A_938] : memref<200x8x32x8x128xf32, #tpu.memory_space<hbm>> -> memref<1x1x1x8x128xf32, #tpu.memory_space<hbm>>
      %dma_start3A_940 = tpu.memref_squeeze %dma_start3A_939 : memref<1x1x1x8x128xf32, #tpu.memory_space<hbm>> -> memref<8x128xf32, #tpu.memory_space<hbm>>
      %dma_start3A_941 = arith.constant 0 : i32
      %dma_start3A_942 = arith.constant 0 : i32
      %dma_start3A_943 = tpu.memref_slice %arg4[%add3A_819, %dma_start3A_932, %add3A, %dma_start3A_941, %dma_start3A_942] : memref<200x8x32x8x128xf32, #tpu.memory_space<hbm>> -> memref<1x1x1x8x128xf32, #tpu.memory_space<hbm>>
      %dma_start3A_944 = tpu.memref_squeeze %dma_start3A_943 : memref<1x1x1x8x128xf32, #tpu.memory_space<hbm>> -> memref<8x128xf32, #tpu.memory_space<hbm>>
      %dma_start3A_945 = arith.constant 40 : i32
      %dma_start3A_946 = arith.constant 0 : i32
      %dma_start3A_947 = tpu.memref_slice %arg7[%dma_start3A_931, %dma_start3A_945, %dma_start3A_946] : memref<4x64x129xf32, #tpu.memory_space<vmem>> -> memref<1x8x128xf32, #tpu.memory_space<vmem>>
      %dma_start3A_948 = tpu.memref_squeeze %dma_start3A_947 : memref<1x8x128xf32, #tpu.memory_space<vmem>> -> memref<8x128xf32, #tpu.memory_space<vmem>>
      tpu.enqueue_dma source(%dma_start3A_948 : memref<8x128xf32, #tpu.memory_space<vmem>>) target(%dma_start3A_944 : memref<8x128xf32, #tpu.memory_space<hbm>>) target_semaphore(%arg13 : memref<!tpu.dma_semaphore, #tpu.memory_space<semaphore_mem>>)
      %dma_start3A_949 = arith.constant 1 : i32
      %dma_start3A_950 = arith.constant 6 : i32
      %dma_start3A_951 = arith.constant 48 : i32
      %dma_start3A_952 = arith.constant 0 : i32
      %dma_start3A_953 = tpu.memref_slice %arg7[%dma_start3A_949, %dma_start3A_951, %dma_start3A_952] : memref<4x64x129xf32, #tpu.memory_space<vmem>> -> memref<1x8x128xf32, #tpu.memory_space<vmem>>
      %dma_start3A_954 = tpu.memref_squeeze %dma_start3A_953 : memref<1x8x128xf32, #tpu.memory_space<vmem>> -> memref<8x128xf32, #tpu.memory_space<vmem>>
      %dma_start3A_955 = arith.constant 0 : i32
      %dma_start3A_956 = arith.constant 0 : i32
      %dma_start3A_957 = tpu.memref_slice %arg4[%add3A_819, %dma_start3A_950, %add3A, %dma_start3A_955, %dma_start3A_956] : memref<200x8x32x8x128xf32, #tpu.memory_space<hbm>> -> memref<1x1x1x8x128xf32, #tpu.memory_space<hbm>>
      %dma_start3A_958 = tpu.memref_squeeze %dma_start3A_957 : memref<1x1x1x8x128xf32, #tpu.memory_space<hbm>> -> memref<8x128xf32, #tpu.memory_space<hbm>>
      %dma_start3A_959 = arith.constant 0 : i32
      %dma_start3A_960 = arith.constant 0 : i32
      %dma_start3A_961 = tpu.memref_slice %arg4[%add3A_819, %dma_start3A_950, %add3A, %dma_start3A_959, %dma_start3A_960] : memref<200x8x32x8x128xf32, #tpu.memory_space<hbm>> -> memref<1x1x1x8x128xf32, #tpu.memory_space<hbm>>
      %dma_start3A_962 = tpu.memref_squeeze %dma_start3A_961 : memref<1x1x1x8x128xf32, #tpu.memory_space<hbm>> -> memref<8x128xf32, #tpu.memory_space<hbm>>
      %dma_start3A_963 = arith.constant 48 : i32
      %dma_start3A_964 = arith.constant 0 : i32
      %dma_start3A_965 = tpu.memref_slice %arg7[%dma_start3A_949, %dma_start3A_963, %dma_start3A_964] : memref<4x64x129xf32, #tpu.memory_space<vmem>> -> memref<1x8x128xf32, #tpu.memory_space<vmem>>
      %dma_start3A_966 = tpu.memref_squeeze %dma_start3A_965 : memref<1x8x128xf32, #tpu.memory_space<vmem>> -> memref<8x128xf32, #tpu.memory_space<vmem>>
      tpu.enqueue_dma source(%dma_start3A_966 : memref<8x128xf32, #tpu.memory_space<vmem>>) target(%dma_start3A_962 : memref<8x128xf32, #tpu.memory_space<hbm>>) target_semaphore(%arg13 : memref<!tpu.dma_semaphore, #tpu.memory_space<semaphore_mem>>)
      %dma_start3A_967 = arith.constant 1 : i32
      %dma_start3A_968 = arith.constant 7 : i32
      %dma_start3A_969 = arith.constant 56 : i32
      %dma_start3A_970 = arith.constant 0 : i32
      %dma_start3A_971 = tpu.memref_slice %arg7[%dma_start3A_967, %dma_start3A_969, %dma_start3A_970] : memref<4x64x129xf32, #tpu.memory_space<vmem>> -> memref<1x8x128xf32, #tpu.memory_space<vmem>>
      %dma_start3A_972 = tpu.memref_squeeze %dma_start3A_971 : memref<1x8x128xf32, #tpu.memory_space<vmem>> -> memref<8x128xf32, #tpu.memory_space<vmem>>
      %dma_start3A_973 = arith.constant 0 : i32
      %dma_start3A_974 = arith.constant 0 : i32
      %dma_start3A_975 = tpu.memref_slice %arg4[%add3A_819, %dma_start3A_968, %add3A, %dma_start3A_973, %dma_start3A_974] : memref<200x8x32x8x128xf32, #tpu.memory_space<hbm>> -> memref<1x1x1x8x128xf32, #tpu.memory_space<hbm>>
      %dma_start3A_976 = tpu.memref_squeeze %dma_start3A_975 : memref<1x1x1x8x128xf32, #tpu.memory_space<hbm>> -> memref<8x128xf32, #tpu.memory_space<hbm>>
      %dma_start3A_977 = arith.constant 0 : i32
      %dma_start3A_978 = arith.constant 0 : i32
      %dma_start3A_979 = tpu.memref_slice %arg4[%add3A_819, %dma_start3A_968, %add3A, %dma_start3A_977, %dma_start3A_978] : memref<200x8x32x8x128xf32, #tpu.memory_space<hbm>> -> memref<1x1x1x8x128xf32, #tpu.memory_space<hbm>>
      %dma_start3A_980 = tpu.memref_squeeze %dma_start3A_979 : memref<1x1x1x8x128xf32, #tpu.memory_space<hbm>> -> memref<8x128xf32, #tpu.memory_space<hbm>>
      %dma_start3A_981 = arith.constant 56 : i32
      %dma_start3A_982 = arith.constant 0 : i32
      %dma_start3A_983 = tpu.memref_slice %arg7[%dma_start3A_967, %dma_start3A_981, %dma_start3A_982] : memref<4x64x129xf32, #tpu.memory_space<vmem>> -> memref<1x8x128xf32, #tpu.memory_space<vmem>>
      %dma_start3A_984 = tpu.memref_squeeze %dma_start3A_983 : memref<1x8x128xf32, #tpu.memory_space<vmem>> -> memref<8x128xf32, #tpu.memory_space<vmem>>
      tpu.enqueue_dma source(%dma_start3A_984 : memref<8x128xf32, #tpu.memory_space<vmem>>) target(%dma_start3A_980 : memref<8x128xf32, #tpu.memory_space<hbm>>) target_semaphore(%arg13 : memref<!tpu.dma_semaphore, #tpu.memory_space<semaphore_mem>>)
      %mul3A_985 = arith.constant 4 : i32
      %mul3A_986 = arith.muli %scan3A_650, %mul3A_985 : i32
      %add3A_987 = arith.constant 2 : i32
      %add3A_988 = arith.addi %mul3A_986, %add3A_987 : i32
      %add3A_989 = arith.constant 2 : i32
      %add3A_990 = arith.addi %add3A_988, %add3A_989 : i32
      %lt3A_991 = arith.constant 200 : i32
      %lt3A_992 = arith.cmpi slt, %add3A_990, %lt3A_991 : i32
      %convert_element_type3A_993 = arith.extui %lt3A_992 : i1 to i32
      %cond3A_994 = arith.constant 0 : i32
      %cond3A_995 = arith.cmpi ne, %convert_element_type3A_993, %cond3A_994 : i32
      scf.if %cond3A_995 {
        %ge3A = arith.constant 2 : i32
        %ge3A_1323 = arith.cmpi sge, %add3A_988, %ge3A : i32
        %convert_element_type3A_1324 = arith.extui %ge3A_1323 : i1 to i32
        %cond3A_1325 = arith.constant 0 : i32
        %cond3A_1326 = arith.cmpi ne, %convert_element_type3A_1324, %cond3A_1325 : i32
        scf.if %cond3A_1326 {
          %sub3A = arith.constant 2 : i32
          %sub3A_1338 = arith.subi %add3A_988, %sub3A : i32
          %dma_wait3A_1339 = arith.constant 0 : i32
          %dma_wait3A_1340 = arith.constant 0 : i32
          %dma_wait3A_1341 = arith.constant 0 : i32
          %dma_wait3A_1342 = arith.constant 0 : i32
          %dma_wait3A_1343 = tpu.memref_slice %arg7[%dma_wait3A_1339, %dma_wait3A_1341, %dma_wait3A_1342] : memref<4x64x129xf32, #tpu.memory_space<vmem>> -> memref<1x8x128xf32, #tpu.memory_space<vmem>>
          %dma_wait3A_1344 = tpu.memref_squeeze %dma_wait3A_1343 : memref<1x8x128xf32, #tpu.memory_space<vmem>> -> memref<8x128xf32, #tpu.memory_space<vmem>>
          %dma_wait3A_1345 = arith.constant 0 : i32
          %dma_wait3A_1346 = arith.constant 0 : i32
          %dma_wait3A_1347 = tpu.memref_slice %arg4[%sub3A_1338, %dma_wait3A_1340, %add3A, %dma_wait3A_1345, %dma_wait3A_1346] : memref<200x8x32x8x128xf32, #tpu.memory_space<hbm>> -> memref<1x1x1x8x128xf32, #tpu.memory_space<hbm>>
          %dma_wait3A_1348 = tpu.memref_squeeze %dma_wait3A_1347 : memref<1x1x1x8x128xf32, #tpu.memory_space<hbm>> -> memref<8x128xf32, #tpu.memory_space<hbm>>
          %dma_wait3A_1349 = arith.constant 0 : i32
          %dma_wait3A_1350 = arith.constant 0 : i32
          %dma_wait3A_1351 = tpu.memref_slice %arg4[%sub3A_1338, %dma_wait3A_1340, %add3A, %dma_wait3A_1349, %dma_wait3A_1350] : memref<200x8x32x8x128xf32, #tpu.memory_space<hbm>> -> memref<1x1x1x8x128xf32, #tpu.memory_space<hbm>>
          %dma_wait3A_1352 = tpu.memref_squeeze %dma_wait3A_1351 : memref<1x1x1x8x128xf32, #tpu.memory_space<hbm>> -> memref<8x128xf32, #tpu.memory_space<hbm>>
          %dma_wait3A_1353 = arith.constant 0 : i32
          %dma_wait3A_1354 = arith.constant 0 : i32
          %dma_wait3A_1355 = tpu.memref_slice %arg7[%dma_wait3A_1339, %dma_wait3A_1353, %dma_wait3A_1354] : memref<4x64x129xf32, #tpu.memory_space<vmem>> -> memref<1x8x128xf32, #tpu.memory_space<vmem>>
          %dma_wait3A_1356 = tpu.memref_squeeze %dma_wait3A_1355 : memref<1x8x128xf32, #tpu.memory_space<vmem>> -> memref<8x128xf32, #tpu.memory_space<vmem>>
          tpu.wait_dma2 semaphore(%arg12 : memref<!tpu.dma_semaphore, #tpu.memory_space<semaphore_mem>>) src(%dma_wait3A_1356 : memref<8x128xf32, #tpu.memory_space<vmem>>) dst(%dma_wait3A_1352 : memref<8x128xf32, #tpu.memory_space<hbm>>)
          %dma_wait3A_1357 = arith.constant 0 : i32
          %dma_wait3A_1358 = arith.constant 1 : i32
          %dma_wait3A_1359 = arith.constant 8 : i32
          %dma_wait3A_1360 = arith.constant 0 : i32
          %dma_wait3A_1361 = tpu.memref_slice %arg7[%dma_wait3A_1357, %dma_wait3A_1359, %dma_wait3A_1360] : memref<4x64x129xf32, #tpu.memory_space<vmem>> -> memref<1x8x128xf32, #tpu.memory_space<vmem>>
          %dma_wait3A_1362 = tpu.memref_squeeze %dma_wait3A_1361 : memref<1x8x128xf32, #tpu.memory_space<vmem>> -> memref<8x128xf32, #tpu.memory_space<vmem>>
          %dma_wait3A_1363 = arith.constant 0 : i32
          %dma_wait3A_1364 = arith.constant 0 : i32
          %dma_wait3A_1365 = tpu.memref_slice %arg4[%sub3A_1338, %dma_wait3A_1358, %add3A, %dma_wait3A_1363, %dma_wait3A_1364] : memref<200x8x32x8x128xf32, #tpu.memory_space<hbm>> -> memref<1x1x1x8x128xf32, #tpu.memory_space<hbm>>
          %dma_wait3A_1366 = tpu.memref_squeeze %dma_wait3A_1365 : memref<1x1x1x8x128xf32, #tpu.memory_space<hbm>> -> memref<8x128xf32, #tpu.memory_space<hbm>>
          %dma_wait3A_1367 = arith.constant 0 : i32
          %dma_wait3A_1368 = arith.constant 0 : i32
          %dma_wait3A_1369 = tpu.memref_slice %arg4[%sub3A_1338, %dma_wait3A_1358, %add3A, %dma_wait3A_1367, %dma_wait3A_1368] : memref<200x8x32x8x128xf32, #tpu.memory_space<hbm>> -> memref<1x1x1x8x128xf32, #tpu.memory_space<hbm>>
          %dma_wait3A_1370 = tpu.memref_squeeze %dma_wait3A_1369 : memref<1x1x1x8x128xf32, #tpu.memory_space<hbm>> -> memref<8x128xf32, #tpu.memory_space<hbm>>
          %dma_wait3A_1371 = arith.constant 8 : i32
          %dma_wait3A_1372 = arith.constant 0 : i32
          %dma_wait3A_1373 = tpu.memref_slice %arg7[%dma_wait3A_1357, %dma_wait3A_1371, %dma_wait3A_1372] : memref<4x64x129xf32, #tpu.memory_space<vmem>> -> memref<1x8x128xf32, #tpu.memory_space<vmem>>
          %dma_wait3A_1374 = tpu.memref_squeeze %dma_wait3A_1373 : memref<1x8x128xf32, #tpu.memory_space<vmem>> -> memref<8x128xf32, #tpu.memory_space<vmem>>
          tpu.wait_dma2 semaphore(%arg12 : memref<!tpu.dma_semaphore, #tpu.memory_space<semaphore_mem>>) src(%dma_wait3A_1374 : memref<8x128xf32, #tpu.memory_space<vmem>>) dst(%dma_wait3A_1370 : memref<8x128xf32, #tpu.memory_space<hbm>>)
          %dma_wait3A_1375 = arith.constant 0 : i32
          %dma_wait3A_1376 = arith.constant 2 : i32
          %dma_wait3A_1377 = arith.constant 16 : i32
          %dma_wait3A_1378 = arith.constant 0 : i32
          %dma_wait3A_1379 = tpu.memref_slice %arg7[%dma_wait3A_1375, %dma_wait3A_1377, %dma_wait3A_1378] : memref<4x64x129xf32, #tpu.memory_space<vmem>> -> memref<1x8x128xf32, #tpu.memory_space<vmem>>
          %dma_wait3A_1380 = tpu.memref_squeeze %dma_wait3A_1379 : memref<1x8x128xf32, #tpu.memory_space<vmem>> -> memref<8x128xf32, #tpu.memory_space<vmem>>
          %dma_wait3A_1381 = arith.constant 0 : i32
          %dma_wait3A_1382 = arith.constant 0 : i32
          %dma_wait3A_1383 = tpu.memref_slice %arg4[%sub3A_1338, %dma_wait3A_1376, %add3A, %dma_wait3A_1381, %dma_wait3A_1382] : memref<200x8x32x8x128xf32, #tpu.memory_space<hbm>> -> memref<1x1x1x8x128xf32, #tpu.memory_space<hbm>>
          %dma_wait3A_1384 = tpu.memref_squeeze %dma_wait3A_1383 : memref<1x1x1x8x128xf32, #tpu.memory_space<hbm>> -> memref<8x128xf32, #tpu.memory_space<hbm>>
          %dma_wait3A_1385 = arith.constant 0 : i32
          %dma_wait3A_1386 = arith.constant 0 : i32
          %dma_wait3A_1387 = tpu.memref_slice %arg4[%sub3A_1338, %dma_wait3A_1376, %add3A, %dma_wait3A_1385, %dma_wait3A_1386] : memref<200x8x32x8x128xf32, #tpu.memory_space<hbm>> -> memref<1x1x1x8x128xf32, #tpu.memory_space<hbm>>
          %dma_wait3A_1388 = tpu.memref_squeeze %dma_wait3A_1387 : memref<1x1x1x8x128xf32, #tpu.memory_space<hbm>> -> memref<8x128xf32, #tpu.memory_space<hbm>>
          %dma_wait3A_1389 = arith.constant 16 : i32
          %dma_wait3A_1390 = arith.constant 0 : i32
          %dma_wait3A_1391 = tpu.memref_slice %arg7[%dma_wait3A_1375, %dma_wait3A_1389, %dma_wait3A_1390] : memref<4x64x129xf32, #tpu.memory_space<vmem>> -> memref<1x8x128xf32, #tpu.memory_space<vmem>>
          %dma_wait3A_1392 = tpu.memref_squeeze %dma_wait3A_1391 : memref<1x8x128xf32, #tpu.memory_space<vmem>> -> memref<8x128xf32, #tpu.memory_space<vmem>>
          tpu.wait_dma2 semaphore(%arg12 : memref<!tpu.dma_semaphore, #tpu.memory_space<semaphore_mem>>) src(%dma_wait3A_1392 : memref<8x128xf32, #tpu.memory_space<vmem>>) dst(%dma_wait3A_1388 : memref<8x128xf32, #tpu.memory_space<hbm>>)
          %dma_wait3A_1393 = arith.constant 0 : i32
          %dma_wait3A_1394 = arith.constant 3 : i32
          %dma_wait3A_1395 = arith.constant 24 : i32
          %dma_wait3A_1396 = arith.constant 0 : i32
          %dma_wait3A_1397 = tpu.memref_slice %arg7[%dma_wait3A_1393, %dma_wait3A_1395, %dma_wait3A_1396] : memref<4x64x129xf32, #tpu.memory_space<vmem>> -> memref<1x8x128xf32, #tpu.memory_space<vmem>>
          %dma_wait3A_1398 = tpu.memref_squeeze %dma_wait3A_1397 : memref<1x8x128xf32, #tpu.memory_space<vmem>> -> memref<8x128xf32, #tpu.memory_space<vmem>>
          %dma_wait3A_1399 = arith.constant 0 : i32
          %dma_wait3A_1400 = arith.constant 0 : i32
          %dma_wait3A_1401 = tpu.memref_slice %arg4[%sub3A_1338, %dma_wait3A_1394, %add3A, %dma_wait3A_1399, %dma_wait3A_1400] : memref<200x8x32x8x128xf32, #tpu.memory_space<hbm>> -> memref<1x1x1x8x128xf32, #tpu.memory_space<hbm>>
          %dma_wait3A_1402 = tpu.memref_squeeze %dma_wait3A_1401 : memref<1x1x1x8x128xf32, #tpu.memory_space<hbm>> -> memref<8x128xf32, #tpu.memory_space<hbm>>
          %dma_wait3A_1403 = arith.constant 0 : i32
          %dma_wait3A_1404 = arith.constant 0 : i32
          %dma_wait3A_1405 = tpu.memref_slice %arg4[%sub3A_1338, %dma_wait3A_1394, %add3A, %dma_wait3A_1403, %dma_wait3A_1404] : memref<200x8x32x8x128xf32, #tpu.memory_space<hbm>> -> memref<1x1x1x8x128xf32, #tpu.memory_space<hbm>>
          %dma_wait3A_1406 = tpu.memref_squeeze %dma_wait3A_1405 : memref<1x1x1x8x128xf32, #tpu.memory_space<hbm>> -> memref<8x128xf32, #tpu.memory_space<hbm>>
          %dma_wait3A_1407 = arith.constant 24 : i32
          %dma_wait3A_1408 = arith.constant 0 : i32
          %dma_wait3A_1409 = tpu.memref_slice %arg7[%dma_wait3A_1393, %dma_wait3A_1407, %dma_wait3A_1408] : memref<4x64x129xf32, #tpu.memory_space<vmem>> -> memref<1x8x128xf32, #tpu.memory_space<vmem>>
          %dma_wait3A_1410 = tpu.memref_squeeze %dma_wait3A_1409 : memref<1x8x128xf32, #tpu.memory_space<vmem>> -> memref<8x128xf32, #tpu.memory_space<vmem>>
          tpu.wait_dma2 semaphore(%arg12 : memref<!tpu.dma_semaphore, #tpu.memory_space<semaphore_mem>>) src(%dma_wait3A_1410 : memref<8x128xf32, #tpu.memory_space<vmem>>) dst(%dma_wait3A_1406 : memref<8x128xf32, #tpu.memory_space<hbm>>)
          %dma_wait3A_1411 = arith.constant 0 : i32
          %dma_wait3A_1412 = arith.constant 4 : i32
          %dma_wait3A_1413 = arith.constant 32 : i32
          %dma_wait3A_1414 = arith.constant 0 : i32
          %dma_wait3A_1415 = tpu.memref_slice %arg7[%dma_wait3A_1411, %dma_wait3A_1413, %dma_wait3A_1414] : memref<4x64x129xf32, #tpu.memory_space<vmem>> -> memref<1x8x128xf32, #tpu.memory_space<vmem>>
          %dma_wait3A_1416 = tpu.memref_squeeze %dma_wait3A_1415 : memref<1x8x128xf32, #tpu.memory_space<vmem>> -> memref<8x128xf32, #tpu.memory_space<vmem>>
          %dma_wait3A_1417 = arith.constant 0 : i32
          %dma_wait3A_1418 = arith.constant 0 : i32
          %dma_wait3A_1419 = tpu.memref_slice %arg4[%sub3A_1338, %dma_wait3A_1412, %add3A, %dma_wait3A_1417, %dma_wait3A_1418] : memref<200x8x32x8x128xf32, #tpu.memory_space<hbm>> -> memref<1x1x1x8x128xf32, #tpu.memory_space<hbm>>
          %dma_wait3A_1420 = tpu.memref_squeeze %dma_wait3A_1419 : memref<1x1x1x8x128xf32, #tpu.memory_space<hbm>> -> memref<8x128xf32, #tpu.memory_space<hbm>>
          %dma_wait3A_1421 = arith.constant 0 : i32
          %dma_wait3A_1422 = arith.constant 0 : i32
          %dma_wait3A_1423 = tpu.memref_slice %arg4[%sub3A_1338, %dma_wait3A_1412, %add3A, %dma_wait3A_1421, %dma_wait3A_1422] : memref<200x8x32x8x128xf32, #tpu.memory_space<hbm>> -> memref<1x1x1x8x128xf32, #tpu.memory_space<hbm>>
          %dma_wait3A_1424 = tpu.memref_squeeze %dma_wait3A_1423 : memref<1x1x1x8x128xf32, #tpu.memory_space<hbm>> -> memref<8x128xf32, #tpu.memory_space<hbm>>
          %dma_wait3A_1425 = arith.constant 32 : i32
          %dma_wait3A_1426 = arith.constant 0 : i32
          %dma_wait3A_1427 = tpu.memref_slice %arg7[%dma_wait3A_1411, %dma_wait3A_1425, %dma_wait3A_1426] : memref<4x64x129xf32, #tpu.memory_space<vmem>> -> memref<1x8x128xf32, #tpu.memory_space<vmem>>
          %dma_wait3A_1428 = tpu.memref_squeeze %dma_wait3A_1427 : memref<1x8x128xf32, #tpu.memory_space<vmem>> -> memref<8x128xf32, #tpu.memory_space<vmem>>
          tpu.wait_dma2 semaphore(%arg12 : memref<!tpu.dma_semaphore, #tpu.memory_space<semaphore_mem>>) src(%dma_wait3A_1428 : memref<8x128xf32, #tpu.memory_space<vmem>>) dst(%dma_wait3A_1424 : memref<8x128xf32, #tpu.memory_space<hbm>>)
          %dma_wait3A_1429 = arith.constant 0 : i32
          %dma_wait3A_1430 = arith.constant 5 : i32
          %dma_wait3A_1431 = arith.constant 40 : i32
          %dma_wait3A_1432 = arith.constant 0 : i32
          %dma_wait3A_1433 = tpu.memref_slice %arg7[%dma_wait3A_1429, %dma_wait3A_1431, %dma_wait3A_1432] : memref<4x64x129xf32, #tpu.memory_space<vmem>> -> memref<1x8x128xf32, #tpu.memory_space<vmem>>
          %dma_wait3A_1434 = tpu.memref_squeeze %dma_wait3A_1433 : memref<1x8x128xf32, #tpu.memory_space<vmem>> -> memref<8x128xf32, #tpu.memory_space<vmem>>
          %dma_wait3A_1435 = arith.constant 0 : i32
          %dma_wait3A_1436 = arith.constant 0 : i32
          %dma_wait3A_1437 = tpu.memref_slice %arg4[%sub3A_1338, %dma_wait3A_1430, %add3A, %dma_wait3A_1435, %dma_wait3A_1436] : memref<200x8x32x8x128xf32, #tpu.memory_space<hbm>> -> memref<1x1x1x8x128xf32, #tpu.memory_space<hbm>>
          %dma_wait3A_1438 = tpu.memref_squeeze %dma_wait3A_1437 : memref<1x1x1x8x128xf32, #tpu.memory_space<hbm>> -> memref<8x128xf32, #tpu.memory_space<hbm>>
          %dma_wait3A_1439 = arith.constant 0 : i32
          %dma_wait3A_1440 = arith.constant 0 : i32
          %dma_wait3A_1441 = tpu.memref_slice %arg4[%sub3A_1338, %dma_wait3A_1430, %add3A, %dma_wait3A_1439, %dma_wait3A_1440] : memref<200x8x32x8x128xf32, #tpu.memory_space<hbm>> -> memref<1x1x1x8x128xf32, #tpu.memory_space<hbm>>
          %dma_wait3A_1442 = tpu.memref_squeeze %dma_wait3A_1441 : memref<1x1x1x8x128xf32, #tpu.memory_space<hbm>> -> memref<8x128xf32, #tpu.memory_space<hbm>>
          %dma_wait3A_1443 = arith.constant 40 : i32
          %dma_wait3A_1444 = arith.constant 0 : i32
          %dma_wait3A_1445 = tpu.memref_slice %arg7[%dma_wait3A_1429, %dma_wait3A_1443, %dma_wait3A_1444] : memref<4x64x129xf32, #tpu.memory_space<vmem>> -> memref<1x8x128xf32, #tpu.memory_space<vmem>>
          %dma_wait3A_1446 = tpu.memref_squeeze %dma_wait3A_1445 : memref<1x8x128xf32, #tpu.memory_space<vmem>> -> memref<8x128xf32, #tpu.memory_space<vmem>>
          tpu.wait_dma2 semaphore(%arg12 : memref<!tpu.dma_semaphore, #tpu.memory_space<semaphore_mem>>) src(%dma_wait3A_1446 : memref<8x128xf32, #tpu.memory_space<vmem>>) dst(%dma_wait3A_1442 : memref<8x128xf32, #tpu.memory_space<hbm>>)
          %dma_wait3A_1447 = arith.constant 0 : i32
          %dma_wait3A_1448 = arith.constant 6 : i32
          %dma_wait3A_1449 = arith.constant 48 : i32
          %dma_wait3A_1450 = arith.constant 0 : i32
          %dma_wait3A_1451 = tpu.memref_slice %arg7[%dma_wait3A_1447, %dma_wait3A_1449, %dma_wait3A_1450] : memref<4x64x129xf32, #tpu.memory_space<vmem>> -> memref<1x8x128xf32, #tpu.memory_space<vmem>>
          %dma_wait3A_1452 = tpu.memref_squeeze %dma_wait3A_1451 : memref<1x8x128xf32, #tpu.memory_space<vmem>> -> memref<8x128xf32, #tpu.memory_space<vmem>>
          %dma_wait3A_1453 = arith.constant 0 : i32
          %dma_wait3A_1454 = arith.constant 0 : i32
          %dma_wait3A_1455 = tpu.memref_slice %arg4[%sub3A_1338, %dma_wait3A_1448, %add3A, %dma_wait3A_1453, %dma_wait3A_1454] : memref<200x8x32x8x128xf32, #tpu.memory_space<hbm>> -> memref<1x1x1x8x128xf32, #tpu.memory_space<hbm>>
          %dma_wait3A_1456 = tpu.memref_squeeze %dma_wait3A_1455 : memref<1x1x1x8x128xf32, #tpu.memory_space<hbm>> -> memref<8x128xf32, #tpu.memory_space<hbm>>
          %dma_wait3A_1457 = arith.constant 0 : i32
          %dma_wait3A_1458 = arith.constant 0 : i32
          %dma_wait3A_1459 = tpu.memref_slice %arg4[%sub3A_1338, %dma_wait3A_1448, %add3A, %dma_wait3A_1457, %dma_wait3A_1458] : memref<200x8x32x8x128xf32, #tpu.memory_space<hbm>> -> memref<1x1x1x8x128xf32, #tpu.memory_space<hbm>>
          %dma_wait3A_1460 = tpu.memref_squeeze %dma_wait3A_1459 : memref<1x1x1x8x128xf32, #tpu.memory_space<hbm>> -> memref<8x128xf32, #tpu.memory_space<hbm>>
          %dma_wait3A_1461 = arith.constant 48 : i32
          %dma_wait3A_1462 = arith.constant 0 : i32
          %dma_wait3A_1463 = tpu.memref_slice %arg7[%dma_wait3A_1447, %dma_wait3A_1461, %dma_wait3A_1462] : memref<4x64x129xf32, #tpu.memory_space<vmem>> -> memref<1x8x128xf32, #tpu.memory_space<vmem>>
          %dma_wait3A_1464 = tpu.memref_squeeze %dma_wait3A_1463 : memref<1x8x128xf32, #tpu.memory_space<vmem>> -> memref<8x128xf32, #tpu.memory_space<vmem>>
          tpu.wait_dma2 semaphore(%arg12 : memref<!tpu.dma_semaphore, #tpu.memory_space<semaphore_mem>>) src(%dma_wait3A_1464 : memref<8x128xf32, #tpu.memory_space<vmem>>) dst(%dma_wait3A_1460 : memref<8x128xf32, #tpu.memory_space<hbm>>)
          %dma_wait3A_1465 = arith.constant 0 : i32
          %dma_wait3A_1466 = arith.constant 7 : i32
          %dma_wait3A_1467 = arith.constant 56 : i32
          %dma_wait3A_1468 = arith.constant 0 : i32
          %dma_wait3A_1469 = tpu.memref_slice %arg7[%dma_wait3A_1465, %dma_wait3A_1467, %dma_wait3A_1468] : memref<4x64x129xf32, #tpu.memory_space<vmem>> -> memref<1x8x128xf32, #tpu.memory_space<vmem>>
          %dma_wait3A_1470 = tpu.memref_squeeze %dma_wait3A_1469 : memref<1x8x128xf32, #tpu.memory_space<vmem>> -> memref<8x128xf32, #tpu.memory_space<vmem>>
          %dma_wait3A_1471 = arith.constant 0 : i32
          %dma_wait3A_1472 = arith.constant 0 : i32
          %dma_wait3A_1473 = tpu.memref_slice %arg4[%sub3A_1338, %dma_wait3A_1466, %add3A, %dma_wait3A_1471, %dma_wait3A_1472] : memref<200x8x32x8x128xf32, #tpu.memory_space<hbm>> -> memref<1x1x1x8x128xf32, #tpu.memory_space<hbm>>
          %dma_wait3A_1474 = tpu.memref_squeeze %dma_wait3A_1473 : memref<1x1x1x8x128xf32, #tpu.memory_space<hbm>> -> memref<8x128xf32, #tpu.memory_space<hbm>>
          %dma_wait3A_1475 = arith.constant 0 : i32
          %dma_wait3A_1476 = arith.constant 0 : i32
          %dma_wait3A_1477 = tpu.memref_slice %arg4[%sub3A_1338, %dma_wait3A_1466, %add3A, %dma_wait3A_1475, %dma_wait3A_1476] : memref<200x8x32x8x128xf32, #tpu.memory_space<hbm>> -> memref<1x1x1x8x128xf32, #tpu.memory_space<hbm>>
          %dma_wait3A_1478 = tpu.memref_squeeze %dma_wait3A_1477 : memref<1x1x1x8x128xf32, #tpu.memory_space<hbm>> -> memref<8x128xf32, #tpu.memory_space<hbm>>
          %dma_wait3A_1479 = arith.constant 56 : i32
          %dma_wait3A_1480 = arith.constant 0 : i32
          %dma_wait3A_1481 = tpu.memref_slice %arg7[%dma_wait3A_1465, %dma_wait3A_1479, %dma_wait3A_1480] : memref<4x64x129xf32, #tpu.memory_space<vmem>> -> memref<1x8x128xf32, #tpu.memory_space<vmem>>
          %dma_wait3A_1482 = tpu.memref_squeeze %dma_wait3A_1481 : memref<1x8x128xf32, #tpu.memory_space<vmem>> -> memref<8x128xf32, #tpu.memory_space<vmem>>
          tpu.wait_dma2 semaphore(%arg12 : memref<!tpu.dma_semaphore, #tpu.memory_space<semaphore_mem>>) src(%dma_wait3A_1482 : memref<8x128xf32, #tpu.memory_space<vmem>>) dst(%dma_wait3A_1478 : memref<8x128xf32, #tpu.memory_space<hbm>>)
        } else {
        }
        %dma_start3A_1327 = arith.constant 0 : i32
        %dma_start3A_1328 = arith.constant 0 : i32
        %dma_start3A_1329 = arith.constant 0 : i32
        %dma_start3A_1330 = tpu.memref_slice %arg6[%dma_start3A_1327, %dma_start3A_1328, %dma_start3A_1329] : memref<4x128x64xf32, #tpu.memory_space<vmem>> -> memref<1x128x64xf32, #tpu.memory_space<vmem>>
        %dma_start3A_1331 = tpu.memref_squeeze %dma_start3A_1330 : memref<1x128x64xf32, #tpu.memory_space<vmem>> -> memref<128x64xf32, #tpu.memory_space<vmem>>
        %dma_start3A_1332 = arith.constant 0 : i32
        %dma_start3A_1333 = tpu.memref_slice %arg5[%add3A_990, %dma_start3A_1332] : memref<200x128xi32, #tpu.memory_space<vmem>> -> memref<1x128xi32, #tpu.memory_space<vmem>>
        %dma_start3A_1334 = tpu.memref_squeeze %dma_start3A_1333 : memref<1x128xi32, #tpu.memory_space<vmem>> -> memref<128xi32, #tpu.memory_space<vmem>>
        %dma_start3A_1335 = arith.constant 0 : i32
        %dma_start3A_1336 = arith.constant 0 : i32
        %dma_start3A_1337 = tpu.memref_slice %arg2[%dma_start3A_1335, %dma_start3A_1336] : memref<1000000x64xf32, #tpu.memory_space<hbm>> -> memref<1000000x64xf32, #tpu.memory_space<hbm>>
        tpu.enqueue_indirect_dma source(%dma_start3A_1337 : memref<1000000x64xf32, #tpu.memory_space<hbm>>) target(%dma_start3A_1331 : memref<128x64xf32, #tpu.memory_space<vmem>>) offsets(%dma_start3A_1334 : memref<128xi32, #tpu.memory_space<vmem>>) semaphore(%arg8 : memref<!tpu.dma_semaphore, #tpu.memory_space<semaphore_mem>>)
      } else {
      }
      %dma_wait3A_996 = arith.constant 2 : i32
      %dma_wait3A_997 = arith.constant 0 : i32
      %dma_wait3A_998 = arith.constant 0 : i32
      %dma_wait3A_999 = tpu.memref_slice %arg6[%dma_wait3A_996, %dma_wait3A_997, %dma_wait3A_998] : memref<4x128x64xf32, #tpu.memory_space<vmem>> -> memref<1x128x64xf32, #tpu.memory_space<vmem>>
      %dma_wait3A_1000 = tpu.memref_squeeze %dma_wait3A_999 : memref<1x128x64xf32, #tpu.memory_space<vmem>> -> memref<128x64xf32, #tpu.memory_space<vmem>>
      %dma_wait3A_1001 = arith.constant 0 : i32
      %dma_wait3A_1002 = tpu.memref_slice %arg5[%add3A_988, %dma_wait3A_1001] : memref<200x128xi32, #tpu.memory_space<vmem>> -> memref<1x128xi32, #tpu.memory_space<vmem>>
      %dma_wait3A_1003 = tpu.memref_squeeze %dma_wait3A_1002 : memref<1x128xi32, #tpu.memory_space<vmem>> -> memref<128xi32, #tpu.memory_space<vmem>>
      %dma_wait3A_1004 = arith.constant 0 : i32
      %dma_wait3A_1005 = arith.constant 0 : i32
      %dma_wait3A_1006 = tpu.memref_slice %arg2[%dma_wait3A_1004, %dma_wait3A_1005] : memref<1000000x64xf32, #tpu.memory_space<hbm>> -> memref<1000000x64xf32, #tpu.memory_space<hbm>>
      tpu.wait_indirect_dma semaphore(%arg10 : memref<!tpu.dma_semaphore, #tpu.memory_space<semaphore_mem>>) src(%dma_wait3A_1006 : memref<1000000x64xf32, #tpu.memory_space<hbm>>) dst(%dma_wait3A_1000 : memref<128x64xf32, #tpu.memory_space<vmem>>)
      %parallel_loop3A_1007 = arith.constant 0 : i32
      %parallel_loop3A_1008 = arith.constant 128 : i32
      %parallel_loop3A_1009 = arith.constant 1 : i32
      scf.for %parallel_loop3A_1323 = %parallel_loop3A_1007 to %parallel_loop3A_1008 step %parallel_loop3A_1009  : i32 {
        %parallel_loop3A_1324 = vector.broadcast %parallel_loop3A_1323 : i32 to vector<16xi32>
        %parallel_loop3A_1325 = arith.constant 2 : i32
        %parallel_loop3A_1326 = arith.index_cast %parallel_loop3A_1325 : i32 to index
        %parallel_loop3A_1327 = arith.index_cast %parallel_loop3A_1323 : i32 to index
        %parallel_loop3A_1328 = arith.constant 0 : index
        %parallel_loop3A_1329 = tpu.vector_load %arg6[%parallel_loop3A_1326, %parallel_loop3A_1327, %parallel_loop3A_1328] {strides = array<i32>} : memref<4x128x64xf32, #tpu.memory_space<vmem>>, vector<16xf32>,
        %parallel_loop3A_1330 = arith.constant 8.000000e+00 : f32
        %parallel_loop3A_1331 = vector.broadcast %parallel_loop3A_1330 : f32 to vector<16xf32>
        %parallel_loop3A_1332 = arith.mulf %parallel_loop3A_1329, %parallel_loop3A_1331 : vector<16xf32>
        %parallel_loop3A_1333 = arith.constant 2 : i32
        %parallel_loop3A_1334 = arith.constant 0 : i32
        %parallel_loop3A_1335 = arith.constant 0 : i32
        %parallel_loop3A_1336 = tpu.memref_slice %arg7[%parallel_loop3A_1333, %parallel_loop3A_1334, %parallel_loop3A_1335] : memref<4x64x129xf32, #tpu.memory_space<vmem>> -> memref<1x64x129xf32, #tpu.memory_space<vmem>>
        %parallel_loop3A_1337 = tpu.memref_squeeze %parallel_loop3A_1336 : memref<1x64x129xf32, #tpu.memory_space<vmem>> -> memref<64x129xf32, #tpu.memory_space<vmem>>
        tpu.vector_store_idx %parallel_loop3A_1337[%add3A_5, %parallel_loop3A_1324], %parallel_loop3A_1332 : memref<64x129xf32, #tpu.memory_space<vmem>>[vector<16xi32>, vector<16xi32>], vector<16xf32>,
        %parallel_loop3A_1338 = arith.constant 2 : i32
        %parallel_loop3A_1339 = arith.index_cast %parallel_loop3A_1338 : i32 to index
        %parallel_loop3A_1340 = arith.index_cast %parallel_loop3A_1323 : i32 to index
        %parallel_loop3A_1341 = arith.constant 16 : index
        %parallel_loop3A_1342 = tpu.vector_load %arg6[%parallel_loop3A_1339, %parallel_loop3A_1340, %parallel_loop3A_1341] {strides = array<i32>} : memref<4x128x64xf32, #tpu.memory_space<vmem>>, vector<16xf32>,
        %parallel_loop3A_1343 = arith.constant 8.000000e+00 : f32
        %parallel_loop3A_1344 = vector.broadcast %parallel_loop3A_1343 : f32 to vector<16xf32>
        %parallel_loop3A_1345 = arith.mulf %parallel_loop3A_1342, %parallel_loop3A_1344 : vector<16xf32>
        %parallel_loop3A_1346 = arith.constant 2 : i32
        %parallel_loop3A_1347 = arith.constant 0 : i32
        %parallel_loop3A_1348 = arith.constant 0 : i32
        %parallel_loop3A_1349 = tpu.memref_slice %arg7[%parallel_loop3A_1346, %parallel_loop3A_1347, %parallel_loop3A_1348] : memref<4x64x129xf32, #tpu.memory_space<vmem>> -> memref<1x64x129xf32, #tpu.memory_space<vmem>>
        %parallel_loop3A_1350 = tpu.memref_squeeze %parallel_loop3A_1349 : memref<1x64x129xf32, #tpu.memory_space<vmem>> -> memref<64x129xf32, #tpu.memory_space<vmem>>
        tpu.vector_store_idx %parallel_loop3A_1350[%add3A_8, %parallel_loop3A_1324], %parallel_loop3A_1345 : memref<64x129xf32, #tpu.memory_space<vmem>>[vector<16xi32>, vector<16xi32>], vector<16xf32>,
        %parallel_loop3A_1351 = arith.constant 2 : i32
        %parallel_loop3A_1352 = arith.index_cast %parallel_loop3A_1351 : i32 to index
        %parallel_loop3A_1353 = arith.index_cast %parallel_loop3A_1323 : i32 to index
        %parallel_loop3A_1354 = arith.constant 32 : index
        %parallel_loop3A_1355 = tpu.vector_load %arg6[%parallel_loop3A_1352, %parallel_loop3A_1353, %parallel_loop3A_1354] {strides = array<i32>} : memref<4x128x64xf32, #tpu.memory_space<vmem>>, vector<16xf32>,
        %parallel_loop3A_1356 = arith.constant 8.000000e+00 : f32
        %parallel_loop3A_1357 = vector.broadcast %parallel_loop3A_1356 : f32 to vector<16xf32>
        %parallel_loop3A_1358 = arith.mulf %parallel_loop3A_1355, %parallel_loop3A_1357 : vector<16xf32>
        %parallel_loop3A_1359 = arith.constant 2 : i32
        %parallel_loop3A_1360 = arith.constant 0 : i32
        %parallel_loop3A_1361 = arith.constant 0 : i32
        %parallel_loop3A_1362 = tpu.memref_slice %arg7[%parallel_loop3A_1359, %parallel_loop3A_1360, %parallel_loop3A_1361] : memref<4x64x129xf32, #tpu.memory_space<vmem>> -> memref<1x64x129xf32, #tpu.memory_space<vmem>>
        %parallel_loop3A_1363 = tpu.memref_squeeze %parallel_loop3A_1362 : memref<1x64x129xf32, #tpu.memory_space<vmem>> -> memref<64x129xf32, #tpu.memory_space<vmem>>
        tpu.vector_store_idx %parallel_loop3A_1363[%add3A_11, %parallel_loop3A_1324], %parallel_loop3A_1358 : memref<64x129xf32, #tpu.memory_space<vmem>>[vector<16xi32>, vector<16xi32>], vector<16xf32>,
        %parallel_loop3A_1364 = arith.constant 2 : i32
        %parallel_loop3A_1365 = arith.index_cast %parallel_loop3A_1364 : i32 to index
        %parallel_loop3A_1366 = arith.index_cast %parallel_loop3A_1323 : i32 to index
        %parallel_loop3A_1367 = arith.constant 48 : index
        %parallel_loop3A_1368 = tpu.vector_load %arg6[%parallel_loop3A_1365, %parallel_loop3A_1366, %parallel_loop3A_1367] {strides = array<i32>} : memref<4x128x64xf32, #tpu.memory_space<vmem>>, vector<16xf32>,
        %parallel_loop3A_1369 = arith.constant 8.000000e+00 : f32
        %parallel_loop3A_1370 = vector.broadcast %parallel_loop3A_1369 : f32 to vector<16xf32>
        %parallel_loop3A_1371 = arith.mulf %parallel_loop3A_1368, %parallel_loop3A_1370 : vector<16xf32>
        %parallel_loop3A_1372 = arith.constant 2 : i32
        %parallel_loop3A_1373 = arith.constant 0 : i32
        %parallel_loop3A_1374 = arith.constant 0 : i32
        %parallel_loop3A_1375 = tpu.memref_slice %arg7[%parallel_loop3A_1372, %parallel_loop3A_1373, %parallel_loop3A_1374] : memref<4x64x129xf32, #tpu.memory_space<vmem>> -> memref<1x64x129xf32, #tpu.memory_space<vmem>>
        %parallel_loop3A_1376 = tpu.memref_squeeze %parallel_loop3A_1375 : memref<1x64x129xf32, #tpu.memory_space<vmem>> -> memref<64x129xf32, #tpu.memory_space<vmem>>
        tpu.vector_store_idx %parallel_loop3A_1376[%add3A_14, %parallel_loop3A_1324], %parallel_loop3A_1371 : memref<64x129xf32, #tpu.memory_space<vmem>>[vector<16xi32>, vector<16xi32>], vector<16xf32>,
      } {sc.loop_unroll_factor = 4 : i64, sc.parallel_access}
      %dma_start3A_1010 = arith.constant 2 : i32
      %dma_start3A_1011 = arith.constant 0 : i32
      %dma_start3A_1012 = arith.constant 0 : i32
      %dma_start3A_1013 = arith.constant 0 : i32
      %dma_start3A_1014 = tpu.memref_slice %arg7[%dma_start3A_1010, %dma_start3A_1012, %dma_start3A_1013] : memref<4x64x129xf32, #tpu.memory_space<vmem>> -> memref<1x8x128xf32, #tpu.memory_space<vmem>>
      %dma_start3A_1015 = tpu.memref_squeeze %dma_start3A_1014 : memref<1x8x128xf32, #tpu.memory_space<vmem>> -> memref<8x128xf32, #tpu.memory_space<vmem>>
      %dma_start3A_1016 = arith.constant 0 : i32
      %dma_start3A_1017 = arith.constant 0 : i32
      %dma_start3A_1018 = tpu.memref_slice %arg4[%add3A_988, %dma_start3A_1011, %add3A, %dma_start3A_1016, %dma_start3A_1017] : memref<200x8x32x8x128xf32, #tpu.memory_space<hbm>> -> memref<1x1x1x8x128xf32, #tpu.memory_space<hbm>>
      %dma_start3A_1019 = tpu.memref_squeeze %dma_start3A_1018 : memref<1x1x1x8x128xf32, #tpu.memory_space<hbm>> -> memref<8x128xf32, #tpu.memory_space<hbm>>
      %dma_start3A_1020 = arith.constant 0 : i32
      %dma_start3A_1021 = arith.constant 0 : i32
      %dma_start3A_1022 = tpu.memref_slice %arg4[%add3A_988, %dma_start3A_1011, %add3A, %dma_start3A_1020, %dma_start3A_1021] : memref<200x8x32x8x128xf32, #tpu.memory_space<hbm>> -> memref<1x1x1x8x128xf32, #tpu.memory_space<hbm>>
      %dma_start3A_1023 = tpu.memref_squeeze %dma_start3A_1022 : memref<1x1x1x8x128xf32, #tpu.memory_space<hbm>> -> memref<8x128xf32, #tpu.memory_space<hbm>>
      %dma_start3A_1024 = arith.constant 0 : i32
      %dma_start3A_1025 = arith.constant 0 : i32
      %dma_start3A_1026 = tpu.memref_slice %arg7[%dma_start3A_1010, %dma_start3A_1024, %dma_start3A_1025] : memref<4x64x129xf32, #tpu.memory_space<vmem>> -> memref<1x8x128xf32, #tpu.memory_space<vmem>>
      %dma_start3A_1027 = tpu.memref_squeeze %dma_start3A_1026 : memref<1x8x128xf32, #tpu.memory_space<vmem>> -> memref<8x128xf32, #tpu.memory_space<vmem>>
      tpu.enqueue_dma source(%dma_start3A_1027 : memref<8x128xf32, #tpu.memory_space<vmem>>) target(%dma_start3A_1023 : memref<8x128xf32, #tpu.memory_space<hbm>>) target_semaphore(%arg14 : memref<!tpu.dma_semaphore, #tpu.memory_space<semaphore_mem>>)
      %dma_start3A_1028 = arith.constant 2 : i32
      %dma_start3A_1029 = arith.constant 1 : i32
      %dma_start3A_1030 = arith.constant 8 : i32
      %dma_start3A_1031 = arith.constant 0 : i32
      %dma_start3A_1032 = tpu.memref_slice %arg7[%dma_start3A_1028, %dma_start3A_1030, %dma_start3A_1031] : memref<4x64x129xf32, #tpu.memory_space<vmem>> -> memref<1x8x128xf32, #tpu.memory_space<vmem>>
      %dma_start3A_1033 = tpu.memref_squeeze %dma_start3A_1032 : memref<1x8x128xf32, #tpu.memory_space<vmem>> -> memref<8x128xf32, #tpu.memory_space<vmem>>
      %dma_start3A_1034 = arith.constant 0 : i32
      %dma_start3A_1035 = arith.constant 0 : i32
      %dma_start3A_1036 = tpu.memref_slice %arg4[%add3A_988, %dma_start3A_1029, %add3A, %dma_start3A_1034, %dma_start3A_1035] : memref<200x8x32x8x128xf32, #tpu.memory_space<hbm>> -> memref<1x1x1x8x128xf32, #tpu.memory_space<hbm>>
      %dma_start3A_1037 = tpu.memref_squeeze %dma_start3A_1036 : memref<1x1x1x8x128xf32, #tpu.memory_space<hbm>> -> memref<8x128xf32, #tpu.memory_space<hbm>>
      %dma_start3A_1038 = arith.constant 0 : i32
      %dma_start3A_1039 = arith.constant 0 : i32
      %dma_start3A_1040 = tpu.memref_slice %arg4[%add3A_988, %dma_start3A_1029, %add3A, %dma_start3A_1038, %dma_start3A_1039] : memref<200x8x32x8x128xf32, #tpu.memory_space<hbm>> -> memref<1x1x1x8x128xf32, #tpu.memory_space<hbm>>
      %dma_start3A_1041 = tpu.memref_squeeze %dma_start3A_1040 : memref<1x1x1x8x128xf32, #tpu.memory_space<hbm>> -> memref<8x128xf32, #tpu.memory_space<hbm>>
      %dma_start3A_1042 = arith.constant 8 : i32
      %dma_start3A_1043 = arith.constant 0 : i32
      %dma_start3A_1044 = tpu.memref_slice %arg7[%dma_start3A_1028, %dma_start3A_1042, %dma_start3A_1043] : memref<4x64x129xf32, #tpu.memory_space<vmem>> -> memref<1x8x128xf32, #tpu.memory_space<vmem>>
      %dma_start3A_1045 = tpu.memref_squeeze %dma_start3A_1044 : memref<1x8x128xf32, #tpu.memory_space<vmem>> -> memref<8x128xf32, #tpu.memory_space<vmem>>
      tpu.enqueue_dma source(%dma_start3A_1045 : memref<8x128xf32, #tpu.memory_space<vmem>>) target(%dma_start3A_1041 : memref<8x128xf32, #tpu.memory_space<hbm>>) target_semaphore(%arg14 : memref<!tpu.dma_semaphore, #tpu.memory_space<semaphore_mem>>)
      %dma_start3A_1046 = arith.constant 2 : i32
      %dma_start3A_1047 = arith.constant 2 : i32
      %dma_start3A_1048 = arith.constant 16 : i32
      %dma_start3A_1049 = arith.constant 0 : i32
      %dma_start3A_1050 = tpu.memref_slice %arg7[%dma_start3A_1046, %dma_start3A_1048, %dma_start3A_1049] : memref<4x64x129xf32, #tpu.memory_space<vmem>> -> memref<1x8x128xf32, #tpu.memory_space<vmem>>
      %dma_start3A_1051 = tpu.memref_squeeze %dma_start3A_1050 : memref<1x8x128xf32, #tpu.memory_space<vmem>> -> memref<8x128xf32, #tpu.memory_space<vmem>>
      %dma_start3A_1052 = arith.constant 0 : i32
      %dma_start3A_1053 = arith.constant 0 : i32
      %dma_start3A_1054 = tpu.memref_slice %arg4[%add3A_988, %dma_start3A_1047, %add3A, %dma_start3A_1052, %dma_start3A_1053] : memref<200x8x32x8x128xf32, #tpu.memory_space<hbm>> -> memref<1x1x1x8x128xf32, #tpu.memory_space<hbm>>
      %dma_start3A_1055 = tpu.memref_squeeze %dma_start3A_1054 : memref<1x1x1x8x128xf32, #tpu.memory_space<hbm>> -> memref<8x128xf32, #tpu.memory_space<hbm>>
      %dma_start3A_1056 = arith.constant 0 : i32
      %dma_start3A_1057 = arith.constant 0 : i32
      %dma_start3A_1058 = tpu.memref_slice %arg4[%add3A_988, %dma_start3A_1047, %add3A, %dma_start3A_1056, %dma_start3A_1057] : memref<200x8x32x8x128xf32, #tpu.memory_space<hbm>> -> memref<1x1x1x8x128xf32, #tpu.memory_space<hbm>>
      %dma_start3A_1059 = tpu.memref_squeeze %dma_start3A_1058 : memref<1x1x1x8x128xf32, #tpu.memory_space<hbm>> -> memref<8x128xf32, #tpu.memory_space<hbm>>
      %dma_start3A_1060 = arith.constant 16 : i32
      %dma_start3A_1061 = arith.constant 0 : i32
      %dma_start3A_1062 = tpu.memref_slice %arg7[%dma_start3A_1046, %dma_start3A_1060, %dma_start3A_1061] : memref<4x64x129xf32, #tpu.memory_space<vmem>> -> memref<1x8x128xf32, #tpu.memory_space<vmem>>
      %dma_start3A_1063 = tpu.memref_squeeze %dma_start3A_1062 : memref<1x8x128xf32, #tpu.memory_space<vmem>> -> memref<8x128xf32, #tpu.memory_space<vmem>>
      tpu.enqueue_dma source(%dma_start3A_1063 : memref<8x128xf32, #tpu.memory_space<vmem>>) target(%dma_start3A_1059 : memref<8x128xf32, #tpu.memory_space<hbm>>) target_semaphore(%arg14 : memref<!tpu.dma_semaphore, #tpu.memory_space<semaphore_mem>>)
      %dma_start3A_1064 = arith.constant 2 : i32
      %dma_start3A_1065 = arith.constant 3 : i32
      %dma_start3A_1066 = arith.constant 24 : i32
      %dma_start3A_1067 = arith.constant 0 : i32
      %dma_start3A_1068 = tpu.memref_slice %arg7[%dma_start3A_1064, %dma_start3A_1066, %dma_start3A_1067] : memref<4x64x129xf32, #tpu.memory_space<vmem>> -> memref<1x8x128xf32, #tpu.memory_space<vmem>>
      %dma_start3A_1069 = tpu.memref_squeeze %dma_start3A_1068 : memref<1x8x128xf32, #tpu.memory_space<vmem>> -> memref<8x128xf32, #tpu.memory_space<vmem>>
      %dma_start3A_1070 = arith.constant 0 : i32
      %dma_start3A_1071 = arith.constant 0 : i32
      %dma_start3A_1072 = tpu.memref_slice %arg4[%add3A_988, %dma_start3A_1065, %add3A, %dma_start3A_1070, %dma_start3A_1071] : memref<200x8x32x8x128xf32, #tpu.memory_space<hbm>> -> memref<1x1x1x8x128xf32, #tpu.memory_space<hbm>>
      %dma_start3A_1073 = tpu.memref_squeeze %dma_start3A_1072 : memref<1x1x1x8x128xf32, #tpu.memory_space<hbm>> -> memref<8x128xf32, #tpu.memory_space<hbm>>
      %dma_start3A_1074 = arith.constant 0 : i32
      %dma_start3A_1075 = arith.constant 0 : i32
      %dma_start3A_1076 = tpu.memref_slice %arg4[%add3A_988, %dma_start3A_1065, %add3A, %dma_start3A_1074, %dma_start3A_1075] : memref<200x8x32x8x128xf32, #tpu.memory_space<hbm>> -> memref<1x1x1x8x128xf32, #tpu.memory_space<hbm>>
      %dma_start3A_1077 = tpu.memref_squeeze %dma_start3A_1076 : memref<1x1x1x8x128xf32, #tpu.memory_space<hbm>> -> memref<8x128xf32, #tpu.memory_space<hbm>>
      %dma_start3A_1078 = arith.constant 24 : i32
      %dma_start3A_1079 = arith.constant 0 : i32
      %dma_start3A_1080 = tpu.memref_slice %arg7[%dma_start3A_1064, %dma_start3A_1078, %dma_start3A_1079] : memref<4x64x129xf32, #tpu.memory_space<vmem>> -> memref<1x8x128xf32, #tpu.memory_space<vmem>>
      %dma_start3A_1081 = tpu.memref_squeeze %dma_start3A_1080 : memref<1x8x128xf32, #tpu.memory_space<vmem>> -> memref<8x128xf32, #tpu.memory_space<vmem>>
      tpu.enqueue_dma source(%dma_start3A_1081 : memref<8x128xf32, #tpu.memory_space<vmem>>) target(%dma_start3A_1077 : memref<8x128xf32, #tpu.memory_space<hbm>>) target_semaphore(%arg14 : memref<!tpu.dma_semaphore, #tpu.memory_space<semaphore_mem>>)
      %dma_start3A_1082 = arith.constant 2 : i32
      %dma_start3A_1083 = arith.constant 4 : i32
      %dma_start3A_1084 = arith.constant 32 : i32
      %dma_start3A_1085 = arith.constant 0 : i32
      %dma_start3A_1086 = tpu.memref_slice %arg7[%dma_start3A_1082, %dma_start3A_1084, %dma_start3A_1085] : memref<4x64x129xf32, #tpu.memory_space<vmem>> -> memref<1x8x128xf32, #tpu.memory_space<vmem>>
      %dma_start3A_1087 = tpu.memref_squeeze %dma_start3A_1086 : memref<1x8x128xf32, #tpu.memory_space<vmem>> -> memref<8x128xf32, #tpu.memory_space<vmem>>
      %dma_start3A_1088 = arith.constant 0 : i32
      %dma_start3A_1089 = arith.constant 0 : i32
      %dma_start3A_1090 = tpu.memref_slice %arg4[%add3A_988, %dma_start3A_1083, %add3A, %dma_start3A_1088, %dma_start3A_1089] : memref<200x8x32x8x128xf32, #tpu.memory_space<hbm>> -> memref<1x1x1x8x128xf32, #tpu.memory_space<hbm>>
      %dma_start3A_1091 = tpu.memref_squeeze %dma_start3A_1090 : memref<1x1x1x8x128xf32, #tpu.memory_space<hbm>> -> memref<8x128xf32, #tpu.memory_space<hbm>>
      %dma_start3A_1092 = arith.constant 0 : i32
      %dma_start3A_1093 = arith.constant 0 : i32
      %dma_start3A_1094 = tpu.memref_slice %arg4[%add3A_988, %dma_start3A_1083, %add3A, %dma_start3A_1092, %dma_start3A_1093] : memref<200x8x32x8x128xf32, #tpu.memory_space<hbm>> -> memref<1x1x1x8x128xf32, #tpu.memory_space<hbm>>
      %dma_start3A_1095 = tpu.memref_squeeze %dma_start3A_1094 : memref<1x1x1x8x128xf32, #tpu.memory_space<hbm>> -> memref<8x128xf32, #tpu.memory_space<hbm>>
      %dma_start3A_1096 = arith.constant 32 : i32
      %dma_start3A_1097 = arith.constant 0 : i32
      %dma_start3A_1098 = tpu.memref_slice %arg7[%dma_start3A_1082, %dma_start3A_1096, %dma_start3A_1097] : memref<4x64x129xf32, #tpu.memory_space<vmem>> -> memref<1x8x128xf32, #tpu.memory_space<vmem>>
      %dma_start3A_1099 = tpu.memref_squeeze %dma_start3A_1098 : memref<1x8x128xf32, #tpu.memory_space<vmem>> -> memref<8x128xf32, #tpu.memory_space<vmem>>
      tpu.enqueue_dma source(%dma_start3A_1099 : memref<8x128xf32, #tpu.memory_space<vmem>>) target(%dma_start3A_1095 : memref<8x128xf32, #tpu.memory_space<hbm>>) target_semaphore(%arg14 : memref<!tpu.dma_semaphore, #tpu.memory_space<semaphore_mem>>)
      %dma_start3A_1100 = arith.constant 2 : i32
      %dma_start3A_1101 = arith.constant 5 : i32
      %dma_start3A_1102 = arith.constant 40 : i32
      %dma_start3A_1103 = arith.constant 0 : i32
      %dma_start3A_1104 = tpu.memref_slice %arg7[%dma_start3A_1100, %dma_start3A_1102, %dma_start3A_1103] : memref<4x64x129xf32, #tpu.memory_space<vmem>> -> memref<1x8x128xf32, #tpu.memory_space<vmem>>
      %dma_start3A_1105 = tpu.memref_squeeze %dma_start3A_1104 : memref<1x8x128xf32, #tpu.memory_space<vmem>> -> memref<8x128xf32, #tpu.memory_space<vmem>>
      %dma_start3A_1106 = arith.constant 0 : i32
      %dma_start3A_1107 = arith.constant 0 : i32
      %dma_start3A_1108 = tpu.memref_slice %arg4[%add3A_988, %dma_start3A_1101, %add3A, %dma_start3A_1106, %dma_start3A_1107] : memref<200x8x32x8x128xf32, #tpu.memory_space<hbm>> -> memref<1x1x1x8x128xf32, #tpu.memory_space<hbm>>
      %dma_start3A_1109 = tpu.memref_squeeze %dma_start3A_1108 : memref<1x1x1x8x128xf32, #tpu.memory_space<hbm>> -> memref<8x128xf32, #tpu.memory_space<hbm>>
      %dma_start3A_1110 = arith.constant 0 : i32
      %dma_start3A_1111 = arith.constant 0 : i32
      %dma_start3A_1112 = tpu.memref_slice %arg4[%add3A_988, %dma_start3A_1101, %add3A, %dma_start3A_1110, %dma_start3A_1111] : memref<200x8x32x8x128xf32, #tpu.memory_space<hbm>> -> memref<1x1x1x8x128xf32, #tpu.memory_space<hbm>>
      %dma_start3A_1113 = tpu.memref_squeeze %dma_start3A_1112 : memref<1x1x1x8x128xf32, #tpu.memory_space<hbm>> -> memref<8x128xf32, #tpu.memory_space<hbm>>
      %dma_start3A_1114 = arith.constant 40 : i32
      %dma_start3A_1115 = arith.constant 0 : i32
      %dma_start3A_1116 = tpu.memref_slice %arg7[%dma_start3A_1100, %dma_start3A_1114, %dma_start3A_1115] : memref<4x64x129xf32, #tpu.memory_space<vmem>> -> memref<1x8x128xf32, #tpu.memory_space<vmem>>
      %dma_start3A_1117 = tpu.memref_squeeze %dma_start3A_1116 : memref<1x8x128xf32, #tpu.memory_space<vmem>> -> memref<8x128xf32, #tpu.memory_space<vmem>>
      tpu.enqueue_dma source(%dma_start3A_1117 : memref<8x128xf32, #tpu.memory_space<vmem>>) target(%dma_start3A_1113 : memref<8x128xf32, #tpu.memory_space<hbm>>) target_semaphore(%arg14 : memref<!tpu.dma_semaphore, #tpu.memory_space<semaphore_mem>>)
      %dma_start3A_1118 = arith.constant 2 : i32
      %dma_start3A_1119 = arith.constant 6 : i32
      %dma_start3A_1120 = arith.constant 48 : i32
      %dma_start3A_1121 = arith.constant 0 : i32
      %dma_start3A_1122 = tpu.memref_slice %arg7[%dma_start3A_1118, %dma_start3A_1120, %dma_start3A_1121] : memref<4x64x129xf32, #tpu.memory_space<vmem>> -> memref<1x8x128xf32, #tpu.memory_space<vmem>>
      %dma_start3A_1123 = tpu.memref_squeeze %dma_start3A_1122 : memref<1x8x128xf32, #tpu.memory_space<vmem>> -> memref<8x128xf32, #tpu.memory_space<vmem>>
      %dma_start3A_1124 = arith.constant 0 : i32
      %dma_start3A_1125 = arith.constant 0 : i32
      %dma_start3A_1126 = tpu.memref_slice %arg4[%add3A_988, %dma_start3A_1119, %add3A, %dma_start3A_1124, %dma_start3A_1125] : memref<200x8x32x8x128xf32, #tpu.memory_space<hbm>> -> memref<1x1x1x8x128xf32, #tpu.memory_space<hbm>>
      %dma_start3A_1127 = tpu.memref_squeeze %dma_start3A_1126 : memref<1x1x1x8x128xf32, #tpu.memory_space<hbm>> -> memref<8x128xf32, #tpu.memory_space<hbm>>
      %dma_start3A_1128 = arith.constant 0 : i32
      %dma_start3A_1129 = arith.constant 0 : i32
      %dma_start3A_1130 = tpu.memref_slice %arg4[%add3A_988, %dma_start3A_1119, %add3A, %dma_start3A_1128, %dma_start3A_1129] : memref<200x8x32x8x128xf32, #tpu.memory_space<hbm>> -> memref<1x1x1x8x128xf32, #tpu.memory_space<hbm>>
      %dma_start3A_1131 = tpu.memref_squeeze %dma_start3A_1130 : memref<1x1x1x8x128xf32, #tpu.memory_space<hbm>> -> memref<8x128xf32, #tpu.memory_space<hbm>>
      %dma_start3A_1132 = arith.constant 48 : i32
      %dma_start3A_1133 = arith.constant 0 : i32
      %dma_start3A_1134 = tpu.memref_slice %arg7[%dma_start3A_1118, %dma_start3A_1132, %dma_start3A_1133] : memref<4x64x129xf32, #tpu.memory_space<vmem>> -> memref<1x8x128xf32, #tpu.memory_space<vmem>>
      %dma_start3A_1135 = tpu.memref_squeeze %dma_start3A_1134 : memref<1x8x128xf32, #tpu.memory_space<vmem>> -> memref<8x128xf32, #tpu.memory_space<vmem>>
      tpu.enqueue_dma source(%dma_start3A_1135 : memref<8x128xf32, #tpu.memory_space<vmem>>) target(%dma_start3A_1131 : memref<8x128xf32, #tpu.memory_space<hbm>>) target_semaphore(%arg14 : memref<!tpu.dma_semaphore, #tpu.memory_space<semaphore_mem>>)
      %dma_start3A_1136 = arith.constant 2 : i32
      %dma_start3A_1137 = arith.constant 7 : i32
      %dma_start3A_1138 = arith.constant 56 : i32
      %dma_start3A_1139 = arith.constant 0 : i32
      %dma_start3A_1140 = tpu.memref_slice %arg7[%dma_start3A_1136, %dma_start3A_1138, %dma_start3A_1139] : memref<4x64x129xf32, #tpu.memory_space<vmem>> -> memref<1x8x128xf32, #tpu.memory_space<vmem>>
      %dma_start3A_1141 = tpu.memref_squeeze %dma_start3A_1140 : memref<1x8x128xf32, #tpu.memory_space<vmem>> -> memref<8x128xf32, #tpu.memory_space<vmem>>
      %dma_start3A_1142 = arith.constant 0 : i32
      %dma_start3A_1143 = arith.constant 0 : i32
      %dma_start3A_1144 = tpu.memref_slice %arg4[%add3A_988, %dma_start3A_1137, %add3A, %dma_start3A_1142, %dma_start3A_1143] : memref<200x8x32x8x128xf32, #tpu.memory_space<hbm>> -> memref<1x1x1x8x128xf32, #tpu.memory_space<hbm>>
      %dma_start3A_1145 = tpu.memref_squeeze %dma_start3A_1144 : memref<1x1x1x8x128xf32, #tpu.memory_space<hbm>> -> memref<8x128xf32, #tpu.memory_space<hbm>>
      %dma_start3A_1146 = arith.constant 0 : i32
      %dma_start3A_1147 = arith.constant 0 : i32
      %dma_start3A_1148 = tpu.memref_slice %arg4[%add3A_988, %dma_start3A_1137, %add3A, %dma_start3A_1146, %dma_start3A_1147] : memref<200x8x32x8x128xf32, #tpu.memory_space<hbm>> -> memref<1x1x1x8x128xf32, #tpu.memory_space<hbm>>
      %dma_start3A_1149 = tpu.memref_squeeze %dma_start3A_1148 : memref<1x1x1x8x128xf32, #tpu.memory_space<hbm>> -> memref<8x128xf32, #tpu.memory_space<hbm>>
      %dma_start3A_1150 = arith.constant 56 : i32
      %dma_start3A_1151 = arith.constant 0 : i32
      %dma_start3A_1152 = tpu.memref_slice %arg7[%dma_start3A_1136, %dma_start3A_1150, %dma_start3A_1151] : memref<4x64x129xf32, #tpu.memory_space<vmem>> -> memref<1x8x128xf32, #tpu.memory_space<vmem>>
      %dma_start3A_1153 = tpu.memref_squeeze %dma_start3A_1152 : memref<1x8x128xf32, #tpu.memory_space<vmem>> -> memref<8x128xf32, #tpu.memory_space<vmem>>
      tpu.enqueue_dma source(%dma_start3A_1153 : memref<8x128xf32, #tpu.memory_space<vmem>>) target(%dma_start3A_1149 : memref<8x128xf32, #tpu.memory_space<hbm>>) target_semaphore(%arg14 : memref<!tpu.dma_semaphore, #tpu.memory_space<semaphore_mem>>)
      %mul3A_1154 = arith.constant 4 : i32
      %mul3A_1155 = arith.muli %scan3A_650, %mul3A_1154 : i32
      %add3A_1156 = arith.constant 3 : i32
      %add3A_1157 = arith.addi %mul3A_1155, %add3A_1156 : i32
      %add3A_1158 = arith.constant 2 : i32
      %add3A_1159 = arith.addi %add3A_1157, %add3A_1158 : i32
      %lt3A_1160 = arith.constant 200 : i32
      %lt3A_1161 = arith.cmpi slt, %add3A_1159, %lt3A_1160 : i32
      %convert_element_type3A_1162 = arith.extui %lt3A_1161 : i1 to i32
      %cond3A_1163 = arith.constant 0 : i32
      %cond3A_1164 = arith.cmpi ne, %convert_element_type3A_1162, %cond3A_1163 : i32
      scf.if %cond3A_1164 {
        %ge3A = arith.constant 2 : i32
        %ge3A_1323 = arith.cmpi sge, %add3A_1157, %ge3A : i32
        %convert_element_type3A_1324 = arith.extui %ge3A_1323 : i1 to i32
        %cond3A_1325 = arith.constant 0 : i32
        %cond3A_1326 = arith.cmpi ne, %convert_element_type3A_1324, %cond3A_1325 : i32
        scf.if %cond3A_1326 {
          %sub3A = arith.constant 2 : i32
          %sub3A_1338 = arith.subi %add3A_1157, %sub3A : i32
          %dma_wait3A_1339 = arith.constant 1 : i32
          %dma_wait3A_1340 = arith.constant 0 : i32
          %dma_wait3A_1341 = arith.constant 0 : i32
          %dma_wait3A_1342 = arith.constant 0 : i32
          %dma_wait3A_1343 = tpu.memref_slice %arg7[%dma_wait3A_1339, %dma_wait3A_1341, %dma_wait3A_1342] : memref<4x64x129xf32, #tpu.memory_space<vmem>> -> memref<1x8x128xf32, #tpu.memory_space<vmem>>
          %dma_wait3A_1344 = tpu.memref_squeeze %dma_wait3A_1343 : memref<1x8x128xf32, #tpu.memory_space<vmem>> -> memref<8x128xf32, #tpu.memory_space<vmem>>
          %dma_wait3A_1345 = arith.constant 0 : i32
          %dma_wait3A_1346 = arith.constant 0 : i32
          %dma_wait3A_1347 = tpu.memref_slice %arg4[%sub3A_1338, %dma_wait3A_1340, %add3A, %dma_wait3A_1345, %dma_wait3A_1346] : memref<200x8x32x8x128xf32, #tpu.memory_space<hbm>> -> memref<1x1x1x8x128xf32, #tpu.memory_space<hbm>>
          %dma_wait3A_1348 = tpu.memref_squeeze %dma_wait3A_1347 : memref<1x1x1x8x128xf32, #tpu.memory_space<hbm>> -> memref<8x128xf32, #tpu.memory_space<hbm>>
          %dma_wait3A_1349 = arith.constant 0 : i32
          %dma_wait3A_1350 = arith.constant 0 : i32
          %dma_wait3A_1351 = tpu.memref_slice %arg4[%sub3A_1338, %dma_wait3A_1340, %add3A, %dma_wait3A_1349, %dma_wait3A_1350] : memref<200x8x32x8x128xf32, #tpu.memory_space<hbm>> -> memref<1x1x1x8x128xf32, #tpu.memory_space<hbm>>
          %dma_wait3A_1352 = tpu.memref_squeeze %dma_wait3A_1351 : memref<1x1x1x8x128xf32, #tpu.memory_space<hbm>> -> memref<8x128xf32, #tpu.memory_space<hbm>>
          %dma_wait3A_1353 = arith.constant 0 : i32
          %dma_wait3A_1354 = arith.constant 0 : i32
          %dma_wait3A_1355 = tpu.memref_slice %arg7[%dma_wait3A_1339, %dma_wait3A_1353, %dma_wait3A_1354] : memref<4x64x129xf32, #tpu.memory_space<vmem>> -> memref<1x8x128xf32, #tpu.memory_space<vmem>>
          %dma_wait3A_1356 = tpu.memref_squeeze %dma_wait3A_1355 : memref<1x8x128xf32, #tpu.memory_space<vmem>> -> memref<8x128xf32, #tpu.memory_space<vmem>>
          tpu.wait_dma2 semaphore(%arg13 : memref<!tpu.dma_semaphore, #tpu.memory_space<semaphore_mem>>) src(%dma_wait3A_1356 : memref<8x128xf32, #tpu.memory_space<vmem>>) dst(%dma_wait3A_1352 : memref<8x128xf32, #tpu.memory_space<hbm>>)
          %dma_wait3A_1357 = arith.constant 1 : i32
          %dma_wait3A_1358 = arith.constant 1 : i32
          %dma_wait3A_1359 = arith.constant 8 : i32
          %dma_wait3A_1360 = arith.constant 0 : i32
          %dma_wait3A_1361 = tpu.memref_slice %arg7[%dma_wait3A_1357, %dma_wait3A_1359, %dma_wait3A_1360] : memref<4x64x129xf32, #tpu.memory_space<vmem>> -> memref<1x8x128xf32, #tpu.memory_space<vmem>>
          %dma_wait3A_1362 = tpu.memref_squeeze %dma_wait3A_1361 : memref<1x8x128xf32, #tpu.memory_space<vmem>> -> memref<8x128xf32, #tpu.memory_space<vmem>>
          %dma_wait3A_1363 = arith.constant 0 : i32
          %dma_wait3A_1364 = arith.constant 0 : i32
          %dma_wait3A_1365 = tpu.memref_slice %arg4[%sub3A_1338, %dma_wait3A_1358, %add3A, %dma_wait3A_1363, %dma_wait3A_1364] : memref<200x8x32x8x128xf32, #tpu.memory_space<hbm>> -> memref<1x1x1x8x128xf32, #tpu.memory_space<hbm>>
          %dma_wait3A_1366 = tpu.memref_squeeze %dma_wait3A_1365 : memref<1x1x1x8x128xf32, #tpu.memory_space<hbm>> -> memref<8x128xf32, #tpu.memory_space<hbm>>
          %dma_wait3A_1367 = arith.constant 0 : i32
          %dma_wait3A_1368 = arith.constant 0 : i32
          %dma_wait3A_1369 = tpu.memref_slice %arg4[%sub3A_1338, %dma_wait3A_1358, %add3A, %dma_wait3A_1367, %dma_wait3A_1368] : memref<200x8x32x8x128xf32, #tpu.memory_space<hbm>> -> memref<1x1x1x8x128xf32, #tpu.memory_space<hbm>>
          %dma_wait3A_1370 = tpu.memref_squeeze %dma_wait3A_1369 : memref<1x1x1x8x128xf32, #tpu.memory_space<hbm>> -> memref<8x128xf32, #tpu.memory_space<hbm>>
          %dma_wait3A_1371 = arith.constant 8 : i32
          %dma_wait3A_1372 = arith.constant 0 : i32
          %dma_wait3A_1373 = tpu.memref_slice %arg7[%dma_wait3A_1357, %dma_wait3A_1371, %dma_wait3A_1372] : memref<4x64x129xf32, #tpu.memory_space<vmem>> -> memref<1x8x128xf32, #tpu.memory_space<vmem>>
          %dma_wait3A_1374 = tpu.memref_squeeze %dma_wait3A_1373 : memref<1x8x128xf32, #tpu.memory_space<vmem>> -> memref<8x128xf32, #tpu.memory_space<vmem>>
          tpu.wait_dma2 semaphore(%arg13 : memref<!tpu.dma_semaphore, #tpu.memory_space<semaphore_mem>>) src(%dma_wait3A_1374 : memref<8x128xf32, #tpu.memory_space<vmem>>) dst(%dma_wait3A_1370 : memref<8x128xf32, #tpu.memory_space<hbm>>)
          %dma_wait3A_1375 = arith.constant 1 : i32
          %dma_wait3A_1376 = arith.constant 2 : i32
          %dma_wait3A_1377 = arith.constant 16 : i32
          %dma_wait3A_1378 = arith.constant 0 : i32
          %dma_wait3A_1379 = tpu.memref_slice %arg7[%dma_wait3A_1375, %dma_wait3A_1377, %dma_wait3A_1378] : memref<4x64x129xf32, #tpu.memory_space<vmem>> -> memref<1x8x128xf32, #tpu.memory_space<vmem>>
          %dma_wait3A_1380 = tpu.memref_squeeze %dma_wait3A_1379 : memref<1x8x128xf32, #tpu.memory_space<vmem>> -> memref<8x128xf32, #tpu.memory_space<vmem>>
          %dma_wait3A_1381 = arith.constant 0 : i32
          %dma_wait3A_1382 = arith.constant 0 : i32
          %dma_wait3A_1383 = tpu.memref_slice %arg4[%sub3A_1338, %dma_wait3A_1376, %add3A, %dma_wait3A_1381, %dma_wait3A_1382] : memref<200x8x32x8x128xf32, #tpu.memory_space<hbm>> -> memref<1x1x1x8x128xf32, #tpu.memory_space<hbm>>
          %dma_wait3A_1384 = tpu.memref_squeeze %dma_wait3A_1383 : memref<1x1x1x8x128xf32, #tpu.memory_space<hbm>> -> memref<8x128xf32, #tpu.memory_space<hbm>>
          %dma_wait3A_1385 = arith.constant 0 : i32
          %dma_wait3A_1386 = arith.constant 0 : i32
          %dma_wait3A_1387 = tpu.memref_slice %arg4[%sub3A_1338, %dma_wait3A_1376, %add3A, %dma_wait3A_1385, %dma_wait3A_1386] : memref<200x8x32x8x128xf32, #tpu.memory_space<hbm>> -> memref<1x1x1x8x128xf32, #tpu.memory_space<hbm>>
          %dma_wait3A_1388 = tpu.memref_squeeze %dma_wait3A_1387 : memref<1x1x1x8x128xf32, #tpu.memory_space<hbm>> -> memref<8x128xf32, #tpu.memory_space<hbm>>
          %dma_wait3A_1389 = arith.constant 16 : i32
          %dma_wait3A_1390 = arith.constant 0 : i32
          %dma_wait3A_1391 = tpu.memref_slice %arg7[%dma_wait3A_1375, %dma_wait3A_1389, %dma_wait3A_1390] : memref<4x64x129xf32, #tpu.memory_space<vmem>> -> memref<1x8x128xf32, #tpu.memory_space<vmem>>
          %dma_wait3A_1392 = tpu.memref_squeeze %dma_wait3A_1391 : memref<1x8x128xf32, #tpu.memory_space<vmem>> -> memref<8x128xf32, #tpu.memory_space<vmem>>
          tpu.wait_dma2 semaphore(%arg13 : memref<!tpu.dma_semaphore, #tpu.memory_space<semaphore_mem>>) src(%dma_wait3A_1392 : memref<8x128xf32, #tpu.memory_space<vmem>>) dst(%dma_wait3A_1388 : memref<8x128xf32, #tpu.memory_space<hbm>>)
          %dma_wait3A_1393 = arith.constant 1 : i32
          %dma_wait3A_1394 = arith.constant 3 : i32
          %dma_wait3A_1395 = arith.constant 24 : i32
          %dma_wait3A_1396 = arith.constant 0 : i32
          %dma_wait3A_1397 = tpu.memref_slice %arg7[%dma_wait3A_1393, %dma_wait3A_1395, %dma_wait3A_1396] : memref<4x64x129xf32, #tpu.memory_space<vmem>> -> memref<1x8x128xf32, #tpu.memory_space<vmem>>
          %dma_wait3A_1398 = tpu.memref_squeeze %dma_wait3A_1397 : memref<1x8x128xf32, #tpu.memory_space<vmem>> -> memref<8x128xf32, #tpu.memory_space<vmem>>
          %dma_wait3A_1399 = arith.constant 0 : i32
          %dma_wait3A_1400 = arith.constant 0 : i32
          %dma_wait3A_1401 = tpu.memref_slice %arg4[%sub3A_1338, %dma_wait3A_1394, %add3A, %dma_wait3A_1399, %dma_wait3A_1400] : memref<200x8x32x8x128xf32, #tpu.memory_space<hbm>> -> memref<1x1x1x8x128xf32, #tpu.memory_space<hbm>>
          %dma_wait3A_1402 = tpu.memref_squeeze %dma_wait3A_1401 : memref<1x1x1x8x128xf32, #tpu.memory_space<hbm>> -> memref<8x128xf32, #tpu.memory_space<hbm>>
          %dma_wait3A_1403 = arith.constant 0 : i32
          %dma_wait3A_1404 = arith.constant 0 : i32
          %dma_wait3A_1405 = tpu.memref_slice %arg4[%sub3A_1338, %dma_wait3A_1394, %add3A, %dma_wait3A_1403, %dma_wait3A_1404] : memref<200x8x32x8x128xf32, #tpu.memory_space<hbm>> -> memref<1x1x1x8x128xf32, #tpu.memory_space<hbm>>
          %dma_wait3A_1406 = tpu.memref_squeeze %dma_wait3A_1405 : memref<1x1x1x8x128xf32, #tpu.memory_space<hbm>> -> memref<8x128xf32, #tpu.memory_space<hbm>>
          %dma_wait3A_1407 = arith.constant 24 : i32
          %dma_wait3A_1408 = arith.constant 0 : i32
          %dma_wait3A_1409 = tpu.memref_slice %arg7[%dma_wait3A_1393, %dma_wait3A_1407, %dma_wait3A_1408] : memref<4x64x129xf32, #tpu.memory_space<vmem>> -> memref<1x8x128xf32, #tpu.memory_space<vmem>>
          %dma_wait3A_1410 = tpu.memref_squeeze %dma_wait3A_1409 : memref<1x8x128xf32, #tpu.memory_space<vmem>> -> memref<8x128xf32, #tpu.memory_space<vmem>>
          tpu.wait_dma2 semaphore(%arg13 : memref<!tpu.dma_semaphore, #tpu.memory_space<semaphore_mem>>) src(%dma_wait3A_1410 : memref<8x128xf32, #tpu.memory_space<vmem>>) dst(%dma_wait3A_1406 : memref<8x128xf32, #tpu.memory_space<hbm>>)
          %dma_wait3A_1411 = arith.constant 1 : i32
          %dma_wait3A_1412 = arith.constant 4 : i32
          %dma_wait3A_1413 = arith.constant 32 : i32
          %dma_wait3A_1414 = arith.constant 0 : i32
          %dma_wait3A_1415 = tpu.memref_slice %arg7[%dma_wait3A_1411, %dma_wait3A_1413, %dma_wait3A_1414] : memref<4x64x129xf32, #tpu.memory_space<vmem>> -> memref<1x8x128xf32, #tpu.memory_space<vmem>>
          %dma_wait3A_1416 = tpu.memref_squeeze %dma_wait3A_1415 : memref<1x8x128xf32, #tpu.memory_space<vmem>> -> memref<8x128xf32, #tpu.memory_space<vmem>>
          %dma_wait3A_1417 = arith.constant 0 : i32
          %dma_wait3A_1418 = arith.constant 0 : i32
          %dma_wait3A_1419 = tpu.memref_slice %arg4[%sub3A_1338, %dma_wait3A_1412, %add3A, %dma_wait3A_1417, %dma_wait3A_1418] : memref<200x8x32x8x128xf32, #tpu.memory_space<hbm>> -> memref<1x1x1x8x128xf32, #tpu.memory_space<hbm>>
          %dma_wait3A_1420 = tpu.memref_squeeze %dma_wait3A_1419 : memref<1x1x1x8x128xf32, #tpu.memory_space<hbm>> -> memref<8x128xf32, #tpu.memory_space<hbm>>
          %dma_wait3A_1421 = arith.constant 0 : i32
          %dma_wait3A_1422 = arith.constant 0 : i32
          %dma_wait3A_1423 = tpu.memref_slice %arg4[%sub3A_1338, %dma_wait3A_1412, %add3A, %dma_wait3A_1421, %dma_wait3A_1422] : memref<200x8x32x8x128xf32, #tpu.memory_space<hbm>> -> memref<1x1x1x8x128xf32, #tpu.memory_space<hbm>>
          %dma_wait3A_1424 = tpu.memref_squeeze %dma_wait3A_1423 : memref<1x1x1x8x128xf32, #tpu.memory_space<hbm>> -> memref<8x128xf32, #tpu.memory_space<hbm>>
          %dma_wait3A_1425 = arith.constant 32 : i32
          %dma_wait3A_1426 = arith.constant 0 : i32
          %dma_wait3A_1427 = tpu.memref_slice %arg7[%dma_wait3A_1411, %dma_wait3A_1425, %dma_wait3A_1426] : memref<4x64x129xf32, #tpu.memory_space<vmem>> -> memref<1x8x128xf32, #tpu.memory_space<vmem>>
          %dma_wait3A_1428 = tpu.memref_squeeze %dma_wait3A_1427 : memref<1x8x128xf32, #tpu.memory_space<vmem>> -> memref<8x128xf32, #tpu.memory_space<vmem>>
          tpu.wait_dma2 semaphore(%arg13 : memref<!tpu.dma_semaphore, #tpu.memory_space<semaphore_mem>>) src(%dma_wait3A_1428 : memref<8x128xf32, #tpu.memory_space<vmem>>) dst(%dma_wait3A_1424 : memref<8x128xf32, #tpu.memory_space<hbm>>)
          %dma_wait3A_1429 = arith.constant 1 : i32
          %dma_wait3A_1430 = arith.constant 5 : i32
          %dma_wait3A_1431 = arith.constant 40 : i32
          %dma_wait3A_1432 = arith.constant 0 : i32
          %dma_wait3A_1433 = tpu.memref_slice %arg7[%dma_wait3A_1429, %dma_wait3A_1431, %dma_wait3A_1432] : memref<4x64x129xf32, #tpu.memory_space<vmem>> -> memref<1x8x128xf32, #tpu.memory_space<vmem>>
          %dma_wait3A_1434 = tpu.memref_squeeze %dma_wait3A_1433 : memref<1x8x128xf32, #tpu.memory_space<vmem>> -> memref<8x128xf32, #tpu.memory_space<vmem>>
          %dma_wait3A_1435 = arith.constant 0 : i32
          %dma_wait3A_1436 = arith.constant 0 : i32
          %dma_wait3A_1437 = tpu.memref_slice %arg4[%sub3A_1338, %dma_wait3A_1430, %add3A, %dma_wait3A_1435, %dma_wait3A_1436] : memref<200x8x32x8x128xf32, #tpu.memory_space<hbm>> -> memref<1x1x1x8x128xf32, #tpu.memory_space<hbm>>
          %dma_wait3A_1438 = tpu.memref_squeeze %dma_wait3A_1437 : memref<1x1x1x8x128xf32, #tpu.memory_space<hbm>> -> memref<8x128xf32, #tpu.memory_space<hbm>>
          %dma_wait3A_1439 = arith.constant 0 : i32
          %dma_wait3A_1440 = arith.constant 0 : i32
          %dma_wait3A_1441 = tpu.memref_slice %arg4[%sub3A_1338, %dma_wait3A_1430, %add3A, %dma_wait3A_1439, %dma_wait3A_1440] : memref<200x8x32x8x128xf32, #tpu.memory_space<hbm>> -> memref<1x1x1x8x128xf32, #tpu.memory_space<hbm>>
          %dma_wait3A_1442 = tpu.memref_squeeze %dma_wait3A_1441 : memref<1x1x1x8x128xf32, #tpu.memory_space<hbm>> -> memref<8x128xf32, #tpu.memory_space<hbm>>
          %dma_wait3A_1443 = arith.constant 40 : i32
          %dma_wait3A_1444 = arith.constant 0 : i32
          %dma_wait3A_1445 = tpu.memref_slice %arg7[%dma_wait3A_1429, %dma_wait3A_1443, %dma_wait3A_1444] : memref<4x64x129xf32, #tpu.memory_space<vmem>> -> memref<1x8x128xf32, #tpu.memory_space<vmem>>
          %dma_wait3A_1446 = tpu.memref_squeeze %dma_wait3A_1445 : memref<1x8x128xf32, #tpu.memory_space<vmem>> -> memref<8x128xf32, #tpu.memory_space<vmem>>
          tpu.wait_dma2 semaphore(%arg13 : memref<!tpu.dma_semaphore, #tpu.memory_space<semaphore_mem>>) src(%dma_wait3A_1446 : memref<8x128xf32, #tpu.memory_space<vmem>>) dst(%dma_wait3A_1442 : memref<8x128xf32, #tpu.memory_space<hbm>>)
          %dma_wait3A_1447 = arith.constant 1 : i32
          %dma_wait3A_1448 = arith.constant 6 : i32
          %dma_wait3A_1449 = arith.constant 48 : i32
          %dma_wait3A_1450 = arith.constant 0 : i32
          %dma_wait3A_1451 = tpu.memref_slice %arg7[%dma_wait3A_1447, %dma_wait3A_1449, %dma_wait3A_1450] : memref<4x64x129xf32, #tpu.memory_space<vmem>> -> memref<1x8x128xf32, #tpu.memory_space<vmem>>
          %dma_wait3A_1452 = tpu.memref_squeeze %dma_wait3A_1451 : memref<1x8x128xf32, #tpu.memory_space<vmem>> -> memref<8x128xf32, #tpu.memory_space<vmem>>
          %dma_wait3A_1453 = arith.constant 0 : i32
          %dma_wait3A_1454 = arith.constant 0 : i32
          %dma_wait3A_1455 = tpu.memref_slice %arg4[%sub3A_1338, %dma_wait3A_1448, %add3A, %dma_wait3A_1453, %dma_wait3A_1454] : memref<200x8x32x8x128xf32, #tpu.memory_space<hbm>> -> memref<1x1x1x8x128xf32, #tpu.memory_space<hbm>>
          %dma_wait3A_1456 = tpu.memref_squeeze %dma_wait3A_1455 : memref<1x1x1x8x128xf32, #tpu.memory_space<hbm>> -> memref<8x128xf32, #tpu.memory_space<hbm>>
          %dma_wait3A_1457 = arith.constant 0 : i32
          %dma_wait3A_1458 = arith.constant 0 : i32
          %dma_wait3A_1459 = tpu.memref_slice %arg4[%sub3A_1338, %dma_wait3A_1448, %add3A, %dma_wait3A_1457, %dma_wait3A_1458] : memref<200x8x32x8x128xf32, #tpu.memory_space<hbm>> -> memref<1x1x1x8x128xf32, #tpu.memory_space<hbm>>
          %dma_wait3A_1460 = tpu.memref_squeeze %dma_wait3A_1459 : memref<1x1x1x8x128xf32, #tpu.memory_space<hbm>> -> memref<8x128xf32, #tpu.memory_space<hbm>>
          %dma_wait3A_1461 = arith.constant 48 : i32
          %dma_wait3A_1462 = arith.constant 0 : i32
          %dma_wait3A_1463 = tpu.memref_slice %arg7[%dma_wait3A_1447, %dma_wait3A_1461, %dma_wait3A_1462] : memref<4x64x129xf32, #tpu.memory_space<vmem>> -> memref<1x8x128xf32, #tpu.memory_space<vmem>>
          %dma_wait3A_1464 = tpu.memref_squeeze %dma_wait3A_1463 : memref<1x8x128xf32, #tpu.memory_space<vmem>> -> memref<8x128xf32, #tpu.memory_space<vmem>>
          tpu.wait_dma2 semaphore(%arg13 : memref<!tpu.dma_semaphore, #tpu.memory_space<semaphore_mem>>) src(%dma_wait3A_1464 : memref<8x128xf32, #tpu.memory_space<vmem>>) dst(%dma_wait3A_1460 : memref<8x128xf32, #tpu.memory_space<hbm>>)
          %dma_wait3A_1465 = arith.constant 1 : i32
          %dma_wait3A_1466 = arith.constant 7 : i32
          %dma_wait3A_1467 = arith.constant 56 : i32
          %dma_wait3A_1468 = arith.constant 0 : i32
          %dma_wait3A_1469 = tpu.memref_slice %arg7[%dma_wait3A_1465, %dma_wait3A_1467, %dma_wait3A_1468] : memref<4x64x129xf32, #tpu.memory_space<vmem>> -> memref<1x8x128xf32, #tpu.memory_space<vmem>>
          %dma_wait3A_1470 = tpu.memref_squeeze %dma_wait3A_1469 : memref<1x8x128xf32, #tpu.memory_space<vmem>> -> memref<8x128xf32, #tpu.memory_space<vmem>>
          %dma_wait3A_1471 = arith.constant 0 : i32
          %dma_wait3A_1472 = arith.constant 0 : i32
          %dma_wait3A_1473 = tpu.memref_slice %arg4[%sub3A_1338, %dma_wait3A_1466, %add3A, %dma_wait3A_1471, %dma_wait3A_1472] : memref<200x8x32x8x128xf32, #tpu.memory_space<hbm>> -> memref<1x1x1x8x128xf32, #tpu.memory_space<hbm>>
          %dma_wait3A_1474 = tpu.memref_squeeze %dma_wait3A_1473 : memref<1x1x1x8x128xf32, #tpu.memory_space<hbm>> -> memref<8x128xf32, #tpu.memory_space<hbm>>
          %dma_wait3A_1475 = arith.constant 0 : i32
          %dma_wait3A_1476 = arith.constant 0 : i32
          %dma_wait3A_1477 = tpu.memref_slice %arg4[%sub3A_1338, %dma_wait3A_1466, %add3A, %dma_wait3A_1475, %dma_wait3A_1476] : memref<200x8x32x8x128xf32, #tpu.memory_space<hbm>> -> memref<1x1x1x8x128xf32, #tpu.memory_space<hbm>>
          %dma_wait3A_1478 = tpu.memref_squeeze %dma_wait3A_1477 : memref<1x1x1x8x128xf32, #tpu.memory_space<hbm>> -> memref<8x128xf32, #tpu.memory_space<hbm>>
          %dma_wait3A_1479 = arith.constant 56 : i32
          %dma_wait3A_1480 = arith.constant 0 : i32
          %dma_wait3A_1481 = tpu.memref_slice %arg7[%dma_wait3A_1465, %dma_wait3A_1479, %dma_wait3A_1480] : memref<4x64x129xf32, #tpu.memory_space<vmem>> -> memref<1x8x128xf32, #tpu.memory_space<vmem>>
          %dma_wait3A_1482 = tpu.memref_squeeze %dma_wait3A_1481 : memref<1x8x128xf32, #tpu.memory_space<vmem>> -> memref<8x128xf32, #tpu.memory_space<vmem>>
          tpu.wait_dma2 semaphore(%arg13 : memref<!tpu.dma_semaphore, #tpu.memory_space<semaphore_mem>>) src(%dma_wait3A_1482 : memref<8x128xf32, #tpu.memory_space<vmem>>) dst(%dma_wait3A_1478 : memref<8x128xf32, #tpu.memory_space<hbm>>)
        } else {
        }
        %dma_start3A_1327 = arith.constant 1 : i32
        %dma_start3A_1328 = arith.constant 0 : i32
        %dma_start3A_1329 = arith.constant 0 : i32
        %dma_start3A_1330 = tpu.memref_slice %arg6[%dma_start3A_1327, %dma_start3A_1328, %dma_start3A_1329] : memref<4x128x64xf32, #tpu.memory_space<vmem>> -> memref<1x128x64xf32, #tpu.memory_space<vmem>>
        %dma_start3A_1331 = tpu.memref_squeeze %dma_start3A_1330 : memref<1x128x64xf32, #tpu.memory_space<vmem>> -> memref<128x64xf32, #tpu.memory_space<vmem>>
        %dma_start3A_1332 = arith.constant 0 : i32
        %dma_start3A_1333 = tpu.memref_slice %arg5[%add3A_1159, %dma_start3A_1332] : memref<200x128xi32, #tpu.memory_space<vmem>> -> memref<1x128xi32, #tpu.memory_space<vmem>>
        %dma_start3A_1334 = tpu.memref_squeeze %dma_start3A_1333 : memref<1x128xi32, #tpu.memory_space<vmem>> -> memref<128xi32, #tpu.memory_space<vmem>>
        %dma_start3A_1335 = arith.constant 0 : i32
        %dma_start3A_1336 = arith.constant 0 : i32
        %dma_start3A_1337 = tpu.memref_slice %arg2[%dma_start3A_1335, %dma_start3A_1336] : memref<1000000x64xf32, #tpu.memory_space<hbm>> -> memref<1000000x64xf32, #tpu.memory_space<hbm>>
        tpu.enqueue_indirect_dma source(%dma_start3A_1337 : memref<1000000x64xf32, #tpu.memory_space<hbm>>) target(%dma_start3A_1331 : memref<128x64xf32, #tpu.memory_space<vmem>>) offsets(%dma_start3A_1334 : memref<128xi32, #tpu.memory_space<vmem>>) semaphore(%arg9 : memref<!tpu.dma_semaphore, #tpu.memory_space<semaphore_mem>>)
      } else {
      }
      %dma_wait3A_1165 = arith.constant 3 : i32
      %dma_wait3A_1166 = arith.constant 0 : i32
      %dma_wait3A_1167 = arith.constant 0 : i32
      %dma_wait3A_1168 = tpu.memref_slice %arg6[%dma_wait3A_1165, %dma_wait3A_1166, %dma_wait3A_1167] : memref<4x128x64xf32, #tpu.memory_space<vmem>> -> memref<1x128x64xf32, #tpu.memory_space<vmem>>
      %dma_wait3A_1169 = tpu.memref_squeeze %dma_wait3A_1168 : memref<1x128x64xf32, #tpu.memory_space<vmem>> -> memref<128x64xf32, #tpu.memory_space<vmem>>
      %dma_wait3A_1170 = arith.constant 0 : i32
      %dma_wait3A_1171 = tpu.memref_slice %arg5[%add3A_1157, %dma_wait3A_1170] : memref<200x128xi32, #tpu.memory_space<vmem>> -> memref<1x128xi32, #tpu.memory_space<vmem>>
      %dma_wait3A_1172 = tpu.memref_squeeze %dma_wait3A_1171 : memref<1x128xi32, #tpu.memory_space<vmem>> -> memref<128xi32, #tpu.memory_space<vmem>>
      %dma_wait3A_1173 = arith.constant 0 : i32
      %dma_wait3A_1174 = arith.constant 0 : i32
      %dma_wait3A_1175 = tpu.memref_slice %arg2[%dma_wait3A_1173, %dma_wait3A_1174] : memref<1000000x64xf32, #tpu.memory_space<hbm>> -> memref<1000000x64xf32, #tpu.memory_space<hbm>>
      tpu.wait_indirect_dma semaphore(%arg11 : memref<!tpu.dma_semaphore, #tpu.memory_space<semaphore_mem>>) src(%dma_wait3A_1175 : memref<1000000x64xf32, #tpu.memory_space<hbm>>) dst(%dma_wait3A_1169 : memref<128x64xf32, #tpu.memory_space<vmem>>)
      %parallel_loop3A_1176 = arith.constant 0 : i32
      %parallel_loop3A_1177 = arith.constant 128 : i32
      %parallel_loop3A_1178 = arith.constant 1 : i32
      scf.for %parallel_loop3A_1323 = %parallel_loop3A_1176 to %parallel_loop3A_1177 step %parallel_loop3A_1178  : i32 {
        %parallel_loop3A_1324 = vector.broadcast %parallel_loop3A_1323 : i32 to vector<16xi32>
        %parallel_loop3A_1325 = arith.constant 3 : i32
        %parallel_loop3A_1326 = arith.index_cast %parallel_loop3A_1325 : i32 to index
        %parallel_loop3A_1327 = arith.index_cast %parallel_loop3A_1323 : i32 to index
        %parallel_loop3A_1328 = arith.constant 0 : index
        %parallel_loop3A_1329 = tpu.vector_load %arg6[%parallel_loop3A_1326, %parallel_loop3A_1327, %parallel_loop3A_1328] {strides = array<i32>} : memref<4x128x64xf32, #tpu.memory_space<vmem>>, vector<16xf32>,
        %parallel_loop3A_1330 = arith.constant 8.000000e+00 : f32
        %parallel_loop3A_1331 = vector.broadcast %parallel_loop3A_1330 : f32 to vector<16xf32>
        %parallel_loop3A_1332 = arith.mulf %parallel_loop3A_1329, %parallel_loop3A_1331 : vector<16xf32>
        %parallel_loop3A_1333 = arith.constant 3 : i32
        %parallel_loop3A_1334 = arith.constant 0 : i32
        %parallel_loop3A_1335 = arith.constant 0 : i32
        %parallel_loop3A_1336 = tpu.memref_slice %arg7[%parallel_loop3A_1333, %parallel_loop3A_1334, %parallel_loop3A_1335] : memref<4x64x129xf32, #tpu.memory_space<vmem>> -> memref<1x64x129xf32, #tpu.memory_space<vmem>>
        %parallel_loop3A_1337 = tpu.memref_squeeze %parallel_loop3A_1336 : memref<1x64x129xf32, #tpu.memory_space<vmem>> -> memref<64x129xf32, #tpu.memory_space<vmem>>
        tpu.vector_store_idx %parallel_loop3A_1337[%add3A_5, %parallel_loop3A_1324], %parallel_loop3A_1332 : memref<64x129xf32, #tpu.memory_space<vmem>>[vector<16xi32>, vector<16xi32>], vector<16xf32>,
        %parallel_loop3A_1338 = arith.constant 3 : i32
        %parallel_loop3A_1339 = arith.index_cast %parallel_loop3A_1338 : i32 to index
        %parallel_loop3A_1340 = arith.index_cast %parallel_loop3A_1323 : i32 to index
        %parallel_loop3A_1341 = arith.constant 16 : index
        %parallel_loop3A_1342 = tpu.vector_load %arg6[%parallel_loop3A_1339, %parallel_loop3A_1340, %parallel_loop3A_1341] {strides = array<i32>} : memref<4x128x64xf32, #tpu.memory_space<vmem>>, vector<16xf32>,
        %parallel_loop3A_1343 = arith.constant 8.000000e+00 : f32
        %parallel_loop3A_1344 = vector.broadcast %parallel_loop3A_1343 : f32 to vector<16xf32>
        %parallel_loop3A_1345 = arith.mulf %parallel_loop3A_1342, %parallel_loop3A_1344 : vector<16xf32>
        %parallel_loop3A_1346 = arith.constant 3 : i32
        %parallel_loop3A_1347 = arith.constant 0 : i32
        %parallel_loop3A_1348 = arith.constant 0 : i32
        %parallel_loop3A_1349 = tpu.memref_slice %arg7[%parallel_loop3A_1346, %parallel_loop3A_1347, %parallel_loop3A_1348] : memref<4x64x129xf32, #tpu.memory_space<vmem>> -> memref<1x64x129xf32, #tpu.memory_space<vmem>>
        %parallel_loop3A_1350 = tpu.memref_squeeze %parallel_loop3A_1349 : memref<1x64x129xf32, #tpu.memory_space<vmem>> -> memref<64x129xf32, #tpu.memory_space<vmem>>
        tpu.vector_store_idx %parallel_loop3A_1350[%add3A_8, %parallel_loop3A_1324], %parallel_loop3A_1345 : memref<64x129xf32, #tpu.memory_space<vmem>>[vector<16xi32>, vector<16xi32>], vector<16xf32>,
        %parallel_loop3A_1351 = arith.constant 3 : i32
        %parallel_loop3A_1352 = arith.index_cast %parallel_loop3A_1351 : i32 to index
        %parallel_loop3A_1353 = arith.index_cast %parallel_loop3A_1323 : i32 to index
        %parallel_loop3A_1354 = arith.constant 32 : index
        %parallel_loop3A_1355 = tpu.vector_load %arg6[%parallel_loop3A_1352, %parallel_loop3A_1353, %parallel_loop3A_1354] {strides = array<i32>} : memref<4x128x64xf32, #tpu.memory_space<vmem>>, vector<16xf32>,
        %parallel_loop3A_1356 = arith.constant 8.000000e+00 : f32
        %parallel_loop3A_1357 = vector.broadcast %parallel_loop3A_1356 : f32 to vector<16xf32>
        %parallel_loop3A_1358 = arith.mulf %parallel_loop3A_1355, %parallel_loop3A_1357 : vector<16xf32>
        %parallel_loop3A_1359 = arith.constant 3 : i32
        %parallel_loop3A_1360 = arith.constant 0 : i32
        %parallel_loop3A_1361 = arith.constant 0 : i32
        %parallel_loop3A_1362 = tpu.memref_slice %arg7[%parallel_loop3A_1359, %parallel_loop3A_1360, %parallel_loop3A_1361] : memref<4x64x129xf32, #tpu.memory_space<vmem>> -> memref<1x64x129xf32, #tpu.memory_space<vmem>>
        %parallel_loop3A_1363 = tpu.memref_squeeze %parallel_loop3A_1362 : memref<1x64x129xf32, #tpu.memory_space<vmem>> -> memref<64x129xf32, #tpu.memory_space<vmem>>
        tpu.vector_store_idx %parallel_loop3A_1363[%add3A_11, %parallel_loop3A_1324], %parallel_loop3A_1358 : memref<64x129xf32, #tpu.memory_space<vmem>>[vector<16xi32>, vector<16xi32>], vector<16xf32>,
        %parallel_loop3A_1364 = arith.constant 3 : i32
        %parallel_loop3A_1365 = arith.index_cast %parallel_loop3A_1364 : i32 to index
        %parallel_loop3A_1366 = arith.index_cast %parallel_loop3A_1323 : i32 to index
        %parallel_loop3A_1367 = arith.constant 48 : index
        %parallel_loop3A_1368 = tpu.vector_load %arg6[%parallel_loop3A_1365, %parallel_loop3A_1366, %parallel_loop3A_1367] {strides = array<i32>} : memref<4x128x64xf32, #tpu.memory_space<vmem>>, vector<16xf32>,
        %parallel_loop3A_1369 = arith.constant 8.000000e+00 : f32
        %parallel_loop3A_1370 = vector.broadcast %parallel_loop3A_1369 : f32 to vector<16xf32>
        %parallel_loop3A_1371 = arith.mulf %parallel_loop3A_1368, %parallel_loop3A_1370 : vector<16xf32>
        %parallel_loop3A_1372 = arith.constant 3 : i32
        %parallel_loop3A_1373 = arith.constant 0 : i32
        %parallel_loop3A_1374 = arith.constant 0 : i32
        %parallel_loop3A_1375 = tpu.memref_slice %arg7[%parallel_loop3A_1372, %parallel_loop3A_1373, %parallel_loop3A_1374] : memref<4x64x129xf32, #tpu.memory_space<vmem>> -> memref<1x64x129xf32, #tpu.memory_space<vmem>>
        %parallel_loop3A_1376 = tpu.memref_squeeze %parallel_loop3A_1375 : memref<1x64x129xf32, #tpu.memory_space<vmem>> -> memref<64x129xf32, #tpu.memory_space<vmem>>
        tpu.vector_store_idx %parallel_loop3A_1376[%add3A_14, %parallel_loop3A_1324], %parallel_loop3A_1371 : memref<64x129xf32, #tpu.memory_space<vmem>>[vector<16xi32>, vector<16xi32>], vector<16xf32>,
      } {sc.loop_unroll_factor = 4 : i64, sc.parallel_access}
      %dma_start3A_1179 = arith.constant 3 : i32
      %dma_start3A_1180 = arith.constant 0 : i32
      %dma_start3A_1181 = arith.constant 0 : i32
      %dma_start3A_1182 = arith.constant 0 : i32
      %dma_start3A_1183 = tpu.memref_slice %arg7[%dma_start3A_1179, %dma_start3A_1181, %dma_start3A_1182] : memref<4x64x129xf32, #tpu.memory_space<vmem>> -> memref<1x8x128xf32, #tpu.memory_space<vmem>>
      %dma_start3A_1184 = tpu.memref_squeeze %dma_start3A_1183 : memref<1x8x128xf32, #tpu.memory_space<vmem>> -> memref<8x128xf32, #tpu.memory_space<vmem>>
      %dma_start3A_1185 = arith.constant 0 : i32
      %dma_start3A_1186 = arith.constant 0 : i32
      %dma_start3A_1187 = tpu.memref_slice %arg4[%add3A_1157, %dma_start3A_1180, %add3A, %dma_start3A_1185, %dma_start3A_1186] : memref<200x8x32x8x128xf32, #tpu.memory_space<hbm>> -> memref<1x1x1x8x128xf32, #tpu.memory_space<hbm>>
      %dma_start3A_1188 = tpu.memref_squeeze %dma_start3A_1187 : memref<1x1x1x8x128xf32, #tpu.memory_space<hbm>> -> memref<8x128xf32, #tpu.memory_space<hbm>>
      %dma_start3A_1189 = arith.constant 0 : i32
      %dma_start3A_1190 = arith.constant 0 : i32
      %dma_start3A_1191 = tpu.memref_slice %arg4[%add3A_1157, %dma_start3A_1180, %add3A, %dma_start3A_1189, %dma_start3A_1190] : memref<200x8x32x8x128xf32, #tpu.memory_space<hbm>> -> memref<1x1x1x8x128xf32, #tpu.memory_space<hbm>>
      %dma_start3A_1192 = tpu.memref_squeeze %dma_start3A_1191 : memref<1x1x1x8x128xf32, #tpu.memory_space<hbm>> -> memref<8x128xf32, #tpu.memory_space<hbm>>
      %dma_start3A_1193 = arith.constant 0 : i32
      %dma_start3A_1194 = arith.constant 0 : i32
      %dma_start3A_1195 = tpu.memref_slice %arg7[%dma_start3A_1179, %dma_start3A_1193, %dma_start3A_1194] : memref<4x64x129xf32, #tpu.memory_space<vmem>> -> memref<1x8x128xf32, #tpu.memory_space<vmem>>
      %dma_start3A_1196 = tpu.memref_squeeze %dma_start3A_1195 : memref<1x8x128xf32, #tpu.memory_space<vmem>> -> memref<8x128xf32, #tpu.memory_space<vmem>>
      tpu.enqueue_dma source(%dma_start3A_1196 : memref<8x128xf32, #tpu.memory_space<vmem>>) target(%dma_start3A_1192 : memref<8x128xf32, #tpu.memory_space<hbm>>) target_semaphore(%arg15 : memref<!tpu.dma_semaphore, #tpu.memory_space<semaphore_mem>>)
      %dma_start3A_1197 = arith.constant 3 : i32
      %dma_start3A_1198 = arith.constant 1 : i32
      %dma_start3A_1199 = arith.constant 8 : i32
      %dma_start3A_1200 = arith.constant 0 : i32
      %dma_start3A_1201 = tpu.memref_slice %arg7[%dma_start3A_1197, %dma_start3A_1199, %dma_start3A_1200] : memref<4x64x129xf32, #tpu.memory_space<vmem>> -> memref<1x8x128xf32, #tpu.memory_space<vmem>>
      %dma_start3A_1202 = tpu.memref_squeeze %dma_start3A_1201 : memref<1x8x128xf32, #tpu.memory_space<vmem>> -> memref<8x128xf32, #tpu.memory_space<vmem>>
      %dma_start3A_1203 = arith.constant 0 : i32
      %dma_start3A_1204 = arith.constant 0 : i32
      %dma_start3A_1205 = tpu.memref_slice %arg4[%add3A_1157, %dma_start3A_1198, %add3A, %dma_start3A_1203, %dma_start3A_1204] : memref<200x8x32x8x128xf32, #tpu.memory_space<hbm>> -> memref<1x1x1x8x128xf32, #tpu.memory_space<hbm>>
      %dma_start3A_1206 = tpu.memref_squeeze %dma_start3A_1205 : memref<1x1x1x8x128xf32, #tpu.memory_space<hbm>> -> memref<8x128xf32, #tpu.memory_space<hbm>>
      %dma_start3A_1207 = arith.constant 0 : i32
      %dma_start3A_1208 = arith.constant 0 : i32
      %dma_start3A_1209 = tpu.memref_slice %arg4[%add3A_1157, %dma_start3A_1198, %add3A, %dma_start3A_1207, %dma_start3A_1208] : memref<200x8x32x8x128xf32, #tpu.memory_space<hbm>> -> memref<1x1x1x8x128xf32, #tpu.memory_space<hbm>>
      %dma_start3A_1210 = tpu.memref_squeeze %dma_start3A_1209 : memref<1x1x1x8x128xf32, #tpu.memory_space<hbm>> -> memref<8x128xf32, #tpu.memory_space<hbm>>
      %dma_start3A_1211 = arith.constant 8 : i32
      %dma_start3A_1212 = arith.constant 0 : i32
      %dma_start3A_1213 = tpu.memref_slice %arg7[%dma_start3A_1197, %dma_start3A_1211, %dma_start3A_1212] : memref<4x64x129xf32, #tpu.memory_space<vmem>> -> memref<1x8x128xf32, #tpu.memory_space<vmem>>
      %dma_start3A_1214 = tpu.memref_squeeze %dma_start3A_1213 : memref<1x8x128xf32, #tpu.memory_space<vmem>> -> memref<8x128xf32, #tpu.memory_space<vmem>>
      tpu.enqueue_dma source(%dma_start3A_1214 : memref<8x128xf32, #tpu.memory_space<vmem>>) target(%dma_start3A_1210 : memref<8x128xf32, #tpu.memory_space<hbm>>) target_semaphore(%arg15 : memref<!tpu.dma_semaphore, #tpu.memory_space<semaphore_mem>>)
      %dma_start3A_1215 = arith.constant 3 : i32
      %dma_start3A_1216 = arith.constant 2 : i32
      %dma_start3A_1217 = arith.constant 16 : i32
      %dma_start3A_1218 = arith.constant 0 : i32
      %dma_start3A_1219 = tpu.memref_slice %arg7[%dma_start3A_1215, %dma_start3A_1217, %dma_start3A_1218] : memref<4x64x129xf32, #tpu.memory_space<vmem>> -> memref<1x8x128xf32, #tpu.memory_space<vmem>>
      %dma_start3A_1220 = tpu.memref_squeeze %dma_start3A_1219 : memref<1x8x128xf32, #tpu.memory_space<vmem>> -> memref<8x128xf32, #tpu.memory_space<vmem>>
      %dma_start3A_1221 = arith.constant 0 : i32
      %dma_start3A_1222 = arith.constant 0 : i32
      %dma_start3A_1223 = tpu.memref_slice %arg4[%add3A_1157, %dma_start3A_1216, %add3A, %dma_start3A_1221, %dma_start3A_1222] : memref<200x8x32x8x128xf32, #tpu.memory_space<hbm>> -> memref<1x1x1x8x128xf32, #tpu.memory_space<hbm>>
      %dma_start3A_1224 = tpu.memref_squeeze %dma_start3A_1223 : memref<1x1x1x8x128xf32, #tpu.memory_space<hbm>> -> memref<8x128xf32, #tpu.memory_space<hbm>>
      %dma_start3A_1225 = arith.constant 0 : i32
      %dma_start3A_1226 = arith.constant 0 : i32
      %dma_start3A_1227 = tpu.memref_slice %arg4[%add3A_1157, %dma_start3A_1216, %add3A, %dma_start3A_1225, %dma_start3A_1226] : memref<200x8x32x8x128xf32, #tpu.memory_space<hbm>> -> memref<1x1x1x8x128xf32, #tpu.memory_space<hbm>>
      %dma_start3A_1228 = tpu.memref_squeeze %dma_start3A_1227 : memref<1x1x1x8x128xf32, #tpu.memory_space<hbm>> -> memref<8x128xf32, #tpu.memory_space<hbm>>
      %dma_start3A_1229 = arith.constant 16 : i32
      %dma_start3A_1230 = arith.constant 0 : i32
      %dma_start3A_1231 = tpu.memref_slice %arg7[%dma_start3A_1215, %dma_start3A_1229, %dma_start3A_1230] : memref<4x64x129xf32, #tpu.memory_space<vmem>> -> memref<1x8x128xf32, #tpu.memory_space<vmem>>
      %dma_start3A_1232 = tpu.memref_squeeze %dma_start3A_1231 : memref<1x8x128xf32, #tpu.memory_space<vmem>> -> memref<8x128xf32, #tpu.memory_space<vmem>>
      tpu.enqueue_dma source(%dma_start3A_1232 : memref<8x128xf32, #tpu.memory_space<vmem>>) target(%dma_start3A_1228 : memref<8x128xf32, #tpu.memory_space<hbm>>) target_semaphore(%arg15 : memref<!tpu.dma_semaphore, #tpu.memory_space<semaphore_mem>>)
      %dma_start3A_1233 = arith.constant 3 : i32
      %dma_start3A_1234 = arith.constant 3 : i32
      %dma_start3A_1235 = arith.constant 24 : i32
      %dma_start3A_1236 = arith.constant 0 : i32
      %dma_start3A_1237 = tpu.memref_slice %arg7[%dma_start3A_1233, %dma_start3A_1235, %dma_start3A_1236] : memref<4x64x129xf32, #tpu.memory_space<vmem>> -> memref<1x8x128xf32, #tpu.memory_space<vmem>>
      %dma_start3A_1238 = tpu.memref_squeeze %dma_start3A_1237 : memref<1x8x128xf32, #tpu.memory_space<vmem>> -> memref<8x128xf32, #tpu.memory_space<vmem>>
      %dma_start3A_1239 = arith.constant 0 : i32
      %dma_start3A_1240 = arith.constant 0 : i32
      %dma_start3A_1241 = tpu.memref_slice %arg4[%add3A_1157, %dma_start3A_1234, %add3A, %dma_start3A_1239, %dma_start3A_1240] : memref<200x8x32x8x128xf32, #tpu.memory_space<hbm>> -> memref<1x1x1x8x128xf32, #tpu.memory_space<hbm>>
      %dma_start3A_1242 = tpu.memref_squeeze %dma_start3A_1241 : memref<1x1x1x8x128xf32, #tpu.memory_space<hbm>> -> memref<8x128xf32, #tpu.memory_space<hbm>>
      %dma_start3A_1243 = arith.constant 0 : i32
      %dma_start3A_1244 = arith.constant 0 : i32
      %dma_start3A_1245 = tpu.memref_slice %arg4[%add3A_1157, %dma_start3A_1234, %add3A, %dma_start3A_1243, %dma_start3A_1244] : memref<200x8x32x8x128xf32, #tpu.memory_space<hbm>> -> memref<1x1x1x8x128xf32, #tpu.memory_space<hbm>>
      %dma_start3A_1246 = tpu.memref_squeeze %dma_start3A_1245 : memref<1x1x1x8x128xf32, #tpu.memory_space<hbm>> -> memref<8x128xf32, #tpu.memory_space<hbm>>
      %dma_start3A_1247 = arith.constant 24 : i32
      %dma_start3A_1248 = arith.constant 0 : i32
      %dma_start3A_1249 = tpu.memref_slice %arg7[%dma_start3A_1233, %dma_start3A_1247, %dma_start3A_1248] : memref<4x64x129xf32, #tpu.memory_space<vmem>> -> memref<1x8x128xf32, #tpu.memory_space<vmem>>
      %dma_start3A_1250 = tpu.memref_squeeze %dma_start3A_1249 : memref<1x8x128xf32, #tpu.memory_space<vmem>> -> memref<8x128xf32, #tpu.memory_space<vmem>>
      tpu.enqueue_dma source(%dma_start3A_1250 : memref<8x128xf32, #tpu.memory_space<vmem>>) target(%dma_start3A_1246 : memref<8x128xf32, #tpu.memory_space<hbm>>) target_semaphore(%arg15 : memref<!tpu.dma_semaphore, #tpu.memory_space<semaphore_mem>>)
      %dma_start3A_1251 = arith.constant 3 : i32
      %dma_start3A_1252 = arith.constant 4 : i32
      %dma_start3A_1253 = arith.constant 32 : i32
      %dma_start3A_1254 = arith.constant 0 : i32
      %dma_start3A_1255 = tpu.memref_slice %arg7[%dma_start3A_1251, %dma_start3A_1253, %dma_start3A_1254] : memref<4x64x129xf32, #tpu.memory_space<vmem>> -> memref<1x8x128xf32, #tpu.memory_space<vmem>>
      %dma_start3A_1256 = tpu.memref_squeeze %dma_start3A_1255 : memref<1x8x128xf32, #tpu.memory_space<vmem>> -> memref<8x128xf32, #tpu.memory_space<vmem>>
      %dma_start3A_1257 = arith.constant 0 : i32
      %dma_start3A_1258 = arith.constant 0 : i32
      %dma_start3A_1259 = tpu.memref_slice %arg4[%add3A_1157, %dma_start3A_1252, %add3A, %dma_start3A_1257, %dma_start3A_1258] : memref<200x8x32x8x128xf32, #tpu.memory_space<hbm>> -> memref<1x1x1x8x128xf32, #tpu.memory_space<hbm>>
      %dma_start3A_1260 = tpu.memref_squeeze %dma_start3A_1259 : memref<1x1x1x8x128xf32, #tpu.memory_space<hbm>> -> memref<8x128xf32, #tpu.memory_space<hbm>>
      %dma_start3A_1261 = arith.constant 0 : i32
      %dma_start3A_1262 = arith.constant 0 : i32
      %dma_start3A_1263 = tpu.memref_slice %arg4[%add3A_1157, %dma_start3A_1252, %add3A, %dma_start3A_1261, %dma_start3A_1262] : memref<200x8x32x8x128xf32, #tpu.memory_space<hbm>> -> memref<1x1x1x8x128xf32, #tpu.memory_space<hbm>>
      %dma_start3A_1264 = tpu.memref_squeeze %dma_start3A_1263 : memref<1x1x1x8x128xf32, #tpu.memory_space<hbm>> -> memref<8x128xf32, #tpu.memory_space<hbm>>
      %dma_start3A_1265 = arith.constant 32 : i32
      %dma_start3A_1266 = arith.constant 0 : i32
      %dma_start3A_1267 = tpu.memref_slice %arg7[%dma_start3A_1251, %dma_start3A_1265, %dma_start3A_1266] : memref<4x64x129xf32, #tpu.memory_space<vmem>> -> memref<1x8x128xf32, #tpu.memory_space<vmem>>
      %dma_start3A_1268 = tpu.memref_squeeze %dma_start3A_1267 : memref<1x8x128xf32, #tpu.memory_space<vmem>> -> memref<8x128xf32, #tpu.memory_space<vmem>>
      tpu.enqueue_dma source(%dma_start3A_1268 : memref<8x128xf32, #tpu.memory_space<vmem>>) target(%dma_start3A_1264 : memref<8x128xf32, #tpu.memory_space<hbm>>) target_semaphore(%arg15 : memref<!tpu.dma_semaphore, #tpu.memory_space<semaphore_mem>>)
      %dma_start3A_1269 = arith.constant 3 : i32
      %dma_start3A_1270 = arith.constant 5 : i32
      %dma_start3A_1271 = arith.constant 40 : i32
      %dma_start3A_1272 = arith.constant 0 : i32
      %dma_start3A_1273 = tpu.memref_slice %arg7[%dma_start3A_1269, %dma_start3A_1271, %dma_start3A_1272] : memref<4x64x129xf32, #tpu.memory_space<vmem>> -> memref<1x8x128xf32, #tpu.memory_space<vmem>>
      %dma_start3A_1274 = tpu.memref_squeeze %dma_start3A_1273 : memref<1x8x128xf32, #tpu.memory_space<vmem>> -> memref<8x128xf32, #tpu.memory_space<vmem>>
      %dma_start3A_1275 = arith.constant 0 : i32
      %dma_start3A_1276 = arith.constant 0 : i32
      %dma_start3A_1277 = tpu.memref_slice %arg4[%add3A_1157, %dma_start3A_1270, %add3A, %dma_start3A_1275, %dma_start3A_1276] : memref<200x8x32x8x128xf32, #tpu.memory_space<hbm>> -> memref<1x1x1x8x128xf32, #tpu.memory_space<hbm>>
      %dma_start3A_1278 = tpu.memref_squeeze %dma_start3A_1277 : memref<1x1x1x8x128xf32, #tpu.memory_space<hbm>> -> memref<8x128xf32, #tpu.memory_space<hbm>>
      %dma_start3A_1279 = arith.constant 0 : i32
      %dma_start3A_1280 = arith.constant 0 : i32
      %dma_start3A_1281 = tpu.memref_slice %arg4[%add3A_1157, %dma_start3A_1270, %add3A, %dma_start3A_1279, %dma_start3A_1280] : memref<200x8x32x8x128xf32, #tpu.memory_space<hbm>> -> memref<1x1x1x8x128xf32, #tpu.memory_space<hbm>>
      %dma_start3A_1282 = tpu.memref_squeeze %dma_start3A_1281 : memref<1x1x1x8x128xf32, #tpu.memory_space<hbm>> -> memref<8x128xf32, #tpu.memory_space<hbm>>
      %dma_start3A_1283 = arith.constant 40 : i32
      %dma_start3A_1284 = arith.constant 0 : i32
      %dma_start3A_1285 = tpu.memref_slice %arg7[%dma_start3A_1269, %dma_start3A_1283, %dma_start3A_1284] : memref<4x64x129xf32, #tpu.memory_space<vmem>> -> memref<1x8x128xf32, #tpu.memory_space<vmem>>
      %dma_start3A_1286 = tpu.memref_squeeze %dma_start3A_1285 : memref<1x8x128xf32, #tpu.memory_space<vmem>> -> memref<8x128xf32, #tpu.memory_space<vmem>>
      tpu.enqueue_dma source(%dma_start3A_1286 : memref<8x128xf32, #tpu.memory_space<vmem>>) target(%dma_start3A_1282 : memref<8x128xf32, #tpu.memory_space<hbm>>) target_semaphore(%arg15 : memref<!tpu.dma_semaphore, #tpu.memory_space<semaphore_mem>>)
      %dma_start3A_1287 = arith.constant 3 : i32
      %dma_start3A_1288 = arith.constant 6 : i32
      %dma_start3A_1289 = arith.constant 48 : i32
      %dma_start3A_1290 = arith.constant 0 : i32
      %dma_start3A_1291 = tpu.memref_slice %arg7[%dma_start3A_1287, %dma_start3A_1289, %dma_start3A_1290] : memref<4x64x129xf32, #tpu.memory_space<vmem>> -> memref<1x8x128xf32, #tpu.memory_space<vmem>>
      %dma_start3A_1292 = tpu.memref_squeeze %dma_start3A_1291 : memref<1x8x128xf32, #tpu.memory_space<vmem>> -> memref<8x128xf32, #tpu.memory_space<vmem>>
      %dma_start3A_1293 = arith.constant 0 : i32
      %dma_start3A_1294 = arith.constant 0 : i32
      %dma_start3A_1295 = tpu.memref_slice %arg4[%add3A_1157, %dma_start3A_1288, %add3A, %dma_start3A_1293, %dma_start3A_1294] : memref<200x8x32x8x128xf32, #tpu.memory_space<hbm>> -> memref<1x1x1x8x128xf32, #tpu.memory_space<hbm>>
      %dma_start3A_1296 = tpu.memref_squeeze %dma_start3A_1295 : memref<1x1x1x8x128xf32, #tpu.memory_space<hbm>> -> memref<8x128xf32, #tpu.memory_space<hbm>>
      %dma_start3A_1297 = arith.constant 0 : i32
      %dma_start3A_1298 = arith.constant 0 : i32
      %dma_start3A_1299 = tpu.memref_slice %arg4[%add3A_1157, %dma_start3A_1288, %add3A, %dma_start3A_1297, %dma_start3A_1298] : memref<200x8x32x8x128xf32, #tpu.memory_space<hbm>> -> memref<1x1x1x8x128xf32, #tpu.memory_space<hbm>>
      %dma_start3A_1300 = tpu.memref_squeeze %dma_start3A_1299 : memref<1x1x1x8x128xf32, #tpu.memory_space<hbm>> -> memref<8x128xf32, #tpu.memory_space<hbm>>
      %dma_start3A_1301 = arith.constant 48 : i32
      %dma_start3A_1302 = arith.constant 0 : i32
      %dma_start3A_1303 = tpu.memref_slice %arg7[%dma_start3A_1287, %dma_start3A_1301, %dma_start3A_1302] : memref<4x64x129xf32, #tpu.memory_space<vmem>> -> memref<1x8x128xf32, #tpu.memory_space<vmem>>
      %dma_start3A_1304 = tpu.memref_squeeze %dma_start3A_1303 : memref<1x8x128xf32, #tpu.memory_space<vmem>> -> memref<8x128xf32, #tpu.memory_space<vmem>>
      tpu.enqueue_dma source(%dma_start3A_1304 : memref<8x128xf32, #tpu.memory_space<vmem>>) target(%dma_start3A_1300 : memref<8x128xf32, #tpu.memory_space<hbm>>) target_semaphore(%arg15 : memref<!tpu.dma_semaphore, #tpu.memory_space<semaphore_mem>>)
      %dma_start3A_1305 = arith.constant 3 : i32
      %dma_start3A_1306 = arith.constant 7 : i32
      %dma_start3A_1307 = arith.constant 56 : i32
      %dma_start3A_1308 = arith.constant 0 : i32
      %dma_start3A_1309 = tpu.memref_slice %arg7[%dma_start3A_1305, %dma_start3A_1307, %dma_start3A_1308] : memref<4x64x129xf32, #tpu.memory_space<vmem>> -> memref<1x8x128xf32, #tpu.memory_space<vmem>>
      %dma_start3A_1310 = tpu.memref_squeeze %dma_start3A_1309 : memref<1x8x128xf32, #tpu.memory_space<vmem>> -> memref<8x128xf32, #tpu.memory_space<vmem>>
      %dma_start3A_1311 = arith.constant 0 : i32
      %dma_start3A_1312 = arith.constant 0 : i32
      %dma_start3A_1313 = tpu.memref_slice %arg4[%add3A_1157, %dma_start3A_1306, %add3A, %dma_start3A_1311, %dma_start3A_1312] : memref<200x8x32x8x128xf32, #tpu.memory_space<hbm>> -> memref<1x1x1x8x128xf32, #tpu.memory_space<hbm>>
      %dma_start3A_1314 = tpu.memref_squeeze %dma_start3A_1313 : memref<1x1x1x8x128xf32, #tpu.memory_space<hbm>> -> memref<8x128xf32, #tpu.memory_space<hbm>>
      %dma_start3A_1315 = arith.constant 0 : i32
      %dma_start3A_1316 = arith.constant 0 : i32
      %dma_start3A_1317 = tpu.memref_slice %arg4[%add3A_1157, %dma_start3A_1306, %add3A, %dma_start3A_1315, %dma_start3A_1316] : memref<200x8x32x8x128xf32, #tpu.memory_space<hbm>> -> memref<1x1x1x8x128xf32, #tpu.memory_space<hbm>>
      %dma_start3A_1318 = tpu.memref_squeeze %dma_start3A_1317 : memref<1x1x1x8x128xf32, #tpu.memory_space<hbm>> -> memref<8x128xf32, #tpu.memory_space<hbm>>
      %dma_start3A_1319 = arith.constant 56 : i32
      %dma_start3A_1320 = arith.constant 0 : i32
      %dma_start3A_1321 = tpu.memref_slice %arg7[%dma_start3A_1305, %dma_start3A_1319, %dma_start3A_1320] : memref<4x64x129xf32, #tpu.memory_space<vmem>> -> memref<1x8x128xf32, #tpu.memory_space<vmem>>
      %dma_start3A_1322 = tpu.memref_squeeze %dma_start3A_1321 : memref<1x8x128xf32, #tpu.memory_space<vmem>> -> memref<8x128xf32, #tpu.memory_space<vmem>>
      tpu.enqueue_dma source(%dma_start3A_1322 : memref<8x128xf32, #tpu.memory_space<vmem>>) target(%dma_start3A_1318 : memref<8x128xf32, #tpu.memory_space<hbm>>) target_semaphore(%arg15 : memref<!tpu.dma_semaphore, #tpu.memory_space<semaphore_mem>>)
    }
    %scan3A_42 = arith.constant 50 : i32
    %dma_wait3A = arith.constant 0 : i32
    %dma_wait3A_43 = arith.constant 196 : i32
    %dma_wait3A_44 = arith.constant 0 : i32
    %dma_wait3A_45 = arith.constant 0 : i32
    %dma_wait3A_46 = arith.constant 0 : i32
    %dma_wait3A_47 = tpu.memref_slice %arg7[%dma_wait3A, %dma_wait3A_45, %dma_wait3A_46] : memref<4x64x129xf32, #tpu.memory_space<vmem>> -> memref<1x8x128xf32, #tpu.memory_space<vmem>>
    %dma_wait3A_48 = tpu.memref_squeeze %dma_wait3A_47 : memref<1x8x128xf32, #tpu.memory_space<vmem>> -> memref<8x128xf32, #tpu.memory_space<vmem>>
    %dma_wait3A_49 = arith.constant 0 : i32
    %dma_wait3A_50 = arith.constant 0 : i32
    %dma_wait3A_51 = tpu.memref_slice %arg4[%dma_wait3A_43, %dma_wait3A_44, %add3A, %dma_wait3A_49, %dma_wait3A_50] : memref<200x8x32x8x128xf32, #tpu.memory_space<hbm>> -> memref<1x1x1x8x128xf32, #tpu.memory_space<hbm>>
    %dma_wait3A_52 = tpu.memref_squeeze %dma_wait3A_51 : memref<1x1x1x8x128xf32, #tpu.memory_space<hbm>> -> memref<8x128xf32, #tpu.memory_space<hbm>>
    %dma_wait3A_53 = arith.constant 0 : i32
    %dma_wait3A_54 = arith.constant 0 : i32
    %dma_wait3A_55 = tpu.memref_slice %arg4[%dma_wait3A_43, %dma_wait3A_44, %add3A, %dma_wait3A_53, %dma_wait3A_54] : memref<200x8x32x8x128xf32, #tpu.memory_space<hbm>> -> memref<1x1x1x8x128xf32, #tpu.memory_space<hbm>>
    %dma_wait3A_56 = tpu.memref_squeeze %dma_wait3A_55 : memref<1x1x1x8x128xf32, #tpu.memory_space<hbm>> -> memref<8x128xf32, #tpu.memory_space<hbm>>
    %dma_wait3A_57 = arith.constant 0 : i32
    %dma_wait3A_58 = arith.constant 0 : i32
    %dma_wait3A_59 = tpu.memref_slice %arg7[%dma_wait3A, %dma_wait3A_57, %dma_wait3A_58] : memref<4x64x129xf32, #tpu.memory_space<vmem>> -> memref<1x8x128xf32, #tpu.memory_space<vmem>>
    %dma_wait3A_60 = tpu.memref_squeeze %dma_wait3A_59 : memref<1x8x128xf32, #tpu.memory_space<vmem>> -> memref<8x128xf32, #tpu.memory_space<vmem>>
    tpu.wait_dma2 semaphore(%arg12 : memref<!tpu.dma_semaphore, #tpu.memory_space<semaphore_mem>>) src(%dma_wait3A_60 : memref<8x128xf32, #tpu.memory_space<vmem>>) dst(%dma_wait3A_56 : memref<8x128xf32, #tpu.memory_space<hbm>>)
    %dma_wait3A_61 = arith.constant 0 : i32
    %dma_wait3A_62 = arith.constant 196 : i32
    %dma_wait3A_63 = arith.constant 1 : i32
    %dma_wait3A_64 = arith.constant 8 : i32
    %dma_wait3A_65 = arith.constant 0 : i32
    %dma_wait3A_66 = tpu.memref_slice %arg7[%dma_wait3A_61, %dma_wait3A_64, %dma_wait3A_65] : memref<4x64x129xf32, #tpu.memory_space<vmem>> -> memref<1x8x128xf32, #tpu.memory_space<vmem>>
    %dma_wait3A_67 = tpu.memref_squeeze %dma_wait3A_66 : memref<1x8x128xf32, #tpu.memory_space<vmem>> -> memref<8x128xf32, #tpu.memory_space<vmem>>
    %dma_wait3A_68 = arith.constant 0 : i32
    %dma_wait3A_69 = arith.constant 0 : i32
    %dma_wait3A_70 = tpu.memref_slice %arg4[%dma_wait3A_62, %dma_wait3A_63, %add3A, %dma_wait3A_68, %dma_wait3A_69] : memref<200x8x32x8x128xf32, #tpu.memory_space<hbm>> -> memref<1x1x1x8x128xf32, #tpu.memory_space<hbm>>
    %dma_wait3A_71 = tpu.memref_squeeze %dma_wait3A_70 : memref<1x1x1x8x128xf32, #tpu.memory_space<hbm>> -> memref<8x128xf32, #tpu.memory_space<hbm>>
    %dma_wait3A_72 = arith.constant 0 : i32
    %dma_wait3A_73 = arith.constant 0 : i32
    %dma_wait3A_74 = tpu.memref_slice %arg4[%dma_wait3A_62, %dma_wait3A_63, %add3A, %dma_wait3A_72, %dma_wait3A_73] : memref<200x8x32x8x128xf32, #tpu.memory_space<hbm>> -> memref<1x1x1x8x128xf32, #tpu.memory_space<hbm>>
    %dma_wait3A_75 = tpu.memref_squeeze %dma_wait3A_74 : memref<1x1x1x8x128xf32, #tpu.memory_space<hbm>> -> memref<8x128xf32, #tpu.memory_space<hbm>>
    %dma_wait3A_76 = arith.constant 8 : i32
    %dma_wait3A_77 = arith.constant 0 : i32
    %dma_wait3A_78 = tpu.memref_slice %arg7[%dma_wait3A_61, %dma_wait3A_76, %dma_wait3A_77] : memref<4x64x129xf32, #tpu.memory_space<vmem>> -> memref<1x8x128xf32, #tpu.memory_space<vmem>>
    %dma_wait3A_79 = tpu.memref_squeeze %dma_wait3A_78 : memref<1x8x128xf32, #tpu.memory_space<vmem>> -> memref<8x128xf32, #tpu.memory_space<vmem>>
    tpu.wait_dma2 semaphore(%arg12 : memref<!tpu.dma_semaphore, #tpu.memory_space<semaphore_mem>>) src(%dma_wait3A_79 : memref<8x128xf32, #tpu.memory_space<vmem>>) dst(%dma_wait3A_75 : memref<8x128xf32, #tpu.memory_space<hbm>>)
    %dma_wait3A_80 = arith.constant 0 : i32
    %dma_wait3A_81 = arith.constant 196 : i32
    %dma_wait3A_82 = arith.constant 2 : i32
    %dma_wait3A_83 = arith.constant 16 : i32
    %dma_wait3A_84 = arith.constant 0 : i32
    %dma_wait3A_85 = tpu.memref_slice %arg7[%dma_wait3A_80, %dma_wait3A_83, %dma_wait3A_84] : memref<4x64x129xf32, #tpu.memory_space<vmem>> -> memref<1x8x128xf32, #tpu.memory_space<vmem>>
    %dma_wait3A_86 = tpu.memref_squeeze %dma_wait3A_85 : memref<1x8x128xf32, #tpu.memory_space<vmem>> -> memref<8x128xf32, #tpu.memory_space<vmem>>
    %dma_wait3A_87 = arith.constant 0 : i32
    %dma_wait3A_88 = arith.constant 0 : i32
    %dma_wait3A_89 = tpu.memref_slice %arg4[%dma_wait3A_81, %dma_wait3A_82, %add3A, %dma_wait3A_87, %dma_wait3A_88] : memref<200x8x32x8x128xf32, #tpu.memory_space<hbm>> -> memref<1x1x1x8x128xf32, #tpu.memory_space<hbm>>
    %dma_wait3A_90 = tpu.memref_squeeze %dma_wait3A_89 : memref<1x1x1x8x128xf32, #tpu.memory_space<hbm>> -> memref<8x128xf32, #tpu.memory_space<hbm>>
    %dma_wait3A_91 = arith.constant 0 : i32
    %dma_wait3A_92 = arith.constant 0 : i32
    %dma_wait3A_93 = tpu.memref_slice %arg4[%dma_wait3A_81, %dma_wait3A_82, %add3A, %dma_wait3A_91, %dma_wait3A_92] : memref<200x8x32x8x128xf32, #tpu.memory_space<hbm>> -> memref<1x1x1x8x128xf32, #tpu.memory_space<hbm>>
    %dma_wait3A_94 = tpu.memref_squeeze %dma_wait3A_93 : memref<1x1x1x8x128xf32, #tpu.memory_space<hbm>> -> memref<8x128xf32, #tpu.memory_space<hbm>>
    %dma_wait3A_95 = arith.constant 16 : i32
    %dma_wait3A_96 = arith.constant 0 : i32
    %dma_wait3A_97 = tpu.memref_slice %arg7[%dma_wait3A_80, %dma_wait3A_95, %dma_wait3A_96] : memref<4x64x129xf32, #tpu.memory_space<vmem>> -> memref<1x8x128xf32, #tpu.memory_space<vmem>>
    %dma_wait3A_98 = tpu.memref_squeeze %dma_wait3A_97 : memref<1x8x128xf32, #tpu.memory_space<vmem>> -> memref<8x128xf32, #tpu.memory_space<vmem>>
    tpu.wait_dma2 semaphore(%arg12 : memref<!tpu.dma_semaphore, #tpu.memory_space<semaphore_mem>>) src(%dma_wait3A_98 : memref<8x128xf32, #tpu.memory_space<vmem>>) dst(%dma_wait3A_94 : memref<8x128xf32, #tpu.memory_space<hbm>>)
    %dma_wait3A_99 = arith.constant 0 : i32
    %dma_wait3A_100 = arith.constant 196 : i32
    %dma_wait3A_101 = arith.constant 3 : i32
    %dma_wait3A_102 = arith.constant 24 : i32
    %dma_wait3A_103 = arith.constant 0 : i32
    %dma_wait3A_104 = tpu.memref_slice %arg7[%dma_wait3A_99, %dma_wait3A_102, %dma_wait3A_103] : memref<4x64x129xf32, #tpu.memory_space<vmem>> -> memref<1x8x128xf32, #tpu.memory_space<vmem>>
    %dma_wait3A_105 = tpu.memref_squeeze %dma_wait3A_104 : memref<1x8x128xf32, #tpu.memory_space<vmem>> -> memref<8x128xf32, #tpu.memory_space<vmem>>
    %dma_wait3A_106 = arith.constant 0 : i32
    %dma_wait3A_107 = arith.constant 0 : i32
    %dma_wait3A_108 = tpu.memref_slice %arg4[%dma_wait3A_100, %dma_wait3A_101, %add3A, %dma_wait3A_106, %dma_wait3A_107] : memref<200x8x32x8x128xf32, #tpu.memory_space<hbm>> -> memref<1x1x1x8x128xf32, #tpu.memory_space<hbm>>
    %dma_wait3A_109 = tpu.memref_squeeze %dma_wait3A_108 : memref<1x1x1x8x128xf32, #tpu.memory_space<hbm>> -> memref<8x128xf32, #tpu.memory_space<hbm>>
    %dma_wait3A_110 = arith.constant 0 : i32
    %dma_wait3A_111 = arith.constant 0 : i32
    %dma_wait3A_112 = tpu.memref_slice %arg4[%dma_wait3A_100, %dma_wait3A_101, %add3A, %dma_wait3A_110, %dma_wait3A_111] : memref<200x8x32x8x128xf32, #tpu.memory_space<hbm>> -> memref<1x1x1x8x128xf32, #tpu.memory_space<hbm>>
    %dma_wait3A_113 = tpu.memref_squeeze %dma_wait3A_112 : memref<1x1x1x8x128xf32, #tpu.memory_space<hbm>> -> memref<8x128xf32, #tpu.memory_space<hbm>>
    %dma_wait3A_114 = arith.constant 24 : i32
    %dma_wait3A_115 = arith.constant 0 : i32
    %dma_wait3A_116 = tpu.memref_slice %arg7[%dma_wait3A_99, %dma_wait3A_114, %dma_wait3A_115] : memref<4x64x129xf32, #tpu.memory_space<vmem>> -> memref<1x8x128xf32, #tpu.memory_space<vmem>>
    %dma_wait3A_117 = tpu.memref_squeeze %dma_wait3A_116 : memref<1x8x128xf32, #tpu.memory_space<vmem>> -> memref<8x128xf32, #tpu.memory_space<vmem>>
    tpu.wait_dma2 semaphore(%arg12 : memref<!tpu.dma_semaphore, #tpu.memory_space<semaphore_mem>>) src(%dma_wait3A_117 : memref<8x128xf32, #tpu.memory_space<vmem>>) dst(%dma_wait3A_113 : memref<8x128xf32, #tpu.memory_space<hbm>>)
    %dma_wait3A_118 = arith.constant 0 : i32
    %dma_wait3A_119 = arith.constant 196 : i32
    %dma_wait3A_120 = arith.constant 4 : i32
    %dma_wait3A_121 = arith.constant 32 : i32
    %dma_wait3A_122 = arith.constant 0 : i32
    %dma_wait3A_123 = tpu.memref_slice %arg7[%dma_wait3A_118, %dma_wait3A_121, %dma_wait3A_122] : memref<4x64x129xf32, #tpu.memory_space<vmem>> -> memref<1x8x128xf32, #tpu.memory_space<vmem>>
    %dma_wait3A_124 = tpu.memref_squeeze %dma_wait3A_123 : memref<1x8x128xf32, #tpu.memory_space<vmem>> -> memref<8x128xf32, #tpu.memory_space<vmem>>
    %dma_wait3A_125 = arith.constant 0 : i32
    %dma_wait3A_126 = arith.constant 0 : i32
    %dma_wait3A_127 = tpu.memref_slice %arg4[%dma_wait3A_119, %dma_wait3A_120, %add3A, %dma_wait3A_125, %dma_wait3A_126] : memref<200x8x32x8x128xf32, #tpu.memory_space<hbm>> -> memref<1x1x1x8x128xf32, #tpu.memory_space<hbm>>
    %dma_wait3A_128 = tpu.memref_squeeze %dma_wait3A_127 : memref<1x1x1x8x128xf32, #tpu.memory_space<hbm>> -> memref<8x128xf32, #tpu.memory_space<hbm>>
    %dma_wait3A_129 = arith.constant 0 : i32
    %dma_wait3A_130 = arith.constant 0 : i32
    %dma_wait3A_131 = tpu.memref_slice %arg4[%dma_wait3A_119, %dma_wait3A_120, %add3A, %dma_wait3A_129, %dma_wait3A_130] : memref<200x8x32x8x128xf32, #tpu.memory_space<hbm>> -> memref<1x1x1x8x128xf32, #tpu.memory_space<hbm>>
    %dma_wait3A_132 = tpu.memref_squeeze %dma_wait3A_131 : memref<1x1x1x8x128xf32, #tpu.memory_space<hbm>> -> memref<8x128xf32, #tpu.memory_space<hbm>>
    %dma_wait3A_133 = arith.constant 32 : i32
    %dma_wait3A_134 = arith.constant 0 : i32
    %dma_wait3A_135 = tpu.memref_slice %arg7[%dma_wait3A_118, %dma_wait3A_133, %dma_wait3A_134] : memref<4x64x129xf32, #tpu.memory_space<vmem>> -> memref<1x8x128xf32, #tpu.memory_space<vmem>>
    %dma_wait3A_136 = tpu.memref_squeeze %dma_wait3A_135 : memref<1x8x128xf32, #tpu.memory_space<vmem>> -> memref<8x128xf32, #tpu.memory_space<vmem>>
    tpu.wait_dma2 semaphore(%arg12 : memref<!tpu.dma_semaphore, #tpu.memory_space<semaphore_mem>>) src(%dma_wait3A_136 : memref<8x128xf32, #tpu.memory_space<vmem>>) dst(%dma_wait3A_132 : memref<8x128xf32, #tpu.memory_space<hbm>>)
    %dma_wait3A_137 = arith.constant 0 : i32
    %dma_wait3A_138 = arith.constant 196 : i32
    %dma_wait3A_139 = arith.constant 5 : i32
    %dma_wait3A_140 = arith.constant 40 : i32
    %dma_wait3A_141 = arith.constant 0 : i32
    %dma_wait3A_142 = tpu.memref_slice %arg7[%dma_wait3A_137, %dma_wait3A_140, %dma_wait3A_141] : memref<4x64x129xf32, #tpu.memory_space<vmem>> -> memref<1x8x128xf32, #tpu.memory_space<vmem>>
    %dma_wait3A_143 = tpu.memref_squeeze %dma_wait3A_142 : memref<1x8x128xf32, #tpu.memory_space<vmem>> -> memref<8x128xf32, #tpu.memory_space<vmem>>
    %dma_wait3A_144 = arith.constant 0 : i32
    %dma_wait3A_145 = arith.constant 0 : i32
    %dma_wait3A_146 = tpu.memref_slice %arg4[%dma_wait3A_138, %dma_wait3A_139, %add3A, %dma_wait3A_144, %dma_wait3A_145] : memref<200x8x32x8x128xf32, #tpu.memory_space<hbm>> -> memref<1x1x1x8x128xf32, #tpu.memory_space<hbm>>
    %dma_wait3A_147 = tpu.memref_squeeze %dma_wait3A_146 : memref<1x1x1x8x128xf32, #tpu.memory_space<hbm>> -> memref<8x128xf32, #tpu.memory_space<hbm>>
    %dma_wait3A_148 = arith.constant 0 : i32
    %dma_wait3A_149 = arith.constant 0 : i32
    %dma_wait3A_150 = tpu.memref_slice %arg4[%dma_wait3A_138, %dma_wait3A_139, %add3A, %dma_wait3A_148, %dma_wait3A_149] : memref<200x8x32x8x128xf32, #tpu.memory_space<hbm>> -> memref<1x1x1x8x128xf32, #tpu.memory_space<hbm>>
    %dma_wait3A_151 = tpu.memref_squeeze %dma_wait3A_150 : memref<1x1x1x8x128xf32, #tpu.memory_space<hbm>> -> memref<8x128xf32, #tpu.memory_space<hbm>>
    %dma_wait3A_152 = arith.constant 40 : i32
    %dma_wait3A_153 = arith.constant 0 : i32
    %dma_wait3A_154 = tpu.memref_slice %arg7[%dma_wait3A_137, %dma_wait3A_152, %dma_wait3A_153] : memref<4x64x129xf32, #tpu.memory_space<vmem>> -> memref<1x8x128xf32, #tpu.memory_space<vmem>>
    %dma_wait3A_155 = tpu.memref_squeeze %dma_wait3A_154 : memref<1x8x128xf32, #tpu.memory_space<vmem>> -> memref<8x128xf32, #tpu.memory_space<vmem>>
    tpu.wait_dma2 semaphore(%arg12 : memref<!tpu.dma_semaphore, #tpu.memory_space<semaphore_mem>>) src(%dma_wait3A_155 : memref<8x128xf32, #tpu.memory_space<vmem>>) dst(%dma_wait3A_151 : memref<8x128xf32, #tpu.memory_space<hbm>>)
    %dma_wait3A_156 = arith.constant 0 : i32
    %dma_wait3A_157 = arith.constant 196 : i32
    %dma_wait3A_158 = arith.constant 6 : i32
    %dma_wait3A_159 = arith.constant 48 : i32
    %dma_wait3A_160 = arith.constant 0 : i32
    %dma_wait3A_161 = tpu.memref_slice %arg7[%dma_wait3A_156, %dma_wait3A_159, %dma_wait3A_160] : memref<4x64x129xf32, #tpu.memory_space<vmem>> -> memref<1x8x128xf32, #tpu.memory_space<vmem>>
    %dma_wait3A_162 = tpu.memref_squeeze %dma_wait3A_161 : memref<1x8x128xf32, #tpu.memory_space<vmem>> -> memref<8x128xf32, #tpu.memory_space<vmem>>
    %dma_wait3A_163 = arith.constant 0 : i32
    %dma_wait3A_164 = arith.constant 0 : i32
    %dma_wait3A_165 = tpu.memref_slice %arg4[%dma_wait3A_157, %dma_wait3A_158, %add3A, %dma_wait3A_163, %dma_wait3A_164] : memref<200x8x32x8x128xf32, #tpu.memory_space<hbm>> -> memref<1x1x1x8x128xf32, #tpu.memory_space<hbm>>
    %dma_wait3A_166 = tpu.memref_squeeze %dma_wait3A_165 : memref<1x1x1x8x128xf32, #tpu.memory_space<hbm>> -> memref<8x128xf32, #tpu.memory_space<hbm>>
    %dma_wait3A_167 = arith.constant 0 : i32
    %dma_wait3A_168 = arith.constant 0 : i32
    %dma_wait3A_169 = tpu.memref_slice %arg4[%dma_wait3A_157, %dma_wait3A_158, %add3A, %dma_wait3A_167, %dma_wait3A_168] : memref<200x8x32x8x128xf32, #tpu.memory_space<hbm>> -> memref<1x1x1x8x128xf32, #tpu.memory_space<hbm>>
    %dma_wait3A_170 = tpu.memref_squeeze %dma_wait3A_169 : memref<1x1x1x8x128xf32, #tpu.memory_space<hbm>> -> memref<8x128xf32, #tpu.memory_space<hbm>>
    %dma_wait3A_171 = arith.constant 48 : i32
    %dma_wait3A_172 = arith.constant 0 : i32
    %dma_wait3A_173 = tpu.memref_slice %arg7[%dma_wait3A_156, %dma_wait3A_171, %dma_wait3A_172] : memref<4x64x129xf32, #tpu.memory_space<vmem>> -> memref<1x8x128xf32, #tpu.memory_space<vmem>>
    %dma_wait3A_174 = tpu.memref_squeeze %dma_wait3A_173 : memref<1x8x128xf32, #tpu.memory_space<vmem>> -> memref<8x128xf32, #tpu.memory_space<vmem>>
    tpu.wait_dma2 semaphore(%arg12 : memref<!tpu.dma_semaphore, #tpu.memory_space<semaphore_mem>>) src(%dma_wait3A_174 : memref<8x128xf32, #tpu.memory_space<vmem>>) dst(%dma_wait3A_170 : memref<8x128xf32, #tpu.memory_space<hbm>>)
    %dma_wait3A_175 = arith.constant 0 : i32
    %dma_wait3A_176 = arith.constant 196 : i32
    %dma_wait3A_177 = arith.constant 7 : i32
    %dma_wait3A_178 = arith.constant 56 : i32
    %dma_wait3A_179 = arith.constant 0 : i32
    %dma_wait3A_180 = tpu.memref_slice %arg7[%dma_wait3A_175, %dma_wait3A_178, %dma_wait3A_179] : memref<4x64x129xf32, #tpu.memory_space<vmem>> -> memref<1x8x128xf32, #tpu.memory_space<vmem>>
    %dma_wait3A_181 = tpu.memref_squeeze %dma_wait3A_180 : memref<1x8x128xf32, #tpu.memory_space<vmem>> -> memref<8x128xf32, #tpu.memory_space<vmem>>
    %dma_wait3A_182 = arith.constant 0 : i32
    %dma_wait3A_183 = arith.constant 0 : i32
    %dma_wait3A_184 = tpu.memref_slice %arg4[%dma_wait3A_176, %dma_wait3A_177, %add3A, %dma_wait3A_182, %dma_wait3A_183] : memref<200x8x32x8x128xf32, #tpu.memory_space<hbm>> -> memref<1x1x1x8x128xf32, #tpu.memory_space<hbm>>
    %dma_wait3A_185 = tpu.memref_squeeze %dma_wait3A_184 : memref<1x1x1x8x128xf32, #tpu.memory_space<hbm>> -> memref<8x128xf32, #tpu.memory_space<hbm>>
    %dma_wait3A_186 = arith.constant 0 : i32
    %dma_wait3A_187 = arith.constant 0 : i32
    %dma_wait3A_188 = tpu.memref_slice %arg4[%dma_wait3A_176, %dma_wait3A_177, %add3A, %dma_wait3A_186, %dma_wait3A_187] : memref<200x8x32x8x128xf32, #tpu.memory_space<hbm>> -> memref<1x1x1x8x128xf32, #tpu.memory_space<hbm>>
    %dma_wait3A_189 = tpu.memref_squeeze %dma_wait3A_188 : memref<1x1x1x8x128xf32, #tpu.memory_space<hbm>> -> memref<8x128xf32, #tpu.memory_space<hbm>>
    %dma_wait3A_190 = arith.constant 56 : i32
    %dma_wait3A_191 = arith.constant 0 : i32
    %dma_wait3A_192 = tpu.memref_slice %arg7[%dma_wait3A_175, %dma_wait3A_190, %dma_wait3A_191] : memref<4x64x129xf32, #tpu.memory_space<vmem>> -> memref<1x8x128xf32, #tpu.memory_space<vmem>>
    %dma_wait3A_193 = tpu.memref_squeeze %dma_wait3A_192 : memref<1x8x128xf32, #tpu.memory_space<vmem>> -> memref<8x128xf32, #tpu.memory_space<vmem>>
    tpu.wait_dma2 semaphore(%arg12 : memref<!tpu.dma_semaphore, #tpu.memory_space<semaphore_mem>>) src(%dma_wait3A_193 : memref<8x128xf32, #tpu.memory_space<vmem>>) dst(%dma_wait3A_189 : memref<8x128xf32, #tpu.memory_space<hbm>>)
    %dma_wait3A_194 = arith.constant 1 : i32
    %dma_wait3A_195 = arith.constant 197 : i32
    %dma_wait3A_196 = arith.constant 0 : i32
    %dma_wait3A_197 = arith.constant 0 : i32
    %dma_wait3A_198 = arith.constant 0 : i32
    %dma_wait3A_199 = tpu.memref_slice %arg7[%dma_wait3A_194, %dma_wait3A_197, %dma_wait3A_198] : memref<4x64x129xf32, #tpu.memory_space<vmem>> -> memref<1x8x128xf32, #tpu.memory_space<vmem>>
    %dma_wait3A_200 = tpu.memref_squeeze %dma_wait3A_199 : memref<1x8x128xf32, #tpu.memory_space<vmem>> -> memref<8x128xf32, #tpu.memory_space<vmem>>
    %dma_wait3A_201 = arith.constant 0 : i32
    %dma_wait3A_202 = arith.constant 0 : i32
    %dma_wait3A_203 = tpu.memref_slice %arg4[%dma_wait3A_195, %dma_wait3A_196, %add3A, %dma_wait3A_201, %dma_wait3A_202] : memref<200x8x32x8x128xf32, #tpu.memory_space<hbm>> -> memref<1x1x1x8x128xf32, #tpu.memory_space<hbm>>
    %dma_wait3A_204 = tpu.memref_squeeze %dma_wait3A_203 : memref<1x1x1x8x128xf32, #tpu.memory_space<hbm>> -> memref<8x128xf32, #tpu.memory_space<hbm>>
    %dma_wait3A_205 = arith.constant 0 : i32
    %dma_wait3A_206 = arith.constant 0 : i32
    %dma_wait3A_207 = tpu.memref_slice %arg4[%dma_wait3A_195, %dma_wait3A_196, %add3A, %dma_wait3A_205, %dma_wait3A_206] : memref<200x8x32x8x128xf32, #tpu.memory_space<hbm>> -> memref<1x1x1x8x128xf32, #tpu.memory_space<hbm>>
    %dma_wait3A_208 = tpu.memref_squeeze %dma_wait3A_207 : memref<1x1x1x8x128xf32, #tpu.memory_space<hbm>> -> memref<8x128xf32, #tpu.memory_space<hbm>>
    %dma_wait3A_209 = arith.constant 0 : i32
    %dma_wait3A_210 = arith.constant 0 : i32
    %dma_wait3A_211 = tpu.memref_slice %arg7[%dma_wait3A_194, %dma_wait3A_209, %dma_wait3A_210] : memref<4x64x129xf32, #tpu.memory_space<vmem>> -> memref<1x8x128xf32, #tpu.memory_space<vmem>>
    %dma_wait3A_212 = tpu.memref_squeeze %dma_wait3A_211 : memref<1x8x128xf32, #tpu.memory_space<vmem>> -> memref<8x128xf32, #tpu.memory_space<vmem>>
    tpu.wait_dma2 semaphore(%arg13 : memref<!tpu.dma_semaphore, #tpu.memory_space<semaphore_mem>>) src(%dma_wait3A_212 : memref<8x128xf32, #tpu.memory_space<vmem>>) dst(%dma_wait3A_208 : memref<8x128xf32, #tpu.memory_space<hbm>>)
    %dma_wait3A_213 = arith.constant 1 : i32
    %dma_wait3A_214 = arith.constant 197 : i32
    %dma_wait3A_215 = arith.constant 1 : i32
    %dma_wait3A_216 = arith.constant 8 : i32
    %dma_wait3A_217 = arith.constant 0 : i32
    %dma_wait3A_218 = tpu.memref_slice %arg7[%dma_wait3A_213, %dma_wait3A_216, %dma_wait3A_217] : memref<4x64x129xf32, #tpu.memory_space<vmem>> -> memref<1x8x128xf32, #tpu.memory_space<vmem>>
    %dma_wait3A_219 = tpu.memref_squeeze %dma_wait3A_218 : memref<1x8x128xf32, #tpu.memory_space<vmem>> -> memref<8x128xf32, #tpu.memory_space<vmem>>
    %dma_wait3A_220 = arith.constant 0 : i32
    %dma_wait3A_221 = arith.constant 0 : i32
    %dma_wait3A_222 = tpu.memref_slice %arg4[%dma_wait3A_214, %dma_wait3A_215, %add3A, %dma_wait3A_220, %dma_wait3A_221] : memref<200x8x32x8x128xf32, #tpu.memory_space<hbm>> -> memref<1x1x1x8x128xf32, #tpu.memory_space<hbm>>
    %dma_wait3A_223 = tpu.memref_squeeze %dma_wait3A_222 : memref<1x1x1x8x128xf32, #tpu.memory_space<hbm>> -> memref<8x128xf32, #tpu.memory_space<hbm>>
    %dma_wait3A_224 = arith.constant 0 : i32
    %dma_wait3A_225 = arith.constant 0 : i32
    %dma_wait3A_226 = tpu.memref_slice %arg4[%dma_wait3A_214, %dma_wait3A_215, %add3A, %dma_wait3A_224, %dma_wait3A_225] : memref<200x8x32x8x128xf32, #tpu.memory_space<hbm>> -> memref<1x1x1x8x128xf32, #tpu.memory_space<hbm>>
    %dma_wait3A_227 = tpu.memref_squeeze %dma_wait3A_226 : memref<1x1x1x8x128xf32, #tpu.memory_space<hbm>> -> memref<8x128xf32, #tpu.memory_space<hbm>>
    %dma_wait3A_228 = arith.constant 8 : i32
    %dma_wait3A_229 = arith.constant 0 : i32
    %dma_wait3A_230 = tpu.memref_slice %arg7[%dma_wait3A_213, %dma_wait3A_228, %dma_wait3A_229] : memref<4x64x129xf32, #tpu.memory_space<vmem>> -> memref<1x8x128xf32, #tpu.memory_space<vmem>>
    %dma_wait3A_231 = tpu.memref_squeeze %dma_wait3A_230 : memref<1x8x128xf32, #tpu.memory_space<vmem>> -> memref<8x128xf32, #tpu.memory_space<vmem>>
    tpu.wait_dma2 semaphore(%arg13 : memref<!tpu.dma_semaphore, #tpu.memory_space<semaphore_mem>>) src(%dma_wait3A_231 : memref<8x128xf32, #tpu.memory_space<vmem>>) dst(%dma_wait3A_227 : memref<8x128xf32, #tpu.memory_space<hbm>>)
    %dma_wait3A_232 = arith.constant 1 : i32
    %dma_wait3A_233 = arith.constant 197 : i32
    %dma_wait3A_234 = arith.constant 2 : i32
    %dma_wait3A_235 = arith.constant 16 : i32
    %dma_wait3A_236 = arith.constant 0 : i32
    %dma_wait3A_237 = tpu.memref_slice %arg7[%dma_wait3A_232, %dma_wait3A_235, %dma_wait3A_236] : memref<4x64x129xf32, #tpu.memory_space<vmem>> -> memref<1x8x128xf32, #tpu.memory_space<vmem>>
    %dma_wait3A_238 = tpu.memref_squeeze %dma_wait3A_237 : memref<1x8x128xf32, #tpu.memory_space<vmem>> -> memref<8x128xf32, #tpu.memory_space<vmem>>
    %dma_wait3A_239 = arith.constant 0 : i32
    %dma_wait3A_240 = arith.constant 0 : i32
    %dma_wait3A_241 = tpu.memref_slice %arg4[%dma_wait3A_233, %dma_wait3A_234, %add3A, %dma_wait3A_239, %dma_wait3A_240] : memref<200x8x32x8x128xf32, #tpu.memory_space<hbm>> -> memref<1x1x1x8x128xf32, #tpu.memory_space<hbm>>
    %dma_wait3A_242 = tpu.memref_squeeze %dma_wait3A_241 : memref<1x1x1x8x128xf32, #tpu.memory_space<hbm>> -> memref<8x128xf32, #tpu.memory_space<hbm>>
    %dma_wait3A_243 = arith.constant 0 : i32
    %dma_wait3A_244 = arith.constant 0 : i32
    %dma_wait3A_245 = tpu.memref_slice %arg4[%dma_wait3A_233, %dma_wait3A_234, %add3A, %dma_wait3A_243, %dma_wait3A_244] : memref<200x8x32x8x128xf32, #tpu.memory_space<hbm>> -> memref<1x1x1x8x128xf32, #tpu.memory_space<hbm>>
    %dma_wait3A_246 = tpu.memref_squeeze %dma_wait3A_245 : memref<1x1x1x8x128xf32, #tpu.memory_space<hbm>> -> memref<8x128xf32, #tpu.memory_space<hbm>>
    %dma_wait3A_247 = arith.constant 16 : i32
    %dma_wait3A_248 = arith.constant 0 : i32
    %dma_wait3A_249 = tpu.memref_slice %arg7[%dma_wait3A_232, %dma_wait3A_247, %dma_wait3A_248] : memref<4x64x129xf32, #tpu.memory_space<vmem>> -> memref<1x8x128xf32, #tpu.memory_space<vmem>>
    %dma_wait3A_250 = tpu.memref_squeeze %dma_wait3A_249 : memref<1x8x128xf32, #tpu.memory_space<vmem>> -> memref<8x128xf32, #tpu.memory_space<vmem>>
    tpu.wait_dma2 semaphore(%arg13 : memref<!tpu.dma_semaphore, #tpu.memory_space<semaphore_mem>>) src(%dma_wait3A_250 : memref<8x128xf32, #tpu.memory_space<vmem>>) dst(%dma_wait3A_246 : memref<8x128xf32, #tpu.memory_space<hbm>>)
    %dma_wait3A_251 = arith.constant 1 : i32
    %dma_wait3A_252 = arith.constant 197 : i32
    %dma_wait3A_253 = arith.constant 3 : i32
    %dma_wait3A_254 = arith.constant 24 : i32
    %dma_wait3A_255 = arith.constant 0 : i32
    %dma_wait3A_256 = tpu.memref_slice %arg7[%dma_wait3A_251, %dma_wait3A_254, %dma_wait3A_255] : memref<4x64x129xf32, #tpu.memory_space<vmem>> -> memref<1x8x128xf32, #tpu.memory_space<vmem>>
    %dma_wait3A_257 = tpu.memref_squeeze %dma_wait3A_256 : memref<1x8x128xf32, #tpu.memory_space<vmem>> -> memref<8x128xf32, #tpu.memory_space<vmem>>
    %dma_wait3A_258 = arith.constant 0 : i32
    %dma_wait3A_259 = arith.constant 0 : i32
    %dma_wait3A_260 = tpu.memref_slice %arg4[%dma_wait3A_252, %dma_wait3A_253, %add3A, %dma_wait3A_258, %dma_wait3A_259] : memref<200x8x32x8x128xf32, #tpu.memory_space<hbm>> -> memref<1x1x1x8x128xf32, #tpu.memory_space<hbm>>
    %dma_wait3A_261 = tpu.memref_squeeze %dma_wait3A_260 : memref<1x1x1x8x128xf32, #tpu.memory_space<hbm>> -> memref<8x128xf32, #tpu.memory_space<hbm>>
    %dma_wait3A_262 = arith.constant 0 : i32
    %dma_wait3A_263 = arith.constant 0 : i32
    %dma_wait3A_264 = tpu.memref_slice %arg4[%dma_wait3A_252, %dma_wait3A_253, %add3A, %dma_wait3A_262, %dma_wait3A_263] : memref<200x8x32x8x128xf32, #tpu.memory_space<hbm>> -> memref<1x1x1x8x128xf32, #tpu.memory_space<hbm>>
    %dma_wait3A_265 = tpu.memref_squeeze %dma_wait3A_264 : memref<1x1x1x8x128xf32, #tpu.memory_space<hbm>> -> memref<8x128xf32, #tpu.memory_space<hbm>>
    %dma_wait3A_266 = arith.constant 24 : i32
    %dma_wait3A_267 = arith.constant 0 : i32
    %dma_wait3A_268 = tpu.memref_slice %arg7[%dma_wait3A_251, %dma_wait3A_266, %dma_wait3A_267] : memref<4x64x129xf32, #tpu.memory_space<vmem>> -> memref<1x8x128xf32, #tpu.memory_space<vmem>>
    %dma_wait3A_269 = tpu.memref_squeeze %dma_wait3A_268 : memref<1x8x128xf32, #tpu.memory_space<vmem>> -> memref<8x128xf32, #tpu.memory_space<vmem>>
    tpu.wait_dma2 semaphore(%arg13 : memref<!tpu.dma_semaphore, #tpu.memory_space<semaphore_mem>>) src(%dma_wait3A_269 : memref<8x128xf32, #tpu.memory_space<vmem>>) dst(%dma_wait3A_265 : memref<8x128xf32, #tpu.memory_space<hbm>>)
    %dma_wait3A_270 = arith.constant 1 : i32
    %dma_wait3A_271 = arith.constant 197 : i32
    %dma_wait3A_272 = arith.constant 4 : i32
    %dma_wait3A_273 = arith.constant 32 : i32
    %dma_wait3A_274 = arith.constant 0 : i32
    %dma_wait3A_275 = tpu.memref_slice %arg7[%dma_wait3A_270, %dma_wait3A_273, %dma_wait3A_274] : memref<4x64x129xf32, #tpu.memory_space<vmem>> -> memref<1x8x128xf32, #tpu.memory_space<vmem>>
    %dma_wait3A_276 = tpu.memref_squeeze %dma_wait3A_275 : memref<1x8x128xf32, #tpu.memory_space<vmem>> -> memref<8x128xf32, #tpu.memory_space<vmem>>
    %dma_wait3A_277 = arith.constant 0 : i32
    %dma_wait3A_278 = arith.constant 0 : i32
    %dma_wait3A_279 = tpu.memref_slice %arg4[%dma_wait3A_271, %dma_wait3A_272, %add3A, %dma_wait3A_277, %dma_wait3A_278] : memref<200x8x32x8x128xf32, #tpu.memory_space<hbm>> -> memref<1x1x1x8x128xf32, #tpu.memory_space<hbm>>
    %dma_wait3A_280 = tpu.memref_squeeze %dma_wait3A_279 : memref<1x1x1x8x128xf32, #tpu.memory_space<hbm>> -> memref<8x128xf32, #tpu.memory_space<hbm>>
    %dma_wait3A_281 = arith.constant 0 : i32
    %dma_wait3A_282 = arith.constant 0 : i32
    %dma_wait3A_283 = tpu.memref_slice %arg4[%dma_wait3A_271, %dma_wait3A_272, %add3A, %dma_wait3A_281, %dma_wait3A_282] : memref<200x8x32x8x128xf32, #tpu.memory_space<hbm>> -> memref<1x1x1x8x128xf32, #tpu.memory_space<hbm>>
    %dma_wait3A_284 = tpu.memref_squeeze %dma_wait3A_283 : memref<1x1x1x8x128xf32, #tpu.memory_space<hbm>> -> memref<8x128xf32, #tpu.memory_space<hbm>>
    %dma_wait3A_285 = arith.constant 32 : i32
    %dma_wait3A_286 = arith.constant 0 : i32
    %dma_wait3A_287 = tpu.memref_slice %arg7[%dma_wait3A_270, %dma_wait3A_285, %dma_wait3A_286] : memref<4x64x129xf32, #tpu.memory_space<vmem>> -> memref<1x8x128xf32, #tpu.memory_space<vmem>>
    %dma_wait3A_288 = tpu.memref_squeeze %dma_wait3A_287 : memref<1x8x128xf32, #tpu.memory_space<vmem>> -> memref<8x128xf32, #tpu.memory_space<vmem>>
    tpu.wait_dma2 semaphore(%arg13 : memref<!tpu.dma_semaphore, #tpu.memory_space<semaphore_mem>>) src(%dma_wait3A_288 : memref<8x128xf32, #tpu.memory_space<vmem>>) dst(%dma_wait3A_284 : memref<8x128xf32, #tpu.memory_space<hbm>>)
    %dma_wait3A_289 = arith.constant 1 : i32
    %dma_wait3A_290 = arith.constant 197 : i32
    %dma_wait3A_291 = arith.constant 5 : i32
    %dma_wait3A_292 = arith.constant 40 : i32
    %dma_wait3A_293 = arith.constant 0 : i32
    %dma_wait3A_294 = tpu.memref_slice %arg7[%dma_wait3A_289, %dma_wait3A_292, %dma_wait3A_293] : memref<4x64x129xf32, #tpu.memory_space<vmem>> -> memref<1x8x128xf32, #tpu.memory_space<vmem>>
    %dma_wait3A_295 = tpu.memref_squeeze %dma_wait3A_294 : memref<1x8x128xf32, #tpu.memory_space<vmem>> -> memref<8x128xf32, #tpu.memory_space<vmem>>
    %dma_wait3A_296 = arith.constant 0 : i32
    %dma_wait3A_297 = arith.constant 0 : i32
    %dma_wait3A_298 = tpu.memref_slice %arg4[%dma_wait3A_290, %dma_wait3A_291, %add3A, %dma_wait3A_296, %dma_wait3A_297] : memref<200x8x32x8x128xf32, #tpu.memory_space<hbm>> -> memref<1x1x1x8x128xf32, #tpu.memory_space<hbm>>
    %dma_wait3A_299 = tpu.memref_squeeze %dma_wait3A_298 : memref<1x1x1x8x128xf32, #tpu.memory_space<hbm>> -> memref<8x128xf32, #tpu.memory_space<hbm>>
    %dma_wait3A_300 = arith.constant 0 : i32
    %dma_wait3A_301 = arith.constant 0 : i32
    %dma_wait3A_302 = tpu.memref_slice %arg4[%dma_wait3A_290, %dma_wait3A_291, %add3A, %dma_wait3A_300, %dma_wait3A_301] : memref<200x8x32x8x128xf32, #tpu.memory_space<hbm>> -> memref<1x1x1x8x128xf32, #tpu.memory_space<hbm>>
    %dma_wait3A_303 = tpu.memref_squeeze %dma_wait3A_302 : memref<1x1x1x8x128xf32, #tpu.memory_space<hbm>> -> memref<8x128xf32, #tpu.memory_space<hbm>>
    %dma_wait3A_304 = arith.constant 40 : i32
    %dma_wait3A_305 = arith.constant 0 : i32
    %dma_wait3A_306 = tpu.memref_slice %arg7[%dma_wait3A_289, %dma_wait3A_304, %dma_wait3A_305] : memref<4x64x129xf32, #tpu.memory_space<vmem>> -> memref<1x8x128xf32, #tpu.memory_space<vmem>>
    %dma_wait3A_307 = tpu.memref_squeeze %dma_wait3A_306 : memref<1x8x128xf32, #tpu.memory_space<vmem>> -> memref<8x128xf32, #tpu.memory_space<vmem>>
    tpu.wait_dma2 semaphore(%arg13 : memref<!tpu.dma_semaphore, #tpu.memory_space<semaphore_mem>>) src(%dma_wait3A_307 : memref<8x128xf32, #tpu.memory_space<vmem>>) dst(%dma_wait3A_303 : memref<8x128xf32, #tpu.memory_space<hbm>>)
    %dma_wait3A_308 = arith.constant 1 : i32
    %dma_wait3A_309 = arith.constant 197 : i32
    %dma_wait3A_310 = arith.constant 6 : i32
    %dma_wait3A_311 = arith.constant 48 : i32
    %dma_wait3A_312 = arith.constant 0 : i32
    %dma_wait3A_313 = tpu.memref_slice %arg7[%dma_wait3A_308, %dma_wait3A_311, %dma_wait3A_312] : memref<4x64x129xf32, #tpu.memory_space<vmem>> -> memref<1x8x128xf32, #tpu.memory_space<vmem>>
    %dma_wait3A_314 = tpu.memref_squeeze %dma_wait3A_313 : memref<1x8x128xf32, #tpu.memory_space<vmem>> -> memref<8x128xf32, #tpu.memory_space<vmem>>
    %dma_wait3A_315 = arith.constant 0 : i32
    %dma_wait3A_316 = arith.constant 0 : i32
    %dma_wait3A_317 = tpu.memref_slice %arg4[%dma_wait3A_309, %dma_wait3A_310, %add3A, %dma_wait3A_315, %dma_wait3A_316] : memref<200x8x32x8x128xf32, #tpu.memory_space<hbm>> -> memref<1x1x1x8x128xf32, #tpu.memory_space<hbm>>
    %dma_wait3A_318 = tpu.memref_squeeze %dma_wait3A_317 : memref<1x1x1x8x128xf32, #tpu.memory_space<hbm>> -> memref<8x128xf32, #tpu.memory_space<hbm>>
    %dma_wait3A_319 = arith.constant 0 : i32
    %dma_wait3A_320 = arith.constant 0 : i32
    %dma_wait3A_321 = tpu.memref_slice %arg4[%dma_wait3A_309, %dma_wait3A_310, %add3A, %dma_wait3A_319, %dma_wait3A_320] : memref<200x8x32x8x128xf32, #tpu.memory_space<hbm>> -> memref<1x1x1x8x128xf32, #tpu.memory_space<hbm>>
    %dma_wait3A_322 = tpu.memref_squeeze %dma_wait3A_321 : memref<1x1x1x8x128xf32, #tpu.memory_space<hbm>> -> memref<8x128xf32, #tpu.memory_space<hbm>>
    %dma_wait3A_323 = arith.constant 48 : i32
    %dma_wait3A_324 = arith.constant 0 : i32
    %dma_wait3A_325 = tpu.memref_slice %arg7[%dma_wait3A_308, %dma_wait3A_323, %dma_wait3A_324] : memref<4x64x129xf32, #tpu.memory_space<vmem>> -> memref<1x8x128xf32, #tpu.memory_space<vmem>>
    %dma_wait3A_326 = tpu.memref_squeeze %dma_wait3A_325 : memref<1x8x128xf32, #tpu.memory_space<vmem>> -> memref<8x128xf32, #tpu.memory_space<vmem>>
    tpu.wait_dma2 semaphore(%arg13 : memref<!tpu.dma_semaphore, #tpu.memory_space<semaphore_mem>>) src(%dma_wait3A_326 : memref<8x128xf32, #tpu.memory_space<vmem>>) dst(%dma_wait3A_322 : memref<8x128xf32, #tpu.memory_space<hbm>>)
    %dma_wait3A_327 = arith.constant 1 : i32
    %dma_wait3A_328 = arith.constant 197 : i32
    %dma_wait3A_329 = arith.constant 7 : i32
    %dma_wait3A_330 = arith.constant 56 : i32
    %dma_wait3A_331 = arith.constant 0 : i32
    %dma_wait3A_332 = tpu.memref_slice %arg7[%dma_wait3A_327, %dma_wait3A_330, %dma_wait3A_331] : memref<4x64x129xf32, #tpu.memory_space<vmem>> -> memref<1x8x128xf32, #tpu.memory_space<vmem>>
    %dma_wait3A_333 = tpu.memref_squeeze %dma_wait3A_332 : memref<1x8x128xf32, #tpu.memory_space<vmem>> -> memref<8x128xf32, #tpu.memory_space<vmem>>
    %dma_wait3A_334 = arith.constant 0 : i32
    %dma_wait3A_335 = arith.constant 0 : i32
    %dma_wait3A_336 = tpu.memref_slice %arg4[%dma_wait3A_328, %dma_wait3A_329, %add3A, %dma_wait3A_334, %dma_wait3A_335] : memref<200x8x32x8x128xf32, #tpu.memory_space<hbm>> -> memref<1x1x1x8x128xf32, #tpu.memory_space<hbm>>
    %dma_wait3A_337 = tpu.memref_squeeze %dma_wait3A_336 : memref<1x1x1x8x128xf32, #tpu.memory_space<hbm>> -> memref<8x128xf32, #tpu.memory_space<hbm>>
    %dma_wait3A_338 = arith.constant 0 : i32
    %dma_wait3A_339 = arith.constant 0 : i32
    %dma_wait3A_340 = tpu.memref_slice %arg4[%dma_wait3A_328, %dma_wait3A_329, %add3A, %dma_wait3A_338, %dma_wait3A_339] : memref<200x8x32x8x128xf32, #tpu.memory_space<hbm>> -> memref<1x1x1x8x128xf32, #tpu.memory_space<hbm>>
    %dma_wait3A_341 = tpu.memref_squeeze %dma_wait3A_340 : memref<1x1x1x8x128xf32, #tpu.memory_space<hbm>> -> memref<8x128xf32, #tpu.memory_space<hbm>>
    %dma_wait3A_342 = arith.constant 56 : i32
    %dma_wait3A_343 = arith.constant 0 : i32
    %dma_wait3A_344 = tpu.memref_slice %arg7[%dma_wait3A_327, %dma_wait3A_342, %dma_wait3A_343] : memref<4x64x129xf32, #tpu.memory_space<vmem>> -> memref<1x8x128xf32, #tpu.memory_space<vmem>>
    %dma_wait3A_345 = tpu.memref_squeeze %dma_wait3A_344 : memref<1x8x128xf32, #tpu.memory_space<vmem>> -> memref<8x128xf32, #tpu.memory_space<vmem>>
    tpu.wait_dma2 semaphore(%arg13 : memref<!tpu.dma_semaphore, #tpu.memory_space<semaphore_mem>>) src(%dma_wait3A_345 : memref<8x128xf32, #tpu.memory_space<vmem>>) dst(%dma_wait3A_341 : memref<8x128xf32, #tpu.memory_space<hbm>>)
    %dma_wait3A_346 = arith.constant 2 : i32
    %dma_wait3A_347 = arith.constant 198 : i32
    %dma_wait3A_348 = arith.constant 0 : i32
    %dma_wait3A_349 = arith.constant 0 : i32
    %dma_wait3A_350 = arith.constant 0 : i32
    %dma_wait3A_351 = tpu.memref_slice %arg7[%dma_wait3A_346, %dma_wait3A_349, %dma_wait3A_350] : memref<4x64x129xf32, #tpu.memory_space<vmem>> -> memref<1x8x128xf32, #tpu.memory_space<vmem>>
    %dma_wait3A_352 = tpu.memref_squeeze %dma_wait3A_351 : memref<1x8x128xf32, #tpu.memory_space<vmem>> -> memref<8x128xf32, #tpu.memory_space<vmem>>
    %dma_wait3A_353 = arith.constant 0 : i32
    %dma_wait3A_354 = arith.constant 0 : i32
    %dma_wait3A_355 = tpu.memref_slice %arg4[%dma_wait3A_347, %dma_wait3A_348, %add3A, %dma_wait3A_353, %dma_wait3A_354] : memref<200x8x32x8x128xf32, #tpu.memory_space<hbm>> -> memref<1x1x1x8x128xf32, #tpu.memory_space<hbm>>
    %dma_wait3A_356 = tpu.memref_squeeze %dma_wait3A_355 : memref<1x1x1x8x128xf32, #tpu.memory_space<hbm>> -> memref<8x128xf32, #tpu.memory_space<hbm>>
    %dma_wait3A_357 = arith.constant 0 : i32
    %dma_wait3A_358 = arith.constant 0 : i32
    %dma_wait3A_359 = tpu.memref_slice %arg4[%dma_wait3A_347, %dma_wait3A_348, %add3A, %dma_wait3A_357, %dma_wait3A_358] : memref<200x8x32x8x128xf32, #tpu.memory_space<hbm>> -> memref<1x1x1x8x128xf32, #tpu.memory_space<hbm>>
    %dma_wait3A_360 = tpu.memref_squeeze %dma_wait3A_359 : memref<1x1x1x8x128xf32, #tpu.memory_space<hbm>> -> memref<8x128xf32, #tpu.memory_space<hbm>>
    %dma_wait3A_361 = arith.constant 0 : i32
    %dma_wait3A_362 = arith.constant 0 : i32
    %dma_wait3A_363 = tpu.memref_slice %arg7[%dma_wait3A_346, %dma_wait3A_361, %dma_wait3A_362] : memref<4x64x129xf32, #tpu.memory_space<vmem>> -> memref<1x8x128xf32, #tpu.memory_space<vmem>>
    %dma_wait3A_364 = tpu.memref_squeeze %dma_wait3A_363 : memref<1x8x128xf32, #tpu.memory_space<vmem>> -> memref<8x128xf32, #tpu.memory_space<vmem>>
    tpu.wait_dma2 semaphore(%arg14 : memref<!tpu.dma_semaphore, #tpu.memory_space<semaphore_mem>>) src(%dma_wait3A_364 : memref<8x128xf32, #tpu.memory_space<vmem>>) dst(%dma_wait3A_360 : memref<8x128xf32, #tpu.memory_space<hbm>>)
    %dma_wait3A_365 = arith.constant 2 : i32
    %dma_wait3A_366 = arith.constant 198 : i32
    %dma_wait3A_367 = arith.constant 1 : i32
    %dma_wait3A_368 = arith.constant 8 : i32
    %dma_wait3A_369 = arith.constant 0 : i32
    %dma_wait3A_370 = tpu.memref_slice %arg7[%dma_wait3A_365, %dma_wait3A_368, %dma_wait3A_369] : memref<4x64x129xf32, #tpu.memory_space<vmem>> -> memref<1x8x128xf32, #tpu.memory_space<vmem>>
    %dma_wait3A_371 = tpu.memref_squeeze %dma_wait3A_370 : memref<1x8x128xf32, #tpu.memory_space<vmem>> -> memref<8x128xf32, #tpu.memory_space<vmem>>
    %dma_wait3A_372 = arith.constant 0 : i32
    %dma_wait3A_373 = arith.constant 0 : i32
    %dma_wait3A_374 = tpu.memref_slice %arg4[%dma_wait3A_366, %dma_wait3A_367, %add3A, %dma_wait3A_372, %dma_wait3A_373] : memref<200x8x32x8x128xf32, #tpu.memory_space<hbm>> -> memref<1x1x1x8x128xf32, #tpu.memory_space<hbm>>
    %dma_wait3A_375 = tpu.memref_squeeze %dma_wait3A_374 : memref<1x1x1x8x128xf32, #tpu.memory_space<hbm>> -> memref<8x128xf32, #tpu.memory_space<hbm>>
    %dma_wait3A_376 = arith.constant 0 : i32
    %dma_wait3A_377 = arith.constant 0 : i32
    %dma_wait3A_378 = tpu.memref_slice %arg4[%dma_wait3A_366, %dma_wait3A_367, %add3A, %dma_wait3A_376, %dma_wait3A_377] : memref<200x8x32x8x128xf32, #tpu.memory_space<hbm>> -> memref<1x1x1x8x128xf32, #tpu.memory_space<hbm>>
    %dma_wait3A_379 = tpu.memref_squeeze %dma_wait3A_378 : memref<1x1x1x8x128xf32, #tpu.memory_space<hbm>> -> memref<8x128xf32, #tpu.memory_space<hbm>>
    %dma_wait3A_380 = arith.constant 8 : i32
    %dma_wait3A_381 = arith.constant 0 : i32
    %dma_wait3A_382 = tpu.memref_slice %arg7[%dma_wait3A_365, %dma_wait3A_380, %dma_wait3A_381] : memref<4x64x129xf32, #tpu.memory_space<vmem>> -> memref<1x8x128xf32, #tpu.memory_space<vmem>>
    %dma_wait3A_383 = tpu.memref_squeeze %dma_wait3A_382 : memref<1x8x128xf32, #tpu.memory_space<vmem>> -> memref<8x128xf32, #tpu.memory_space<vmem>>
    tpu.wait_dma2 semaphore(%arg14 : memref<!tpu.dma_semaphore, #tpu.memory_space<semaphore_mem>>) src(%dma_wait3A_383 : memref<8x128xf32, #tpu.memory_space<vmem>>) dst(%dma_wait3A_379 : memref<8x128xf32, #tpu.memory_space<hbm>>)
    %dma_wait3A_384 = arith.constant 2 : i32
    %dma_wait3A_385 = arith.constant 198 : i32
    %dma_wait3A_386 = arith.constant 2 : i32
    %dma_wait3A_387 = arith.constant 16 : i32
    %dma_wait3A_388 = arith.constant 0 : i32
    %dma_wait3A_389 = tpu.memref_slice %arg7[%dma_wait3A_384, %dma_wait3A_387, %dma_wait3A_388] : memref<4x64x129xf32, #tpu.memory_space<vmem>> -> memref<1x8x128xf32, #tpu.memory_space<vmem>>
    %dma_wait3A_390 = tpu.memref_squeeze %dma_wait3A_389 : memref<1x8x128xf32, #tpu.memory_space<vmem>> -> memref<8x128xf32, #tpu.memory_space<vmem>>
    %dma_wait3A_391 = arith.constant 0 : i32
    %dma_wait3A_392 = arith.constant 0 : i32
    %dma_wait3A_393 = tpu.memref_slice %arg4[%dma_wait3A_385, %dma_wait3A_386, %add3A, %dma_wait3A_391, %dma_wait3A_392] : memref<200x8x32x8x128xf32, #tpu.memory_space<hbm>> -> memref<1x1x1x8x128xf32, #tpu.memory_space<hbm>>
    %dma_wait3A_394 = tpu.memref_squeeze %dma_wait3A_393 : memref<1x1x1x8x128xf32, #tpu.memory_space<hbm>> -> memref<8x128xf32, #tpu.memory_space<hbm>>
    %dma_wait3A_395 = arith.constant 0 : i32
    %dma_wait3A_396 = arith.constant 0 : i32
    %dma_wait3A_397 = tpu.memref_slice %arg4[%dma_wait3A_385, %dma_wait3A_386, %add3A, %dma_wait3A_395, %dma_wait3A_396] : memref<200x8x32x8x128xf32, #tpu.memory_space<hbm>> -> memref<1x1x1x8x128xf32, #tpu.memory_space<hbm>>
    %dma_wait3A_398 = tpu.memref_squeeze %dma_wait3A_397 : memref<1x1x1x8x128xf32, #tpu.memory_space<hbm>> -> memref<8x128xf32, #tpu.memory_space<hbm>>
    %dma_wait3A_399 = arith.constant 16 : i32
    %dma_wait3A_400 = arith.constant 0 : i32
    %dma_wait3A_401 = tpu.memref_slice %arg7[%dma_wait3A_384, %dma_wait3A_399, %dma_wait3A_400] : memref<4x64x129xf32, #tpu.memory_space<vmem>> -> memref<1x8x128xf32, #tpu.memory_space<vmem>>
    %dma_wait3A_402 = tpu.memref_squeeze %dma_wait3A_401 : memref<1x8x128xf32, #tpu.memory_space<vmem>> -> memref<8x128xf32, #tpu.memory_space<vmem>>
    tpu.wait_dma2 semaphore(%arg14 : memref<!tpu.dma_semaphore, #tpu.memory_space<semaphore_mem>>) src(%dma_wait3A_402 : memref<8x128xf32, #tpu.memory_space<vmem>>) dst(%dma_wait3A_398 : memref<8x128xf32, #tpu.memory_space<hbm>>)
    %dma_wait3A_403 = arith.constant 2 : i32
    %dma_wait3A_404 = arith.constant 198 : i32
    %dma_wait3A_405 = arith.constant 3 : i32
    %dma_wait3A_406 = arith.constant 24 : i32
    %dma_wait3A_407 = arith.constant 0 : i32
    %dma_wait3A_408 = tpu.memref_slice %arg7[%dma_wait3A_403, %dma_wait3A_406, %dma_wait3A_407] : memref<4x64x129xf32, #tpu.memory_space<vmem>> -> memref<1x8x128xf32, #tpu.memory_space<vmem>>
    %dma_wait3A_409 = tpu.memref_squeeze %dma_wait3A_408 : memref<1x8x128xf32, #tpu.memory_space<vmem>> -> memref<8x128xf32, #tpu.memory_space<vmem>>
    %dma_wait3A_410 = arith.constant 0 : i32
    %dma_wait3A_411 = arith.constant 0 : i32
    %dma_wait3A_412 = tpu.memref_slice %arg4[%dma_wait3A_404, %dma_wait3A_405, %add3A, %dma_wait3A_410, %dma_wait3A_411] : memref<200x8x32x8x128xf32, #tpu.memory_space<hbm>> -> memref<1x1x1x8x128xf32, #tpu.memory_space<hbm>>
    %dma_wait3A_413 = tpu.memref_squeeze %dma_wait3A_412 : memref<1x1x1x8x128xf32, #tpu.memory_space<hbm>> -> memref<8x128xf32, #tpu.memory_space<hbm>>
    %dma_wait3A_414 = arith.constant 0 : i32
    %dma_wait3A_415 = arith.constant 0 : i32
    %dma_wait3A_416 = tpu.memref_slice %arg4[%dma_wait3A_404, %dma_wait3A_405, %add3A, %dma_wait3A_414, %dma_wait3A_415] : memref<200x8x32x8x128xf32, #tpu.memory_space<hbm>> -> memref<1x1x1x8x128xf32, #tpu.memory_space<hbm>>
    %dma_wait3A_417 = tpu.memref_squeeze %dma_wait3A_416 : memref<1x1x1x8x128xf32, #tpu.memory_space<hbm>> -> memref<8x128xf32, #tpu.memory_space<hbm>>
    %dma_wait3A_418 = arith.constant 24 : i32
    %dma_wait3A_419 = arith.constant 0 : i32
    %dma_wait3A_420 = tpu.memref_slice %arg7[%dma_wait3A_403, %dma_wait3A_418, %dma_wait3A_419] : memref<4x64x129xf32, #tpu.memory_space<vmem>> -> memref<1x8x128xf32, #tpu.memory_space<vmem>>
    %dma_wait3A_421 = tpu.memref_squeeze %dma_wait3A_420 : memref<1x8x128xf32, #tpu.memory_space<vmem>> -> memref<8x128xf32, #tpu.memory_space<vmem>>
    tpu.wait_dma2 semaphore(%arg14 : memref<!tpu.dma_semaphore, #tpu.memory_space<semaphore_mem>>) src(%dma_wait3A_421 : memref<8x128xf32, #tpu.memory_space<vmem>>) dst(%dma_wait3A_417 : memref<8x128xf32, #tpu.memory_space<hbm>>)
    %dma_wait3A_422 = arith.constant 2 : i32
    %dma_wait3A_423 = arith.constant 198 : i32
    %dma_wait3A_424 = arith.constant 4 : i32
    %dma_wait3A_425 = arith.constant 32 : i32
    %dma_wait3A_426 = arith.constant 0 : i32
    %dma_wait3A_427 = tpu.memref_slice %arg7[%dma_wait3A_422, %dma_wait3A_425, %dma_wait3A_426] : memref<4x64x129xf32, #tpu.memory_space<vmem>> -> memref<1x8x128xf32, #tpu.memory_space<vmem>>
    %dma_wait3A_428 = tpu.memref_squeeze %dma_wait3A_427 : memref<1x8x128xf32, #tpu.memory_space<vmem>> -> memref<8x128xf32, #tpu.memory_space<vmem>>
    %dma_wait3A_429 = arith.constant 0 : i32
    %dma_wait3A_430 = arith.constant 0 : i32
    %dma_wait3A_431 = tpu.memref_slice %arg4[%dma_wait3A_423, %dma_wait3A_424, %add3A, %dma_wait3A_429, %dma_wait3A_430] : memref<200x8x32x8x128xf32, #tpu.memory_space<hbm>> -> memref<1x1x1x8x128xf32, #tpu.memory_space<hbm>>
    %dma_wait3A_432 = tpu.memref_squeeze %dma_wait3A_431 : memref<1x1x1x8x128xf32, #tpu.memory_space<hbm>> -> memref<8x128xf32, #tpu.memory_space<hbm>>
    %dma_wait3A_433 = arith.constant 0 : i32
    %dma_wait3A_434 = arith.constant 0 : i32
    %dma_wait3A_435 = tpu.memref_slice %arg4[%dma_wait3A_423, %dma_wait3A_424, %add3A, %dma_wait3A_433, %dma_wait3A_434] : memref<200x8x32x8x128xf32, #tpu.memory_space<hbm>> -> memref<1x1x1x8x128xf32, #tpu.memory_space<hbm>>
    %dma_wait3A_436 = tpu.memref_squeeze %dma_wait3A_435 : memref<1x1x1x8x128xf32, #tpu.memory_space<hbm>> -> memref<8x128xf32, #tpu.memory_space<hbm>>
    %dma_wait3A_437 = arith.constant 32 : i32
    %dma_wait3A_438 = arith.constant 0 : i32
    %dma_wait3A_439 = tpu.memref_slice %arg7[%dma_wait3A_422, %dma_wait3A_437, %dma_wait3A_438] : memref<4x64x129xf32, #tpu.memory_space<vmem>> -> memref<1x8x128xf32, #tpu.memory_space<vmem>>
    %dma_wait3A_440 = tpu.memref_squeeze %dma_wait3A_439 : memref<1x8x128xf32, #tpu.memory_space<vmem>> -> memref<8x128xf32, #tpu.memory_space<vmem>>
    tpu.wait_dma2 semaphore(%arg14 : memref<!tpu.dma_semaphore, #tpu.memory_space<semaphore_mem>>) src(%dma_wait3A_440 : memref<8x128xf32, #tpu.memory_space<vmem>>) dst(%dma_wait3A_436 : memref<8x128xf32, #tpu.memory_space<hbm>>)
    %dma_wait3A_441 = arith.constant 2 : i32
    %dma_wait3A_442 = arith.constant 198 : i32
    %dma_wait3A_443 = arith.constant 5 : i32
    %dma_wait3A_444 = arith.constant 40 : i32
    %dma_wait3A_445 = arith.constant 0 : i32
    %dma_wait3A_446 = tpu.memref_slice %arg7[%dma_wait3A_441, %dma_wait3A_444, %dma_wait3A_445] : memref<4x64x129xf32, #tpu.memory_space<vmem>> -> memref<1x8x128xf32, #tpu.memory_space<vmem>>
    %dma_wait3A_447 = tpu.memref_squeeze %dma_wait3A_446 : memref<1x8x128xf32, #tpu.memory_space<vmem>> -> memref<8x128xf32, #tpu.memory_space<vmem>>
    %dma_wait3A_448 = arith.constant 0 : i32
    %dma_wait3A_449 = arith.constant 0 : i32
    %dma_wait3A_450 = tpu.memref_slice %arg4[%dma_wait3A_442, %dma_wait3A_443, %add3A, %dma_wait3A_448, %dma_wait3A_449] : memref<200x8x32x8x128xf32, #tpu.memory_space<hbm>> -> memref<1x1x1x8x128xf32, #tpu.memory_space<hbm>>
    %dma_wait3A_451 = tpu.memref_squeeze %dma_wait3A_450 : memref<1x1x1x8x128xf32, #tpu.memory_space<hbm>> -> memref<8x128xf32, #tpu.memory_space<hbm>>
    %dma_wait3A_452 = arith.constant 0 : i32
    %dma_wait3A_453 = arith.constant 0 : i32
    %dma_wait3A_454 = tpu.memref_slice %arg4[%dma_wait3A_442, %dma_wait3A_443, %add3A, %dma_wait3A_452, %dma_wait3A_453] : memref<200x8x32x8x128xf32, #tpu.memory_space<hbm>> -> memref<1x1x1x8x128xf32, #tpu.memory_space<hbm>>
    %dma_wait3A_455 = tpu.memref_squeeze %dma_wait3A_454 : memref<1x1x1x8x128xf32, #tpu.memory_space<hbm>> -> memref<8x128xf32, #tpu.memory_space<hbm>>
    %dma_wait3A_456 = arith.constant 40 : i32
    %dma_wait3A_457 = arith.constant 0 : i32
    %dma_wait3A_458 = tpu.memref_slice %arg7[%dma_wait3A_441, %dma_wait3A_456, %dma_wait3A_457] : memref<4x64x129xf32, #tpu.memory_space<vmem>> -> memref<1x8x128xf32, #tpu.memory_space<vmem>>
    %dma_wait3A_459 = tpu.memref_squeeze %dma_wait3A_458 : memref<1x8x128xf32, #tpu.memory_space<vmem>> -> memref<8x128xf32, #tpu.memory_space<vmem>>
    tpu.wait_dma2 semaphore(%arg14 : memref<!tpu.dma_semaphore, #tpu.memory_space<semaphore_mem>>) src(%dma_wait3A_459 : memref<8x128xf32, #tpu.memory_space<vmem>>) dst(%dma_wait3A_455 : memref<8x128xf32, #tpu.memory_space<hbm>>)
    %dma_wait3A_460 = arith.constant 2 : i32
    %dma_wait3A_461 = arith.constant 198 : i32
    %dma_wait3A_462 = arith.constant 6 : i32
    %dma_wait3A_463 = arith.constant 48 : i32
    %dma_wait3A_464 = arith.constant 0 : i32
    %dma_wait3A_465 = tpu.memref_slice %arg7[%dma_wait3A_460, %dma_wait3A_463, %dma_wait3A_464] : memref<4x64x129xf32, #tpu.memory_space<vmem>> -> memref<1x8x128xf32, #tpu.memory_space<vmem>>
    %dma_wait3A_466 = tpu.memref_squeeze %dma_wait3A_465 : memref<1x8x128xf32, #tpu.memory_space<vmem>> -> memref<8x128xf32, #tpu.memory_space<vmem>>
    %dma_wait3A_467 = arith.constant 0 : i32
    %dma_wait3A_468 = arith.constant 0 : i32
    %dma_wait3A_469 = tpu.memref_slice %arg4[%dma_wait3A_461, %dma_wait3A_462, %add3A, %dma_wait3A_467, %dma_wait3A_468] : memref<200x8x32x8x128xf32, #tpu.memory_space<hbm>> -> memref<1x1x1x8x128xf32, #tpu.memory_space<hbm>>
    %dma_wait3A_470 = tpu.memref_squeeze %dma_wait3A_469 : memref<1x1x1x8x128xf32, #tpu.memory_space<hbm>> -> memref<8x128xf32, #tpu.memory_space<hbm>>
    %dma_wait3A_471 = arith.constant 0 : i32
    %dma_wait3A_472 = arith.constant 0 : i32
    %dma_wait3A_473 = tpu.memref_slice %arg4[%dma_wait3A_461, %dma_wait3A_462, %add3A, %dma_wait3A_471, %dma_wait3A_472] : memref<200x8x32x8x128xf32, #tpu.memory_space<hbm>> -> memref<1x1x1x8x128xf32, #tpu.memory_space<hbm>>
    %dma_wait3A_474 = tpu.memref_squeeze %dma_wait3A_473 : memref<1x1x1x8x128xf32, #tpu.memory_space<hbm>> -> memref<8x128xf32, #tpu.memory_space<hbm>>
    %dma_wait3A_475 = arith.constant 48 : i32
    %dma_wait3A_476 = arith.constant 0 : i32
    %dma_wait3A_477 = tpu.memref_slice %arg7[%dma_wait3A_460, %dma_wait3A_475, %dma_wait3A_476] : memref<4x64x129xf32, #tpu.memory_space<vmem>> -> memref<1x8x128xf32, #tpu.memory_space<vmem>>
    %dma_wait3A_478 = tpu.memref_squeeze %dma_wait3A_477 : memref<1x8x128xf32, #tpu.memory_space<vmem>> -> memref<8x128xf32, #tpu.memory_space<vmem>>
    tpu.wait_dma2 semaphore(%arg14 : memref<!tpu.dma_semaphore, #tpu.memory_space<semaphore_mem>>) src(%dma_wait3A_478 : memref<8x128xf32, #tpu.memory_space<vmem>>) dst(%dma_wait3A_474 : memref<8x128xf32, #tpu.memory_space<hbm>>)
    %dma_wait3A_479 = arith.constant 2 : i32
    %dma_wait3A_480 = arith.constant 198 : i32
    %dma_wait3A_481 = arith.constant 7 : i32
    %dma_wait3A_482 = arith.constant 56 : i32
    %dma_wait3A_483 = arith.constant 0 : i32
    %dma_wait3A_484 = tpu.memref_slice %arg7[%dma_wait3A_479, %dma_wait3A_482, %dma_wait3A_483] : memref<4x64x129xf32, #tpu.memory_space<vmem>> -> memref<1x8x128xf32, #tpu.memory_space<vmem>>
    %dma_wait3A_485 = tpu.memref_squeeze %dma_wait3A_484 : memref<1x8x128xf32, #tpu.memory_space<vmem>> -> memref<8x128xf32, #tpu.memory_space<vmem>>
    %dma_wait3A_486 = arith.constant 0 : i32
    %dma_wait3A_487 = arith.constant 0 : i32
    %dma_wait3A_488 = tpu.memref_slice %arg4[%dma_wait3A_480, %dma_wait3A_481, %add3A, %dma_wait3A_486, %dma_wait3A_487] : memref<200x8x32x8x128xf32, #tpu.memory_space<hbm>> -> memref<1x1x1x8x128xf32, #tpu.memory_space<hbm>>
    %dma_wait3A_489 = tpu.memref_squeeze %dma_wait3A_488 : memref<1x1x1x8x128xf32, #tpu.memory_space<hbm>> -> memref<8x128xf32, #tpu.memory_space<hbm>>
    %dma_wait3A_490 = arith.constant 0 : i32
    %dma_wait3A_491 = arith.constant 0 : i32
    %dma_wait3A_492 = tpu.memref_slice %arg4[%dma_wait3A_480, %dma_wait3A_481, %add3A, %dma_wait3A_490, %dma_wait3A_491] : memref<200x8x32x8x128xf32, #tpu.memory_space<hbm>> -> memref<1x1x1x8x128xf32, #tpu.memory_space<hbm>>
    %dma_wait3A_493 = tpu.memref_squeeze %dma_wait3A_492 : memref<1x1x1x8x128xf32, #tpu.memory_space<hbm>> -> memref<8x128xf32, #tpu.memory_space<hbm>>
    %dma_wait3A_494 = arith.constant 56 : i32
    %dma_wait3A_495 = arith.constant 0 : i32
    %dma_wait3A_496 = tpu.memref_slice %arg7[%dma_wait3A_479, %dma_wait3A_494, %dma_wait3A_495] : memref<4x64x129xf32, #tpu.memory_space<vmem>> -> memref<1x8x128xf32, #tpu.memory_space<vmem>>
    %dma_wait3A_497 = tpu.memref_squeeze %dma_wait3A_496 : memref<1x8x128xf32, #tpu.memory_space<vmem>> -> memref<8x128xf32, #tpu.memory_space<vmem>>
    tpu.wait_dma2 semaphore(%arg14 : memref<!tpu.dma_semaphore, #tpu.memory_space<semaphore_mem>>) src(%dma_wait3A_497 : memref<8x128xf32, #tpu.memory_space<vmem>>) dst(%dma_wait3A_493 : memref<8x128xf32, #tpu.memory_space<hbm>>)
    %dma_wait3A_498 = arith.constant 3 : i32
    %dma_wait3A_499 = arith.constant 199 : i32
    %dma_wait3A_500 = arith.constant 0 : i32
    %dma_wait3A_501 = arith.constant 0 : i32
    %dma_wait3A_502 = arith.constant 0 : i32
    %dma_wait3A_503 = tpu.memref_slice %arg7[%dma_wait3A_498, %dma_wait3A_501, %dma_wait3A_502] : memref<4x64x129xf32, #tpu.memory_space<vmem>> -> memref<1x8x128xf32, #tpu.memory_space<vmem>>
    %dma_wait3A_504 = tpu.memref_squeeze %dma_wait3A_503 : memref<1x8x128xf32, #tpu.memory_space<vmem>> -> memref<8x128xf32, #tpu.memory_space<vmem>>
    %dma_wait3A_505 = arith.constant 0 : i32
    %dma_wait3A_506 = arith.constant 0 : i32
    %dma_wait3A_507 = tpu.memref_slice %arg4[%dma_wait3A_499, %dma_wait3A_500, %add3A, %dma_wait3A_505, %dma_wait3A_506] : memref<200x8x32x8x128xf32, #tpu.memory_space<hbm>> -> memref<1x1x1x8x128xf32, #tpu.memory_space<hbm>>
    %dma_wait3A_508 = tpu.memref_squeeze %dma_wait3A_507 : memref<1x1x1x8x128xf32, #tpu.memory_space<hbm>> -> memref<8x128xf32, #tpu.memory_space<hbm>>
    %dma_wait3A_509 = arith.constant 0 : i32
    %dma_wait3A_510 = arith.constant 0 : i32
    %dma_wait3A_511 = tpu.memref_slice %arg4[%dma_wait3A_499, %dma_wait3A_500, %add3A, %dma_wait3A_509, %dma_wait3A_510] : memref<200x8x32x8x128xf32, #tpu.memory_space<hbm>> -> memref<1x1x1x8x128xf32, #tpu.memory_space<hbm>>
    %dma_wait3A_512 = tpu.memref_squeeze %dma_wait3A_511 : memref<1x1x1x8x128xf32, #tpu.memory_space<hbm>> -> memref<8x128xf32, #tpu.memory_space<hbm>>
    %dma_wait3A_513 = arith.constant 0 : i32
    %dma_wait3A_514 = arith.constant 0 : i32
    %dma_wait3A_515 = tpu.memref_slice %arg7[%dma_wait3A_498, %dma_wait3A_513, %dma_wait3A_514] : memref<4x64x129xf32, #tpu.memory_space<vmem>> -> memref<1x8x128xf32, #tpu.memory_space<vmem>>
    %dma_wait3A_516 = tpu.memref_squeeze %dma_wait3A_515 : memref<1x8x128xf32, #tpu.memory_space<vmem>> -> memref<8x128xf32, #tpu.memory_space<vmem>>
    tpu.wait_dma2 semaphore(%arg15 : memref<!tpu.dma_semaphore, #tpu.memory_space<semaphore_mem>>) src(%dma_wait3A_516 : memref<8x128xf32, #tpu.memory_space<vmem>>) dst(%dma_wait3A_512 : memref<8x128xf32, #tpu.memory_space<hbm>>)
    %dma_wait3A_517 = arith.constant 3 : i32
    %dma_wait3A_518 = arith.constant 199 : i32
    %dma_wait3A_519 = arith.constant 1 : i32
    %dma_wait3A_520 = arith.constant 8 : i32
    %dma_wait3A_521 = arith.constant 0 : i32
    %dma_wait3A_522 = tpu.memref_slice %arg7[%dma_wait3A_517, %dma_wait3A_520, %dma_wait3A_521] : memref<4x64x129xf32, #tpu.memory_space<vmem>> -> memref<1x8x128xf32, #tpu.memory_space<vmem>>
    %dma_wait3A_523 = tpu.memref_squeeze %dma_wait3A_522 : memref<1x8x128xf32, #tpu.memory_space<vmem>> -> memref<8x128xf32, #tpu.memory_space<vmem>>
    %dma_wait3A_524 = arith.constant 0 : i32
    %dma_wait3A_525 = arith.constant 0 : i32
    %dma_wait3A_526 = tpu.memref_slice %arg4[%dma_wait3A_518, %dma_wait3A_519, %add3A, %dma_wait3A_524, %dma_wait3A_525] : memref<200x8x32x8x128xf32, #tpu.memory_space<hbm>> -> memref<1x1x1x8x128xf32, #tpu.memory_space<hbm>>
    %dma_wait3A_527 = tpu.memref_squeeze %dma_wait3A_526 : memref<1x1x1x8x128xf32, #tpu.memory_space<hbm>> -> memref<8x128xf32, #tpu.memory_space<hbm>>
    %dma_wait3A_528 = arith.constant 0 : i32
    %dma_wait3A_529 = arith.constant 0 : i32
    %dma_wait3A_530 = tpu.memref_slice %arg4[%dma_wait3A_518, %dma_wait3A_519, %add3A, %dma_wait3A_528, %dma_wait3A_529] : memref<200x8x32x8x128xf32, #tpu.memory_space<hbm>> -> memref<1x1x1x8x128xf32, #tpu.memory_space<hbm>>
    %dma_wait3A_531 = tpu.memref_squeeze %dma_wait3A_530 : memref<1x1x1x8x128xf32, #tpu.memory_space<hbm>> -> memref<8x128xf32, #tpu.memory_space<hbm>>
    %dma_wait3A_532 = arith.constant 8 : i32
    %dma_wait3A_533 = arith.constant 0 : i32
    %dma_wait3A_534 = tpu.memref_slice %arg7[%dma_wait3A_517, %dma_wait3A_532, %dma_wait3A_533] : memref<4x64x129xf32, #tpu.memory_space<vmem>> -> memref<1x8x128xf32, #tpu.memory_space<vmem>>
    %dma_wait3A_535 = tpu.memref_squeeze %dma_wait3A_534 : memref<1x8x128xf32, #tpu.memory_space<vmem>> -> memref<8x128xf32, #tpu.memory_space<vmem>>
    tpu.wait_dma2 semaphore(%arg15 : memref<!tpu.dma_semaphore, #tpu.memory_space<semaphore_mem>>) src(%dma_wait3A_535 : memref<8x128xf32, #tpu.memory_space<vmem>>) dst(%dma_wait3A_531 : memref<8x128xf32, #tpu.memory_space<hbm>>)
    %dma_wait3A_536 = arith.constant 3 : i32
    %dma_wait3A_537 = arith.constant 199 : i32
    %dma_wait3A_538 = arith.constant 2 : i32
    %dma_wait3A_539 = arith.constant 16 : i32
    %dma_wait3A_540 = arith.constant 0 : i32
    %dma_wait3A_541 = tpu.memref_slice %arg7[%dma_wait3A_536, %dma_wait3A_539, %dma_wait3A_540] : memref<4x64x129xf32, #tpu.memory_space<vmem>> -> memref<1x8x128xf32, #tpu.memory_space<vmem>>
    %dma_wait3A_542 = tpu.memref_squeeze %dma_wait3A_541 : memref<1x8x128xf32, #tpu.memory_space<vmem>> -> memref<8x128xf32, #tpu.memory_space<vmem>>
    %dma_wait3A_543 = arith.constant 0 : i32
    %dma_wait3A_544 = arith.constant 0 : i32
    %dma_wait3A_545 = tpu.memref_slice %arg4[%dma_wait3A_537, %dma_wait3A_538, %add3A, %dma_wait3A_543, %dma_wait3A_544] : memref<200x8x32x8x128xf32, #tpu.memory_space<hbm>> -> memref<1x1x1x8x128xf32, #tpu.memory_space<hbm>>
    %dma_wait3A_546 = tpu.memref_squeeze %dma_wait3A_545 : memref<1x1x1x8x128xf32, #tpu.memory_space<hbm>> -> memref<8x128xf32, #tpu.memory_space<hbm>>
    %dma_wait3A_547 = arith.constant 0 : i32
    %dma_wait3A_548 = arith.constant 0 : i32
    %dma_wait3A_549 = tpu.memref_slice %arg4[%dma_wait3A_537, %dma_wait3A_538, %add3A, %dma_wait3A_547, %dma_wait3A_548] : memref<200x8x32x8x128xf32, #tpu.memory_space<hbm>> -> memref<1x1x1x8x128xf32, #tpu.memory_space<hbm>>
    %dma_wait3A_550 = tpu.memref_squeeze %dma_wait3A_549 : memref<1x1x1x8x128xf32, #tpu.memory_space<hbm>> -> memref<8x128xf32, #tpu.memory_space<hbm>>
    %dma_wait3A_551 = arith.constant 16 : i32
    %dma_wait3A_552 = arith.constant 0 : i32
    %dma_wait3A_553 = tpu.memref_slice %arg7[%dma_wait3A_536, %dma_wait3A_551, %dma_wait3A_552] : memref<4x64x129xf32, #tpu.memory_space<vmem>> -> memref<1x8x128xf32, #tpu.memory_space<vmem>>
    %dma_wait3A_554 = tpu.memref_squeeze %dma_wait3A_553 : memref<1x8x128xf32, #tpu.memory_space<vmem>> -> memref<8x128xf32, #tpu.memory_space<vmem>>
    tpu.wait_dma2 semaphore(%arg15 : memref<!tpu.dma_semaphore, #tpu.memory_space<semaphore_mem>>) src(%dma_wait3A_554 : memref<8x128xf32, #tpu.memory_space<vmem>>) dst(%dma_wait3A_550 : memref<8x128xf32, #tpu.memory_space<hbm>>)
    %dma_wait3A_555 = arith.constant 3 : i32
    %dma_wait3A_556 = arith.constant 199 : i32
    %dma_wait3A_557 = arith.constant 3 : i32
    %dma_wait3A_558 = arith.constant 24 : i32
    %dma_wait3A_559 = arith.constant 0 : i32
    %dma_wait3A_560 = tpu.memref_slice %arg7[%dma_wait3A_555, %dma_wait3A_558, %dma_wait3A_559] : memref<4x64x129xf32, #tpu.memory_space<vmem>> -> memref<1x8x128xf32, #tpu.memory_space<vmem>>
    %dma_wait3A_561 = tpu.memref_squeeze %dma_wait3A_560 : memref<1x8x128xf32, #tpu.memory_space<vmem>> -> memref<8x128xf32, #tpu.memory_space<vmem>>
    %dma_wait3A_562 = arith.constant 0 : i32
    %dma_wait3A_563 = arith.constant 0 : i32
    %dma_wait3A_564 = tpu.memref_slice %arg4[%dma_wait3A_556, %dma_wait3A_557, %add3A, %dma_wait3A_562, %dma_wait3A_563] : memref<200x8x32x8x128xf32, #tpu.memory_space<hbm>> -> memref<1x1x1x8x128xf32, #tpu.memory_space<hbm>>
    %dma_wait3A_565 = tpu.memref_squeeze %dma_wait3A_564 : memref<1x1x1x8x128xf32, #tpu.memory_space<hbm>> -> memref<8x128xf32, #tpu.memory_space<hbm>>
    %dma_wait3A_566 = arith.constant 0 : i32
    %dma_wait3A_567 = arith.constant 0 : i32
    %dma_wait3A_568 = tpu.memref_slice %arg4[%dma_wait3A_556, %dma_wait3A_557, %add3A, %dma_wait3A_566, %dma_wait3A_567] : memref<200x8x32x8x128xf32, #tpu.memory_space<hbm>> -> memref<1x1x1x8x128xf32, #tpu.memory_space<hbm>>
    %dma_wait3A_569 = tpu.memref_squeeze %dma_wait3A_568 : memref<1x1x1x8x128xf32, #tpu.memory_space<hbm>> -> memref<8x128xf32, #tpu.memory_space<hbm>>
    %dma_wait3A_570 = arith.constant 24 : i32
    %dma_wait3A_571 = arith.constant 0 : i32
    %dma_wait3A_572 = tpu.memref_slice %arg7[%dma_wait3A_555, %dma_wait3A_570, %dma_wait3A_571] : memref<4x64x129xf32, #tpu.memory_space<vmem>> -> memref<1x8x128xf32, #tpu.memory_space<vmem>>
    %dma_wait3A_573 = tpu.memref_squeeze %dma_wait3A_572 : memref<1x8x128xf32, #tpu.memory_space<vmem>> -> memref<8x128xf32, #tpu.memory_space<vmem>>
    tpu.wait_dma2 semaphore(%arg15 : memref<!tpu.dma_semaphore, #tpu.memory_space<semaphore_mem>>) src(%dma_wait3A_573 : memref<8x128xf32, #tpu.memory_space<vmem>>) dst(%dma_wait3A_569 : memref<8x128xf32, #tpu.memory_space<hbm>>)
    %dma_wait3A_574 = arith.constant 3 : i32
    %dma_wait3A_575 = arith.constant 199 : i32
    %dma_wait3A_576 = arith.constant 4 : i32
    %dma_wait3A_577 = arith.constant 32 : i32
    %dma_wait3A_578 = arith.constant 0 : i32
    %dma_wait3A_579 = tpu.memref_slice %arg7[%dma_wait3A_574, %dma_wait3A_577, %dma_wait3A_578] : memref<4x64x129xf32, #tpu.memory_space<vmem>> -> memref<1x8x128xf32, #tpu.memory_space<vmem>>
    %dma_wait3A_580 = tpu.memref_squeeze %dma_wait3A_579 : memref<1x8x128xf32, #tpu.memory_space<vmem>> -> memref<8x128xf32, #tpu.memory_space<vmem>>
    %dma_wait3A_581 = arith.constant 0 : i32
    %dma_wait3A_582 = arith.constant 0 : i32
    %dma_wait3A_583 = tpu.memref_slice %arg4[%dma_wait3A_575, %dma_wait3A_576, %add3A, %dma_wait3A_581, %dma_wait3A_582] : memref<200x8x32x8x128xf32, #tpu.memory_space<hbm>> -> memref<1x1x1x8x128xf32, #tpu.memory_space<hbm>>
    %dma_wait3A_584 = tpu.memref_squeeze %dma_wait3A_583 : memref<1x1x1x8x128xf32, #tpu.memory_space<hbm>> -> memref<8x128xf32, #tpu.memory_space<hbm>>
    %dma_wait3A_585 = arith.constant 0 : i32
    %dma_wait3A_586 = arith.constant 0 : i32
    %dma_wait3A_587 = tpu.memref_slice %arg4[%dma_wait3A_575, %dma_wait3A_576, %add3A, %dma_wait3A_585, %dma_wait3A_586] : memref<200x8x32x8x128xf32, #tpu.memory_space<hbm>> -> memref<1x1x1x8x128xf32, #tpu.memory_space<hbm>>
    %dma_wait3A_588 = tpu.memref_squeeze %dma_wait3A_587 : memref<1x1x1x8x128xf32, #tpu.memory_space<hbm>> -> memref<8x128xf32, #tpu.memory_space<hbm>>
    %dma_wait3A_589 = arith.constant 32 : i32
    %dma_wait3A_590 = arith.constant 0 : i32
    %dma_wait3A_591 = tpu.memref_slice %arg7[%dma_wait3A_574, %dma_wait3A_589, %dma_wait3A_590] : memref<4x64x129xf32, #tpu.memory_space<vmem>> -> memref<1x8x128xf32, #tpu.memory_space<vmem>>
    %dma_wait3A_592 = tpu.memref_squeeze %dma_wait3A_591 : memref<1x8x128xf32, #tpu.memory_space<vmem>> -> memref<8x128xf32, #tpu.memory_space<vmem>>
    tpu.wait_dma2 semaphore(%arg15 : memref<!tpu.dma_semaphore, #tpu.memory_space<semaphore_mem>>) src(%dma_wait3A_592 : memref<8x128xf32, #tpu.memory_space<vmem>>) dst(%dma_wait3A_588 : memref<8x128xf32, #tpu.memory_space<hbm>>)
    %dma_wait3A_593 = arith.constant 3 : i32
    %dma_wait3A_594 = arith.constant 199 : i32
    %dma_wait3A_595 = arith.constant 5 : i32
    %dma_wait3A_596 = arith.constant 40 : i32
    %dma_wait3A_597 = arith.constant 0 : i32
    %dma_wait3A_598 = tpu.memref_slice %arg7[%dma_wait3A_593, %dma_wait3A_596, %dma_wait3A_597] : memref<4x64x129xf32, #tpu.memory_space<vmem>> -> memref<1x8x128xf32, #tpu.memory_space<vmem>>
    %dma_wait3A_599 = tpu.memref_squeeze %dma_wait3A_598 : memref<1x8x128xf32, #tpu.memory_space<vmem>> -> memref<8x128xf32, #tpu.memory_space<vmem>>
    %dma_wait3A_600 = arith.constant 0 : i32
    %dma_wait3A_601 = arith.constant 0 : i32
    %dma_wait3A_602 = tpu.memref_slice %arg4[%dma_wait3A_594, %dma_wait3A_595, %add3A, %dma_wait3A_600, %dma_wait3A_601] : memref<200x8x32x8x128xf32, #tpu.memory_space<hbm>> -> memref<1x1x1x8x128xf32, #tpu.memory_space<hbm>>
    %dma_wait3A_603 = tpu.memref_squeeze %dma_wait3A_602 : memref<1x1x1x8x128xf32, #tpu.memory_space<hbm>> -> memref<8x128xf32, #tpu.memory_space<hbm>>
    %dma_wait3A_604 = arith.constant 0 : i32
    %dma_wait3A_605 = arith.constant 0 : i32
    %dma_wait3A_606 = tpu.memref_slice %arg4[%dma_wait3A_594, %dma_wait3A_595, %add3A, %dma_wait3A_604, %dma_wait3A_605] : memref<200x8x32x8x128xf32, #tpu.memory_space<hbm>> -> memref<1x1x1x8x128xf32, #tpu.memory_space<hbm>>
    %dma_wait3A_607 = tpu.memref_squeeze %dma_wait3A_606 : memref<1x1x1x8x128xf32, #tpu.memory_space<hbm>> -> memref<8x128xf32, #tpu.memory_space<hbm>>
    %dma_wait3A_608 = arith.constant 40 : i32
    %dma_wait3A_609 = arith.constant 0 : i32
    %dma_wait3A_610 = tpu.memref_slice %arg7[%dma_wait3A_593, %dma_wait3A_608, %dma_wait3A_609] : memref<4x64x129xf32, #tpu.memory_space<vmem>> -> memref<1x8x128xf32, #tpu.memory_space<vmem>>
    %dma_wait3A_611 = tpu.memref_squeeze %dma_wait3A_610 : memref<1x8x128xf32, #tpu.memory_space<vmem>> -> memref<8x128xf32, #tpu.memory_space<vmem>>
    tpu.wait_dma2 semaphore(%arg15 : memref<!tpu.dma_semaphore, #tpu.memory_space<semaphore_mem>>) src(%dma_wait3A_611 : memref<8x128xf32, #tpu.memory_space<vmem>>) dst(%dma_wait3A_607 : memref<8x128xf32, #tpu.memory_space<hbm>>)
    %dma_wait3A_612 = arith.constant 3 : i32
    %dma_wait3A_613 = arith.constant 199 : i32
    %dma_wait3A_614 = arith.constant 6 : i32
    %dma_wait3A_615 = arith.constant 48 : i32
    %dma_wait3A_616 = arith.constant 0 : i32
    %dma_wait3A_617 = tpu.memref_slice %arg7[%dma_wait3A_612, %dma_wait3A_615, %dma_wait3A_616] : memref<4x64x129xf32, #tpu.memory_space<vmem>> -> memref<1x8x128xf32, #tpu.memory_space<vmem>>
    %dma_wait3A_618 = tpu.memref_squeeze %dma_wait3A_617 : memref<1x8x128xf32, #tpu.memory_space<vmem>> -> memref<8x128xf32, #tpu.memory_space<vmem>>
    %dma_wait3A_619 = arith.constant 0 : i32
    %dma_wait3A_620 = arith.constant 0 : i32
    %dma_wait3A_621 = tpu.memref_slice %arg4[%dma_wait3A_613, %dma_wait3A_614, %add3A, %dma_wait3A_619, %dma_wait3A_620] : memref<200x8x32x8x128xf32, #tpu.memory_space<hbm>> -> memref<1x1x1x8x128xf32, #tpu.memory_space<hbm>>
    %dma_wait3A_622 = tpu.memref_squeeze %dma_wait3A_621 : memref<1x1x1x8x128xf32, #tpu.memory_space<hbm>> -> memref<8x128xf32, #tpu.memory_space<hbm>>
    %dma_wait3A_623 = arith.constant 0 : i32
    %dma_wait3A_624 = arith.constant 0 : i32
    %dma_wait3A_625 = tpu.memref_slice %arg4[%dma_wait3A_613, %dma_wait3A_614, %add3A, %dma_wait3A_623, %dma_wait3A_624] : memref<200x8x32x8x128xf32, #tpu.memory_space<hbm>> -> memref<1x1x1x8x128xf32, #tpu.memory_space<hbm>>
    %dma_wait3A_626 = tpu.memref_squeeze %dma_wait3A_625 : memref<1x1x1x8x128xf32, #tpu.memory_space<hbm>> -> memref<8x128xf32, #tpu.memory_space<hbm>>
    %dma_wait3A_627 = arith.constant 48 : i32
    %dma_wait3A_628 = arith.constant 0 : i32
    %dma_wait3A_629 = tpu.memref_slice %arg7[%dma_wait3A_612, %dma_wait3A_627, %dma_wait3A_628] : memref<4x64x129xf32, #tpu.memory_space<vmem>> -> memref<1x8x128xf32, #tpu.memory_space<vmem>>
    %dma_wait3A_630 = tpu.memref_squeeze %dma_wait3A_629 : memref<1x8x128xf32, #tpu.memory_space<vmem>> -> memref<8x128xf32, #tpu.memory_space<vmem>>
    tpu.wait_dma2 semaphore(%arg15 : memref<!tpu.dma_semaphore, #tpu.memory_space<semaphore_mem>>) src(%dma_wait3A_630 : memref<8x128xf32, #tpu.memory_space<vmem>>) dst(%dma_wait3A_626 : memref<8x128xf32, #tpu.memory_space<hbm>>)
    %dma_wait3A_631 = arith.constant 3 : i32
    %dma_wait3A_632 = arith.constant 199 : i32
    %dma_wait3A_633 = arith.constant 7 : i32
    %dma_wait3A_634 = arith.constant 56 : i32
    %dma_wait3A_635 = arith.constant 0 : i32
    %dma_wait3A_636 = tpu.memref_slice %arg7[%dma_wait3A_631, %dma_wait3A_634, %dma_wait3A_635] : memref<4x64x129xf32, #tpu.memory_space<vmem>> -> memref<1x8x128xf32, #tpu.memory_space<vmem>>
    %dma_wait3A_637 = tpu.memref_squeeze %dma_wait3A_636 : memref<1x8x128xf32, #tpu.memory_space<vmem>> -> memref<8x128xf32, #tpu.memory_space<vmem>>
    %dma_wait3A_638 = arith.constant 0 : i32
    %dma_wait3A_639 = arith.constant 0 : i32
    %dma_wait3A_640 = tpu.memref_slice %arg4[%dma_wait3A_632, %dma_wait3A_633, %add3A, %dma_wait3A_638, %dma_wait3A_639] : memref<200x8x32x8x128xf32, #tpu.memory_space<hbm>> -> memref<1x1x1x8x128xf32, #tpu.memory_space<hbm>>
    %dma_wait3A_641 = tpu.memref_squeeze %dma_wait3A_640 : memref<1x1x1x8x128xf32, #tpu.memory_space<hbm>> -> memref<8x128xf32, #tpu.memory_space<hbm>>
    %dma_wait3A_642 = arith.constant 0 : i32
    %dma_wait3A_643 = arith.constant 0 : i32
    %dma_wait3A_644 = tpu.memref_slice %arg4[%dma_wait3A_632, %dma_wait3A_633, %add3A, %dma_wait3A_642, %dma_wait3A_643] : memref<200x8x32x8x128xf32, #tpu.memory_space<hbm>> -> memref<1x1x1x8x128xf32, #tpu.memory_space<hbm>>
    %dma_wait3A_645 = tpu.memref_squeeze %dma_wait3A_644 : memref<1x1x1x8x128xf32, #tpu.memory_space<hbm>> -> memref<8x128xf32, #tpu.memory_space<hbm>>
    %dma_wait3A_646 = arith.constant 56 : i32
    %dma_wait3A_647 = arith.constant 0 : i32
    %dma_wait3A_648 = tpu.memref_slice %arg7[%dma_wait3A_631, %dma_wait3A_646, %dma_wait3A_647] : memref<4x64x129xf32, #tpu.memory_space<vmem>> -> memref<1x8x128xf32, #tpu.memory_space<vmem>>
    %dma_wait3A_649 = tpu.memref_squeeze %dma_wait3A_648 : memref<1x8x128xf32, #tpu.memory_space<vmem>> -> memref<8x128xf32, #tpu.memory_space<vmem>>
    tpu.wait_dma2 semaphore(%arg15 : memref<!tpu.dma_semaphore, #tpu.memory_space<semaphore_mem>>) src(%dma_wait3A_649 : memref<8x128xf32, #tpu.memory_space<vmem>>) dst(%dma_wait3A_645 : memref<8x128xf32, #tpu.memory_space<hbm>>)
    return
  }
}

</mosaic_0001>

<sc_bundles>
// kernel: kernel.3.cloned.1.call-start
scs
__scs_entry_jumppad:
0x0: {  	(pc) =	sbr.rel $0x88, $3  }
0x1: {  	(tag) =	ssettag $0x0;
	lr =	simm.s32 $0x1  }
0x2: {  	[smem:$0x3F9F] =	sst lr;
	_ =	strace $0xD0000000  }
0x3: {  	_ = 	snop  }
0x4: {  	_ = 	snop  }
0x5: {  	_ = 	snop  }
0x6: {  	_ = 	snop  }
0x7: {  	_ = 	snop  }
__scs_overlays_trampoline_lowered:
0x8: {  	[smem:$0x3FAE] =	sst s0  }
0x9: {  	[smem:$0x3FAF] =	sst s1  }
0xa: {  	[smem:$0x3FB0] =	sst s2  }
0xb: {  	[smem:$0x3FB1] =	sst s3  }
0xc: {  	[smem:$0x3FB2] =	sst s4  }
0xd: {  	[smem:$0x3FB3] =	sst s5  }
0xe: {  	[smem:$0x3FB4] =	sst s6  }
0xf: {  	[smem:$0x3FB5] =	sst s7  }
0x10: {  	[smem:$0x3FB6] =	sst s8  }
0x11: {  	[smem:$0x3FB7] =	sst s9;
	s0 =	simm.s32 @!p0 $0x0  }
0x12: {  	s1 =	sld [smem:$0x3F9D];
	s0 =	simm.s32 @p0 $0x1  }
0x13: {  	[smem:$0x3FB8] =	sst s0;
	s0 =	simm.s32 @!p1 $0x0  }
0x14: {  	s2 =	sld [smem:$0x3F9C];
	s0 =	simm.s32 @p1 $0x1  }
0x15: {  	[smem:$0x3FB9] =	sst s0;
	s0 =	simm.s32 @!p2 $0x0  }
0x16: {  	s3 =	sld [smem:$0x3FDB];
	s0 =	simm.s32 @p2 $0x1  }
0x17: {  	s4 =	simm.s32 $0x1BF5;
	[smem:$0x3FBB] =	sst s0  }
0x18: {  	s0 =	sld [smem:$0x3F9E];
	_ =	swait.ge [sflag:s4], $0x0  }
0x19: {  	s7 =	sld [smem:$0x3F9F]  }
0x1a: {  	s8 =	sadd.s32 $0xFFFFE003, lr  }
0x1b: {  	s9 =	sadd.s32 $0xFFFFFEF7, lr;
	s5 =	simm.s32 $0xFFFFFFFF;
	p2 =	slt.u32 s8, $0xFFFFF086  }
0x1c: {  	p1 =	slt.u32 s9, $0xF7A;
	s5 =	simm.s32 @!p2 $0x0  }
0x1d: {  	s5 =	simm.s32 @p1 $0x1;
	p0 =	seq.s32 s7, s2  }
0x1e: {  	s7 =	smul.u32 @!p0 $0xF7A, s2;
	p2 =	seq.s32 @!p0 s5, $0x0  }
0x1f: {  	s9 =	smul.u32 $0xF7A, s1;
	s8 =	simm.s32 @!p0 $0x1BF5;
	p2 =	por !p2, p0  }
0x20: {  	[sflag:s8] =	ssyncset.s32 @!p0 $0xFFFFF086;
	s6 =	sadd.s32 @!p0 s3, s7;
	s7 =	simm.s32 @!p0 $0x108  }
0x21: {  	s3 =	sadd.s32 s3, s9;
	s6 =	sadd.s32 @!p0 $0x88, s6;
	s7 =	simm.s32 @p2 $0x1082  }
0x22: {  	[simem:s7], [sflag:s8] =	dma.local @!p0 [hbm:s6], $0xF7A  }
0x23: {  	s9 =	sor.u32 $0xD0000000, s2;
	s6 =	simm.s32 $0x108;
	_ =	swait.ge @!p0 [sflag:s8], $0x0  }
0x24: {  	s3 =	sadd.s32 $0x88, s3;
	s6 =	simm.s32 @!p1 $0x1082;
	[sflag:s4] =	ssyncset.s32 $0xFFFFF086  }
0x25: {  	[simem:s6], [sflag:s4] =	dma.local [hbm:s3], $0xF7A  }
0x26: {  	[smem:$0x3F9F] =	sst s1;
	(tag) =	ssettag s2;
	_ =	strace s9  }
0x27: {  	s1 =	sld [smem:$0x3FAF]  }
0x28: {  	s2 =	sld [smem:$0x3FB0]  }
0x29: {  	s4 =	sld [smem:$0x3FB2]  }
0x2a: {  	p0 =	seq.s32 s5, $0x0;
	s5 =	sld [smem:$0x3FB3]  }
0x2b: {  	s6 =	sld [smem:$0x3FB4]  }
0x2c: {  	s7 =	sld [smem:$0x3FB5]  }
0x2d: {  	s3 =	simm.s32 $0x108;
	s8 =	sld [smem:$0x3FB6]  }
0x2e: {  	s3 =	simm.s32 @!p0 $0x1082;
	s9 =	sld [smem:$0x3FB7]  }
0x2f: {  	lr =	sadd.s32 s0, s3;
	s0 =	sld [smem:$0x3FAE]  }
0x30: {  	s3 =	sld [smem:$0x3FB1]  }
0x31: {  	[smem:$0x3FBA] =	sst s10  }
0x32: {  	s10 =	sld [smem:$0x3FB8];
	_ =	sdelay $0x3  }
0x33: {  	p0 =	seq.s32 s10, $0x1;
	s10 =	sld [smem:$0x3FBA];
	_ =	sdelay $0x3  }
0x34: {  	[smem:$0x3FBA] =	sst s10  }
0x35: {  	s10 =	sld [smem:$0x3FB9];
	_ =	sdelay $0x3  }
0x36: {  	p1 =	seq.s32 s10, $0x1;
	s10 =	sld [smem:$0x3FBA];
	_ =	sdelay $0x3  }
0x37: {  	[smem:$0x3FBA] =	sst s10  }
0x38: {  	s10 =	sld [smem:$0x3FBB]  }
0x39: {  	_ = 	snop;
	(pc) =	sbr.ind lr, $3  }
0x3a: {  	_ = 	snop  }
0x3b: {  	_ = 	snop  }
0x3c: {  	p2 =	seq.s32 s10, $0x1;
	s10 =	sld [smem:$0x3FBA]  }
0x3d: {  	_ =	shalt  }
0x3e: {  	_ =	shalt  }
0x3f: {  	_ =	shalt  }
0x40: {  	_ =	shalt  }
0x41: {  	_ =	shalt  }
0x42: {  	_ =	shalt  }
0x43: {  	_ =	shalt  }
0x44: {  	_ =	shalt  }
0x45: {  	_ =	shalt  }
0x46: {  	_ =	shalt  }
0x47: {  	_ =	shalt  }
0x48: {  	_ =	shalt  }
0x49: {  	_ =	shalt  }
0x4a: {  	_ =	shalt  }
0x4b: {  	_ =	shalt  }
0x4c: {  	_ =	shalt  }
0x4d: {  	_ =	shalt  }
0x4e: {  	_ =	shalt  }
0x4f: {  	_ =	shalt  }
0x50: {  	_ =	shalt  }
0x51: {  	_ =	shalt  }
0x52: {  	_ =	shalt  }
0x53: {  	_ =	shalt  }
0x54: {  	_ =	shalt  }
0x55: {  	_ =	shalt  }
0x56: {  	_ =	shalt  }
0x57: {  	_ =	shalt  }
0x58: {  	_ =	shalt  }
0x59: {  	_ =	shalt  }
0x5a: {  	_ =	shalt  }
0x5b: {  	_ =	shalt  }
0x5c: {  	_ =	shalt  }
0x5d: {  	_ =	shalt  }
0x5e: {  	_ =	shalt  }
0x5f: {  	_ =	shalt  }
0x60: {  	_ =	shalt  }
0x61: {  	_ =	shalt  }
0x62: {  	_ =	shalt  }
0x63: {  	_ =	shalt  }
0x64: {  	_ =	shalt  }
0x65: {  	_ =	shalt  }
0x66: {  	_ =	shalt  }
0x67: {  	_ =	shalt  }
0x68: {  	_ =	shalt  }
0x69: {  	_ =	shalt  }
0x6a: {  	_ =	shalt  }
0x6b: {  	_ =	shalt  }
0x6c: {  	_ =	shalt  }
0x6d: {  	_ =	shalt  }
0x6e: {  	_ =	shalt  }
0x6f: {  	_ =	shalt  }
0x70: {  	_ =	shalt  }
0x71: {  	_ =	shalt  }
0x72: {  	_ =	shalt  }
0x73: {  	_ =	shalt  }
0x74: {  	_ =	shalt  }
0x75: {  	_ =	shalt  }
0x76: {  	_ =	shalt  }
0x77: {  	_ =	shalt  }
0x78: {  	_ =	shalt  }
0x79: {  	_ =	shalt  }
0x7a: {  	_ =	shalt  }
0x7b: {  	_ =	shalt  }
0x7c: {  	_ =	shalt  }
0x7d: {  	_ =	shalt  }
0x7e: {  	_ =	shalt  }
0x7f: {  	_ =	shalt  }
0x80: {  	_ =	shalt  }
0x81: {  	_ =	shalt  }
0x82: {  	_ =	shalt  }
0x83: {  	_ =	shalt  }
0x84: {  	_ =	shalt  }
0x85: {  	_ =	shalt  }
0x86: {  	_ =	shalt  }
0x87: {  	_ =	shalt  }
.Lfunc_end0:
.L_simem_size_0:
called_computation_lowered:
.L_overlay_start_0:
0x88: {  	s2 =	sld [smem:$0x3FD9]  }
0x89: {  	s3 =	sld [smem:$0x3FFE];
	_ =	sdelay $0x1  }
0x8a: {  	s1 =	srdreg.scid  }
0x8b: {  	s0 =	sand.u32 $0x1, s1  }
0x8c: {  	s17 =	sshll.u32 s0, $0xA;
	s2 =	sadd.s32 s3, s2  }
0x8d: {  	s2 =	sadd.s32 s2, s17  }
0x8e: {  	[smem:$0x3FC6] =	sst s2  }
0x8f: {  	_ = 	snop  }
0x90: {  	s2 =	sld [smem:$0x3FD0];
	(tm) =	ssettm $0x1  }
0x91: {  	s18 =	sld [smem:$0x3FFB];
	_ =	sdelay $0x3  }
0x92: {  	_ =	strace s18  }
0x93: {  	s3 =	sld [smem:$0x3FFC];
	_ =	sdelay $0x3  }
0x94: {  	_ =	strace s3  }
0x95: {  	s3 =	sld [smem:$0x3FFD];
	_ =	sdelay $0x3  }
0x96: {  	_ =	strace s3  }
0x97: {  	_ =	strace $0x8FFFFFFF  }
0x98: {  	s19 =	sld [smem:$0x3FDB];
	_ =	sdelay $0x1  }
0x99: {  	s4 =	simm.s32 $_scs_section_size  }
0x9a: {  	s5 =	simm.s32 $_size__tile_overlayer_lowered;
	s6 =	simm.s32 $_tile_overlayer_lowered  }
0x9b: {  	s22 =	simm.s32 $0x1BFF;
	s21 =	sshll.u32 s6, $0x1;
	s3 =	sadd.s32 s4, s19  }
0x9c: {  	s7 =	simm.s32 $0x0;
	s20 =	sshll.u32 s5, $0x1;
	s5 =	sadd.s32 s21, s3  }
0x9d: {  	[timem:s7], [sflag:s22] =	dma.local [hbm:s5], s20  }
0x9e: {  	_ =	swait.ge [sflag:s22], s20  }
0x9f: {  	s4 =	ssub.s32 $0x0, s20;
	[sflag:s22] =	ssyncset.done $0x0  }
0xa0: {  	[sflag:s22] =	ssyncadd.s32 s4;
	_ =	sdelay $0x1  }
0xa1: {  	s23 =	simm.s32 $0x1B8B  }
0xa2: {  	_ =	swait.ge [sflag:s23], $0x1  }
0xa3: {  	[sflag:s23] =	ssyncset.done $0x0  }
0xa4: {  	s25 =	simm.s32 $0x1B8E;
	s24 =	sld [smem:$0x3FFE];
	[sflag:s23] =	ssyncadd.s32 $0xFFFFFFFF  }
0xa5: {  	s26 =	simm.s32 $execute0_lowered;
	[smem:$0x3FD2] =	sst s25  }
0xa6: {  	s5 =	sshll.u32 s26, $0x1;
	_ =	strace $0x80000046;
	[dreg:$0x1] =	wrdreg $0xFFFFFFFF  }
0xa7: {  	s28 =	simm.s32 $_size_execute0_lowered;
	s3 =	sadd.s32 s3, s5;
	[dreg:$0x0] =	wrdreg $0x0  }
0xa8: {  	s5 =	sshll.u32 s28, $0x1;
	[dreg:$0x2] =	wrdreg s3  }
0xa9: {  	[dreg:$0x3] =	wrdreg s5  }
0xaa: {  	[dreg:$0x4] =	wrdreg $0xC0  }
0xab: {  	_ =	task [dreg:s7], $0x5FFFF  }
0xac: {  	[dreg:$0x1] =	wrdreg $0xFFFFFFFF  }
0xad: {  	[dreg:$0x0] =	wrdreg $0x60  }
0xae: {  	[dreg:$0x2] =	wrdreg s24  }
0xaf: {  	[dreg:$0x3] =	wrdreg s2  }
0xb0: {  	[dreg:$0x4] =	wrdreg $0x9  }
0xb1: {  	_ =	task.clear_ibuf [dreg:s7], $0x5FFFF;
	_ =	strace $0x90000046  }
0xb2: {  	s29 =	simm.s32 $0x9;
	_ =	strace $0x80000048  }
0xb3: {  	_ =	swait.ge [sflag:s29], $0x1  }
0xb4: {  	[sflag:s29] =	ssyncadd.s32 $0xFFFFFFFF  }
0xb5: {  	_ =	strace $0x90000048  }
0xb6: {  	_ =	sfence  }
0xb7: {  	s30 =	sld [smem:$0x0];
	_ =	sdelay $0x2  }
0xb8: {  	s31 =	sshll.u32 s1, $0xD;
	s1 =	sshrl.u32 s1, $0x2  }
0xb9: {  	s3 =	sand.u32 $0x4000, s31;
	s1 =	sadd.s32 s1, s30  }
0xba: {  	s0 =	sor.u32 s3, s0;
	s1 =	sshll.u32 s1, $0x11  }
0xbb: {  	s0 =	sor.u32 s1, s0  }
0xbc: {  	s0 =	sadd.s32 $0x8F2B, s0  }
0xbd: {  	[sflag:s0] =	ssyncadd.remote.s32 $0x1  }
0xbe: {  	_ =	sfence.sel $0xFFFF  }
0xbf: {  	[dreg:$0x0] =	wrdreg $0xFFFFFFFF;
	(pc) =	sbr.abs _section_cstart, $3  }
0xc0: {  	[dreg:$0x1] =	wrdreg $0xFFFFFFFF  }
0xc1: {  	_ =	task.clear_ibuf [dreg:s7], $0x2FFFF;
	_ =	strace $0x9FFFFFFF  }
0xc2: {  	(tm) =	ssettm $0x7FFFFFFF  }
0xc3: {  	_ =	shalt  }
tec
execute0_lowered:
.L_overlay_start_1:
0x0: {  	(tag) =	ssettag $0x1  }
0x1: {  	s0 =	rddreg [dreg:$0x0]  }
0x2: {  	s2 =	rddreg [dreg:$0x1]  }
0x3: {  	s1 =	srdreg.scid;
	s4 =	stileid.u32  }
0x4: {  	s3 =	simm.s32 $0x0;
	s30 =	simm.s32 $0x1;
	s31 =	simm.s32 $0xE400  }
0x5: {  	s28 =	simm.s32 $0x12800;
	s29 =	simm.s32 $0x4;
	s15 =	simm.s32 $0x0  }
0x6: {  	s1 =	sand.u32 $0x1, s1;
	s4 =	sshll.u32 s4, $0x1;
	[smem:$0x7FF] =	sst s3  }
0x7: {  	s7 =	sadd.s32 $0x1000, s2;
	s8 =	sadd.s32 $0x2000, s2;
	s9 =	sadd.s32 $0x3000, s2  }
0x8: {  	s10 =	sadd.s32 $0x4000, s2;
	s11 =	sadd.s32 $0x5000, s2;
	s20 =	sadd.s32 $0x8000, s2  }
0x9: {  	s21 =	sadd.s32 $0x9000, s2;
	_ =	strace $0x80000047;
	[dreg:$0x4] =	wrdreg s20  }
0xa: {  	s12 =	sadd.s32 $0x6000, s2;
	s22 =	sadd.s32 $0xA000, s2;
	[dreg:$0x5] =	wrdreg s21  }
0xb: {  	s13 =	sadd.s32 $0x7000, s2;
	s23 =	sadd.s32 $0xB000, s2;
	[dreg:$0x6] =	wrdreg s22  }
0xc: {  	s24 =	sadd.s32 $0xC000, s2;
	s25 =	sadd.s32 $0xD000, s2;
	[dreg:$0x7] =	wrdreg s23  }
0xd: {  	s5 =	sor.u32 s1, s4;
	s1 =	ssub.s32 $0x2, s1;
	[dreg:$0x8] =	wrdreg s24  }
0xe: {  	s4 =	sadd.s32 $0xF42A00, s0;
	[dreg:$0x9] =	wrdreg s25;
	s20 =	sadd.s32 $0xE000, s2  }
0xf: {  	s21 =	sadd.s32 $0xF000, s2;
	s23 =	simm.s32 $0x80;
	s6 =	sshll.u32 s5, $0x4  }
0x10: {  	v0 =	vlaneseq.u32;
	s24 =	simm.s32 $0x10600;
	s19 =	sshrl.u32 s1, $0x1;
	s0 =	sadd.s32 s6, s0  }
0x11: {  	v0 =	vmul.u32 $0x88, v0;
	s1 =	ssub.s32 s1, s19;
	s6 =	sshll.u32 s5, $0xA;
	s0 =	sadd.s32 $0x600, s0  }
0x12: {  	s26 =	smax.u32 s1, $0x1;
	s1 =	simm.s32 $0x2;
	[dreg:$0x3] =	wrdreg s0  }
0x13: {  	v1 =	vadd.s32 $0x880, v0;
	v2 =	vadd.s32 $0x1100, v0;
	v3 =	vadd.s32 $0x1980, v0;
	[dreg:$0xa] =	wrdreg s26;
	s26 =	simm.s32 $0x3;
	s0 =	simm.s32 $0x14A00  }
.LBB2_1:
0x14: {  	[dreg:$0xb] =	wrdreg s15  }
0x15: {  	s5 =	rddreg [dreg:$0x3];
	s14 =	simm.s32 $0x1000;
	s19 =	simm.s32 $0x9  }
0x16: {  	[tilespmem:s3], [sflag:$0x9] =	stream.strided.gather [hbm4b:s5+s23], $0x6400, s14, s23, $0x38;
	[tilespmem:$0x16C00] =	vst v63  }
0x17: {  	_ =	swait.ge [sflag:s19], $0x6400  }
0x18: {  	[sflag:s19] =	ssyncset.done $0x0  }
0x19: {  	s22 =	simm.s32 $0x6400;
	[sflag:s19] =	ssyncadd.s32 $0xFFFF9C00  }
0x1a: {  	[tilespmem:s22], [sflag:$0x1] =	stream.indirect.gather [hbm4b:s4+s23], $0x40, s3, s23, $0xb8;
	[tilespmem:$0x16C00] =	vst v63  }
0x1b: {  	s25 =	simm.s32 $0x8400;
	s5 =	simm.s32 $0x0  }
0x1c: {  	[tilespmem:s25], [sflag:$0x2] =	stream.indirect.gather [hbm4b:s4+s23], $0x40, s23, s23, $0xb8;
	[tilespmem:$0x16C00] =	vst v63  }
.LBB2_2:
0x1d: {  	p0 =	seq.s32 s5, $0x0  }
0x1e: {  	s14 =	simm.s32 @!p0 $0x7  }
0x1f: {  	_ =	swait.ge @!p0 [sflag:s14], $0x400  }
0x20: {  	[sflag:s14] =	ssyncset.done @!p0 $0x0  }
0x21: {  	[sflag:s14] =	ssyncadd.s32 @!p0 $0xFFFFFC00  }
0x22: {  	_ =	swait.ge @!p0 [sflag:s14], $0x400  }
0x23: {  	[sflag:s14] =	ssyncset.done @!p0 $0x0  }
0x24: {  	[sflag:s14] =	ssyncadd.s32 @!p0 $0xFFFFFC00  }
0x25: {  	_ =	swait.ge @!p0 [sflag:s14], $0x400  }
0x26: {  	[sflag:s14] =	ssyncset.done @!p0 $0x0  }
0x27: {  	[sflag:s14] =	ssyncadd.s32 @!p0 $0xFFFFFC00  }
0x28: {  	_ =	swait.ge @!p0 [sflag:s14], $0x400  }
0x29: {  	[sflag:s14] =	ssyncset.done @!p0 $0x0  }
0x2a: {  	[sflag:s14] =	ssyncadd.s32 @!p0 $0xFFFFFC00  }
0x2b: {  	_ =	swait.ge @!p0 [sflag:s14], $0x400  }
0x2c: {  	[sflag:s14] =	ssyncset.done @!p0 $0x0  }
0x2d: {  	[sflag:s14] =	ssyncadd.s32 @!p0 $0xFFFFFC00  }
0x2e: {  	_ =	swait.ge @!p0 [sflag:s14], $0x400  }
0x2f: {  	[sflag:s14] =	ssyncset.done @!p0 $0x0  }
0x30: {  	[sflag:s14] =	ssyncadd.s32 @!p0 $0xFFFFFC00  }
0x31: {  	_ =	swait.ge @!p0 [sflag:s14], $0x400  }
0x32: {  	[sflag:s14] =	ssyncset.done @!p0 $0x0  }
0x33: {  	s25 =	sshll.u32 s5, $0x2;
	[sflag:s14] =	ssyncadd.s32 @!p0 $0xFFFFFC00  }
0x34: {  	s22 =	sor.u32 $0x2, s25;
	_ =	swait.ge @!p0 [sflag:s14], $0x400  }
0x35: {  	s15 =	sshll.u32 s22, $0x7;
	[sflag:s14] =	ssyncset.done @!p0 $0x0  }
0x36: {  	s18 =	simm.s32 $0xA400;
	s17 =	sand.u32 $0x3FFFFF80, s15;
	[sflag:s14] =	ssyncadd.s32 @!p0 $0xFFFFFC00  }
0x37: {  	[tilespmem:s18], [sflag:$0x3] =	stream.indirect.gather [hbm4b:s4+s23], $0x40, s17, s23, $0xb8;
	[tilespmem:$0x16C00] =	vst v63  }
0x38: {  	_ =	swait.ge [sflag:s30], $0x2000  }
0x39: {  	[sflag:s30] =	ssyncset.done $0x0  }
0x3a: {  	s19 =	simm.s32 $0x3;
	s17 =	simm.s32 $0x6480;
	[sflag:s30] =	ssyncadd.s32 $0xFFFFE000  }
0x3b: {  	v4 =	vmov s19;
	v5 =	vld [tilespmem:s17+$0x40]  }
0x3c: {  	v9 =	vand.u32 $0x7F, v4;
	s15 =	simm.s32 $0x0  }
0x3d: {  	v4 =	vadd.s32 v0, v9;
	v6 =	vmov s15  }
0x3e: {  	s16 =	simm.s32 $0x1;
	v8 =	vand.u32 $0x7C, v6;
	v7 =	vld [tilespmem:s17+$0xFFFFFF80]  }
0x3f: {  	v6 =	vmov s16;
	v12 =	vadd.s32 v0, v8;
	s18 =	simm.s32 $0x2;
	v10 =	vld [tilespmem:s17+$0xFFFFFFC0]  }
0x40: {  	v15 =	vand.u32 $0x7D, v6;
	v11 =	vmov s18;
	v6 =	vld [tilespmem:s17+$0x0];
	v5 =	vmul.f32 $8.000000000e+00, v5  }
0x41: {  	v13 =	vadd.s32 v0, v15;
	v17 =	vand.u32 $0x7E, v11  }
0x42: {  	v11 =	vadd.s32 v0, v17;
	[tilespmem:v4+s31+$0x0] =	vst.idx.msk $0xffff, v5  }
0x43: {  	v4 =	vmul.f32 $8.000000000e+00, v7;
	v5 =	vld [tilespmem:s17+$0x50]  }
0x44: {  	v7 =	vmul.f32 $8.000000000e+00, v10  }
0x45: {  	[tilespmem:v12+s31+$0x0] =	vst.idx.msk $0xffff, v4;
	v4 =	vmul.f32 $8.000000000e+00, v6;
	v6 =	vadd.s32 v1, v9  }
0x46: {  	[tilespmem:v13+s31+$0x0] =	vst.idx.msk $0xffff, v7;
	v10 =	vld [tilespmem:s17+$0xFFFFFF90]  }
0x47: {  	v7 =	vld [tilespmem:s17+$0xFFFFFFD0];
	[tilespmem:v11+s31+$0x0] =	vst.idx.msk $0xffff, v4  }
0x48: {  	v11 =	vld [tilespmem:s17+$0x10];
	v4 =	vmul.f32 $8.000000000e+00, v5  }
0x49: {  	s19 =	simm.s32 $0x4;
	s16 =	simm.s32 $0x7;
	s14 =	simm.s32 $0x6580;
	v12 =	vadd.s32 v1, v15  }
0x4a: {  	v14 =	vld [tilespmem:s14+$0x40];
	v13 =	vadd.s32 v1, v17;
	v5 =	vmov s19;
	[tilespmem:v6+s31+$0x0] =	vst.idx.msk $0xffff, v4;
	v6 =	vmov s16  }
0x4b: {  	v16 =	vadd.s32 v1, v8;
	v4 =	vand.u32 $0x7C, v5;
	v5 =	vand.u32 $0x7F, v6;
	v18 =	vld [tilespmem:s17+$0x60]  }
0x4c: {  	v22 =	vadd.s32 v2, v9;
	s18 =	simm.s32 $0x5;
	v19 =	vld [tilespmem:s14+$0xFFFFFF80];
	v6 =	vmul.f32 $8.000000000e+00, v7;
	v20 =	vadd.s32 v0, v5  }
0x4d: {  	v21 =	vld [tilespmem:s14+$0xFFFFFFC0];
	s19 =	simm.s32 $0x6;
	v10 =	vmul.f32 $8.000000000e+00, v10;
	v7 =	vmul.f32 $8.000000000e+00, v11;
	v11 =	vmov s18  }
0x4e: {  	v23 =	vadd.s32 v0, v4;
	[tilespmem:v12+s31+$0x0] =	vst.idx.msk $0xffff, v6;
	v12 =	vmov s19;
	v6 =	vand.u32 $0x7D, v11;
	v11 =	vld [tilespmem:s14+$0x0]  }
0x4f: {  	[tilespmem:v13+s31+$0x0] =	vst.idx.msk $0xffff, v7;
	v13 =	vadd.s32 v0, v6;
	v7 =	vand.u32 $0x7E, v12;
	v12 =	vmul.f32 $8.000000000e+00, v14;
	v14 =	vld [tilespmem:s17+$0xFFFFFFE0]  }
0x50: {  	[tilespmem:v16+s31+$0x0] =	vst.idx.msk $0xffff, v10;
	v10 =	vadd.s32 v0, v7;
	v16 =	vld [tilespmem:s17+$0x20];
	v18 =	vmul.f32 $8.000000000e+00, v18  }
0x51: {  	v19 =	vmul.f32 $8.000000000e+00, v19;
	[tilespmem:v20+s31+$0x0] =	vst.idx.msk $0xffff, v12;
	v12 =	vld [tilespmem:s17+$0xFFFFFFA0];
	v20 =	vadd.s32 v2, v15  }
0x52: {  	v25 =	vadd.s32 v2, v17;
	v21 =	vmul.f32 $8.000000000e+00, v21;
	v24 =	vld [tilespmem:s14+$0x50];
	[tilespmem:v22+s31+$0x0] =	vst.idx.msk $0xffff, v18  }
0x53: {  	[tilespmem:v23+s31+$0x0] =	vst.idx.msk $0xffff, v19;
	v19 =	vadd.s32 v2, v8;
	v11 =	vmul.f32 $8.000000000e+00, v11;
	v22 =	vld [tilespmem:s17+$0x70]  }
0x54: {  	v23 =	vld [tilespmem:s14+$0xFFFFFF90];
	[tilespmem:v13+s31+$0x0] =	vst.idx.msk $0xffff, v21;
	v21 =	vadd.s32 v1, v5;
	v14 =	vmul.f32 $8.000000000e+00, v14  }
0x55: {  	v27 =	vadd.s32 v3, v9;
	v26 =	vld [tilespmem:s14+$0xFFFFFFD0];
	[tilespmem:v10+s31+$0x0] =	vst.idx.msk $0xffff, v11;
	v10 =	vmul.f32 $8.000000000e+00, v16  }
0x56: {  	v18 =	vadd.s32 v1, v4;
	v13 =	vld [tilespmem:s14+$0x10];
	v9 =	vmul.f32 $8.000000000e+00, v12;
	[tilespmem:v20+s31+$0x0] =	vst.idx.msk $0xffff, v14  }
0x57: {  	s16 =	simm.s32 $0x8;
	v16 =	vadd.s32 v1, v6;
	[tilespmem:v25+s31+$0x0] =	vst.idx.msk $0xffff, v10;
	v14 =	vmul.f32 $8.000000000e+00, v24;
	v12 =	vld [tilespmem:s17+$0xFFFFFFF0]  }
0x58: {  	v20 =	vmov s16;
	v10 =	vadd.s32 v1, v7;
	v11 =	vld [tilespmem:s17+$0x30];
	[tilespmem:v19+s31+$0x0] =	vst.idx.msk $0xffff, v9;
	v63 =	vmul.f32 $8.000000000e+00, v22  }
0x59: {  	s15 =	simm.s32 $0x6680;
	s18 =	simm.s32 $0xB;
	v15 =	vadd.s32 v3, v15;
	v9 =	vand.u32 $0x7C, v20;
	v20 =	vmul.f32 $8.000000000e+00, v23;
	[tilespmem:v21+s31+$0x0] =	vst.idx.msk $0xffff, v14;
	v14 =	vld [tilespmem:s17+$0xFFFFFFB0]  }
0x5a: {  	v17 =	vadd.s32 v3, v17;
	v22 =	vmov s18;
	v19 =	vld [tilespmem:s15+$0x40];
	s17 =	simm.s32 $0xC;
	v21 =	vmul.f32 $8.000000000e+00, v26;
	[tilespmem:v27+s31+$0x0] =	vst.idx.msk $0xffff, v63  }
.LBB2_3:
0x5b: {  	p1 =	slt.u32 s17, $0x7C;
	s18 =	sadd.s32 $0x1, s16;
	v22 =	vand.u32 $0x7F, v22;
	[tilespmem:v18+s31+$0x0] =	vst.idx.msk $0xffff, v20;
	v13 =	vmul.f32 $8.000000000e+00, v13;
	v18 =	vld [tilespmem:s14+$0x60];
	v20 =	vadd.s32 v3, v8;
	v8 =	vmovc v4  }
0x5c: {  	v4 =	vmovc v9;
	v23 =	vld [tilespmem:s15+$0xFFFFFF80];
	v24 =	vmov s18;
	s18 =	sadd.s32 $0x2, s16;
	v25 =	vadd.s32 v0, v22;
	[tilespmem:v16+s31+$0x0] =	vst.idx.msk $0xffff, v21;
	v12 =	vmul.f32 $8.000000000e+00, v12;
	s16 =	smov.u32 s17  }
0x5d: {  	v9 =	vld [tilespmem:s15+$0xFFFFFFC0];
	v16 =	vmov s18;
	[tilespmem:v10+s31+$0x0] =	vst.idx.msk $0xffff, v13;
	v10 =	vadd.s32 v2, v5;
	v11 =	vmul.f32 $8.000000000e+00, v11  }
0x5e: {  	v13 =	vadd.s32 v0, v4;
	v21 =	vand.u32 $0x7D, v24;
	v24 =	vld [tilespmem:s15+$0x0];
	v14 =	vmul.f32 $8.000000000e+00, v14;
	[tilespmem:v15+s31+$0x0] =	vst.idx.msk $0xffff, v12  }
0x5f: {  	v12 =	vadd.s32 v0, v21;
	v26 =	vand.u32 $0x7E, v16;
	v15 =	vmul.f32 $8.000000000e+00, v19;
	v16 =	vld [tilespmem:s14+$0xFFFFFFE0];
	[tilespmem:v17+s31+$0x0] =	vst.idx.msk $0xffff, v11  }
0x60: {  	v11 =	vadd.s32 v0, v26;
	v17 =	vld [tilespmem:s14+$0x20];
	v18 =	vmul.f32 $8.000000000e+00, v18;
	[tilespmem:v20+s31+$0x0] =	vst.idx.msk $0xffff, v14  }
0x61: {  	v19 =	vadd.s32 v2, v6;
	v14 =	vmul.f32 $8.000000000e+00, v23;
	[tilespmem:v25+s31+$0x0] =	vst.idx.msk $0xffff, v15;
	v15 =	vld [tilespmem:s14+$0xFFFFFFA0]  }
0x62: {  	v23 =	vadd.s32 v2, v7;
	v9 =	vmul.f32 $8.000000000e+00, v9;
	v20 =	vld [tilespmem:s15+$0x50];
	[tilespmem:v10+s31+$0x0] =	vst.idx.msk $0xffff, v18  }
0x63: {  	[tilespmem:v13+s31+$0x0] =	vst.idx.msk $0xffff, v14;
	v10 =	vmul.f32 $8.000000000e+00, v24;
	v14 =	vadd.s32 v2, v8;
	v24 =	vld [tilespmem:s14+$0x70]  }
0x64: {  	v27 =	vadd.s32 v1, v22;
	v25 =	vld [tilespmem:s15+$0xFFFFFF90];
	[tilespmem:v12+s31+$0x0] =	vst.idx.msk $0xffff, v9;
	v9 =	vmul.f32 $8.000000000e+00, v16  }
0x65: {  	v29 =	vadd.s32 v3, v5;
	v5 =	vmov v22;
	v28 =	vld [tilespmem:s15+$0xFFFFFFD0];
	[tilespmem:v11+s31+$0x0] =	vst.idx.msk $0xffff, v10;
	v10 =	vmul.f32 $8.000000000e+00, v17  }
.Ltmp0:
0x66: {  	v18 =	vadd.s32 v1, v4;
	v13 =	vld [tilespmem:s15+$0x10];
	v11 =	vmul.f32 $8.000000000e+00, v15;
	[tilespmem:v19+s31+$0x0] =	vst.idx.msk $0xffff, v9;
	(pc) =	sbr.rel @p1 .LBB2_3-.Ltmp0, $4  }
0x67: {  	v16 =	vadd.s32 v1, v21;
	v15 =	vmul.f32 $8.000000000e+00, v20;
	v12 =	vld [tilespmem:s14+$0xFFFFFFF0];
	[tilespmem:v23+s31+$0x0] =	vst.idx.msk $0xffff, v10  }
0x68: {  	v9 =	vmov s17;
	v10 =	vadd.s32 v1, v26;
	[tilespmem:v14+s31+$0x0] =	vst.idx.msk $0xffff, v11;
	v11 =	vld [tilespmem:s14+$0x30];
	v23 =	vmul.f32 $8.000000000e+00, v24  }
0x69: {  	s18 =	sadd.s32 $0x3, s17;
	v9 =	vand.u32 $0x7C, v9;
	v20 =	vmul.f32 $8.000000000e+00, v25;
	[tilespmem:v27+s31+$0x0] =	vst.idx.msk $0xffff, v15;
	v14 =	vld [tilespmem:s14+$0xFFFFFFB0];
	v15 =	vadd.s32 v3, v6;
	v6 =	vmovc v21;
	s14 =	smov.u32 s15;
	s15 =	sadd.s32 $0x100, s15  }
0x6a: {  	v22 =	vmov s18;
	v17 =	vadd.s32 v3, v7;
	v7 =	vmovc v26;
	s17 =	sadd.s32 $0x4, s17;
	v19 =	vld [tilespmem:s15+$0x40];
	v21 =	vmul.f32 $8.000000000e+00, v28;
	[tilespmem:v29+s31+$0x0] =	vst.idx.msk $0xffff, v23  }
0x6b: {  	s17 =	sadd.s32 $0x1, s16  }
0x6c: {  	v22 =	vand.u32 $0x7F, v22;
	s19 =	sadd.s32 $0x2, s16;
	v24 =	vld [tilespmem:s15+$0xFFFFFFC0];
	v23 =	vmov s17  }
0x6d: {  	v27 =	vld [tilespmem:s15+$0x0];
	v25 =	vadd.s32 v0, v22;
	v26 =	vmov s19;
	v23 =	vand.u32 $0x7D, v23  }
0x6e: {  	v28 =	vld [tilespmem:s15+$0xFFFFFF80];
	v26 =	vand.u32 $0x7E, v26;
	v29 =	vadd.s32 v0, v23  }
0x6f: {  	v30 =	vadd.s32 v0, v26  }
0x70: {  	[tilespmem:v18+s31+$0x0] =	vst.idx.msk $0xffff, v20;
	v18 =	vadd.s32 v0, v9;
	v19 =	vmul.f32 $8.000000000e+00, v19  }
0x71: {  	[tilespmem:v16+s31+$0x0] =	vst.idx.msk $0xffff, v21;
	v16 =	vmul.f32 $8.000000000e+00, v24  }
0x72: {  	[tilespmem:v25+s31+$0x0] =	vst.idx.msk $0xffff, v19;
	v19 =	vmul.f32 $8.000000000e+00, v27  }
0x73: {  	v20 =	vmul.f32 $8.000000000e+00, v28;
	[tilespmem:v29+s31+$0x0] =	vst.idx.msk $0xffff, v16;
	v16 =	vld [tilespmem:s15+$0x50]  }
0x74: {  	v13 =	vmul.f32 $8.000000000e+00, v13;
	v8 =	vadd.s32 v3, v8;
	[tilespmem:v30+s31+$0x0] =	vst.idx.msk $0xffff, v19;
	v21 =	vld [tilespmem:s15+$0xFFFFFFD0]  }
0x75: {  	v12 =	vmul.f32 $8.000000000e+00, v12;
	[tilespmem:v18+s31+$0x0] =	vst.idx.msk $0xffff, v20;
	v18 =	vadd.s32 v1, v22;
	v19 =	vld [tilespmem:s15+$0x10]  }
0x76: {  	[tilespmem:v10+s31+$0x0] =	vst.idx.msk $0xffff, v13;
	v10 =	vmul.f32 $8.000000000e+00, v11;
	v13 =	vadd.s32 v1, v23;
	v11 =	vld [tilespmem:s15+$0xFFFFFF90]  }
0x77: {  	v14 =	vmul.f32 $8.000000000e+00, v14;
	[tilespmem:v15+s31+$0x0] =	vst.idx.msk $0xffff, v12;
	v12 =	vadd.s32 v1, v26;
	v20 =	vld [tilespmem:s14+$0x60]  }
0x78: {  	v15 =	vld [tilespmem:s14+$0xFFFFFFE0];
	[tilespmem:v17+s31+$0x0] =	vst.idx.msk $0xffff, v10;
	v10 =	vadd.s32 v1, v9;
	v16 =	vmul.f32 $8.000000000e+00, v16  }
0x79: {  	v58 =	vld [tilespmem:s14+$0x20];
	v17 =	vadd.s32 v2, v5;
	[tilespmem:v8+s31+$0x0] =	vst.idx.msk $0xffff, v14;
	v8 =	vmul.f32 $8.000000000e+00, v21  }
0x7a: {  	v14 =	vld [tilespmem:s14+$0xFFFFFFA0];
	v21 =	vadd.s32 v2, v6;
	[tilespmem:v18+s31+$0x0] =	vst.idx.msk $0xffff, v16;
	v16 =	vmul.f32 $8.000000000e+00, v19  }
0x7b: {  	v11 =	vmul.f32 $8.000000000e+00, v11;
	v18 =	vadd.s32 v2, v7;
	v19 =	vld [tilespmem:s15+$0x60];
	[tilespmem:v13+s31+$0x0] =	vst.idx.msk $0xffff, v8  }
0x7c: {  	v8 =	vmul.f32 $8.000000000e+00, v20;
	v13 =	vadd.s32 v2, v4;
	[tilespmem:v12+s31+$0x0] =	vst.idx.msk $0xffff, v16;
	v12 =	vld [tilespmem:s15+$0xFFFFFFE0]  }
0x7d: {  	v15 =	vmul.f32 $8.000000000e+00, v15;
	[tilespmem:v10+s31+$0x0] =	vst.idx.msk $0xffff, v11;
	v10 =	vadd.s32 v2, v22;
	v11 =	vld [tilespmem:s15+$0x20]  }
0x7e: {  	v16 =	vld [tilespmem:s15+$0xFFFFFFA0];
	[tilespmem:v17+s31+$0x0] =	vst.idx.msk $0xffff, v8;
	v8 =	vmul.f32 $8.000000000e+00, v58;
	v17 =	vadd.s32 v2, v23  }
0x7f: {  	v14 =	vmul.f32 $8.000000000e+00, v14;
	v20 =	vld [tilespmem:s14+$0x70];
	[tilespmem:v21+s31+$0x0] =	vst.idx.msk $0xffff, v15;
	v15 =	vadd.s32 v2, v26  }
0x80: {  	v21 =	vld [tilespmem:s14+$0xFFFFFFF0];
	[tilespmem:v18+s31+$0x0] =	vst.idx.msk $0xffff, v8;
	v18 =	vadd.s32 v2, v9;
	v8 =	vmul.f32 $8.000000000e+00, v19  }
0x81: {  	v5 =	vadd.s32 v3, v5;
	[tilespmem:v13+s31+$0x0] =	vst.idx.msk $0xffff, v14;
	v13 =	vld [tilespmem:s14+$0x30];
	v12 =	vmul.f32 $8.000000000e+00, v12  }
0x82: {  	v6 =	vadd.s32 v3, v6;
	v14 =	vld [tilespmem:s14+$0xFFFFFFB0];
	[tilespmem:v10+s31+$0x0] =	vst.idx.msk $0xffff, v8;
	v8 =	vmul.f32 $8.000000000e+00, v11  }
0x83: {  	v7 =	vadd.s32 v3, v7;
	v11 =	vmul.f32 $8.000000000e+00, v16;
	v10 =	vld [tilespmem:s15+$0x70];
	[tilespmem:v17+s31+$0x0] =	vst.idx.msk $0xffff, v12  }
0x84: {  	v4 =	vadd.s32 v3, v4;
	v12 =	vmul.f32 $8.000000000e+00, v20;
	v16 =	vld [tilespmem:s15+$0xFFFFFFF0];
	[tilespmem:v15+s31+$0x0] =	vst.idx.msk $0xffff, v8  }
0x85: {  	v8 =	vmul.f32 $8.000000000e+00, v21;
	v15 =	vadd.s32 v3, v22;
	[tilespmem:v18+s31+$0x0] =	vst.idx.msk $0xffff, v11;
	v11 =	vld [tilespmem:s15+$0x30]  }
0x86: {  	[tilespmem:v5+s31+$0x0] =	vst.idx.msk $0xffff, v12;
	v5 =	vmul.f32 $8.000000000e+00, v13;
	v12 =	vld [tilespmem:s15+$0xFFFFFFB0];
	v13 =	vadd.s32 v3, v23  }
0x87: {  	v14 =	vmul.f32 $8.000000000e+00, v14;
	[tilespmem:v6+s31+$0x0] =	vst.idx.msk $0xffff, v8;
	v6 =	vadd.s32 v3, v26  }
0x88: {  	[tilespmem:v7+s31+$0x0] =	vst.idx.msk $0xffff, v5;
	v7 =	vadd.s32 v3, v9;
	v5 =	vmul.f32 $8.000000000e+00, v10  }
0x89: {  	[tilespmem:v4+s31+$0x0] =	vst.idx.msk $0xffff, v14;
	v4 =	vmul.f32 $8.000000000e+00, v16  }
0x8a: {  	s17 =	sshll.u32 s5, $0x14;
	[tilespmem:v15+s31+$0x0] =	vst.idx.msk $0xffff, v5;
	v5 =	vmul.f32 $8.000000000e+00, v11  }
0x8b: {  	s14 =	sor.u32 s6, s17;
	v8 =	vmul.f32 $8.000000000e+00, v12;
	[tilespmem:v13+s31+$0x0] =	vst.idx.msk $0xffff, v4  }
0x8c: {  	s14 =	sshrl.u32 s14, $0x3;
	[tilespmem:v6+s31+$0x0] =	vst.idx.msk $0xffff, v5  }
0x8d: {  	s15 =	sadd.s32 s2, s14;
	[tilespmem:v7+s31+$0x0] =	vst.idx.msk $0xffff, v8  }
0x8e: {  	[hbm4b:s15+s3] =	stream.linear.scatter [tilespmem:s31], [sflag:$0x5], $0x80, $0x38;
	[tilespmem:$0x16C00] =	vst v63  }
0x8f: {  	s19 =	simm.s32 $0xE488;
	s18 =	sadd.s32 $0x10, s15  }
0x90: {  	[hbm4b:s18+s3] =	stream.linear.scatter [tilespmem:s19], [sflag:$0x5], $0x80, $0x38;
	[tilespmem:$0x16C00] =	vst v63  }
0x91: {  	s18 =	sadd.s32 $0x20, s15;
	s19 =	simm.s32 $0xE510  }
0x92: {  	[hbm4b:s18+s3] =	stream.linear.scatter [tilespmem:s19], [sflag:$0x5], $0x80, $0x38;
	[tilespmem:$0x16C00] =	vst v63  }
0x93: {  	s18 =	sadd.s32 $0x30, s15;
	s19 =	simm.s32 $0xE598  }
0x94: {  	[hbm4b:s18+s3] =	stream.linear.scatter [tilespmem:s19], [sflag:$0x5], $0x80, $0x38;
	[tilespmem:$0x16C00] =	vst v63  }
0x95: {  	s18 =	sadd.s32 $0x40, s15;
	s19 =	simm.s32 $0xE620  }
0x96: {  	[hbm4b:s18+s3] =	stream.linear.scatter [tilespmem:s19], [sflag:$0x5], $0x80, $0x38;
	[tilespmem:$0x16C00] =	vst v63  }
0x97: {  	s18 =	sadd.s32 $0x50, s15;
	s19 =	simm.s32 $0xE6A8  }
0x98: {  	[hbm4b:s18+s3] =	stream.linear.scatter [tilespmem:s19], [sflag:$0x5], $0x80, $0x38;
	[tilespmem:$0x16C00] =	vst v63  }
0x99: {  	s17 =	sadd.s32 $0x60, s15;
	s18 =	simm.s32 $0xE730  }
0x9a: {  	[hbm4b:s17+s3] =	stream.linear.scatter [tilespmem:s18], [sflag:$0x5], $0x80, $0x38;
	[tilespmem:$0x16C00] =	vst v63  }
0x9b: {  	s15 =	sadd.s32 $0x70, s15;
	s19 =	simm.s32 $0xE7B8  }
0x9c: {  	[hbm4b:s15+s3] =	stream.linear.scatter [tilespmem:s19], [sflag:$0x5], $0x80, $0x38;
	[tilespmem:$0x16C00] =	vst v63  }
0x9d: {  	s17 =	simm.s32 $0xE840;
	s15 =	sadd.s32 s14, s7  }
0x9e: {  	[hbm4b:s15+s3] =	stream.linear.scatter [tilespmem:s17], [sflag:$0x5], $0x80, $0x38;
	[tilespmem:$0x16C00] =	vst v63  }
0x9f: {  	s19 =	simm.s32 $0xE8C8;
	s18 =	sadd.s32 $0x10, s15  }
0xa0: {  	[hbm4b:s18+s3] =	stream.linear.scatter [tilespmem:s19], [sflag:$0x5], $0x80, $0x38;
	[tilespmem:$0x16C00] =	vst v63  }
0xa1: {  	s18 =	sadd.s32 $0x20, s15;
	s19 =	simm.s32 $0xE950  }
0xa2: {  	[hbm4b:s18+s3] =	stream.linear.scatter [tilespmem:s19], [sflag:$0x5], $0x80, $0x38;
	[tilespmem:$0x16C00] =	vst v63  }
0xa3: {  	s18 =	sadd.s32 $0x30, s15;
	s19 =	simm.s32 $0xE9D8  }
0xa4: {  	[hbm4b:s18+s3] =	stream.linear.scatter [tilespmem:s19], [sflag:$0x5], $0x80, $0x38;
	[tilespmem:$0x16C00] =	vst v63  }
0xa5: {  	s18 =	sadd.s32 $0x40, s15;
	s19 =	simm.s32 $0xEA60  }
0xa6: {  	[hbm4b:s18+s3] =	stream.linear.scatter [tilespmem:s19], [sflag:$0x5], $0x80, $0x38;
	[tilespmem:$0x16C00] =	vst v63  }
0xa7: {  	s18 =	sadd.s32 $0x50, s15;
	s19 =	simm.s32 $0xEAE8  }
0xa8: {  	[hbm4b:s18+s3] =	stream.linear.scatter [tilespmem:s19], [sflag:$0x5], $0x80, $0x38;
	[tilespmem:$0x16C00] =	vst v63  }
0xa9: {  	s17 =	sadd.s32 $0x60, s15;
	s18 =	simm.s32 $0xEB70  }
0xaa: {  	[hbm4b:s17+s3] =	stream.linear.scatter [tilespmem:s18], [sflag:$0x5], $0x80, $0x38;
	[tilespmem:$0x16C00] =	vst v63  }
0xab: {  	s15 =	sadd.s32 $0x70, s15;
	s19 =	simm.s32 $0xEBF8  }
0xac: {  	[hbm4b:s15+s3] =	stream.linear.scatter [tilespmem:s19], [sflag:$0x5], $0x80, $0x38;
	[tilespmem:$0x16C00] =	vst v63  }
0xad: {  	s17 =	simm.s32 $0xEC80;
	s15 =	sadd.s32 s14, s8  }
0xae: {  	[hbm4b:s15+s3] =	stream.linear.scatter [tilespmem:s17], [sflag:$0x5], $0x80, $0x38;
	[tilespmem:$0x16C00] =	vst v63  }
0xaf: {  	s19 =	simm.s32 $0xED08;
	s18 =	sadd.s32 $0x10, s15  }
0xb0: {  	[hbm4b:s18+s3] =	stream.linear.scatter [tilespmem:s19], [sflag:$0x5], $0x80, $0x38;
	[tilespmem:$0x16C00] =	vst v63  }
0xb1: {  	s18 =	sadd.s32 $0x20, s15;
	s19 =	simm.s32 $0xED90  }
0xb2: {  	[hbm4b:s18+s3] =	stream.linear.scatter [tilespmem:s19], [sflag:$0x5], $0x80, $0x38;
	[tilespmem:$0x16C00] =	vst v63  }
0xb3: {  	s18 =	sadd.s32 $0x30, s15;
	s19 =	simm.s32 $0xEE18  }
0xb4: {  	[hbm4b:s18+s3] =	stream.linear.scatter [tilespmem:s19], [sflag:$0x5], $0x80, $0x38;
	[tilespmem:$0x16C00] =	vst v63  }
0xb5: {  	s18 =	sadd.s32 $0x40, s15;
	s19 =	simm.s32 $0xEEA0  }
0xb6: {  	[hbm4b:s18+s3] =	stream.linear.scatter [tilespmem:s19], [sflag:$0x5], $0x80, $0x38;
	[tilespmem:$0x16C00] =	vst v63  }
0xb7: {  	s18 =	sadd.s32 $0x50, s15;
	s19 =	simm.s32 $0xEF28  }
0xb8: {  	[hbm4b:s18+s3] =	stream.linear.scatter [tilespmem:s19], [sflag:$0x5], $0x80, $0x38;
	[tilespmem:$0x16C00] =	vst v63  }
0xb9: {  	s17 =	sadd.s32 $0x60, s15;
	s18 =	simm.s32 $0xEFB0  }
0xba: {  	[hbm4b:s17+s3] =	stream.linear.scatter [tilespmem:s18], [sflag:$0x5], $0x80, $0x38;
	[tilespmem:$0x16C00] =	vst v63  }
0xbb: {  	s15 =	sadd.s32 $0x70, s15;
	s19 =	simm.s32 $0xF038  }
0xbc: {  	[hbm4b:s15+s3] =	stream.linear.scatter [tilespmem:s19], [sflag:$0x5], $0x80, $0x38;
	[tilespmem:$0x16C00] =	vst v63  }
0xbd: {  	s17 =	simm.s32 $0xF0C0;
	s15 =	sadd.s32 s14, s9  }
0xbe: {  	[hbm4b:s15+s3] =	stream.linear.scatter [tilespmem:s17], [sflag:$0x5], $0x80, $0x38;
	[tilespmem:$0x16C00] =	vst v63  }
0xbf: {  	s19 =	simm.s32 $0xF148;
	s18 =	sadd.s32 $0x10, s15  }
0xc0: {  	[hbm4b:s18+s3] =	stream.linear.scatter [tilespmem:s19], [sflag:$0x5], $0x80, $0x38;
	[tilespmem:$0x16C00] =	vst v63  }
0xc1: {  	s18 =	sadd.s32 $0x20, s15;
	s19 =	simm.s32 $0xF1D0  }
0xc2: {  	[hbm4b:s18+s3] =	stream.linear.scatter [tilespmem:s19], [sflag:$0x5], $0x80, $0x38;
	[tilespmem:$0x16C00] =	vst v63  }
0xc3: {  	s18 =	sadd.s32 $0x30, s15;
	s19 =	simm.s32 $0xF258  }
0xc4: {  	[hbm4b:s18+s3] =	stream.linear.scatter [tilespmem:s19], [sflag:$0x5], $0x80, $0x38;
	[tilespmem:$0x16C00] =	vst v63  }
0xc5: {  	s18 =	sadd.s32 $0x40, s15;
	s19 =	simm.s32 $0xF2E0  }
0xc6: {  	[hbm4b:s18+s3] =	stream.linear.scatter [tilespmem:s19], [sflag:$0x5], $0x80, $0x38;
	[tilespmem:$0x16C00] =	vst v63  }
0xc7: {  	s18 =	sadd.s32 $0x50, s15;
	s19 =	simm.s32 $0xF368  }
0xc8: {  	[hbm4b:s18+s3] =	stream.linear.scatter [tilespmem:s19], [sflag:$0x5], $0x80, $0x38;
	[tilespmem:$0x16C00] =	vst v63  }
0xc9: {  	s17 =	sadd.s32 $0x60, s15;
	s18 =	simm.s32 $0xF3F0  }
0xca: {  	[hbm4b:s17+s3] =	stream.linear.scatter [tilespmem:s18], [sflag:$0x5], $0x80, $0x38;
	[tilespmem:$0x16C00] =	vst v63  }
0xcb: {  	s15 =	sadd.s32 $0x70, s15;
	s19 =	simm.s32 $0xF478  }
0xcc: {  	[hbm4b:s15+s3] =	stream.linear.scatter [tilespmem:s19], [sflag:$0x5], $0x80, $0x38;
	[tilespmem:$0x16C00] =	vst v63  }
0xcd: {  	s17 =	simm.s32 $0xF500;
	s15 =	sadd.s32 s14, s10  }
0xce: {  	[hbm4b:s15+s3] =	stream.linear.scatter [tilespmem:s17], [sflag:$0x5], $0x80, $0x38;
	[tilespmem:$0x16C00] =	vst v63  }
0xcf: {  	s19 =	simm.s32 $0xF588;
	s18 =	sadd.s32 $0x10, s15  }
0xd0: {  	[hbm4b:s18+s3] =	stream.linear.scatter [tilespmem:s19], [sflag:$0x5], $0x80, $0x38;
	[tilespmem:$0x16C00] =	vst v63  }
0xd1: {  	s18 =	sadd.s32 $0x20, s15;
	s19 =	simm.s32 $0xF610  }
0xd2: {  	[hbm4b:s18+s3] =	stream.linear.scatter [tilespmem:s19], [sflag:$0x5], $0x80, $0x38;
	[tilespmem:$0x16C00] =	vst v63  }
0xd3: {  	s18 =	sadd.s32 $0x30, s15;
	s19 =	simm.s32 $0xF698  }
0xd4: {  	[hbm4b:s18+s3] =	stream.linear.scatter [tilespmem:s19], [sflag:$0x5], $0x80, $0x38;
	[tilespmem:$0x16C00] =	vst v63  }
0xd5: {  	s18 =	sadd.s32 $0x40, s15;
	s19 =	simm.s32 $0xF720  }
0xd6: {  	[hbm4b:s18+s3] =	stream.linear.scatter [tilespmem:s19], [sflag:$0x5], $0x80, $0x38;
	[tilespmem:$0x16C00] =	vst v63  }
0xd7: {  	s18 =	sadd.s32 $0x50, s15;
	s19 =	simm.s32 $0xF7A8  }
0xd8: {  	[hbm4b:s18+s3] =	stream.linear.scatter [tilespmem:s19], [sflag:$0x5], $0x80, $0x38;
	[tilespmem:$0x16C00] =	vst v63  }
0xd9: {  	s17 =	sadd.s32 $0x60, s15;
	s18 =	simm.s32 $0xF830  }
0xda: {  	[hbm4b:s17+s3] =	stream.linear.scatter [tilespmem:s18], [sflag:$0x5], $0x80, $0x38;
	[tilespmem:$0x16C00] =	vst v63  }
0xdb: {  	s15 =	sadd.s32 $0x70, s15;
	s19 =	simm.s32 $0xF8B8  }
0xdc: {  	[hbm4b:s15+s3] =	stream.linear.scatter [tilespmem:s19], [sflag:$0x5], $0x80, $0x38;
	[tilespmem:$0x16C00] =	vst v63  }
0xdd: {  	s17 =	simm.s32 $0xF940;
	s15 =	sadd.s32 s14, s11  }
0xde: {  	[hbm4b:s15+s3] =	stream.linear.scatter [tilespmem:s17], [sflag:$0x5], $0x80, $0x38;
	[tilespmem:$0x16C00] =	vst v63  }
0xdf: {  	s19 =	simm.s32 $0xF9C8;
	s18 =	sadd.s32 $0x10, s15  }
0xe0: {  	[hbm4b:s18+s3] =	stream.linear.scatter [tilespmem:s19], [sflag:$0x5], $0x80, $0x38;
	[tilespmem:$0x16C00] =	vst v63  }
0xe1: {  	s18 =	sadd.s32 $0x20, s15;
	s19 =	simm.s32 $0xFA50  }
0xe2: {  	[hbm4b:s18+s3] =	stream.linear.scatter [tilespmem:s19], [sflag:$0x5], $0x80, $0x38;
	[tilespmem:$0x16C00] =	vst v63  }
0xe3: {  	s18 =	sadd.s32 $0x30, s15;
	s19 =	simm.s32 $0xFAD8  }
0xe4: {  	[hbm4b:s18+s3] =	stream.linear.scatter [tilespmem:s19], [sflag:$0x5], $0x80, $0x38;
	[tilespmem:$0x16C00] =	vst v63  }
0xe5: {  	s18 =	sadd.s32 $0x40, s15;
	s19 =	simm.s32 $0xFB60  }
0xe6: {  	[hbm4b:s18+s3] =	stream.linear.scatter [tilespmem:s19], [sflag:$0x5], $0x80, $0x38;
	[tilespmem:$0x16C00] =	vst v63  }
0xe7: {  	s18 =	sadd.s32 $0x50, s15;
	s19 =	simm.s32 $0xFBE8  }
0xe8: {  	[hbm4b:s18+s3] =	stream.linear.scatter [tilespmem:s19], [sflag:$0x5], $0x80, $0x38;
	[tilespmem:$0x16C00] =	vst v63  }
0xe9: {  	s17 =	sadd.s32 $0x60, s15;
	s18 =	simm.s32 $0xFC70  }
0xea: {  	[hbm4b:s17+s3] =	stream.linear.scatter [tilespmem:s18], [sflag:$0x5], $0x80, $0x38;
	[tilespmem:$0x16C00] =	vst v63  }
0xeb: {  	s15 =	sadd.s32 $0x70, s15;
	s19 =	simm.s32 $0xFCF8  }
0xec: {  	[hbm4b:s15+s3] =	stream.linear.scatter [tilespmem:s19], [sflag:$0x5], $0x80, $0x38;
	[tilespmem:$0x16C00] =	vst v63  }
0xed: {  	s17 =	simm.s32 $0xFD80;
	s15 =	sadd.s32 s14, s12  }
0xee: {  	[hbm4b:s15+s3] =	stream.linear.scatter [tilespmem:s17], [sflag:$0x5], $0x80, $0x38;
	[tilespmem:$0x16C00] =	vst v63  }
0xef: {  	s19 =	simm.s32 $0xFE08;
	s18 =	sadd.s32 $0x10, s15  }
0xf0: {  	[hbm4b:s18+s3] =	stream.linear.scatter [tilespmem:s19], [sflag:$0x5], $0x80, $0x38;
	[tilespmem:$0x16C00] =	vst v63  }
0xf1: {  	s18 =	sadd.s32 $0x20, s15;
	s19 =	simm.s32 $0xFE90  }
0xf2: {  	[hbm4b:s18+s3] =	stream.linear.scatter [tilespmem:s19], [sflag:$0x5], $0x80, $0x38;
	[tilespmem:$0x16C00] =	vst v63  }
0xf3: {  	s18 =	sadd.s32 $0x30, s15;
	s19 =	simm.s32 $0xFF18  }
0xf4: {  	[hbm4b:s18+s3] =	stream.linear.scatter [tilespmem:s19], [sflag:$0x5], $0x80, $0x38;
	[tilespmem:$0x16C00] =	vst v63  }
0xf5: {  	s18 =	sadd.s32 $0x40, s15;
	s19 =	simm.s32 $0xFFA0  }
0xf6: {  	[hbm4b:s18+s3] =	stream.linear.scatter [tilespmem:s19], [sflag:$0x5], $0x80, $0x38;
	[tilespmem:$0x16C00] =	vst v63  }
0xf7: {  	s18 =	sadd.s32 $0x50, s15;
	s19 =	simm.s32 $0x10028  }
0xf8: {  	[hbm4b:s18+s3] =	stream.linear.scatter [tilespmem:s19], [sflag:$0x5], $0x80, $0x38;
	[tilespmem:$0x16C00] =	vst v63  }
0xf9: {  	s17 =	sadd.s32 $0x60, s15;
	s18 =	simm.s32 $0x100B0  }
0xfa: {  	[hbm4b:s17+s3] =	stream.linear.scatter [tilespmem:s18], [sflag:$0x5], $0x80, $0x38;
	[tilespmem:$0x16C00] =	vst v63  }
0xfb: {  	s15 =	sadd.s32 $0x70, s15;
	s19 =	simm.s32 $0x10138  }
0xfc: {  	[hbm4b:s15+s3] =	stream.linear.scatter [tilespmem:s19], [sflag:$0x5], $0x80, $0x38;
	[tilespmem:$0x16C00] =	vst v63  }
0xfd: {  	s17 =	simm.s32 $0x101C0;
	s15 =	sadd.s32 s14, s13  }
0xfe: {  	[hbm4b:s15+s3] =	stream.linear.scatter [tilespmem:s17], [sflag:$0x5], $0x80, $0x38;
	[tilespmem:$0x16C00] =	vst v63  }
0xff: {  	s19 =	simm.s32 $0x10248;
	s18 =	sadd.s32 $0x10, s15  }
0x100: {  	[hbm4b:s18+s3] =	stream.linear.scatter [tilespmem:s19], [sflag:$0x5], $0x80, $0x38;
	[tilespmem:$0x16C00] =	vst v63  }
0x101: {  	s18 =	sadd.s32 $0x20, s15;
	s19 =	simm.s32 $0x102D0  }
0x102: {  	[hbm4b:s18+s3] =	stream.linear.scatter [tilespmem:s19], [sflag:$0x5], $0x80, $0x38;
	[tilespmem:$0x16C00] =	vst v63  }
0x103: {  	s18 =	sadd.s32 $0x30, s15;
	s19 =	simm.s32 $0x10358  }
0x104: {  	[hbm4b:s18+s3] =	stream.linear.scatter [tilespmem:s19], [sflag:$0x5], $0x80, $0x38;
	[tilespmem:$0x16C00] =	vst v63  }
0x105: {  	s18 =	sadd.s32 $0x40, s15;
	s19 =	simm.s32 $0x103E0  }
0x106: {  	[hbm4b:s18+s3] =	stream.linear.scatter [tilespmem:s19], [sflag:$0x5], $0x80, $0x38;
	[tilespmem:$0x16C00] =	vst v63  }
0x107: {  	s18 =	sadd.s32 $0x50, s15;
	s19 =	simm.s32 $0x10468  }
0x108: {  	[hbm4b:s18+s3] =	stream.linear.scatter [tilespmem:s19], [sflag:$0x5], $0x80, $0x38;
	[tilespmem:$0x16C00] =	vst v63  }
0x109: {  	s18 =	sadd.s32 $0x60, s15;
	s19 =	simm.s32 $0x104F0  }
0x10a: {  	[hbm4b:s18+s3] =	stream.linear.scatter [tilespmem:s19], [sflag:$0x5], $0x80, $0x38;
	[tilespmem:$0x16C00] =	vst v63  }
0x10b: {  	s15 =	sadd.s32 $0x70, s15;
	s18 =	simm.s32 $0x10578  }
0x10c: {  	[hbm4b:s15+s3] =	stream.linear.scatter [tilespmem:s18], [sflag:$0x5], $0x80, $0x38;
	[tilespmem:$0x16C00] =	vst v63  }
0x10d: {  	s15 =	simm.s32 @!p0 $0x8  }
0x10e: {  	_ =	swait.ge @!p0 [sflag:s15], $0x400  }
0x10f: {  	[sflag:s15] =	ssyncset.done @!p0 $0x0  }
0x110: {  	[sflag:s15] =	ssyncadd.s32 @!p0 $0xFFFFFC00  }
0x111: {  	_ =	swait.ge @!p0 [sflag:s15], $0x400  }
0x112: {  	[sflag:s15] =	ssyncset.done @!p0 $0x0  }
0x113: {  	[sflag:s15] =	ssyncadd.s32 @!p0 $0xFFFFFC00  }
0x114: {  	_ =	swait.ge @!p0 [sflag:s15], $0x400  }
0x115: {  	[sflag:s15] =	ssyncset.done @!p0 $0x0  }
0x116: {  	[sflag:s15] =	ssyncadd.s32 @!p0 $0xFFFFFC00  }
0x117: {  	_ =	swait.ge @!p0 [sflag:s15], $0x400  }
0x118: {  	[sflag:s15] =	ssyncset.done @!p0 $0x0  }
0x119: {  	[sflag:s15] =	ssyncadd.s32 @!p0 $0xFFFFFC00  }
0x11a: {  	_ =	swait.ge @!p0 [sflag:s15], $0x400  }
0x11b: {  	[sflag:s15] =	ssyncset.done @!p0 $0x0  }
0x11c: {  	[sflag:s15] =	ssyncadd.s32 @!p0 $0xFFFFFC00  }
0x11d: {  	_ =	swait.ge @!p0 [sflag:s15], $0x400  }
0x11e: {  	[sflag:s15] =	ssyncset.done @!p0 $0x0  }
0x11f: {  	[sflag:s15] =	ssyncadd.s32 @!p0 $0xFFFFFC00  }
0x120: {  	_ =	swait.ge @!p0 [sflag:s15], $0x400  }
0x121: {  	[sflag:s15] =	ssyncset.done @!p0 $0x0  }
0x122: {  	[sflag:s15] =	ssyncadd.s32 @!p0 $0xFFFFFC00  }
0x123: {  	s25 =	sor.u32 $0x3, s25;
	_ =	swait.ge @!p0 [sflag:s15], $0x400  }
0x124: {  	s19 =	sshll.u32 s25, $0x7;
	[sflag:s15] =	ssyncset.done @!p0 $0x0  }
0x125: {  	s17 =	simm.s32 $0xC400;
	s16 =	sand.u32 $0x3FFFFF80, s19;
	[sflag:s15] =	ssyncadd.s32 @!p0 $0xFFFFFC00  }
0x126: {  	[tilespmem:s17], [sflag:$0x4] =	stream.indirect.gather [hbm4b:s4+s23], $0x40, s16, s23, $0xb8;
	[tilespmem:$0x16C00] =	vst v63  }
0x127: {  	_ =	swait.ge [sflag:s1], $0x2000  }
0x128: {  	[sflag:s1] =	ssyncset.done $0x0  }
0x129: {  	s18 =	simm.s32 $0x3;
	s16 =	simm.s32 $0x84F0;
	[sflag:s1] =	ssyncadd.s32 $0xFFFFE000  }
0x12a: {  	v4 =	vmov s18;
	v5 =	vld [tilespmem:s16+$0xFFFFFFD0]  }
0x12b: {  	v9 =	vand.u32 $0x7F, v4  }
0x12c: {  	s19 =	simm.s32 $0x0;
	v4 =	vadd.s32 v0, v9  }
0x12d: {  	v6 =	vmov s19;
	s18 =	simm.s32 $0x2;
	s17 =	simm.s32 $0x1;
	v7 =	vld [tilespmem:s16+$0xFFFFFF10]  }
0x12e: {  	v8 =	vand.u32 $0x7C, v6;
	v11 =	vmov s18;
	v6 =	vmov s17;
	v10 =	vld [tilespmem:s16+$0xFFFFFF50]  }
0x12f: {  	v12 =	vadd.s32 v0, v8;
	v15 =	vand.u32 $0x7D, v6;
	v6 =	vld [tilespmem:s16+$0xFFFFFF90];
	v5 =	vmul.f32 $8.000000000e+00, v5  }
0x130: {  	v17 =	vand.u32 $0x7E, v11;
	v13 =	vadd.s32 v0, v15  }
0x131: {  	v11 =	vadd.s32 v0, v17;
	[tilespmem:v4+s24+$0x0] =	vst.idx.msk $0xffff, v5  }
0x132: {  	v4 =	vmul.f32 $8.000000000e+00, v7;
	v5 =	vld [tilespmem:s16+$0xFFFFFFE0]  }
0x133: {  	v7 =	vmul.f32 $8.000000000e+00, v10  }
0x134: {  	[tilespmem:v12+s24+$0x0] =	vst.idx.msk $0xffff, v4;
	v4 =	vmul.f32 $8.000000000e+00, v6;
	v6 =	vadd.s32 v1, v9  }
0x135: {  	[tilespmem:v13+s24+$0x0] =	vst.idx.msk $0xffff, v7;
	v10 =	vld [tilespmem:s16+$0xFFFFFF20]  }
0x136: {  	v7 =	vld [tilespmem:s16+$0xFFFFFF60];
	[tilespmem:v11+s24+$0x0] =	vst.idx.msk $0xffff, v4  }
0x137: {  	v11 =	vld [tilespmem:s16+$0xFFFFFFA0];
	v4 =	vmul.f32 $8.000000000e+00, v5  }
0x138: {  	s19 =	simm.s32 $0x4;
	s18 =	simm.s32 $0x7;
	s15 =	simm.s32 $0x85F0;
	v12 =	vadd.s32 v1, v15  }
0x139: {  	v14 =	vld [tilespmem:s15+$0xFFFFFFD0];
	v13 =	vadd.s32 v1, v17;
	v5 =	vmov s19;
	[tilespmem:v6+s24+$0x0] =	vst.idx.msk $0xffff, v4;
	v6 =	vmov s18  }
0x13a: {  	v16 =	vadd.s32 v1, v8;
	v4 =	vand.u32 $0x7C, v5;
	v5 =	vand.u32 $0x7F, v6;
	v18 =	vld [tilespmem:s16+$0xFFFFFFF0]  }
0x13b: {  	v22 =	vadd.s32 v2, v9;
	v19 =	vld [tilespmem:s15+$0xFFFFFF10];
	s19 =	simm.s32 $0x5;
	v6 =	vmul.f32 $8.000000000e+00, v7;
	v20 =	vadd.s32 v0, v5  }
0x13c: {  	v21 =	vld [tilespmem:s15+$0xFFFFFF50];
	v10 =	vmul.f32 $8.000000000e+00, v10;
	s18 =	simm.s32 $0x6;
	v7 =	vmul.f32 $8.000000000e+00, v11;
	v11 =	vmov s19  }
0x13d: {  	v23 =	vadd.s32 v0, v4;
	[tilespmem:v12+s24+$0x0] =	vst.idx.msk $0xffff, v6;
	v12 =	vmov s18;
	v6 =	vand.u32 $0x7D, v11;
	v11 =	vld [tilespmem:s15+$0xFFFFFF90]  }
0x13e: {  	[tilespmem:v13+s24+$0x0] =	vst.idx.msk $0xffff, v7;
	v13 =	vadd.s32 v0, v6;
	v7 =	vand.u32 $0x7E, v12;
	v12 =	vmul.f32 $8.000000000e+00, v14;
	v14 =	vld [tilespmem:s16+$0xFFFFFF70]  }
0x13f: {  	[tilespmem:v16+s24+$0x0] =	vst.idx.msk $0xffff, v10;
	v10 =	vadd.s32 v0, v7;
	v16 =	vld [tilespmem:s16+$0xFFFFFFB0];
	v18 =	vmul.f32 $8.000000000e+00, v18  }
0x140: {  	v19 =	vmul.f32 $8.000000000e+00, v19;
	[tilespmem:v20+s24+$0x0] =	vst.idx.msk $0xffff, v12;
	v12 =	vld [tilespmem:s16+$0xFFFFFF30];
	v20 =	vadd.s32 v2, v15  }
0x141: {  	v60 =	vadd.s32 v2, v17;
	v21 =	vmul.f32 $8.000000000e+00, v21;
	v59 =	vld [tilespmem:s15+$0xFFFFFFE0];
	[tilespmem:v22+s24+$0x0] =	vst.idx.msk $0xffff, v18  }
0x142: {  	[tilespmem:v23+s24+$0x0] =	vst.idx.msk $0xffff, v19;
	v19 =	vadd.s32 v2, v8;
	v11 =	vmul.f32 $8.000000000e+00, v11;
	v22 =	vld [tilespmem:s16+$0x0]  }
0x143: {  	v23 =	vld [tilespmem:s15+$0xFFFFFF20];
	[tilespmem:v13+s24+$0x0] =	vst.idx.msk $0xffff, v21;
	v21 =	vadd.s32 v1, v5;
	v14 =	vmul.f32 $8.000000000e+00, v14  }
0x144: {  	v62 =	vadd.s32 v3, v9;
	v61 =	vld [tilespmem:s15+$0xFFFFFF60];
	[tilespmem:v10+s24+$0x0] =	vst.idx.msk $0xffff, v11;
	v10 =	vmul.f32 $8.000000000e+00, v16  }
0x145: {  	v18 =	vadd.s32 v1, v4;
	v13 =	vld [tilespmem:s15+$0xFFFFFFA0];
	v9 =	vmul.f32 $8.000000000e+00, v12;
	[tilespmem:v20+s24+$0x0] =	vst.idx.msk $0xffff, v14  }
0x146: {  	s17 =	simm.s32 $0x8;
	v16 =	vadd.s32 v1, v6;
	[tilespmem:v60+s24+$0x0] =	vst.idx.msk $0xffff, v10;
	v14 =	vmul.f32 $8.000000000e+00, v59;
	v12 =	vld [tilespmem:s16+$0xFFFFFF80]  }
0x147: {  	v20 =	vmov s17;
	v10 =	vadd.s32 v1, v7;
	v11 =	vld [tilespmem:s16+$0xFFFFFFC0];
	[tilespmem:v19+s24+$0x0] =	vst.idx.msk $0xffff, v9;
	v63 =	vmul.f32 $8.000000000e+00, v22  }
0x148: {  	s19 =	simm.s32 $0xB;
	v15 =	vadd.s32 v3, v15;
	v9 =	vand.u32 $0x7C, v20;
	v20 =	vmul.f32 $8.000000000e+00, v23;
	[tilespmem:v21+s24+$0x0] =	vst.idx.msk $0xffff, v14;
	v14 =	vld [tilespmem:s16+$0xFFFFFF40];
	s16 =	simm.s32 $0x86F0  }
0x149: {  	v17 =	vadd.s32 v3, v17;
	s18 =	simm.s32 $0xC;
	v22 =	vmov s19;
	v21 =	vmul.f32 $8.000000000e+00, v61;
	v19 =	vld [tilespmem:s16+$0xFFFFFFD0];
	[tilespmem:v62+s24+$0x0] =	vst.idx.msk $0xffff, v63  }
.LBB2_5:
0x14a: {  	p0 =	slt.u32 s18, $0x7C;
	s19 =	sadd.s32 $0x1, s17;
	v22 =	vand.u32 $0x7F, v22;
	[tilespmem:v18+s24+$0x0] =	vst.idx.msk $0xffff, v20;
	v13 =	vmul.f32 $8.000000000e+00, v13;
	v18 =	vld [tilespmem:s15+$0xFFFFFFF0];
	v20 =	vadd.s32 v3, v8;
	v8 =	vmovc v4  }
0x14b: {  	v4 =	vmovc v9;
	v23 =	vld [tilespmem:s16+$0xFFFFFF10];
	v24 =	vmov s19;
	s19 =	sadd.s32 $0x2, s17;
	v25 =	vadd.s32 v0, v22;
	[tilespmem:v16+s24+$0x0] =	vst.idx.msk $0xffff, v21;
	v12 =	vmul.f32 $8.000000000e+00, v12;
	s17 =	smov.u32 s18  }
0x14c: {  	v9 =	vld [tilespmem:s16+$0xFFFFFF50];
	v16 =	vmov s19;
	[tilespmem:v10+s24+$0x0] =	vst.idx.msk $0xffff, v13;
	v10 =	vadd.s32 v2, v5;
	v11 =	vmul.f32 $8.000000000e+00, v11  }
0x14d: {  	v13 =	vadd.s32 v0, v4;
	v21 =	vand.u32 $0x7D, v24;
	v24 =	vld [tilespmem:s16+$0xFFFFFF90];
	v14 =	vmul.f32 $8.000000000e+00, v14;
	[tilespmem:v15+s24+$0x0] =	vst.idx.msk $0xffff, v12  }
0x14e: {  	v12 =	vadd.s32 v0, v21;
	v26 =	vand.u32 $0x7E, v16;
	v15 =	vmul.f32 $8.000000000e+00, v19;
	v16 =	vld [tilespmem:s15+$0xFFFFFF70];
	[tilespmem:v17+s24+$0x0] =	vst.idx.msk $0xffff, v11  }
0x14f: {  	v11 =	vadd.s32 v0, v26;
	v17 =	vld [tilespmem:s15+$0xFFFFFFB0];
	v18 =	vmul.f32 $8.000000000e+00, v18;
	[tilespmem:v20+s24+$0x0] =	vst.idx.msk $0xffff, v14  }
0x150: {  	v19 =	vadd.s32 v2, v6;
	v14 =	vmul.f32 $8.000000000e+00, v23;
	[tilespmem:v25+s24+$0x0] =	vst.idx.msk $0xffff, v15;
	v15 =	vld [tilespmem:s15+$0xFFFFFF30]  }
0x151: {  	v23 =	vadd.s32 v2, v7;
	v9 =	vmul.f32 $8.000000000e+00, v9;
	v20 =	vld [tilespmem:s16+$0xFFFFFFE0];
	[tilespmem:v10+s24+$0x0] =	vst.idx.msk $0xffff, v18  }
0x152: {  	[tilespmem:v13+s24+$0x0] =	vst.idx.msk $0xffff, v14;
	v10 =	vmul.f32 $8.000000000e+00, v24;
	v14 =	vadd.s32 v2, v8;
	v24 =	vld [tilespmem:s15+$0x0]  }
0x153: {  	v27 =	vadd.s32 v1, v22;
	v25 =	vld [tilespmem:s16+$0xFFFFFF20];
	[tilespmem:v12+s24+$0x0] =	vst.idx.msk $0xffff, v9;
	v9 =	vmul.f32 $8.000000000e+00, v16  }
0x154: {  	v29 =	vadd.s32 v3, v5;
	v5 =	vmov v22;
	v28 =	vld [tilespmem:s16+$0xFFFFFF60];
	[tilespmem:v11+s24+$0x0] =	vst.idx.msk $0xffff, v10;
	v10 =	vmul.f32 $8.000000000e+00, v17  }
.Ltmp1:
0x155: {  	v18 =	vadd.s32 v1, v4;
	v13 =	vld [tilespmem:s16+$0xFFFFFFA0];
	v11 =	vmul.f32 $8.000000000e+00, v15;
	[tilespmem:v19+s24+$0x0] =	vst.idx.msk $0xffff, v9;
	(pc) =	sbr.rel @p0 .LBB2_5-.Ltmp1, $4  }
0x156: {  	v16 =	vadd.s32 v1, v21;
	v15 =	vmul.f32 $8.000000000e+00, v20;
	v12 =	vld [tilespmem:s15+$0xFFFFFF80];
	[tilespmem:v23+s24+$0x0] =	vst.idx.msk $0xffff, v10  }
0x157: {  	v9 =	vmov s18;
	v10 =	vadd.s32 v1, v26;
	[tilespmem:v14+s24+$0x0] =	vst.idx.msk $0xffff, v11;
	v11 =	vld [tilespmem:s15+$0xFFFFFFC0];
	v23 =	vmul.f32 $8.000000000e+00, v24  }
0x158: {  	s19 =	sadd.s32 $0x3, s18;
	v9 =	vand.u32 $0x7C, v9;
	v20 =	vmul.f32 $8.000000000e+00, v25;
	[tilespmem:v27+s24+$0x0] =	vst.idx.msk $0xffff, v15;
	v14 =	vld [tilespmem:s15+$0xFFFFFF40];
	v15 =	vadd.s32 v3, v6;
	v6 =	vmovc v21;
	s15 =	smov.u32 s16;
	s16 =	sadd.s32 $0x100, s16  }
0x159: {  	v22 =	vmov s19;
	v17 =	vadd.s32 v3, v7;
	v7 =	vmovc v26;
	s18 =	sadd.s32 $0x4, s18;
	v19 =	vld [tilespmem:s16+$0xFFFFFFD0];
	v21 =	vmul.f32 $8.000000000e+00, v28;
	[tilespmem:v29+s24+$0x0] =	vst.idx.msk $0xffff, v23  }
0x15a: {  	s18 =	sadd.s32 $0x1, s17  }
0x15b: {  	v22 =	vand.u32 $0x7F, v22;
	s19 =	sadd.s32 $0x2, s17;
	v24 =	vld [tilespmem:s16+$0xFFFFFF50];
	v23 =	vmov s18  }
0x15c: {  	v27 =	vld [tilespmem:s16+$0xFFFFFF90];
	v25 =	vadd.s32 v0, v22;
	v26 =	vmov s19;
	v23 =	vand.u32 $0x7D, v23  }
0x15d: {  	v28 =	vld [tilespmem:s16+$0xFFFFFF10];
	v26 =	vand.u32 $0x7E, v26;
	v29 =	vadd.s32 v0, v23  }
0x15e: {  	v30 =	vadd.s32 v0, v26  }
0x15f: {  	[tilespmem:v18+s24+$0x0] =	vst.idx.msk $0xffff, v20;
	v18 =	vadd.s32 v0, v9;
	v19 =	vmul.f32 $8.000000000e+00, v19  }
0x160: {  	[tilespmem:v16+s24+$0x0] =	vst.idx.msk $0xffff, v21;
	v16 =	vmul.f32 $8.000000000e+00, v24  }
0x161: {  	[tilespmem:v25+s24+$0x0] =	vst.idx.msk $0xffff, v19;
	v19 =	vmul.f32 $8.000000000e+00, v27  }
0x162: {  	v20 =	vmul.f32 $8.000000000e+00, v28;
	[tilespmem:v29+s24+$0x0] =	vst.idx.msk $0xffff, v16;
	v16 =	vld [tilespmem:s16+$0xFFFFFFE0]  }
0x163: {  	v13 =	vmul.f32 $8.000000000e+00, v13;
	v8 =	vadd.s32 v3, v8;
	[tilespmem:v30+s24+$0x0] =	vst.idx.msk $0xffff, v19;
	v21 =	vld [tilespmem:s16+$0xFFFFFF60]  }
0x164: {  	v12 =	vmul.f32 $8.000000000e+00, v12;
	[tilespmem:v18+s24+$0x0] =	vst.idx.msk $0xffff, v20;
	v18 =	vadd.s32 v1, v22;
	v19 =	vld [tilespmem:s16+$0xFFFFFFA0]  }
0x165: {  	[tilespmem:v10+s24+$0x0] =	vst.idx.msk $0xffff, v13;
	v10 =	vmul.f32 $8.000000000e+00, v11;
	v13 =	vadd.s32 v1, v23;
	v11 =	vld [tilespmem:s16+$0xFFFFFF20]  }
0x166: {  	v14 =	vmul.f32 $8.000000000e+00, v14;
	[tilespmem:v15+s24+$0x0] =	vst.idx.msk $0xffff, v12;
	v12 =	vadd.s32 v1, v26;
	v20 =	vld [tilespmem:s15+$0xFFFFFFF0]  }
0x167: {  	v15 =	vld [tilespmem:s15+$0xFFFFFF70];
	[tilespmem:v17+s24+$0x0] =	vst.idx.msk $0xffff, v10;
	v10 =	vadd.s32 v1, v9;
	v16 =	vmul.f32 $8.000000000e+00, v16  }
0x168: {  	v58 =	vld [tilespmem:s15+$0xFFFFFFB0];
	v17 =	vadd.s32 v2, v5;
	[tilespmem:v8+s24+$0x0] =	vst.idx.msk $0xffff, v14;
	v8 =	vmul.f32 $8.000000000e+00, v21  }
0x169: {  	v14 =	vld [tilespmem:s15+$0xFFFFFF30];
	v21 =	vadd.s32 v2, v6;
	[tilespmem:v18+s24+$0x0] =	vst.idx.msk $0xffff, v16;
	v16 =	vmul.f32 $8.000000000e+00, v19  }
0x16a: {  	v11 =	vmul.f32 $8.000000000e+00, v11;
	v18 =	vadd.s32 v2, v7;
	v19 =	vld [tilespmem:s16+$0xFFFFFFF0];
	[tilespmem:v13+s24+$0x0] =	vst.idx.msk $0xffff, v8  }
0x16b: {  	v8 =	vmul.f32 $8.000000000e+00, v20;
	v13 =	vadd.s32 v2, v4;
	[tilespmem:v12+s24+$0x0] =	vst.idx.msk $0xffff, v16;
	v12 =	vld [tilespmem:s16+$0xFFFFFF70]  }
0x16c: {  	v15 =	vmul.f32 $8.000000000e+00, v15;
	[tilespmem:v10+s24+$0x0] =	vst.idx.msk $0xffff, v11;
	v10 =	vadd.s32 v2, v22;
	v11 =	vld [tilespmem:s16+$0xFFFFFFB0]  }
0x16d: {  	v16 =	vld [tilespmem:s16+$0xFFFFFF30];
	[tilespmem:v17+s24+$0x0] =	vst.idx.msk $0xffff, v8;
	v8 =	vmul.f32 $8.000000000e+00, v58;
	v17 =	vadd.s32 v2, v23  }
0x16e: {  	v14 =	vmul.f32 $8.000000000e+00, v14;
	v20 =	vld [tilespmem:s15+$0x0];
	[tilespmem:v21+s24+$0x0] =	vst.idx.msk $0xffff, v15;
	v15 =	vadd.s32 v2, v26  }
0x16f: {  	v21 =	vld [tilespmem:s15+$0xFFFFFF80];
	[tilespmem:v18+s24+$0x0] =	vst.idx.msk $0xffff, v8;
	v18 =	vadd.s32 v2, v9;
	v8 =	vmul.f32 $8.000000000e+00, v19  }
0x170: {  	v5 =	vadd.s32 v3, v5;
	[tilespmem:v13+s24+$0x0] =	vst.idx.msk $0xffff, v14;
	v13 =	vld [tilespmem:s15+$0xFFFFFFC0];
	v12 =	vmul.f32 $8.000000000e+00, v12  }
0x171: {  	v6 =	vadd.s32 v3, v6;
	v14 =	vld [tilespmem:s15+$0xFFFFFF40];
	[tilespmem:v10+s24+$0x0] =	vst.idx.msk $0xffff, v8;
	v8 =	vmul.f32 $8.000000000e+00, v11  }
0x172: {  	v7 =	vadd.s32 v3, v7;
	v11 =	vmul.f32 $8.000000000e+00, v16;
	v10 =	vld [tilespmem:s16+$0x0];
	[tilespmem:v17+s24+$0x0] =	vst.idx.msk $0xffff, v12  }
0x173: {  	v4 =	vadd.s32 v3, v4;
	v12 =	vmul.f32 $8.000000000e+00, v20;
	v16 =	vld [tilespmem:s16+$0xFFFFFF80];
	[tilespmem:v15+s24+$0x0] =	vst.idx.msk $0xffff, v8  }
0x174: {  	v8 =	vmul.f32 $8.000000000e+00, v21;
	v15 =	vadd.s32 v3, v22;
	[tilespmem:v18+s24+$0x0] =	vst.idx.msk $0xffff, v11;
	v11 =	vld [tilespmem:s16+$0xFFFFFFC0]  }
0x175: {  	[tilespmem:v5+s24+$0x0] =	vst.idx.msk $0xffff, v12;
	v5 =	vmul.f32 $8.000000000e+00, v13;
	v12 =	vld [tilespmem:s16+$0xFFFFFF40];
	v13 =	vadd.s32 v3, v23  }
0x176: {  	v14 =	vmul.f32 $8.000000000e+00, v14;
	[tilespmem:v6+s24+$0x0] =	vst.idx.msk $0xffff, v8;
	v6 =	vadd.s32 v3, v26  }
0x177: {  	[tilespmem:v7+s24+$0x0] =	vst.idx.msk $0xffff, v5;
	v7 =	vadd.s32 v3, v9;
	v5 =	vmul.f32 $8.000000000e+00, v10  }
0x178: {  	[tilespmem:v4+s24+$0x0] =	vst.idx.msk $0xffff, v14;
	v4 =	vmul.f32 $8.000000000e+00, v16  }
0x179: {  	[tilespmem:v15+s24+$0x0] =	vst.idx.msk $0xffff, v5;
	v5 =	vmul.f32 $8.000000000e+00, v11  }
0x17a: {  	v8 =	vmul.f32 $8.000000000e+00, v12;
	[tilespmem:v13+s24+$0x0] =	vst.idx.msk $0xffff, v4  }
0x17b: {  	[tilespmem:v6+s24+$0x0] =	vst.idx.msk $0xffff, v5  }
0x17c: {  	[tilespmem:v7+s24+$0x0] =	vst.idx.msk $0xffff, v8  }
0x17d: {  	s17 =	rddreg [dreg:$0x4]  }
0x17e: {  	s15 =	sadd.s32 s14, s17  }
0x17f: {  	[hbm4b:s15+s3] =	stream.linear.scatter [tilespmem:s24], [sflag:$0x6], $0x80, $0x38;
	[tilespmem:$0x16C00] =	vst v63  }
0x180: {  	s19 =	simm.s32 $0x10688;
	s18 =	sadd.s32 $0x10, s15  }
0x181: {  	[hbm4b:s18+s3] =	stream.linear.scatter [tilespmem:s19], [sflag:$0x6], $0x80, $0x38;
	[tilespmem:$0x16C00] =	vst v63  }
0x182: {  	s18 =	sadd.s32 $0x20, s15;
	s19 =	simm.s32 $0x10710  }
0x183: {  	[hbm4b:s18+s3] =	stream.linear.scatter [tilespmem:s19], [sflag:$0x6], $0x80, $0x38;
	[tilespmem:$0x16C00] =	vst v63  }
0x184: {  	s18 =	sadd.s32 $0x30, s15;
	s19 =	simm.s32 $0x10798  }
0x185: {  	[hbm4b:s18+s3] =	stream.linear.scatter [tilespmem:s19], [sflag:$0x6], $0x80, $0x38;
	[tilespmem:$0x16C00] =	vst v63  }
0x186: {  	s18 =	sadd.s32 $0x40, s15;
	s19 =	simm.s32 $0x10820  }
0x187: {  	[hbm4b:s18+s3] =	stream.linear.scatter [tilespmem:s19], [sflag:$0x6], $0x80, $0x38;
	[tilespmem:$0x16C00] =	vst v63  }
0x188: {  	s18 =	sadd.s32 $0x50, s15;
	s19 =	simm.s32 $0x108A8  }
0x189: {  	[hbm4b:s18+s3] =	stream.linear.scatter [tilespmem:s19], [sflag:$0x6], $0x80, $0x38;
	[tilespmem:$0x16C00] =	vst v63  }
0x18a: {  	s17 =	sadd.s32 $0x60, s15;
	s18 =	simm.s32 $0x10930  }
0x18b: {  	[hbm4b:s17+s3] =	stream.linear.scatter [tilespmem:s18], [sflag:$0x6], $0x80, $0x38;
	[tilespmem:$0x16C00] =	vst v63  }
0x18c: {  	s16 =	rddreg [dreg:$0x5];
	s15 =	sadd.s32 $0x70, s15;
	s19 =	simm.s32 $0x109B8  }
0x18d: {  	[hbm4b:s15+s3] =	stream.linear.scatter [tilespmem:s19], [sflag:$0x6], $0x80, $0x38;
	[tilespmem:$0x16C00] =	vst v63  }
0x18e: {  	s17 =	simm.s32 $0x10A40;
	s15 =	sadd.s32 s14, s16  }
0x18f: {  	[hbm4b:s15+s3] =	stream.linear.scatter [tilespmem:s17], [sflag:$0x6], $0x80, $0x38;
	[tilespmem:$0x16C00] =	vst v63  }
0x190: {  	s19 =	simm.s32 $0x10AC8;
	s18 =	sadd.s32 $0x10, s15  }
0x191: {  	[hbm4b:s18+s3] =	stream.linear.scatter [tilespmem:s19], [sflag:$0x6], $0x80, $0x38;
	[tilespmem:$0x16C00] =	vst v63  }
0x192: {  	s18 =	sadd.s32 $0x20, s15;
	s19 =	simm.s32 $0x10B50  }
0x193: {  	[hbm4b:s18+s3] =	stream.linear.scatter [tilespmem:s19], [sflag:$0x6], $0x80, $0x38;
	[tilespmem:$0x16C00] =	vst v63  }
0x194: {  	s18 =	sadd.s32 $0x30, s15;
	s19 =	simm.s32 $0x10BD8  }
0x195: {  	[hbm4b:s18+s3] =	stream.linear.scatter [tilespmem:s19], [sflag:$0x6], $0x80, $0x38;
	[tilespmem:$0x16C00] =	vst v63  }
0x196: {  	s18 =	sadd.s32 $0x40, s15;
	s19 =	simm.s32 $0x10C60  }
0x197: {  	[hbm4b:s18+s3] =	stream.linear.scatter [tilespmem:s19], [sflag:$0x6], $0x80, $0x38;
	[tilespmem:$0x16C00] =	vst v63  }
0x198: {  	s18 =	sadd.s32 $0x50, s15;
	s19 =	simm.s32 $0x10CE8  }
0x199: {  	[hbm4b:s18+s3] =	stream.linear.scatter [tilespmem:s19], [sflag:$0x6], $0x80, $0x38;
	[tilespmem:$0x16C00] =	vst v63  }
0x19a: {  	s17 =	sadd.s32 $0x60, s15;
	s18 =	simm.s32 $0x10D70  }
0x19b: {  	[hbm4b:s17+s3] =	stream.linear.scatter [tilespmem:s18], [sflag:$0x6], $0x80, $0x38;
	[tilespmem:$0x16C00] =	vst v63  }
0x19c: {  	s16 =	rddreg [dreg:$0x6];
	s15 =	sadd.s32 $0x70, s15;
	s19 =	simm.s32 $0x10DF8  }
0x19d: {  	[hbm4b:s15+s3] =	stream.linear.scatter [tilespmem:s19], [sflag:$0x6], $0x80, $0x38;
	[tilespmem:$0x16C00] =	vst v63  }
0x19e: {  	s17 =	simm.s32 $0x10E80;
	s15 =	sadd.s32 s14, s16  }
0x19f: {  	[hbm4b:s15+s3] =	stream.linear.scatter [tilespmem:s17], [sflag:$0x6], $0x80, $0x38;
	[tilespmem:$0x16C00] =	vst v63  }
0x1a0: {  	s19 =	simm.s32 $0x10F08;
	s18 =	sadd.s32 $0x10, s15  }
0x1a1: {  	[hbm4b:s18+s3] =	stream.linear.scatter [tilespmem:s19], [sflag:$0x6], $0x80, $0x38;
	[tilespmem:$0x16C00] =	vst v63  }
0x1a2: {  	s18 =	sadd.s32 $0x20, s15;
	s19 =	simm.s32 $0x10F90  }
0x1a3: {  	[hbm4b:s18+s3] =	stream.linear.scatter [tilespmem:s19], [sflag:$0x6], $0x80, $0x38;
	[tilespmem:$0x16C00] =	vst v63  }
0x1a4: {  	s18 =	sadd.s32 $0x30, s15;
	s19 =	simm.s32 $0x11018  }
0x1a5: {  	[hbm4b:s18+s3] =	stream.linear.scatter [tilespmem:s19], [sflag:$0x6], $0x80, $0x38;
	[tilespmem:$0x16C00] =	vst v63  }
0x1a6: {  	s18 =	sadd.s32 $0x40, s15;
	s19 =	simm.s32 $0x110A0  }
0x1a7: {  	[hbm4b:s18+s3] =	stream.linear.scatter [tilespmem:s19], [sflag:$0x6], $0x80, $0x38;
	[tilespmem:$0x16C00] =	vst v63  }
0x1a8: {  	s18 =	sadd.s32 $0x50, s15;
	s19 =	simm.s32 $0x11128  }
0x1a9: {  	[hbm4b:s18+s3] =	stream.linear.scatter [tilespmem:s19], [sflag:$0x6], $0x80, $0x38;
	[tilespmem:$0x16C00] =	vst v63  }
0x1aa: {  	s17 =	sadd.s32 $0x60, s15;
	s18 =	simm.s32 $0x111B0  }
0x1ab: {  	[hbm4b:s17+s3] =	stream.linear.scatter [tilespmem:s18], [sflag:$0x6], $0x80, $0x38;
	[tilespmem:$0x16C00] =	vst v63  }
0x1ac: {  	s16 =	rddreg [dreg:$0x7];
	s15 =	sadd.s32 $0x70, s15;
	s19 =	simm.s32 $0x11238  }
0x1ad: {  	[hbm4b:s15+s3] =	stream.linear.scatter [tilespmem:s19], [sflag:$0x6], $0x80, $0x38;
	[tilespmem:$0x16C00] =	vst v63  }
0x1ae: {  	s17 =	simm.s32 $0x112C0;
	s15 =	sadd.s32 s14, s16  }
0x1af: {  	[hbm4b:s15+s3] =	stream.linear.scatter [tilespmem:s17], [sflag:$0x6], $0x80, $0x38;
	[tilespmem:$0x16C00] =	vst v63  }
0x1b0: {  	s19 =	simm.s32 $0x11348;
	s18 =	sadd.s32 $0x10, s15  }
0x1b1: {  	[hbm4b:s18+s3] =	stream.linear.scatter [tilespmem:s19], [sflag:$0x6], $0x80, $0x38;
	[tilespmem:$0x16C00] =	vst v63  }
0x1b2: {  	s18 =	sadd.s32 $0x20, s15;
	s19 =	simm.s32 $0x113D0  }
0x1b3: {  	[hbm4b:s18+s3] =	stream.linear.scatter [tilespmem:s19], [sflag:$0x6], $0x80, $0x38;
	[tilespmem:$0x16C00] =	vst v63  }
0x1b4: {  	s18 =	sadd.s32 $0x30, s15;
	s19 =	simm.s32 $0x11458  }
0x1b5: {  	[hbm4b:s18+s3] =	stream.linear.scatter [tilespmem:s19], [sflag:$0x6], $0x80, $0x38;
	[tilespmem:$0x16C00] =	vst v63  }
0x1b6: {  	s18 =	sadd.s32 $0x40, s15;
	s19 =	simm.s32 $0x114E0  }
0x1b7: {  	[hbm4b:s18+s3] =	stream.linear.scatter [tilespmem:s19], [sflag:$0x6], $0x80, $0x38;
	[tilespmem:$0x16C00] =	vst v63  }
0x1b8: {  	s18 =	sadd.s32 $0x50, s15;
	s19 =	simm.s32 $0x11568  }
0x1b9: {  	[hbm4b:s18+s3] =	stream.linear.scatter [tilespmem:s19], [sflag:$0x6], $0x80, $0x38;
	[tilespmem:$0x16C00] =	vst v63  }
0x1ba: {  	s17 =	sadd.s32 $0x60, s15;
	s18 =	simm.s32 $0x115F0  }
0x1bb: {  	[hbm4b:s17+s3] =	stream.linear.scatter [tilespmem:s18], [sflag:$0x6], $0x80, $0x38;
	[tilespmem:$0x16C00] =	vst v63  }
0x1bc: {  	s16 =	rddreg [dreg:$0x8];
	s15 =	sadd.s32 $0x70, s15;
	s19 =	simm.s32 $0x11678  }
0x1bd: {  	[hbm4b:s15+s3] =	stream.linear.scatter [tilespmem:s19], [sflag:$0x6], $0x80, $0x38;
	[tilespmem:$0x16C00] =	vst v63  }
0x1be: {  	s17 =	simm.s32 $0x11700;
	s15 =	sadd.s32 s14, s16  }
0x1bf: {  	[hbm4b:s15+s3] =	stream.linear.scatter [tilespmem:s17], [sflag:$0x6], $0x80, $0x38;
	[tilespmem:$0x16C00] =	vst v63  }
0x1c0: {  	s19 =	simm.s32 $0x11788;
	s18 =	sadd.s32 $0x10, s15  }
0x1c1: {  	[hbm4b:s18+s3] =	stream.linear.scatter [tilespmem:s19], [sflag:$0x6], $0x80, $0x38;
	[tilespmem:$0x16C00] =	vst v63  }
0x1c2: {  	s18 =	sadd.s32 $0x20, s15;
	s19 =	simm.s32 $0x11810  }
0x1c3: {  	[hbm4b:s18+s3] =	stream.linear.scatter [tilespmem:s19], [sflag:$0x6], $0x80, $0x38;
	[tilespmem:$0x16C00] =	vst v63  }
0x1c4: {  	s18 =	sadd.s32 $0x30, s15;
	s19 =	simm.s32 $0x11898  }
0x1c5: {  	[hbm4b:s18+s3] =	stream.linear.scatter [tilespmem:s19], [sflag:$0x6], $0x80, $0x38;
	[tilespmem:$0x16C00] =	vst v63  }
0x1c6: {  	s18 =	sadd.s32 $0x40, s15;
	s19 =	simm.s32 $0x11920  }
0x1c7: {  	[hbm4b:s18+s3] =	stream.linear.scatter [tilespmem:s19], [sflag:$0x6], $0x80, $0x38;
	[tilespmem:$0x16C00] =	vst v63  }
0x1c8: {  	s18 =	sadd.s32 $0x50, s15;
	s19 =	simm.s32 $0x119A8  }
0x1c9: {  	[hbm4b:s18+s3] =	stream.linear.scatter [tilespmem:s19], [sflag:$0x6], $0x80, $0x38;
	[tilespmem:$0x16C00] =	vst v63  }
0x1ca: {  	s17 =	sadd.s32 $0x60, s15;
	s18 =	simm.s32 $0x11A30  }
0x1cb: {  	[hbm4b:s17+s3] =	stream.linear.scatter [tilespmem:s18], [sflag:$0x6], $0x80, $0x38;
	[tilespmem:$0x16C00] =	vst v63  }
0x1cc: {  	s16 =	rddreg [dreg:$0x9];
	s15 =	sadd.s32 $0x70, s15;
	s19 =	simm.s32 $0x11AB8  }
0x1cd: {  	[hbm4b:s15+s3] =	stream.linear.scatter [tilespmem:s19], [sflag:$0x6], $0x80, $0x38;
	[tilespmem:$0x16C00] =	vst v63  }
0x1ce: {  	s17 =	simm.s32 $0x11B40;
	s15 =	sadd.s32 s14, s16  }
0x1cf: {  	[hbm4b:s15+s3] =	stream.linear.scatter [tilespmem:s17], [sflag:$0x6], $0x80, $0x38;
	[tilespmem:$0x16C00] =	vst v63  }
0x1d0: {  	s19 =	simm.s32 $0x11BC8;
	s18 =	sadd.s32 $0x10, s15  }
0x1d1: {  	[hbm4b:s18+s3] =	stream.linear.scatter [tilespmem:s19], [sflag:$0x6], $0x80, $0x38;
	[tilespmem:$0x16C00] =	vst v63  }
0x1d2: {  	s18 =	sadd.s32 $0x20, s15;
	s19 =	simm.s32 $0x11C50  }
0x1d3: {  	[hbm4b:s18+s3] =	stream.linear.scatter [tilespmem:s19], [sflag:$0x6], $0x80, $0x38;
	[tilespmem:$0x16C00] =	vst v63  }
0x1d4: {  	s18 =	sadd.s32 $0x30, s15;
	s19 =	simm.s32 $0x11CD8  }
0x1d5: {  	[hbm4b:s18+s3] =	stream.linear.scatter [tilespmem:s19], [sflag:$0x6], $0x80, $0x38;
	[tilespmem:$0x16C00] =	vst v63  }
0x1d6: {  	s18 =	sadd.s32 $0x40, s15;
	s19 =	simm.s32 $0x11D60  }
0x1d7: {  	[hbm4b:s18+s3] =	stream.linear.scatter [tilespmem:s19], [sflag:$0x6], $0x80, $0x38;
	[tilespmem:$0x16C00] =	vst v63  }
0x1d8: {  	s18 =	sadd.s32 $0x50, s15;
	s19 =	simm.s32 $0x11DE8  }
0x1d9: {  	[hbm4b:s18+s3] =	stream.linear.scatter [tilespmem:s19], [sflag:$0x6], $0x80, $0x38;
	[tilespmem:$0x16C00] =	vst v63  }
0x1da: {  	s17 =	sadd.s32 $0x60, s15;
	s18 =	simm.s32 $0x11E70  }
0x1db: {  	[hbm4b:s17+s3] =	stream.linear.scatter [tilespmem:s18], [sflag:$0x6], $0x80, $0x38;
	[tilespmem:$0x16C00] =	vst v63  }
0x1dc: {  	s15 =	sadd.s32 $0x70, s15;
	s19 =	simm.s32 $0x11EF8  }
0x1dd: {  	[hbm4b:s15+s3] =	stream.linear.scatter [tilespmem:s19], [sflag:$0x6], $0x80, $0x38;
	[tilespmem:$0x16C00] =	vst v63  }
0x1de: {  	s17 =	simm.s32 $0x11F80;
	s15 =	sadd.s32 s14, s20  }
0x1df: {  	[hbm4b:s15+s3] =	stream.linear.scatter [tilespmem:s17], [sflag:$0x6], $0x80, $0x38;
	[tilespmem:$0x16C00] =	vst v63  }
0x1e0: {  	s19 =	simm.s32 $0x12008;
	s18 =	sadd.s32 $0x10, s15  }
0x1e1: {  	[hbm4b:s18+s3] =	stream.linear.scatter [tilespmem:s19], [sflag:$0x6], $0x80, $0x38;
	[tilespmem:$0x16C00] =	vst v63  }
0x1e2: {  	s18 =	sadd.s32 $0x20, s15;
	s19 =	simm.s32 $0x12090  }
0x1e3: {  	[hbm4b:s18+s3] =	stream.linear.scatter [tilespmem:s19], [sflag:$0x6], $0x80, $0x38;
	[tilespmem:$0x16C00] =	vst v63  }
0x1e4: {  	s18 =	sadd.s32 $0x30, s15;
	s19 =	simm.s32 $0x12118  }
0x1e5: {  	[hbm4b:s18+s3] =	stream.linear.scatter [tilespmem:s19], [sflag:$0x6], $0x80, $0x38;
	[tilespmem:$0x16C00] =	vst v63  }
0x1e6: {  	s18 =	sadd.s32 $0x40, s15;
	s19 =	simm.s32 $0x121A0  }
0x1e7: {  	[hbm4b:s18+s3] =	stream.linear.scatter [tilespmem:s19], [sflag:$0x6], $0x80, $0x38;
	[tilespmem:$0x16C00] =	vst v63  }
0x1e8: {  	s18 =	sadd.s32 $0x50, s15;
	s19 =	simm.s32 $0x12228  }
0x1e9: {  	[hbm4b:s18+s3] =	stream.linear.scatter [tilespmem:s19], [sflag:$0x6], $0x80, $0x38;
	[tilespmem:$0x16C00] =	vst v63  }
0x1ea: {  	s17 =	sadd.s32 $0x60, s15;
	s18 =	simm.s32 $0x122B0  }
0x1eb: {  	[hbm4b:s17+s3] =	stream.linear.scatter [tilespmem:s18], [sflag:$0x6], $0x80, $0x38;
	[tilespmem:$0x16C00] =	vst v63  }
0x1ec: {  	s15 =	sadd.s32 $0x70, s15;
	s19 =	simm.s32 $0x12338  }
0x1ed: {  	[hbm4b:s15+s3] =	stream.linear.scatter [tilespmem:s19], [sflag:$0x6], $0x80, $0x38;
	[tilespmem:$0x16C00] =	vst v63  }
0x1ee: {  	s14 =	sadd.s32 s14, s21;
	s17 =	simm.s32 $0x123C0  }
0x1ef: {  	[hbm4b:s14+s3] =	stream.linear.scatter [tilespmem:s17], [sflag:$0x6], $0x80, $0x38;
	[tilespmem:$0x16C00] =	vst v63  }
0x1f0: {  	s18 =	sadd.s32 $0x10, s14;
	s19 =	simm.s32 $0x12448  }
0x1f1: {  	[hbm4b:s18+s3] =	stream.linear.scatter [tilespmem:s19], [sflag:$0x6], $0x80, $0x38;
	[tilespmem:$0x16C00] =	vst v63  }
0x1f2: {  	s16 =	sadd.s32 $0x20, s14;
	s17 =	simm.s32 $0x124D0  }
0x1f3: {  	[hbm4b:s16+s3] =	stream.linear.scatter [tilespmem:s17], [sflag:$0x6], $0x80, $0x38;
	[tilespmem:$0x16C00] =	vst v63  }
0x1f4: {  	s18 =	sadd.s32 $0x30, s14;
	s19 =	simm.s32 $0x12558  }
0x1f5: {  	[hbm4b:s18+s3] =	stream.linear.scatter [tilespmem:s19], [sflag:$0x6], $0x80, $0x38;
	[tilespmem:$0x16C00] =	vst v63  }
0x1f6: {  	s16 =	sadd.s32 $0x40, s14;
	s17 =	simm.s32 $0x125E0  }
0x1f7: {  	[hbm4b:s16+s3] =	stream.linear.scatter [tilespmem:s17], [sflag:$0x6], $0x80, $0x38;
	[tilespmem:$0x16C00] =	vst v63  }
0x1f8: {  	s18 =	sadd.s32 $0x50, s14;
	s19 =	simm.s32 $0x12668  }
0x1f9: {  	[hbm4b:s18+s3] =	stream.linear.scatter [tilespmem:s19], [sflag:$0x6], $0x80, $0x38;
	[tilespmem:$0x16C00] =	vst v63  }
0x1fa: {  	s16 =	sadd.s32 $0x60, s14;
	s17 =	simm.s32 $0x126F0  }
0x1fb: {  	[hbm4b:s16+s3] =	stream.linear.scatter [tilespmem:s17], [sflag:$0x6], $0x80, $0x38;
	[tilespmem:$0x16C00] =	vst v63  }
0x1fc: {  	p0 =	seq.s32 s5, $0x31;
	s14 =	sadd.s32 $0x70, s14;
	s18 =	simm.s32 $0x12778  }
0x1fd: {  	[hbm4b:s14+s3] =	stream.linear.scatter [tilespmem:s18], [sflag:$0x6], $0x80, $0x38;
	[tilespmem:$0x16C00] =	vst v63  }
0x1fe: {  	s14 =	simm.s32 @!p0 $0x5  }
0x1ff: {  	_ =	swait.ge @!p0 [sflag:s14], $0x400  }
0x200: {  	[sflag:s14] =	ssyncset.done @!p0 $0x0  }
0x201: {  	[sflag:s14] =	ssyncadd.s32 @!p0 $0xFFFFFC00  }
0x202: {  	_ =	swait.ge @!p0 [sflag:s14], $0x400  }
0x203: {  	[sflag:s14] =	ssyncset.done @!p0 $0x0  }
0x204: {  	[sflag:s14] =	ssyncadd.s32 @!p0 $0xFFFFFC00  }
0x205: {  	_ =	swait.ge @!p0 [sflag:s14], $0x400  }
0x206: {  	[sflag:s14] =	ssyncset.done @!p0 $0x0  }
0x207: {  	[sflag:s14] =	ssyncadd.s32 @!p0 $0xFFFFFC00  }
0x208: {  	_ =	swait.ge @!p0 [sflag:s14], $0x400  }
0x209: {  	[sflag:s14] =	ssyncset.done @!p0 $0x0  }
0x20a: {  	[sflag:s14] =	ssyncadd.s32 @!p0 $0xFFFFFC00  }
0x20b: {  	_ =	swait.ge @!p0 [sflag:s14], $0x400  }
0x20c: {  	[sflag:s14] =	ssyncset.done @!p0 $0x0  }
0x20d: {  	[sflag:s14] =	ssyncadd.s32 @!p0 $0xFFFFFC00  }
0x20e: {  	_ =	swait.ge @!p0 [sflag:s14], $0x400  }
0x20f: {  	[sflag:s14] =	ssyncset.done @!p0 $0x0  }
0x210: {  	[sflag:s14] =	ssyncadd.s32 @!p0 $0xFFFFFC00  }
0x211: {  	_ =	swait.ge @!p0 [sflag:s14], $0x400  }
0x212: {  	[sflag:s14] =	ssyncset.done @!p0 $0x0  }
0x213: {  	[sflag:s14] =	ssyncadd.s32 @!p0 $0xFFFFFC00  }
0x214: {  	_ =	swait.ge @!p0 [sflag:s14], $0x400  }
0x215: {  	s15 =	sshll.u32 @!p0 s5, $0x9;
	[sflag:s14] =	ssyncset.done @!p0 $0x0  }
0x216: {  	[sflag:s14] =	ssyncadd.s32 @!p0 $0xFFFFFC00;
	s14 =	sand.u32 @!p0 $0x3FFFFE00, s15  }
0x217: {  	s16 =	simm.s32 @!p0 $0x80;
	s17 =	simm.s32 @!p0 $0x6400;
	s15 =	sadd.s32 @!p0 $0x200, s14  }
0x218: {  	[tilespmem:s17], [sflag:$0x1] =	stream.indirect.gather @!p0 [hbm4b:s4+s16], $0x40, s15, s16, $0xb8;
	[tilespmem:$0x16C00] =	vst v63  }
0x219: {  	_ =	swait.ge [sflag:s26], $0x2000  }
0x21a: {  	[sflag:s26] =	ssyncset.done $0x0  }
0x21b: {  	s19 =	simm.s32 $0x3;
	s16 =	simm.s32 $0xA4F0;
	[sflag:s26] =	ssyncadd.s32 $0xFFFFE000  }
0x21c: {  	v4 =	vmov s19;
	v5 =	vld [tilespmem:s16+$0xFFFFFFD0]  }
0x21d: {  	v9 =	vand.u32 $0x7F, v4  }
0x21e: {  	v4 =	vadd.s32 v0, v9;
	s17 =	simm.s32 $0x0  }
0x21f: {  	s19 =	simm.s32 $0x2;
	s18 =	simm.s32 $0x1;
	v6 =	vmov s17;
	v7 =	vld [tilespmem:s16+$0xFFFFFF10]  }
0x220: {  	v11 =	vmov s19;
	v8 =	vand.u32 $0x7C, v6;
	v6 =	vmov s18;
	v10 =	vld [tilespmem:s16+$0xFFFFFF50]  }
0x221: {  	v12 =	vadd.s32 v0, v8;
	v15 =	vand.u32 $0x7D, v6;
	v6 =	vld [tilespmem:s16+$0xFFFFFF90];
	v5 =	vmul.f32 $8.000000000e+00, v5  }
0x222: {  	v17 =	vand.u32 $0x7E, v11;
	v13 =	vadd.s32 v0, v15  }
0x223: {  	v11 =	vadd.s32 v0, v17;
	[tilespmem:v4+s28+$0x0] =	vst.idx.msk $0xffff, v5  }
0x224: {  	v4 =	vmul.f32 $8.000000000e+00, v7;
	v5 =	vld [tilespmem:s16+$0xFFFFFFE0]  }
0x225: {  	v7 =	vmul.f32 $8.000000000e+00, v10  }
0x226: {  	[tilespmem:v12+s28+$0x0] =	vst.idx.msk $0xffff, v4;
	v4 =	vmul.f32 $8.000000000e+00, v6;
	v6 =	vadd.s32 v1, v9  }
0x227: {  	[tilespmem:v13+s28+$0x0] =	vst.idx.msk $0xffff, v7;
	v10 =	vld [tilespmem:s16+$0xFFFFFF20]  }
0x228: {  	v7 =	vld [tilespmem:s16+$0xFFFFFF60];
	[tilespmem:v11+s28+$0x0] =	vst.idx.msk $0xffff, v4  }
0x229: {  	v11 =	vld [tilespmem:s16+$0xFFFFFFA0];
	v4 =	vmul.f32 $8.000000000e+00, v5  }
0x22a: {  	s19 =	simm.s32 $0x7;
	s15 =	simm.s32 $0xA5F0;
	s18 =	simm.s32 $0x4;
	v12 =	vadd.s32 v1, v15  }
0x22b: {  	v14 =	vld [tilespmem:s15+$0xFFFFFFD0];
	v13 =	vadd.s32 v1, v17;
	v5 =	vmov s18;
	[tilespmem:v6+s28+$0x0] =	vst.idx.msk $0xffff, v4;
	v6 =	vmov s19  }
0x22c: {  	v16 =	vadd.s32 v1, v8;
	v4 =	vand.u32 $0x7C, v5;
	v5 =	vand.u32 $0x7F, v6;
	v18 =	vld [tilespmem:s16+$0xFFFFFFF0]  }
0x22d: {  	v22 =	vadd.s32 v2, v9;
	v19 =	vld [tilespmem:s15+$0xFFFFFF10];
	s19 =	simm.s32 $0x5;
	v6 =	vmul.f32 $8.000000000e+00, v7;
	v20 =	vadd.s32 v0, v5  }
0x22e: {  	v21 =	vld [tilespmem:s15+$0xFFFFFF50];
	s18 =	simm.s32 $0x6;
	v10 =	vmul.f32 $8.000000000e+00, v10;
	v7 =	vmul.f32 $8.000000000e+00, v11;
	v11 =	vmov s19  }
0x22f: {  	v23 =	vadd.s32 v0, v4;
	[tilespmem:v12+s28+$0x0] =	vst.idx.msk $0xffff, v6;
	v12 =	vmov s18;
	v6 =	vand.u32 $0x7D, v11;
	v11 =	vld [tilespmem:s15+$0xFFFFFF90]  }
0x230: {  	[tilespmem:v13+s28+$0x0] =	vst.idx.msk $0xffff, v7;
	v13 =	vadd.s32 v0, v6;
	v7 =	vand.u32 $0x7E, v12;
	v12 =	vmul.f32 $8.000000000e+00, v14;
	v14 =	vld [tilespmem:s16+$0xFFFFFF70]  }
0x231: {  	[tilespmem:v16+s28+$0x0] =	vst.idx.msk $0xffff, v10;
	v10 =	vadd.s32 v0, v7;
	v16 =	vld [tilespmem:s16+$0xFFFFFFB0];
	v18 =	vmul.f32 $8.000000000e+00, v18  }
0x232: {  	v19 =	vmul.f32 $8.000000000e+00, v19;
	[tilespmem:v20+s28+$0x0] =	vst.idx.msk $0xffff, v12;
	v12 =	vld [tilespmem:s16+$0xFFFFFF30];
	v20 =	vadd.s32 v2, v15  }
0x233: {  	v60 =	vadd.s32 v2, v17;
	v21 =	vmul.f32 $8.000000000e+00, v21;
	v59 =	vld [tilespmem:s15+$0xFFFFFFE0];
	[tilespmem:v22+s28+$0x0] =	vst.idx.msk $0xffff, v18  }
0x234: {  	[tilespmem:v23+s28+$0x0] =	vst.idx.msk $0xffff, v19;
	v19 =	vadd.s32 v2, v8;
	v11 =	vmul.f32 $8.000000000e+00, v11;
	v22 =	vld [tilespmem:s16+$0x0]  }
0x235: {  	v23 =	vld [tilespmem:s15+$0xFFFFFF20];
	[tilespmem:v13+s28+$0x0] =	vst.idx.msk $0xffff, v21;
	v21 =	vadd.s32 v1, v5;
	v14 =	vmul.f32 $8.000000000e+00, v14  }
0x236: {  	v62 =	vadd.s32 v3, v9;
	v61 =	vld [tilespmem:s15+$0xFFFFFF60];
	[tilespmem:v10+s28+$0x0] =	vst.idx.msk $0xffff, v11;
	v10 =	vmul.f32 $8.000000000e+00, v16  }
0x237: {  	v18 =	vadd.s32 v1, v4;
	v13 =	vld [tilespmem:s15+$0xFFFFFFA0];
	v9 =	vmul.f32 $8.000000000e+00, v12;
	[tilespmem:v20+s28+$0x0] =	vst.idx.msk $0xffff, v14  }
0x238: {  	s17 =	simm.s32 $0x8;
	v16 =	vadd.s32 v1, v6;
	[tilespmem:v60+s28+$0x0] =	vst.idx.msk $0xffff, v10;
	v14 =	vmul.f32 $8.000000000e+00, v59;
	v12 =	vld [tilespmem:s16+$0xFFFFFF80]  }
0x239: {  	v20 =	vmov s17;
	v10 =	vadd.s32 v1, v7;
	v11 =	vld [tilespmem:s16+$0xFFFFFFC0];
	[tilespmem:v19+s28+$0x0] =	vst.idx.msk $0xffff, v9;
	v63 =	vmul.f32 $8.000000000e+00, v22  }
0x23a: {  	s19 =	simm.s32 $0xB;
	v15 =	vadd.s32 v3, v15;
	v9 =	vand.u32 $0x7C, v20;
	v20 =	vmul.f32 $8.000000000e+00, v23;
	[tilespmem:v21+s28+$0x0] =	vst.idx.msk $0xffff, v14;
	v14 =	vld [tilespmem:s16+$0xFFFFFF40];
	s16 =	simm.s32 $0xA6F0  }
0x23b: {  	v17 =	vadd.s32 v3, v17;
	s18 =	simm.s32 $0xC;
	v22 =	vmov s19;
	v21 =	vmul.f32 $8.000000000e+00, v61;
	v19 =	vld [tilespmem:s16+$0xFFFFFFD0];
	[tilespmem:v62+s28+$0x0] =	vst.idx.msk $0xffff, v63  }
.LBB2_7:
0x23c: {  	p1 =	slt.u32 s18, $0x7C;
	s19 =	sadd.s32 $0x1, s17;
	v22 =	vand.u32 $0x7F, v22;
	[tilespmem:v18+s28+$0x0] =	vst.idx.msk $0xffff, v20;
	v13 =	vmul.f32 $8.000000000e+00, v13;
	v18 =	vld [tilespmem:s15+$0xFFFFFFF0];
	v20 =	vadd.s32 v3, v8;
	v8 =	vmovc v4  }
0x23d: {  	v4 =	vmovc v9;
	v23 =	vld [tilespmem:s16+$0xFFFFFF10];
	v24 =	vmov s19;
	s19 =	sadd.s32 $0x2, s17;
	v25 =	vadd.s32 v0, v22;
	[tilespmem:v16+s28+$0x0] =	vst.idx.msk $0xffff, v21;
	v12 =	vmul.f32 $8.000000000e+00, v12;
	s17 =	smov.u32 s18  }
0x23e: {  	v9 =	vld [tilespmem:s16+$0xFFFFFF50];
	v16 =	vmov s19;
	[tilespmem:v10+s28+$0x0] =	vst.idx.msk $0xffff, v13;
	v10 =	vadd.s32 v2, v5;
	v11 =	vmul.f32 $8.000000000e+00, v11  }
0x23f: {  	v13 =	vadd.s32 v0, v4;
	v21 =	vand.u32 $0x7D, v24;
	v24 =	vld [tilespmem:s16+$0xFFFFFF90];
	v14 =	vmul.f32 $8.000000000e+00, v14;
	[tilespmem:v15+s28+$0x0] =	vst.idx.msk $0xffff, v12  }
0x240: {  	v12 =	vadd.s32 v0, v21;
	v26 =	vand.u32 $0x7E, v16;
	v15 =	vmul.f32 $8.000000000e+00, v19;
	v16 =	vld [tilespmem:s15+$0xFFFFFF70];
	[tilespmem:v17+s28+$0x0] =	vst.idx.msk $0xffff, v11  }
0x241: {  	v11 =	vadd.s32 v0, v26;
	v17 =	vld [tilespmem:s15+$0xFFFFFFB0];
	v18 =	vmul.f32 $8.000000000e+00, v18;
	[tilespmem:v20+s28+$0x0] =	vst.idx.msk $0xffff, v14  }
0x242: {  	v19 =	vadd.s32 v2, v6;
	v14 =	vmul.f32 $8.000000000e+00, v23;
	[tilespmem:v25+s28+$0x0] =	vst.idx.msk $0xffff, v15;
	v15 =	vld [tilespmem:s15+$0xFFFFFF30]  }
0x243: {  	v23 =	vadd.s32 v2, v7;
	v9 =	vmul.f32 $8.000000000e+00, v9;
	v20 =	vld [tilespmem:s16+$0xFFFFFFE0];
	[tilespmem:v10+s28+$0x0] =	vst.idx.msk $0xffff, v18  }
0x244: {  	[tilespmem:v13+s28+$0x0] =	vst.idx.msk $0xffff, v14;
	v10 =	vmul.f32 $8.000000000e+00, v24;
	v14 =	vadd.s32 v2, v8;
	v24 =	vld [tilespmem:s15+$0x0]  }
0x245: {  	v27 =	vadd.s32 v1, v22;
	v25 =	vld [tilespmem:s16+$0xFFFFFF20];
	[tilespmem:v12+s28+$0x0] =	vst.idx.msk $0xffff, v9;
	v9 =	vmul.f32 $8.000000000e+00, v16  }
0x246: {  	v29 =	vadd.s32 v3, v5;
	v5 =	vmov v22;
	v28 =	vld [tilespmem:s16+$0xFFFFFF60];
	[tilespmem:v11+s28+$0x0] =	vst.idx.msk $0xffff, v10;
	v10 =	vmul.f32 $8.000000000e+00, v17  }
.Ltmp2:
0x247: {  	v18 =	vadd.s32 v1, v4;
	v13 =	vld [tilespmem:s16+$0xFFFFFFA0];
	v11 =	vmul.f32 $8.000000000e+00, v15;
	[tilespmem:v19+s28+$0x0] =	vst.idx.msk $0xffff, v9;
	(pc) =	sbr.rel @p1 .LBB2_7-.Ltmp2, $4  }
0x248: {  	v16 =	vadd.s32 v1, v21;
	v15 =	vmul.f32 $8.000000000e+00, v20;
	v12 =	vld [tilespmem:s15+$0xFFFFFF80];
	[tilespmem:v23+s28+$0x0] =	vst.idx.msk $0xffff, v10  }
0x249: {  	v9 =	vmov s18;
	v10 =	vadd.s32 v1, v26;
	[tilespmem:v14+s28+$0x0] =	vst.idx.msk $0xffff, v11;
	v11 =	vld [tilespmem:s15+$0xFFFFFFC0];
	v23 =	vmul.f32 $8.000000000e+00, v24  }
0x24a: {  	s19 =	sadd.s32 $0x3, s18;
	v9 =	vand.u32 $0x7C, v9;
	v20 =	vmul.f32 $8.000000000e+00, v25;
	[tilespmem:v27+s28+$0x0] =	vst.idx.msk $0xffff, v15;
	v14 =	vld [tilespmem:s15+$0xFFFFFF40];
	v15 =	vadd.s32 v3, v6;
	v6 =	vmovc v21;
	s15 =	smov.u32 s16;
	s16 =	sadd.s32 $0x100, s16  }
0x24b: {  	v22 =	vmov s19;
	v17 =	vadd.s32 v3, v7;
	v7 =	vmovc v26;
	s18 =	sadd.s32 $0x4, s18;
	v19 =	vld [tilespmem:s16+$0xFFFFFFD0];
	v21 =	vmul.f32 $8.000000000e+00, v28;
	[tilespmem:v29+s28+$0x0] =	vst.idx.msk $0xffff, v23  }
0x24c: {  	s18 =	sadd.s32 $0x1, s17  }
0x24d: {  	v22 =	vand.u32 $0x7F, v22;
	s19 =	sadd.s32 $0x2, s17;
	v24 =	vld [tilespmem:s16+$0xFFFFFF50];
	v23 =	vmov s18  }
0x24e: {  	v27 =	vld [tilespmem:s16+$0xFFFFFF90];
	v25 =	vmov s19;
	v26 =	vadd.s32 v0, v22;
	v23 =	vand.u32 $0x7D, v23  }
0x24f: {  	v28 =	vld [tilespmem:s16+$0xFFFFFF10];
	v25 =	vand.u32 $0x7E, v25;
	v29 =	vadd.s32 v0, v23  }
0x250: {  	v30 =	vadd.s32 v0, v25  }
0x251: {  	[tilespmem:v18+s28+$0x0] =	vst.idx.msk $0xffff, v20;
	v18 =	vadd.s32 v0, v9;
	v19 =	vmul.f32 $8.000000000e+00, v19  }
0x252: {  	[tilespmem:v16+s28+$0x0] =	vst.idx.msk $0xffff, v21;
	v16 =	vmul.f32 $8.000000000e+00, v24  }
0x253: {  	[tilespmem:v26+s28+$0x0] =	vst.idx.msk $0xffff, v19;
	v19 =	vmul.f32 $8.000000000e+00, v27  }
0x254: {  	v20 =	vmul.f32 $8.000000000e+00, v28;
	[tilespmem:v29+s28+$0x0] =	vst.idx.msk $0xffff, v16;
	v16 =	vld [tilespmem:s16+$0xFFFFFFE0]  }
0x255: {  	v13 =	vmul.f32 $8.000000000e+00, v13;
	v8 =	vadd.s32 v3, v8;
	[tilespmem:v30+s28+$0x0] =	vst.idx.msk $0xffff, v19;
	v21 =	vld [tilespmem:s16+$0xFFFFFF60]  }
0x256: {  	v12 =	vmul.f32 $8.000000000e+00, v12;
	[tilespmem:v18+s28+$0x0] =	vst.idx.msk $0xffff, v20;
	v18 =	vadd.s32 v1, v22;
	v19 =	vld [tilespmem:s16+$0xFFFFFFA0]  }
0x257: {  	[tilespmem:v10+s28+$0x0] =	vst.idx.msk $0xffff, v13;
	v10 =	vmul.f32 $8.000000000e+00, v11;
	v13 =	vadd.s32 v1, v23;
	v11 =	vld [tilespmem:s16+$0xFFFFFF20]  }
0x258: {  	v14 =	vmul.f32 $8.000000000e+00, v14;
	[tilespmem:v15+s28+$0x0] =	vst.idx.msk $0xffff, v12;
	v12 =	vadd.s32 v1, v25;
	v20 =	vld [tilespmem:s15+$0xFFFFFFF0]  }
0x259: {  	v15 =	vld [tilespmem:s15+$0xFFFFFF70];
	[tilespmem:v17+s28+$0x0] =	vst.idx.msk $0xffff, v10;
	v10 =	vadd.s32 v1, v9;
	v16 =	vmul.f32 $8.000000000e+00, v16  }
0x25a: {  	v58 =	vld [tilespmem:s15+$0xFFFFFFB0];
	v17 =	vadd.s32 v2, v5;
	[tilespmem:v8+s28+$0x0] =	vst.idx.msk $0xffff, v14;
	v8 =	vmul.f32 $8.000000000e+00, v21  }
0x25b: {  	v14 =	vld [tilespmem:s15+$0xFFFFFF30];
	v21 =	vadd.s32 v2, v6;
	[tilespmem:v18+s28+$0x0] =	vst.idx.msk $0xffff, v16;
	v16 =	vmul.f32 $8.000000000e+00, v19  }
0x25c: {  	v11 =	vmul.f32 $8.000000000e+00, v11;
	v18 =	vadd.s32 v2, v7;
	v19 =	vld [tilespmem:s16+$0xFFFFFFF0];
	[tilespmem:v13+s28+$0x0] =	vst.idx.msk $0xffff, v8  }
0x25d: {  	v8 =	vmul.f32 $8.000000000e+00, v20;
	v13 =	vadd.s32 v2, v4;
	[tilespmem:v12+s28+$0x0] =	vst.idx.msk $0xffff, v16;
	v12 =	vld [tilespmem:s16+$0xFFFFFF70]  }
0x25e: {  	v15 =	vmul.f32 $8.000000000e+00, v15;
	[tilespmem:v10+s28+$0x0] =	vst.idx.msk $0xffff, v11;
	v10 =	vadd.s32 v2, v22;
	v11 =	vld [tilespmem:s16+$0xFFFFFFB0]  }
0x25f: {  	v16 =	vld [tilespmem:s16+$0xFFFFFF30];
	[tilespmem:v17+s28+$0x0] =	vst.idx.msk $0xffff, v8;
	v8 =	vmul.f32 $8.000000000e+00, v58;
	v17 =	vadd.s32 v2, v23  }
0x260: {  	v14 =	vmul.f32 $8.000000000e+00, v14;
	v20 =	vld [tilespmem:s15+$0x0];
	[tilespmem:v21+s28+$0x0] =	vst.idx.msk $0xffff, v15;
	v15 =	vadd.s32 v2, v25  }
0x261: {  	v21 =	vld [tilespmem:s15+$0xFFFFFF80];
	[tilespmem:v18+s28+$0x0] =	vst.idx.msk $0xffff, v8;
	v18 =	vadd.s32 v2, v9;
	v8 =	vmul.f32 $8.000000000e+00, v19  }
0x262: {  	v5 =	vadd.s32 v3, v5;
	[tilespmem:v13+s28+$0x0] =	vst.idx.msk $0xffff, v14;
	v13 =	vld [tilespmem:s15+$0xFFFFFFC0];
	v12 =	vmul.f32 $8.000000000e+00, v12  }
0x263: {  	v6 =	vadd.s32 v3, v6;
	v14 =	vld [tilespmem:s15+$0xFFFFFF40];
	[tilespmem:v10+s28+$0x0] =	vst.idx.msk $0xffff, v8;
	v8 =	vmul.f32 $8.000000000e+00, v11  }
0x264: {  	v7 =	vadd.s32 v3, v7;
	v11 =	vmul.f32 $8.000000000e+00, v16;
	v10 =	vld [tilespmem:s16+$0x0];
	[tilespmem:v17+s28+$0x0] =	vst.idx.msk $0xffff, v12  }
0x265: {  	v4 =	vadd.s32 v3, v4;
	v12 =	vmul.f32 $8.000000000e+00, v20;
	v16 =	vld [tilespmem:s16+$0xFFFFFF80];
	[tilespmem:v15+s28+$0x0] =	vst.idx.msk $0xffff, v8  }
0x266: {  	v8 =	vmul.f32 $8.000000000e+00, v21;
	v15 =	vadd.s32 v3, v22;
	[tilespmem:v18+s28+$0x0] =	vst.idx.msk $0xffff, v11;
	v11 =	vld [tilespmem:s16+$0xFFFFFFC0]  }
0x267: {  	[tilespmem:v5+s28+$0x0] =	vst.idx.msk $0xffff, v12;
	v5 =	vmul.f32 $8.000000000e+00, v13;
	v12 =	vld [tilespmem:s16+$0xFFFFFF40];
	v13 =	vadd.s32 v3, v23  }
0x268: {  	v14 =	vmul.f32 $8.000000000e+00, v14;
	[tilespmem:v6+s28+$0x0] =	vst.idx.msk $0xffff, v8;
	v6 =	vadd.s32 v3, v25  }
0x269: {  	[tilespmem:v7+s28+$0x0] =	vst.idx.msk $0xffff, v5;
	v7 =	vadd.s32 v3, v9;
	v5 =	vmul.f32 $8.000000000e+00, v10  }
0x26a: {  	[tilespmem:v4+s28+$0x0] =	vst.idx.msk $0xffff, v14;
	v4 =	vmul.f32 $8.000000000e+00, v16  }
0x26b: {  	s18 =	sshll.u32 s22, $0x12;
	[tilespmem:v15+s28+$0x0] =	vst.idx.msk $0xffff, v5;
	v5 =	vmul.f32 $8.000000000e+00, v11  }
0x26c: {  	s15 =	sor.u32 s6, s18;
	v8 =	vmul.f32 $8.000000000e+00, v12;
	[tilespmem:v13+s28+$0x0] =	vst.idx.msk $0xffff, v4  }
0x26d: {  	s15 =	sshrl.u32 s15, $0x3;
	[tilespmem:v6+s28+$0x0] =	vst.idx.msk $0xffff, v5  }
0x26e: {  	s16 =	sadd.s32 s2, s15;
	[tilespmem:v7+s28+$0x0] =	vst.idx.msk $0xffff, v8  }
0x26f: {  	[hbm4b:s16+s3] =	stream.linear.scatter [tilespmem:s28], [sflag:$0x7], $0x80, $0x38;
	[tilespmem:$0x16C00] =	vst v63  }
0x270: {  	s22 =	simm.s32 $0x12888;
	s19 =	sadd.s32 $0x10, s16  }
0x271: {  	[hbm4b:s19+s3] =	stream.linear.scatter [tilespmem:s22], [sflag:$0x7], $0x80, $0x38;
	[tilespmem:$0x16C00] =	vst v63  }
0x272: {  	s19 =	sadd.s32 $0x20, s16;
	s22 =	simm.s32 $0x12910  }
0x273: {  	[hbm4b:s19+s3] =	stream.linear.scatter [tilespmem:s22], [sflag:$0x7], $0x80, $0x38;
	[tilespmem:$0x16C00] =	vst v63  }
0x274: {  	s19 =	sadd.s32 $0x30, s16;
	s22 =	simm.s32 $0x12998  }
0x275: {  	[hbm4b:s19+s3] =	stream.linear.scatter [tilespmem:s22], [sflag:$0x7], $0x80, $0x38;
	[tilespmem:$0x16C00] =	vst v63  }
0x276: {  	s19 =	sadd.s32 $0x40, s16;
	s22 =	simm.s32 $0x12A20  }
0x277: {  	[hbm4b:s19+s3] =	stream.linear.scatter [tilespmem:s22], [sflag:$0x7], $0x80, $0x38;
	[tilespmem:$0x16C00] =	vst v63  }
0x278: {  	s19 =	sadd.s32 $0x50, s16;
	s22 =	simm.s32 $0x12AA8  }
0x279: {  	[hbm4b:s19+s3] =	stream.linear.scatter [tilespmem:s22], [sflag:$0x7], $0x80, $0x38;
	[tilespmem:$0x16C00] =	vst v63  }
0x27a: {  	s18 =	sadd.s32 $0x60, s16;
	s19 =	simm.s32 $0x12B30  }
0x27b: {  	[hbm4b:s18+s3] =	stream.linear.scatter [tilespmem:s19], [sflag:$0x7], $0x80, $0x38;
	[tilespmem:$0x16C00] =	vst v63  }
0x27c: {  	s16 =	sadd.s32 $0x70, s16;
	s22 =	simm.s32 $0x12BB8  }
0x27d: {  	[hbm4b:s16+s3] =	stream.linear.scatter [tilespmem:s22], [sflag:$0x7], $0x80, $0x38;
	[tilespmem:$0x16C00] =	vst v63  }
0x27e: {  	s18 =	simm.s32 $0x12C40;
	s16 =	sadd.s32 s15, s7  }
0x27f: {  	[hbm4b:s16+s3] =	stream.linear.scatter [tilespmem:s18], [sflag:$0x7], $0x80, $0x38;
	[tilespmem:$0x16C00] =	vst v63  }
0x280: {  	s22 =	simm.s32 $0x12CC8;
	s19 =	sadd.s32 $0x10, s16  }
0x281: {  	[hbm4b:s19+s3] =	stream.linear.scatter [tilespmem:s22], [sflag:$0x7], $0x80, $0x38;
	[tilespmem:$0x16C00] =	vst v63  }
0x282: {  	s19 =	sadd.s32 $0x20, s16;
	s22 =	simm.s32 $0x12D50  }
0x283: {  	[hbm4b:s19+s3] =	stream.linear.scatter [tilespmem:s22], [sflag:$0x7], $0x80, $0x38;
	[tilespmem:$0x16C00] =	vst v63  }
0x284: {  	s19 =	sadd.s32 $0x30, s16;
	s22 =	simm.s32 $0x12DD8  }
0x285: {  	[hbm4b:s19+s3] =	stream.linear.scatter [tilespmem:s22], [sflag:$0x7], $0x80, $0x38;
	[tilespmem:$0x16C00] =	vst v63  }
0x286: {  	s19 =	sadd.s32 $0x40, s16;
	s22 =	simm.s32 $0x12E60  }
0x287: {  	[hbm4b:s19+s3] =	stream.linear.scatter [tilespmem:s22], [sflag:$0x7], $0x80, $0x38;
	[tilespmem:$0x16C00] =	vst v63  }
0x288: {  	s19 =	sadd.s32 $0x50, s16;
	s22 =	simm.s32 $0x12EE8  }
0x289: {  	[hbm4b:s19+s3] =	stream.linear.scatter [tilespmem:s22], [sflag:$0x7], $0x80, $0x38;
	[tilespmem:$0x16C00] =	vst v63  }
0x28a: {  	s18 =	sadd.s32 $0x60, s16;
	s19 =	simm.s32 $0x12F70  }
0x28b: {  	[hbm4b:s18+s3] =	stream.linear.scatter [tilespmem:s19], [sflag:$0x7], $0x80, $0x38;
	[tilespmem:$0x16C00] =	vst v63  }
0x28c: {  	s16 =	sadd.s32 $0x70, s16;
	s22 =	simm.s32 $0x12FF8  }
0x28d: {  	[hbm4b:s16+s3] =	stream.linear.scatter [tilespmem:s22], [sflag:$0x7], $0x80, $0x38;
	[tilespmem:$0x16C00] =	vst v63  }
0x28e: {  	s18 =	simm.s32 $0x13080;
	s16 =	sadd.s32 s15, s8  }
0x28f: {  	[hbm4b:s16+s3] =	stream.linear.scatter [tilespmem:s18], [sflag:$0x7], $0x80, $0x38;
	[tilespmem:$0x16C00] =	vst v63  }
0x290: {  	s22 =	simm.s32 $0x13108;
	s19 =	sadd.s32 $0x10, s16  }
0x291: {  	[hbm4b:s19+s3] =	stream.linear.scatter [tilespmem:s22], [sflag:$0x7], $0x80, $0x38;
	[tilespmem:$0x16C00] =	vst v63  }
0x292: {  	s19 =	sadd.s32 $0x20, s16;
	s22 =	simm.s32 $0x13190  }
0x293: {  	[hbm4b:s19+s3] =	stream.linear.scatter [tilespmem:s22], [sflag:$0x7], $0x80, $0x38;
	[tilespmem:$0x16C00] =	vst v63  }
0x294: {  	s19 =	sadd.s32 $0x30, s16;
	s22 =	simm.s32 $0x13218  }
0x295: {  	[hbm4b:s19+s3] =	stream.linear.scatter [tilespmem:s22], [sflag:$0x7], $0x80, $0x38;
	[tilespmem:$0x16C00] =	vst v63  }
0x296: {  	s19 =	sadd.s32 $0x40, s16;
	s22 =	simm.s32 $0x132A0  }
0x297: {  	[hbm4b:s19+s3] =	stream.linear.scatter [tilespmem:s22], [sflag:$0x7], $0x80, $0x38;
	[tilespmem:$0x16C00] =	vst v63  }
0x298: {  	s19 =	sadd.s32 $0x50, s16;
	s22 =	simm.s32 $0x13328  }
0x299: {  	[hbm4b:s19+s3] =	stream.linear.scatter [tilespmem:s22], [sflag:$0x7], $0x80, $0x38;
	[tilespmem:$0x16C00] =	vst v63  }
0x29a: {  	s18 =	sadd.s32 $0x60, s16;
	s19 =	simm.s32 $0x133B0  }
0x29b: {  	[hbm4b:s18+s3] =	stream.linear.scatter [tilespmem:s19], [sflag:$0x7], $0x80, $0x38;
	[tilespmem:$0x16C00] =	vst v63  }
0x29c: {  	s16 =	sadd.s32 $0x70, s16;
	s22 =	simm.s32 $0x13438  }
0x29d: {  	[hbm4b:s16+s3] =	stream.linear.scatter [tilespmem:s22], [sflag:$0x7], $0x80, $0x38;
	[tilespmem:$0x16C00] =	vst v63  }
0x29e: {  	s18 =	simm.s32 $0x134C0;
	s16 =	sadd.s32 s15, s9  }
0x29f: {  	[hbm4b:s16+s3] =	stream.linear.scatter [tilespmem:s18], [sflag:$0x7], $0x80, $0x38;
	[tilespmem:$0x16C00] =	vst v63  }
0x2a0: {  	s22 =	simm.s32 $0x13548;
	s19 =	sadd.s32 $0x10, s16  }
0x2a1: {  	[hbm4b:s19+s3] =	stream.linear.scatter [tilespmem:s22], [sflag:$0x7], $0x80, $0x38;
	[tilespmem:$0x16C00] =	vst v63  }
0x2a2: {  	s19 =	sadd.s32 $0x20, s16;
	s22 =	simm.s32 $0x135D0  }
0x2a3: {  	[hbm4b:s19+s3] =	stream.linear.scatter [tilespmem:s22], [sflag:$0x7], $0x80, $0x38;
	[tilespmem:$0x16C00] =	vst v63  }
0x2a4: {  	s19 =	sadd.s32 $0x30, s16;
	s22 =	simm.s32 $0x13658  }
0x2a5: {  	[hbm4b:s19+s3] =	stream.linear.scatter [tilespmem:s22], [sflag:$0x7], $0x80, $0x38;
	[tilespmem:$0x16C00] =	vst v63  }
0x2a6: {  	s19 =	sadd.s32 $0x40, s16;
	s22 =	simm.s32 $0x136E0  }
0x2a7: {  	[hbm4b:s19+s3] =	stream.linear.scatter [tilespmem:s22], [sflag:$0x7], $0x80, $0x38;
	[tilespmem:$0x16C00] =	vst v63  }
0x2a8: {  	s19 =	sadd.s32 $0x50, s16;
	s22 =	simm.s32 $0x13768  }
0x2a9: {  	[hbm4b:s19+s3] =	stream.linear.scatter [tilespmem:s22], [sflag:$0x7], $0x80, $0x38;
	[tilespmem:$0x16C00] =	vst v63  }
0x2aa: {  	s18 =	sadd.s32 $0x60, s16;
	s19 =	simm.s32 $0x137F0  }
0x2ab: {  	[hbm4b:s18+s3] =	stream.linear.scatter [tilespmem:s19], [sflag:$0x7], $0x80, $0x38;
	[tilespmem:$0x16C00] =	vst v63  }
0x2ac: {  	s16 =	sadd.s32 $0x70, s16;
	s22 =	simm.s32 $0x13878  }
0x2ad: {  	[hbm4b:s16+s3] =	stream.linear.scatter [tilespmem:s22], [sflag:$0x7], $0x80, $0x38;
	[tilespmem:$0x16C00] =	vst v63  }
0x2ae: {  	s18 =	simm.s32 $0x13900;
	s16 =	sadd.s32 s15, s10  }
0x2af: {  	[hbm4b:s16+s3] =	stream.linear.scatter [tilespmem:s18], [sflag:$0x7], $0x80, $0x38;
	[tilespmem:$0x16C00] =	vst v63  }
0x2b0: {  	s22 =	simm.s32 $0x13988;
	s19 =	sadd.s32 $0x10, s16  }
0x2b1: {  	[hbm4b:s19+s3] =	stream.linear.scatter [tilespmem:s22], [sflag:$0x7], $0x80, $0x38;
	[tilespmem:$0x16C00] =	vst v63  }
0x2b2: {  	s19 =	sadd.s32 $0x20, s16;
	s22 =	simm.s32 $0x13A10  }
0x2b3: {  	[hbm4b:s19+s3] =	stream.linear.scatter [tilespmem:s22], [sflag:$0x7], $0x80, $0x38;
	[tilespmem:$0x16C00] =	vst v63  }
0x2b4: {  	s19 =	sadd.s32 $0x30, s16;
	s22 =	simm.s32 $0x13A98  }
0x2b5: {  	[hbm4b:s19+s3] =	stream.linear.scatter [tilespmem:s22], [sflag:$0x7], $0x80, $0x38;
	[tilespmem:$0x16C00] =	vst v63  }
0x2b6: {  	s19 =	sadd.s32 $0x40, s16;
	s22 =	simm.s32 $0x13B20  }
0x2b7: {  	[hbm4b:s19+s3] =	stream.linear.scatter [tilespmem:s22], [sflag:$0x7], $0x80, $0x38;
	[tilespmem:$0x16C00] =	vst v63  }
0x2b8: {  	s19 =	sadd.s32 $0x50, s16;
	s22 =	simm.s32 $0x13BA8  }
0x2b9: {  	[hbm4b:s19+s3] =	stream.linear.scatter [tilespmem:s22], [sflag:$0x7], $0x80, $0x38;
	[tilespmem:$0x16C00] =	vst v63  }
0x2ba: {  	s18 =	sadd.s32 $0x60, s16;
	s19 =	simm.s32 $0x13C30  }
0x2bb: {  	[hbm4b:s18+s3] =	stream.linear.scatter [tilespmem:s19], [sflag:$0x7], $0x80, $0x38;
	[tilespmem:$0x16C00] =	vst v63  }
0x2bc: {  	s16 =	sadd.s32 $0x70, s16;
	s22 =	simm.s32 $0x13CB8  }
0x2bd: {  	[hbm4b:s16+s3] =	stream.linear.scatter [tilespmem:s22], [sflag:$0x7], $0x80, $0x38;
	[tilespmem:$0x16C00] =	vst v63  }
0x2be: {  	s18 =	simm.s32 $0x13D40;
	s16 =	sadd.s32 s15, s11  }
0x2bf: {  	[hbm4b:s16+s3] =	stream.linear.scatter [tilespmem:s18], [sflag:$0x7], $0x80, $0x38;
	[tilespmem:$0x16C00] =	vst v63  }
0x2c0: {  	s22 =	simm.s32 $0x13DC8;
	s19 =	sadd.s32 $0x10, s16  }
0x2c1: {  	[hbm4b:s19+s3] =	stream.linear.scatter [tilespmem:s22], [sflag:$0x7], $0x80, $0x38;
	[tilespmem:$0x16C00] =	vst v63  }
0x2c2: {  	s19 =	sadd.s32 $0x20, s16;
	s22 =	simm.s32 $0x13E50  }
0x2c3: {  	[hbm4b:s19+s3] =	stream.linear.scatter [tilespmem:s22], [sflag:$0x7], $0x80, $0x38;
	[tilespmem:$0x16C00] =	vst v63  }
0x2c4: {  	s19 =	sadd.s32 $0x30, s16;
	s22 =	simm.s32 $0x13ED8  }
0x2c5: {  	[hbm4b:s19+s3] =	stream.linear.scatter [tilespmem:s22], [sflag:$0x7], $0x80, $0x38;
	[tilespmem:$0x16C00] =	vst v63  }
0x2c6: {  	s19 =	sadd.s32 $0x40, s16;
	s22 =	simm.s32 $0x13F60  }
0x2c7: {  	[hbm4b:s19+s3] =	stream.linear.scatter [tilespmem:s22], [sflag:$0x7], $0x80, $0x38;
	[tilespmem:$0x16C00] =	vst v63  }
0x2c8: {  	s19 =	sadd.s32 $0x50, s16;
	s22 =	simm.s32 $0x13FE8  }
0x2c9: {  	[hbm4b:s19+s3] =	stream.linear.scatter [tilespmem:s22], [sflag:$0x7], $0x80, $0x38;
	[tilespmem:$0x16C00] =	vst v63  }
0x2ca: {  	s18 =	sadd.s32 $0x60, s16;
	s19 =	simm.s32 $0x14070  }
0x2cb: {  	[hbm4b:s18+s3] =	stream.linear.scatter [tilespmem:s19], [sflag:$0x7], $0x80, $0x38;
	[tilespmem:$0x16C00] =	vst v63  }
0x2cc: {  	s16 =	sadd.s32 $0x70, s16;
	s22 =	simm.s32 $0x140F8  }
0x2cd: {  	[hbm4b:s16+s3] =	stream.linear.scatter [tilespmem:s22], [sflag:$0x7], $0x80, $0x38;
	[tilespmem:$0x16C00] =	vst v63  }
0x2ce: {  	s18 =	simm.s32 $0x14180;
	s16 =	sadd.s32 s15, s12  }
0x2cf: {  	[hbm4b:s16+s3] =	stream.linear.scatter [tilespmem:s18], [sflag:$0x7], $0x80, $0x38;
	[tilespmem:$0x16C00] =	vst v63  }
0x2d0: {  	s22 =	simm.s32 $0x14208;
	s19 =	sadd.s32 $0x10, s16  }
0x2d1: {  	[hbm4b:s19+s3] =	stream.linear.scatter [tilespmem:s22], [sflag:$0x7], $0x80, $0x38;
	[tilespmem:$0x16C00] =	vst v63  }
0x2d2: {  	s19 =	sadd.s32 $0x20, s16;
	s22 =	simm.s32 $0x14290  }
0x2d3: {  	[hbm4b:s19+s3] =	stream.linear.scatter [tilespmem:s22], [sflag:$0x7], $0x80, $0x38;
	[tilespmem:$0x16C00] =	vst v63  }
0x2d4: {  	s19 =	sadd.s32 $0x30, s16;
	s22 =	simm.s32 $0x14318  }
0x2d5: {  	[hbm4b:s19+s3] =	stream.linear.scatter [tilespmem:s22], [sflag:$0x7], $0x80, $0x38;
	[tilespmem:$0x16C00] =	vst v63  }
0x2d6: {  	s19 =	sadd.s32 $0x40, s16;
	s22 =	simm.s32 $0x143A0  }
0x2d7: {  	[hbm4b:s19+s3] =	stream.linear.scatter [tilespmem:s22], [sflag:$0x7], $0x80, $0x38;
	[tilespmem:$0x16C00] =	vst v63  }
0x2d8: {  	s19 =	sadd.s32 $0x50, s16;
	s22 =	simm.s32 $0x14428  }
0x2d9: {  	[hbm4b:s19+s3] =	stream.linear.scatter [tilespmem:s22], [sflag:$0x7], $0x80, $0x38;
	[tilespmem:$0x16C00] =	vst v63  }
0x2da: {  	s18 =	sadd.s32 $0x60, s16;
	s19 =	simm.s32 $0x144B0  }
0x2db: {  	[hbm4b:s18+s3] =	stream.linear.scatter [tilespmem:s19], [sflag:$0x7], $0x80, $0x38;
	[tilespmem:$0x16C00] =	vst v63  }
0x2dc: {  	s16 =	sadd.s32 $0x70, s16;
	s22 =	simm.s32 $0x14538  }
0x2dd: {  	[hbm4b:s16+s3] =	stream.linear.scatter [tilespmem:s22], [sflag:$0x7], $0x80, $0x38;
	[tilespmem:$0x16C00] =	vst v63  }
0x2de: {  	s15 =	sadd.s32 s15, s13;
	s18 =	simm.s32 $0x145C0  }
0x2df: {  	[hbm4b:s15+s3] =	stream.linear.scatter [tilespmem:s18], [sflag:$0x7], $0x80, $0x38;
	[tilespmem:$0x16C00] =	vst v63  }
0x2e0: {  	s19 =	sadd.s32 $0x10, s15;
	s22 =	simm.s32 $0x14648  }
0x2e1: {  	[hbm4b:s19+s3] =	stream.linear.scatter [tilespmem:s22], [sflag:$0x7], $0x80, $0x38;
	[tilespmem:$0x16C00] =	vst v63  }
0x2e2: {  	s17 =	sadd.s32 $0x20, s15;
	s18 =	simm.s32 $0x146D0  }
0x2e3: {  	[hbm4b:s17+s3] =	stream.linear.scatter [tilespmem:s18], [sflag:$0x7], $0x80, $0x38;
	[tilespmem:$0x16C00] =	vst v63  }
0x2e4: {  	s19 =	sadd.s32 $0x30, s15;
	s22 =	simm.s32 $0x14758  }
0x2e5: {  	[hbm4b:s19+s3] =	stream.linear.scatter [tilespmem:s22], [sflag:$0x7], $0x80, $0x38;
	[tilespmem:$0x16C00] =	vst v63  }
0x2e6: {  	s17 =	sadd.s32 $0x40, s15;
	s18 =	simm.s32 $0x147E0  }
0x2e7: {  	[hbm4b:s17+s3] =	stream.linear.scatter [tilespmem:s18], [sflag:$0x7], $0x80, $0x38;
	[tilespmem:$0x16C00] =	vst v63  }
0x2e8: {  	s19 =	sadd.s32 $0x50, s15;
	s22 =	simm.s32 $0x14868  }
0x2e9: {  	[hbm4b:s19+s3] =	stream.linear.scatter [tilespmem:s22], [sflag:$0x7], $0x80, $0x38;
	[tilespmem:$0x16C00] =	vst v63  }
0x2ea: {  	s17 =	sadd.s32 $0x60, s15;
	s18 =	simm.s32 $0x148F0  }
0x2eb: {  	[hbm4b:s17+s3] =	stream.linear.scatter [tilespmem:s18], [sflag:$0x7], $0x80, $0x38;
	[tilespmem:$0x16C00] =	vst v63  }
0x2ec: {  	s15 =	sadd.s32 $0x70, s15;
	s19 =	simm.s32 $0x14978  }
0x2ed: {  	[hbm4b:s15+s3] =	stream.linear.scatter [tilespmem:s19], [sflag:$0x7], $0x80, $0x38;
	[tilespmem:$0x16C00] =	vst v63  }
0x2ee: {  	s15 =	simm.s32 @!p0 $0x6  }
0x2ef: {  	_ =	swait.ge @!p0 [sflag:s15], $0x400  }
0x2f0: {  	[sflag:s15] =	ssyncset.done @!p0 $0x0  }
0x2f1: {  	[sflag:s15] =	ssyncadd.s32 @!p0 $0xFFFFFC00  }
0x2f2: {  	_ =	swait.ge @!p0 [sflag:s15], $0x400  }
0x2f3: {  	[sflag:s15] =	ssyncset.done @!p0 $0x0  }
0x2f4: {  	[sflag:s15] =	ssyncadd.s32 @!p0 $0xFFFFFC00  }
0x2f5: {  	_ =	swait.ge @!p0 [sflag:s15], $0x400  }
0x2f6: {  	[sflag:s15] =	ssyncset.done @!p0 $0x0  }
0x2f7: {  	[sflag:s15] =	ssyncadd.s32 @!p0 $0xFFFFFC00  }
0x2f8: {  	_ =	swait.ge @!p0 [sflag:s15], $0x400  }
0x2f9: {  	[sflag:s15] =	ssyncset.done @!p0 $0x0  }
0x2fa: {  	[sflag:s15] =	ssyncadd.s32 @!p0 $0xFFFFFC00  }
0x2fb: {  	_ =	swait.ge @!p0 [sflag:s15], $0x400  }
0x2fc: {  	[sflag:s15] =	ssyncset.done @!p0 $0x0  }
0x2fd: {  	[sflag:s15] =	ssyncadd.s32 @!p0 $0xFFFFFC00  }
0x2fe: {  	_ =	swait.ge @!p0 [sflag:s15], $0x400  }
0x2ff: {  	[sflag:s15] =	ssyncset.done @!p0 $0x0  }
0x300: {  	[sflag:s15] =	ssyncadd.s32 @!p0 $0xFFFFFC00  }
0x301: {  	_ =	swait.ge @!p0 [sflag:s15], $0x400  }
0x302: {  	[sflag:s15] =	ssyncset.done @!p0 $0x0  }
0x303: {  	[sflag:s15] =	ssyncadd.s32 @!p0 $0xFFFFFC00  }
0x304: {  	_ =	swait.ge @!p0 [sflag:s15], $0x400  }
0x305: {  	s14 =	sadd.s32 @!p0 $0x280, s14;
	[sflag:s15] =	ssyncset.done @!p0 $0x0  }
0x306: {  	s16 =	simm.s32 @!p0 $0x8400;
	[sflag:s15] =	ssyncadd.s32 @!p0 $0xFFFFFC00;
	s15 =	simm.s32 @!p0 $0x80  }
0x307: {  	[tilespmem:s16], [sflag:$0x2] =	stream.indirect.gather @!p0 [hbm4b:s4+s15], $0x40, s14, s15, $0xb8;
	[tilespmem:$0x16C00] =	vst v63  }
0x308: {  	_ =	swait.ge [sflag:s29], $0x2000  }
0x309: {  	[sflag:s29] =	ssyncset.done $0x0  }
0x30a: {  	s22 =	simm.s32 $0x3;
	s15 =	simm.s32 $0xC4F0;
	[sflag:s29] =	ssyncadd.s32 $0xFFFFE000  }
0x30b: {  	v4 =	vmov s22;
	v5 =	vld [tilespmem:s15+$0xFFFFFFD0]  }
0x30c: {  	v9 =	vand.u32 $0x7F, v4  }
0x30d: {  	v4 =	vadd.s32 v0, v9;
	s16 =	simm.s32 $0x0  }
0x30e: {  	s17 =	simm.s32 $0x1;
	s18 =	simm.s32 $0x2;
	v6 =	vmov s16;
	v7 =	vld [tilespmem:s15+$0xFFFFFF10]  }
0x30f: {  	v11 =	vmov s18;
	v8 =	vand.u32 $0x7C, v6;
	v6 =	vmov s17;
	v10 =	vld [tilespmem:s15+$0xFFFFFF50]  }
0x310: {  	v12 =	vadd.s32 v0, v8;
	v15 =	vand.u32 $0x7D, v6;
	v6 =	vld [tilespmem:s15+$0xFFFFFF90];
	v5 =	vmul.f32 $8.000000000e+00, v5  }
0x311: {  	v17 =	vand.u32 $0x7E, v11;
	v13 =	vadd.s32 v0, v15  }
0x312: {  	v11 =	vadd.s32 v0, v17;
	[tilespmem:v4+s0+$0x0] =	vst.idx.msk $0xffff, v5  }
0x313: {  	v4 =	vmul.f32 $8.000000000e+00, v7;
	v5 =	vld [tilespmem:s15+$0xFFFFFFE0]  }
0x314: {  	v7 =	vmul.f32 $8.000000000e+00, v10  }
0x315: {  	[tilespmem:v12+s0+$0x0] =	vst.idx.msk $0xffff, v4;
	v4 =	vmul.f32 $8.000000000e+00, v6;
	v6 =	vadd.s32 v1, v9  }
0x316: {  	[tilespmem:v13+s0+$0x0] =	vst.idx.msk $0xffff, v7;
	v10 =	vld [tilespmem:s15+$0xFFFFFF20]  }
0x317: {  	v7 =	vld [tilespmem:s15+$0xFFFFFF60];
	[tilespmem:v11+s0+$0x0] =	vst.idx.msk $0xffff, v4  }
0x318: {  	v11 =	vld [tilespmem:s15+$0xFFFFFFA0];
	v4 =	vmul.f32 $8.000000000e+00, v5  }
0x319: {  	s22 =	simm.s32 $0x7;
	s19 =	simm.s32 $0x4;
	s14 =	simm.s32 $0xC5F0;
	v12 =	vadd.s32 v1, v15  }
0x31a: {  	v14 =	vld [tilespmem:s14+$0xFFFFFFD0];
	v13 =	vadd.s32 v1, v17;
	v5 =	vmov s19;
	[tilespmem:v6+s0+$0x0] =	vst.idx.msk $0xffff, v4;
	v6 =	vmov s22  }
0x31b: {  	v16 =	vadd.s32 v1, v8;
	v4 =	vand.u32 $0x7C, v5;
	v5 =	vand.u32 $0x7F, v6;
	v18 =	vld [tilespmem:s15+$0xFFFFFFF0]  }
0x31c: {  	s18 =	simm.s32 $0x5;
	v22 =	vadd.s32 v2, v9;
	v19 =	vld [tilespmem:s14+$0xFFFFFF10];
	v6 =	vmul.f32 $8.000000000e+00, v7;
	v20 =	vadd.s32 v0, v5  }
0x31d: {  	v21 =	vld [tilespmem:s14+$0xFFFFFF50];
	s19 =	simm.s32 $0x6;
	v10 =	vmul.f32 $8.000000000e+00, v10;
	v7 =	vmul.f32 $8.000000000e+00, v11;
	v11 =	vmov s18  }
0x31e: {  	v23 =	vadd.s32 v0, v4;
	[tilespmem:v12+s0+$0x0] =	vst.idx.msk $0xffff, v6;
	v12 =	vmov s19;
	v6 =	vand.u32 $0x7D, v11;
	v11 =	vld [tilespmem:s14+$0xFFFFFF90]  }
0x31f: {  	[tilespmem:v13+s0+$0x0] =	vst.idx.msk $0xffff, v7;
	v13 =	vadd.s32 v0, v6;
	v7 =	vand.u32 $0x7E, v12;
	v12 =	vmul.f32 $8.000000000e+00, v14;
	v14 =	vld [tilespmem:s15+$0xFFFFFF70]  }
0x320: {  	[tilespmem:v16+s0+$0x0] =	vst.idx.msk $0xffff, v10;
	v10 =	vadd.s32 v0, v7;
	v16 =	vld [tilespmem:s15+$0xFFFFFFB0];
	v18 =	vmul.f32 $8.000000000e+00, v18  }
0x321: {  	v19 =	vmul.f32 $8.000000000e+00, v19;
	[tilespmem:v20+s0+$0x0] =	vst.idx.msk $0xffff, v12;
	v12 =	vld [tilespmem:s15+$0xFFFFFF30];
	v20 =	vadd.s32 v2, v15  }
0x322: {  	v60 =	vadd.s32 v2, v17;
	v21 =	vmul.f32 $8.000000000e+00, v21;
	v59 =	vld [tilespmem:s14+$0xFFFFFFE0];
	[tilespmem:v22+s0+$0x0] =	vst.idx.msk $0xffff, v18  }
0x323: {  	[tilespmem:v23+s0+$0x0] =	vst.idx.msk $0xffff, v19;
	v19 =	vadd.s32 v2, v8;
	v11 =	vmul.f32 $8.000000000e+00, v11;
	v22 =	vld [tilespmem:s15+$0x0]  }
0x324: {  	v23 =	vld [tilespmem:s14+$0xFFFFFF20];
	[tilespmem:v13+s0+$0x0] =	vst.idx.msk $0xffff, v21;
	v21 =	vadd.s32 v1, v5;
	v14 =	vmul.f32 $8.000000000e+00, v14  }
0x325: {  	v62 =	vadd.s32 v3, v9;
	v61 =	vld [tilespmem:s14+$0xFFFFFF60];
	[tilespmem:v10+s0+$0x0] =	vst.idx.msk $0xffff, v11;
	v10 =	vmul.f32 $8.000000000e+00, v16  }
0x326: {  	v18 =	vadd.s32 v1, v4;
	v13 =	vld [tilespmem:s14+$0xFFFFFFA0];
	v9 =	vmul.f32 $8.000000000e+00, v12;
	[tilespmem:v20+s0+$0x0] =	vst.idx.msk $0xffff, v14  }
0x327: {  	s16 =	simm.s32 $0x8;
	v16 =	vadd.s32 v1, v6;
	[tilespmem:v60+s0+$0x0] =	vst.idx.msk $0xffff, v10;
	v14 =	vmul.f32 $8.000000000e+00, v59;
	v12 =	vld [tilespmem:s15+$0xFFFFFF80]  }
0x328: {  	v20 =	vmov s16;
	v10 =	vadd.s32 v1, v7;
	v11 =	vld [tilespmem:s15+$0xFFFFFFC0];
	[tilespmem:v19+s0+$0x0] =	vst.idx.msk $0xffff, v9;
	v63 =	vmul.f32 $8.000000000e+00, v22  }
0x329: {  	s22 =	simm.s32 $0xB;
	v15 =	vadd.s32 v3, v15;
	v9 =	vand.u32 $0x7C, v20;
	v20 =	vmul.f32 $8.000000000e+00, v23;
	[tilespmem:v21+s0+$0x0] =	vst.idx.msk $0xffff, v14;
	v14 =	vld [tilespmem:s15+$0xFFFFFF40];
	s15 =	simm.s32 $0xC6F0  }
0x32a: {  	s17 =	simm.s32 $0xC;
	v17 =	vadd.s32 v3, v17;
	v22 =	vmov s22;
	v21 =	vmul.f32 $8.000000000e+00, v61;
	v19 =	vld [tilespmem:s15+$0xFFFFFFD0];
	[tilespmem:v62+s0+$0x0] =	vst.idx.msk $0xffff, v63  }
.LBB2_9:
0x32b: {  	p0 =	slt.u32 s17, $0x7C;
	s18 =	sadd.s32 $0x1, s16;
	v22 =	vand.u32 $0x7F, v22;
	[tilespmem:v18+s0+$0x0] =	vst.idx.msk $0xffff, v20;
	v13 =	vmul.f32 $8.000000000e+00, v13;
	v18 =	vld [tilespmem:s14+$0xFFFFFFF0];
	v20 =	vadd.s32 v3, v8;
	v8 =	vmovc v4  }
0x32c: {  	v4 =	vmovc v9;
	v23 =	vld [tilespmem:s15+$0xFFFFFF10];
	v24 =	vmov s18;
	s18 =	sadd.s32 $0x2, s16;
	v25 =	vadd.s32 v0, v22;
	[tilespmem:v16+s0+$0x0] =	vst.idx.msk $0xffff, v21;
	v12 =	vmul.f32 $8.000000000e+00, v12;
	s16 =	smov.u32 s17  }
0x32d: {  	v9 =	vld [tilespmem:s15+$0xFFFFFF50];
	v16 =	vmov s18;
	[tilespmem:v10+s0+$0x0] =	vst.idx.msk $0xffff, v13;
	v10 =	vadd.s32 v2, v5;
	v11 =	vmul.f32 $8.000000000e+00, v11  }
0x32e: {  	v13 =	vadd.s32 v0, v4;
	v21 =	vand.u32 $0x7D, v24;
	v24 =	vld [tilespmem:s15+$0xFFFFFF90];
	v14 =	vmul.f32 $8.000000000e+00, v14;
	[tilespmem:v15+s0+$0x0] =	vst.idx.msk $0xffff, v12  }
0x32f: {  	v12 =	vadd.s32 v0, v21;
	v26 =	vand.u32 $0x7E, v16;
	v15 =	vmul.f32 $8.000000000e+00, v19;
	v16 =	vld [tilespmem:s14+$0xFFFFFF70];
	[tilespmem:v17+s0+$0x0] =	vst.idx.msk $0xffff, v11  }
0x330: {  	v11 =	vadd.s32 v0, v26;
	v17 =	vld [tilespmem:s14+$0xFFFFFFB0];
	v18 =	vmul.f32 $8.000000000e+00, v18;
	[tilespmem:v20+s0+$0x0] =	vst.idx.msk $0xffff, v14  }
0x331: {  	v19 =	vadd.s32 v2, v6;
	v14 =	vmul.f32 $8.000000000e+00, v23;
	[tilespmem:v25+s0+$0x0] =	vst.idx.msk $0xffff, v15;
	v15 =	vld [tilespmem:s14+$0xFFFFFF30]  }
0x332: {  	v23 =	vadd.s32 v2, v7;
	v9 =	vmul.f32 $8.000000000e+00, v9;
	v20 =	vld [tilespmem:s15+$0xFFFFFFE0];
	[tilespmem:v10+s0+$0x0] =	vst.idx.msk $0xffff, v18  }
0x333: {  	[tilespmem:v13+s0+$0x0] =	vst.idx.msk $0xffff, v14;
	v10 =	vmul.f32 $8.000000000e+00, v24;
	v14 =	vadd.s32 v2, v8;
	v24 =	vld [tilespmem:s14+$0x0]  }
0x334: {  	v27 =	vadd.s32 v1, v22;
	v25 =	vld [tilespmem:s15+$0xFFFFFF20];
	[tilespmem:v12+s0+$0x0] =	vst.idx.msk $0xffff, v9;
	v9 =	vmul.f32 $8.000000000e+00, v16  }
0x335: {  	v29 =	vadd.s32 v3, v5;
	v5 =	vmov v22;
	v28 =	vld [tilespmem:s15+$0xFFFFFF60];
	[tilespmem:v11+s0+$0x0] =	vst.idx.msk $0xffff, v10;
	v10 =	vmul.f32 $8.000000000e+00, v17  }
.Ltmp3:
0x336: {  	v18 =	vadd.s32 v1, v4;
	v13 =	vld [tilespmem:s15+$0xFFFFFFA0];
	v11 =	vmul.f32 $8.000000000e+00, v15;
	[tilespmem:v19+s0+$0x0] =	vst.idx.msk $0xffff, v9;
	(pc) =	sbr.rel @p0 .LBB2_9-.Ltmp3, $4  }
0x337: {  	v16 =	vadd.s32 v1, v21;
	v15 =	vmul.f32 $8.000000000e+00, v20;
	v12 =	vld [tilespmem:s14+$0xFFFFFF80];
	[tilespmem:v23+s0+$0x0] =	vst.idx.msk $0xffff, v10  }
0x338: {  	v9 =	vmov s17;
	v10 =	vadd.s32 v1, v26;
	[tilespmem:v14+s0+$0x0] =	vst.idx.msk $0xffff, v11;
	v11 =	vld [tilespmem:s14+$0xFFFFFFC0];
	v23 =	vmul.f32 $8.000000000e+00, v24  }
0x339: {  	s18 =	sadd.s32 $0x3, s17;
	v9 =	vand.u32 $0x7C, v9;
	v20 =	vmul.f32 $8.000000000e+00, v25;
	[tilespmem:v27+s0+$0x0] =	vst.idx.msk $0xffff, v15;
	v14 =	vld [tilespmem:s14+$0xFFFFFF40];
	v15 =	vadd.s32 v3, v6;
	v6 =	vmovc v21;
	s14 =	smov.u32 s15;
	s15 =	sadd.s32 $0x100, s15  }
0x33a: {  	v22 =	vmov s18;
	v17 =	vadd.s32 v3, v7;
	v7 =	vmovc v26;
	s17 =	sadd.s32 $0x4, s17;
	v19 =	vld [tilespmem:s15+$0xFFFFFFD0];
	v21 =	vmul.f32 $8.000000000e+00, v28;
	[tilespmem:v29+s0+$0x0] =	vst.idx.msk $0xffff, v23  }
0x33b: {  	s17 =	sadd.s32 $0x1, s16;
	v22 =	vand.u32 $0x7F, v22;
	v28 =	vld [tilespmem:s15+$0xFFFFFF10]  }
0x33c: {  	s22 =	sadd.s32 $0x2, s16;
	v24 =	vld [tilespmem:s15+$0xFFFFFF50];
	v23 =	vmov s17;
	v26 =	vadd.s32 v0, v22  }
0x33d: {  	v27 =	vld [tilespmem:s15+$0xFFFFFF90];
	v51 =	vadd.s32 v0, v9;
	v25 =	vmov s22;
	v23 =	vand.u32 $0x7D, v23  }
0x33e: {  	v25 =	vand.u32 $0x7E, v25;
	v29 =	vadd.s32 v0, v23  }
0x33f: {  	[tilespmem:v18+s0+$0x0] =	vst.idx.msk $0xffff, v20;
	v30 =	vadd.s32 v0, v25;
	v19 =	vmul.f32 $8.000000000e+00, v19  }
0x340: {  	[tilespmem:v16+s0+$0x0] =	vst.idx.msk $0xffff, v21;
	v54 =	vmul.f32 $8.000000000e+00, v28  }
0x341: {  	v52 =	vmul.f32 $8.000000000e+00, v24;
	[tilespmem:v26+s0+$0x0] =	vst.idx.msk $0xffff, v19  }
0x342: {  	v53 =	vmul.f32 $8.000000000e+00, v27;
	v55 =	vld [tilespmem:s15+$0xFFFFFFE0];
	[tilespmem:v51+s0+$0x0] =	vst.idx.msk $0xffff, v54  }
0x343: {  	v13 =	vmul.f32 $8.000000000e+00, v13;
	v8 =	vadd.s32 v3, v8;
	[tilespmem:v29+s0+$0x0] =	vst.idx.msk $0xffff, v52;
	v59 =	vld [tilespmem:s15+$0xFFFFFF20]  }
0x344: {  	v12 =	vmul.f32 $8.000000000e+00, v12;
	v57 =	vadd.s32 v1, v22;
	[tilespmem:v30+s0+$0x0] =	vst.idx.msk $0xffff, v53;
	v56 =	vld [tilespmem:s15+$0xFFFFFF60]  }
0x345: {  	[tilespmem:v10+s0+$0x0] =	vst.idx.msk $0xffff, v13;
	v58 =	vmul.f32 $8.000000000e+00, v11;
	v28 =	vadd.s32 v1, v9;
	v19 =	vld [tilespmem:s15+$0xFFFFFFA0]  }
0x346: {  	v61 =	vld [tilespmem:s14+$0xFFFFFFF0];
	v60 =	vadd.s32 v1, v23;
	v14 =	vmul.f32 $8.000000000e+00, v14;
	[tilespmem:v15+s0+$0x0] =	vst.idx.msk $0xffff, v12  }
0x347: {  	v32 =	vld [tilespmem:s14+$0xFFFFFF30];
	v62 =	vadd.s32 v1, v25;
	[tilespmem:v17+s0+$0x0] =	vst.idx.msk $0xffff, v58;
	v16 =	vmul.f32 $8.000000000e+00, v55  }
0x348: {  	[tilespmem:v8+s0+$0x0] =	vst.idx.msk $0xffff, v14;
	v29 =	vadd.s32 v2, v5;
	v30 =	vld [tilespmem:s14+$0xFFFFFFB0];
	v11 =	vmul.f32 $8.000000000e+00, v59  }
0x349: {  	v38 =	vadd.s32 v2, v4;
	v63 =	vld [tilespmem:s14+$0xFFFFFF70];
	v31 =	vmul.f32 $8.000000000e+00, v56;
	[tilespmem:v57+s0+$0x0] =	vst.idx.msk $0xffff, v16  }
0x34a: {  	v35 =	vadd.s32 v2, v7;
	v34 =	vmul.f32 $8.000000000e+00, v19;
	v36 =	vld [tilespmem:s15+$0xFFFFFFF0];
	[tilespmem:v28+s0+$0x0] =	vst.idx.msk $0xffff, v11  }
0x34b: {  	v33 =	vadd.s32 v2, v6;
	v37 =	vmul.f32 $8.000000000e+00, v61;
	[tilespmem:v60+s0+$0x0] =	vst.idx.msk $0xffff, v31;
	v43 =	vld [tilespmem:s15+$0xFFFFFF30]  }
0x34c: {  	v40 =	vadd.s32 v2, v22;
	v14 =	vmul.f32 $8.000000000e+00, v32;
	[tilespmem:v62+s0+$0x0] =	vst.idx.msk $0xffff, v34;
	v39 =	vld [tilespmem:s15+$0xFFFFFF70]  }
0x34d: {  	v48 =	vadd.s32 v2, v9;
	[tilespmem:v29+s0+$0x0] =	vst.idx.msk $0xffff, v37;
	v42 =	vmul.f32 $8.000000000e+00, v30;
	v41 =	vld [tilespmem:s15+$0xFFFFFFB0]  }
0x34e: {  	v44 =	vadd.s32 v2, v23;
	v15 =	vmul.f32 $8.000000000e+00, v63;
	[tilespmem:v38+s0+$0x0] =	vst.idx.msk $0xffff, v14;
	v45 =	vld [tilespmem:s14+$0x0]  }
0x34f: {  	v46 =	vadd.s32 v2, v25;
	v14 =	vld [tilespmem:s14+$0xFFFFFF40];
	[tilespmem:v35+s0+$0x0] =	vst.idx.msk $0xffff, v42;
	v47 =	vmul.f32 $8.000000000e+00, v36  }
0x350: {  	v5 =	vadd.s32 v3, v5;
	[tilespmem:v33+s0+$0x0] =	vst.idx.msk $0xffff, v15;
	v49 =	vld [tilespmem:s14+$0xFFFFFFC0];
	v53 =	vmul.f32 $8.000000000e+00, v43  }
0x351: {  	v4 =	vadd.s32 v3, v4;
	v21 =	vld [tilespmem:s14+$0xFFFFFF80];
	v12 =	vmul.f32 $8.000000000e+00, v39;
	[tilespmem:v40+s0+$0x0] =	vst.idx.msk $0xffff, v47  }
0x352: {  	v52 =	vadd.s32 v3, v7;
	v51 =	vmul.f32 $8.000000000e+00, v41;
	v10 =	vld [tilespmem:s15+$0x0];
	[tilespmem:v48+s0+$0x0] =	vst.idx.msk $0xffff, v53  }
0x353: {  	v50 =	vadd.s32 v3, v6;
	v54 =	vmul.f32 $8.000000000e+00, v45;
	[tilespmem:v44+s0+$0x0] =	vst.idx.msk $0xffff, v12;
	v59 =	vld [tilespmem:s15+$0xFFFFFF40]  }
0x354: {  	v57 =	vadd.s32 v3, v22;
	v14 =	vmul.f32 $8.000000000e+00, v14;
	[tilespmem:v46+s0+$0x0] =	vst.idx.msk $0xffff, v51;
	v55 =	vld [tilespmem:s15+$0xFFFFFF80]  }
0x355: {  	v62 =	vadd.s32 v3, v9;
	[tilespmem:v5+s0+$0x0] =	vst.idx.msk $0xffff, v54;
	v5 =	vmul.f32 $8.000000000e+00, v49;
	v58 =	vld [tilespmem:s15+$0xFFFFFFC0]  }
0x356: {  	v56 =	vmul.f32 $8.000000000e+00, v21;
	v60 =	vadd.s32 v3, v23;
	[tilespmem:v4+s0+$0x0] =	vst.idx.msk $0xffff, v14  }
0x357: {  	v61 =	vadd.s32 v3, v25;
	[tilespmem:v52+s0+$0x0] =	vst.idx.msk $0xffff, v5;
	v5 =	vmul.f32 $8.000000000e+00, v10  }
0x358: {  	[tilespmem:v50+s0+$0x0] =	vst.idx.msk $0xffff, v56;
	v63 =	vmul.f32 $8.000000000e+00, v59  }
0x359: {  	s17 =	sshll.u32 s25, $0x12;
	v4 =	vmul.f32 $8.000000000e+00, v55;
	[tilespmem:v57+s0+$0x0] =	vst.idx.msk $0xffff, v5  }
0x35a: {  	s14 =	sor.u32 s6, s17;
	v5 =	vmul.f32 $8.000000000e+00, v58;
	[tilespmem:v62+s0+$0x0] =	vst.idx.msk $0xffff, v63  }
0x35b: {  	s14 =	sshrl.u32 s14, $0x3;
	[tilespmem:v60+s0+$0x0] =	vst.idx.msk $0xffff, v4  }
0x35c: {  	s15 =	sadd.s32 s2, s14;
	[tilespmem:v61+s0+$0x0] =	vst.idx.msk $0xffff, v5  }
0x35d: {  	[hbm4b:s15+s3] =	stream.linear.scatter [tilespmem:s0], [sflag:$0x8], $0x80, $0x38;
	[tilespmem:$0x16C00] =	vst v63  }
0x35e: {  	s19 =	simm.s32 $0x14A88;
	s18 =	sadd.s32 $0x10, s15  }
0x35f: {  	[hbm4b:s18+s3] =	stream.linear.scatter [tilespmem:s19], [sflag:$0x8], $0x80, $0x38;
	[tilespmem:$0x16C00] =	vst v63  }
0x360: {  	s25 =	simm.s32 $0x14B10;
	s22 =	sadd.s32 $0x20, s15  }
0x361: {  	[hbm4b:s22+s3] =	stream.linear.scatter [tilespmem:s25], [sflag:$0x8], $0x80, $0x38;
	[tilespmem:$0x16C00] =	vst v63  }
0x362: {  	s18 =	sadd.s32 $0x30, s15;
	s19 =	simm.s32 $0x14B98  }
0x363: {  	[hbm4b:s18+s3] =	stream.linear.scatter [tilespmem:s19], [sflag:$0x8], $0x80, $0x38;
	[tilespmem:$0x16C00] =	vst v63  }
0x364: {  	s22 =	sadd.s32 $0x40, s15;
	s25 =	simm.s32 $0x14C20  }
0x365: {  	[hbm4b:s22+s3] =	stream.linear.scatter [tilespmem:s25], [sflag:$0x8], $0x80, $0x38;
	[tilespmem:$0x16C00] =	vst v63  }
0x366: {  	s17 =	sadd.s32 $0x50, s15;
	s18 =	simm.s32 $0x14CA8  }
0x367: {  	[hbm4b:s17+s3] =	stream.linear.scatter [tilespmem:s18], [sflag:$0x8], $0x80, $0x38;
	[tilespmem:$0x16C00] =	vst v63  }
0x368: {  	s19 =	sadd.s32 $0x60, s15;
	s22 =	simm.s32 $0x14D30  }
0x369: {  	[hbm4b:s19+s3] =	stream.linear.scatter [tilespmem:s22], [sflag:$0x8], $0x80, $0x38;
	[tilespmem:$0x16C00] =	vst v63  }
0x36a: {  	s15 =	sadd.s32 $0x70, s15;
	s25 =	simm.s32 $0x14DB8  }
0x36b: {  	[hbm4b:s15+s3] =	stream.linear.scatter [tilespmem:s25], [sflag:$0x8], $0x80, $0x38;
	[tilespmem:$0x16C00] =	vst v63  }
0x36c: {  	s17 =	simm.s32 $0x14E40;
	s15 =	sadd.s32 s14, s7  }
0x36d: {  	[hbm4b:s15+s3] =	stream.linear.scatter [tilespmem:s17], [sflag:$0x8], $0x80, $0x38;
	[tilespmem:$0x16C00] =	vst v63  }
0x36e: {  	s19 =	simm.s32 $0x14EC8;
	s18 =	sadd.s32 $0x10, s15  }
0x36f: {  	[hbm4b:s18+s3] =	stream.linear.scatter [tilespmem:s19], [sflag:$0x8], $0x80, $0x38;
	[tilespmem:$0x16C00] =	vst v63  }
0x370: {  	s25 =	simm.s32 $0x14F50;
	s22 =	sadd.s32 $0x20, s15  }
0x371: {  	[hbm4b:s22+s3] =	stream.linear.scatter [tilespmem:s25], [sflag:$0x8], $0x80, $0x38;
	[tilespmem:$0x16C00] =	vst v63  }
0x372: {  	s18 =	sadd.s32 $0x30, s15;
	s19 =	simm.s32 $0x14FD8  }
0x373: {  	[hbm4b:s18+s3] =	stream.linear.scatter [tilespmem:s19], [sflag:$0x8], $0x80, $0x38;
	[tilespmem:$0x16C00] =	vst v63  }
0x374: {  	s22 =	sadd.s32 $0x40, s15;
	s25 =	simm.s32 $0x15060  }
0x375: {  	[hbm4b:s22+s3] =	stream.linear.scatter [tilespmem:s25], [sflag:$0x8], $0x80, $0x38;
	[tilespmem:$0x16C00] =	vst v63  }
0x376: {  	s17 =	sadd.s32 $0x50, s15;
	s18 =	simm.s32 $0x150E8  }
0x377: {  	[hbm4b:s17+s3] =	stream.linear.scatter [tilespmem:s18], [sflag:$0x8], $0x80, $0x38;
	[tilespmem:$0x16C00] =	vst v63  }
0x378: {  	s19 =	sadd.s32 $0x60, s15;
	s22 =	simm.s32 $0x15170  }
0x379: {  	[hbm4b:s19+s3] =	stream.linear.scatter [tilespmem:s22], [sflag:$0x8], $0x80, $0x38;
	[tilespmem:$0x16C00] =	vst v63  }
0x37a: {  	s15 =	sadd.s32 $0x70, s15;
	s25 =	simm.s32 $0x151F8  }
0x37b: {  	[hbm4b:s15+s3] =	stream.linear.scatter [tilespmem:s25], [sflag:$0x8], $0x80, $0x38;
	[tilespmem:$0x16C00] =	vst v63  }
0x37c: {  	s17 =	simm.s32 $0x15280;
	s15 =	sadd.s32 s14, s8  }
0x37d: {  	[hbm4b:s15+s3] =	stream.linear.scatter [tilespmem:s17], [sflag:$0x8], $0x80, $0x38;
	[tilespmem:$0x16C00] =	vst v63  }
0x37e: {  	s19 =	simm.s32 $0x15308;
	s18 =	sadd.s32 $0x10, s15  }
0x37f: {  	[hbm4b:s18+s3] =	stream.linear.scatter [tilespmem:s19], [sflag:$0x8], $0x80, $0x38;
	[tilespmem:$0x16C00] =	vst v63  }
0x380: {  	s25 =	simm.s32 $0x15390;
	s22 =	sadd.s32 $0x20, s15  }
0x381: {  	[hbm4b:s22+s3] =	stream.linear.scatter [tilespmem:s25], [sflag:$0x8], $0x80, $0x38;
	[tilespmem:$0x16C00] =	vst v63  }
0x382: {  	s18 =	sadd.s32 $0x30, s15;
	s19 =	simm.s32 $0x15418  }
0x383: {  	[hbm4b:s18+s3] =	stream.linear.scatter [tilespmem:s19], [sflag:$0x8], $0x80, $0x38;
	[tilespmem:$0x16C00] =	vst v63  }
0x384: {  	s22 =	sadd.s32 $0x40, s15;
	s25 =	simm.s32 $0x154A0  }
0x385: {  	[hbm4b:s22+s3] =	stream.linear.scatter [tilespmem:s25], [sflag:$0x8], $0x80, $0x38;
	[tilespmem:$0x16C00] =	vst v63  }
0x386: {  	s17 =	sadd.s32 $0x50, s15;
	s18 =	simm.s32 $0x15528  }
0x387: {  	[hbm4b:s17+s3] =	stream.linear.scatter [tilespmem:s18], [sflag:$0x8], $0x80, $0x38;
	[tilespmem:$0x16C00] =	vst v63  }
0x388: {  	s19 =	sadd.s32 $0x60, s15;
	s22 =	simm.s32 $0x155B0  }
0x389: {  	[hbm4b:s19+s3] =	stream.linear.scatter [tilespmem:s22], [sflag:$0x8], $0x80, $0x38;
	[tilespmem:$0x16C00] =	vst v63  }
0x38a: {  	s15 =	sadd.s32 $0x70, s15;
	s25 =	simm.s32 $0x15638  }
0x38b: {  	[hbm4b:s15+s3] =	stream.linear.scatter [tilespmem:s25], [sflag:$0x8], $0x80, $0x38;
	[tilespmem:$0x16C00] =	vst v63  }
0x38c: {  	s17 =	simm.s32 $0x156C0;
	s15 =	sadd.s32 s14, s9  }
0x38d: {  	[hbm4b:s15+s3] =	stream.linear.scatter [tilespmem:s17], [sflag:$0x8], $0x80, $0x38;
	[tilespmem:$0x16C00] =	vst v63  }
0x38e: {  	s19 =	simm.s32 $0x15748;
	s18 =	sadd.s32 $0x10, s15  }
0x38f: {  	[hbm4b:s18+s3] =	stream.linear.scatter [tilespmem:s19], [sflag:$0x8], $0x80, $0x38;
	[tilespmem:$0x16C00] =	vst v63  }
0x390: {  	s25 =	simm.s32 $0x157D0;
	s22 =	sadd.s32 $0x20, s15  }
0x391: {  	[hbm4b:s22+s3] =	stream.linear.scatter [tilespmem:s25], [sflag:$0x8], $0x80, $0x38;
	[tilespmem:$0x16C00] =	vst v63  }
0x392: {  	s18 =	sadd.s32 $0x30, s15;
	s19 =	simm.s32 $0x15858  }
0x393: {  	[hbm4b:s18+s3] =	stream.linear.scatter [tilespmem:s19], [sflag:$0x8], $0x80, $0x38;
	[tilespmem:$0x16C00] =	vst v63  }
0x394: {  	s22 =	sadd.s32 $0x40, s15;
	s25 =	simm.s32 $0x158E0  }
0x395: {  	[hbm4b:s22+s3] =	stream.linear.scatter [tilespmem:s25], [sflag:$0x8], $0x80, $0x38;
	[tilespmem:$0x16C00] =	vst v63  }
0x396: {  	s17 =	sadd.s32 $0x50, s15;
	s18 =	simm.s32 $0x15968  }
0x397: {  	[hbm4b:s17+s3] =	stream.linear.scatter [tilespmem:s18], [sflag:$0x8], $0x80, $0x38;
	[tilespmem:$0x16C00] =	vst v63  }
0x398: {  	s19 =	sadd.s32 $0x60, s15;
	s22 =	simm.s32 $0x159F0  }
0x399: {  	[hbm4b:s19+s3] =	stream.linear.scatter [tilespmem:s22], [sflag:$0x8], $0x80, $0x38;
	[tilespmem:$0x16C00] =	vst v63  }
0x39a: {  	s15 =	sadd.s32 $0x70, s15;
	s25 =	simm.s32 $0x15A78  }
0x39b: {  	[hbm4b:s15+s3] =	stream.linear.scatter [tilespmem:s25], [sflag:$0x8], $0x80, $0x38;
	[tilespmem:$0x16C00] =	vst v63  }
0x39c: {  	s17 =	simm.s32 $0x15B00;
	s15 =	sadd.s32 s14, s10  }
0x39d: {  	[hbm4b:s15+s3] =	stream.linear.scatter [tilespmem:s17], [sflag:$0x8], $0x80, $0x38;
	[tilespmem:$0x16C00] =	vst v63  }
0x39e: {  	s19 =	simm.s32 $0x15B88;
	s18 =	sadd.s32 $0x10, s15  }
0x39f: {  	[hbm4b:s18+s3] =	stream.linear.scatter [tilespmem:s19], [sflag:$0x8], $0x80, $0x38;
	[tilespmem:$0x16C00] =	vst v63  }
0x3a0: {  	s25 =	simm.s32 $0x15C10;
	s22 =	sadd.s32 $0x20, s15  }
0x3a1: {  	[hbm4b:s22+s3] =	stream.linear.scatter [tilespmem:s25], [sflag:$0x8], $0x80, $0x38;
	[tilespmem:$0x16C00] =	vst v63  }
0x3a2: {  	s18 =	sadd.s32 $0x30, s15;
	s19 =	simm.s32 $0x15C98  }
0x3a3: {  	[hbm4b:s18+s3] =	stream.linear.scatter [tilespmem:s19], [sflag:$0x8], $0x80, $0x38;
	[tilespmem:$0x16C00] =	vst v63  }
0x3a4: {  	s22 =	sadd.s32 $0x40, s15;
	s25 =	simm.s32 $0x15D20  }
0x3a5: {  	[hbm4b:s22+s3] =	stream.linear.scatter [tilespmem:s25], [sflag:$0x8], $0x80, $0x38;
	[tilespmem:$0x16C00] =	vst v63  }
0x3a6: {  	s17 =	sadd.s32 $0x50, s15;
	s18 =	simm.s32 $0x15DA8  }
0x3a7: {  	[hbm4b:s17+s3] =	stream.linear.scatter [tilespmem:s18], [sflag:$0x8], $0x80, $0x38;
	[tilespmem:$0x16C00] =	vst v63  }
0x3a8: {  	s19 =	sadd.s32 $0x60, s15;
	s22 =	simm.s32 $0x15E30  }
0x3a9: {  	[hbm4b:s19+s3] =	stream.linear.scatter [tilespmem:s22], [sflag:$0x8], $0x80, $0x38;
	[tilespmem:$0x16C00] =	vst v63  }
0x3aa: {  	s15 =	sadd.s32 $0x70, s15;
	s25 =	simm.s32 $0x15EB8  }
0x3ab: {  	[hbm4b:s15+s3] =	stream.linear.scatter [tilespmem:s25], [sflag:$0x8], $0x80, $0x38;
	[tilespmem:$0x16C00] =	vst v63  }
0x3ac: {  	s17 =	simm.s32 $0x15F40;
	s15 =	sadd.s32 s14, s11  }
0x3ad: {  	[hbm4b:s15+s3] =	stream.linear.scatter [tilespmem:s17], [sflag:$0x8], $0x80, $0x38;
	[tilespmem:$0x16C00] =	vst v63  }
0x3ae: {  	s19 =	simm.s32 $0x15FC8;
	s18 =	sadd.s32 $0x10, s15  }
0x3af: {  	[hbm4b:s18+s3] =	stream.linear.scatter [tilespmem:s19], [sflag:$0x8], $0x80, $0x38;
	[tilespmem:$0x16C00] =	vst v63  }
0x3b0: {  	s25 =	simm.s32 $0x16050;
	s22 =	sadd.s32 $0x20, s15  }
0x3b1: {  	[hbm4b:s22+s3] =	stream.linear.scatter [tilespmem:s25], [sflag:$0x8], $0x80, $0x38;
	[tilespmem:$0x16C00] =	vst v63  }
0x3b2: {  	s18 =	sadd.s32 $0x30, s15;
	s19 =	simm.s32 $0x160D8  }
0x3b3: {  	[hbm4b:s18+s3] =	stream.linear.scatter [tilespmem:s19], [sflag:$0x8], $0x80, $0x38;
	[tilespmem:$0x16C00] =	vst v63  }
0x3b4: {  	s22 =	sadd.s32 $0x40, s15;
	s25 =	simm.s32 $0x16160  }
0x3b5: {  	[hbm4b:s22+s3] =	stream.linear.scatter [tilespmem:s25], [sflag:$0x8], $0x80, $0x38;
	[tilespmem:$0x16C00] =	vst v63  }
0x3b6: {  	s17 =	sadd.s32 $0x50, s15;
	s18 =	simm.s32 $0x161E8  }
0x3b7: {  	[hbm4b:s17+s3] =	stream.linear.scatter [tilespmem:s18], [sflag:$0x8], $0x80, $0x38;
	[tilespmem:$0x16C00] =	vst v63  }
0x3b8: {  	s19 =	sadd.s32 $0x60, s15;
	s22 =	simm.s32 $0x16270  }
0x3b9: {  	[hbm4b:s19+s3] =	stream.linear.scatter [tilespmem:s22], [sflag:$0x8], $0x80, $0x38;
	[tilespmem:$0x16C00] =	vst v63  }
0x3ba: {  	s15 =	sadd.s32 $0x70, s15;
	s25 =	simm.s32 $0x162F8  }
0x3bb: {  	[hbm4b:s15+s3] =	stream.linear.scatter [tilespmem:s25], [sflag:$0x8], $0x80, $0x38;
	[tilespmem:$0x16C00] =	vst v63  }
0x3bc: {  	s17 =	simm.s32 $0x16380;
	s15 =	sadd.s32 s14, s12  }
0x3bd: {  	[hbm4b:s15+s3] =	stream.linear.scatter [tilespmem:s17], [sflag:$0x8], $0x80, $0x38;
	[tilespmem:$0x16C00] =	vst v63  }
0x3be: {  	s19 =	simm.s32 $0x16408;
	s18 =	sadd.s32 $0x10, s15  }
0x3bf: {  	[hbm4b:s18+s3] =	stream.linear.scatter [tilespmem:s19], [sflag:$0x8], $0x80, $0x38;
	[tilespmem:$0x16C00] =	vst v63  }
0x3c0: {  	s25 =	simm.s32 $0x16490;
	s22 =	sadd.s32 $0x20, s15  }
0x3c1: {  	[hbm4b:s22+s3] =	stream.linear.scatter [tilespmem:s25], [sflag:$0x8], $0x80, $0x38;
	[tilespmem:$0x16C00] =	vst v63  }
0x3c2: {  	s18 =	sadd.s32 $0x30, s15;
	s19 =	simm.s32 $0x16518  }
0x3c3: {  	[hbm4b:s18+s3] =	stream.linear.scatter [tilespmem:s19], [sflag:$0x8], $0x80, $0x38;
	[tilespmem:$0x16C00] =	vst v63  }
0x3c4: {  	s22 =	sadd.s32 $0x40, s15;
	s25 =	simm.s32 $0x165A0  }
0x3c5: {  	[hbm4b:s22+s3] =	stream.linear.scatter [tilespmem:s25], [sflag:$0x8], $0x80, $0x38;
	[tilespmem:$0x16C00] =	vst v63  }
0x3c6: {  	s18 =	sadd.s32 $0x50, s15;
	s19 =	simm.s32 $0x16628  }
0x3c7: {  	[hbm4b:s18+s3] =	stream.linear.scatter [tilespmem:s19], [sflag:$0x8], $0x80, $0x38;
	[tilespmem:$0x16C00] =	vst v63  }
0x3c8: {  	s22 =	sadd.s32 $0x60, s15;
	s25 =	simm.s32 $0x166B0  }
0x3c9: {  	[hbm4b:s22+s3] =	stream.linear.scatter [tilespmem:s25], [sflag:$0x8], $0x80, $0x38;
	[tilespmem:$0x16C00] =	vst v63  }
0x3ca: {  	s15 =	sadd.s32 $0x70, s15;
	s18 =	simm.s32 $0x16738  }
0x3cb: {  	[hbm4b:s15+s3] =	stream.linear.scatter [tilespmem:s18], [sflag:$0x8], $0x80, $0x38;
	[tilespmem:$0x16C00] =	vst v63  }
0x3cc: {  	s14 =	sadd.s32 s14, s13;
	s19 =	simm.s32 $0x167C0  }
0x3cd: {  	[hbm4b:s14+s3] =	stream.linear.scatter [tilespmem:s19], [sflag:$0x8], $0x80, $0x38;
	[tilespmem:$0x16C00] =	vst v63  }
0x3ce: {  	s22 =	sadd.s32 $0x10, s14;
	s25 =	simm.s32 $0x16848  }
0x3cf: {  	[hbm4b:s22+s3] =	stream.linear.scatter [tilespmem:s25], [sflag:$0x8], $0x80, $0x38;
	[tilespmem:$0x16C00] =	vst v63  }
0x3d0: {  	s16 =	sadd.s32 $0x20, s14;
	s17 =	simm.s32 $0x168D0  }
0x3d1: {  	[hbm4b:s16+s3] =	stream.linear.scatter [tilespmem:s17], [sflag:$0x8], $0x80, $0x38;
	[tilespmem:$0x16C00] =	vst v63  }
0x3d2: {  	s18 =	sadd.s32 $0x30, s14;
	s19 =	simm.s32 $0x16958  }
0x3d3: {  	[hbm4b:s18+s3] =	stream.linear.scatter [tilespmem:s19], [sflag:$0x8], $0x80, $0x38;
	[tilespmem:$0x16C00] =	vst v63  }
0x3d4: {  	s5 =	sadd.s32 $0x1, s5;
	s22 =	sadd.s32 $0x40, s14;
	s25 =	simm.s32 $0x169E0  }
0x3d5: {  	[hbm4b:s22+s3] =	stream.linear.scatter [tilespmem:s25], [sflag:$0x8], $0x80, $0x38;
	[tilespmem:$0x16C00] =	vst v63  }
0x3d6: {  	p0 =	sne.s32 s5, $0x32;
	s17 =	sadd.s32 $0x50, s14;
	s18 =	simm.s32 $0x16A68  }
0x3d7: {  	[hbm4b:s17+s3] =	stream.linear.scatter [tilespmem:s18], [sflag:$0x8], $0x80, $0x38;
	[tilespmem:$0x16C00] =	vst v63  }
.Ltmp4:
0x3d8: {  	_ = 	snop;
	(pc) =	sbr.rel @p0 .LBB2_2-.Ltmp4, $4  }
0x3d9: {  	s19 =	sadd.s32 $0x60, s14;
	s22 =	simm.s32 $0x16AF0  }
0x3da: {  	[hbm4b:s19+s3] =	stream.linear.scatter [tilespmem:s22], [sflag:$0x8], $0x80, $0x38;
	[tilespmem:$0x16C00] =	vst v63  }
0x3db: {  	s14 =	sadd.s32 $0x70, s14;
	s25 =	simm.s32 $0x16B78  }
0x3dc: {  	[hbm4b:s14+s3] =	stream.linear.scatter [tilespmem:s25], [sflag:$0x8], $0x80, $0x38;
	[tilespmem:$0x16C00] =	vst v63  }
0x3dd: {  	s5 =	simm.s32 $0x5  }
0x3de: {  	_ =	swait.ge [sflag:s5], $0x400  }
0x3df: {  	[sflag:s5] =	ssyncset.done $0x0  }
0x3e0: {  	[sflag:s5] =	ssyncadd.s32 $0xFFFFFC00  }
0x3e1: {  	_ =	swait.ge [sflag:s5], $0x400  }
0x3e2: {  	[sflag:s5] =	ssyncset.done $0x0  }
0x3e3: {  	[sflag:s5] =	ssyncadd.s32 $0xFFFFFC00  }
0x3e4: {  	_ =	swait.ge [sflag:s5], $0x400  }
0x3e5: {  	[sflag:s5] =	ssyncset.done $0x0  }
0x3e6: {  	[sflag:s5] =	ssyncadd.s32 $0xFFFFFC00  }
0x3e7: {  	_ =	swait.ge [sflag:s5], $0x400  }
0x3e8: {  	[sflag:s5] =	ssyncset.done $0x0  }
0x3e9: {  	[sflag:s5] =	ssyncadd.s32 $0xFFFFFC00  }
0x3ea: {  	_ =	swait.ge [sflag:s5], $0x400  }
0x3eb: {  	[sflag:s5] =	ssyncset.done $0x0  }
0x3ec: {  	[sflag:s5] =	ssyncadd.s32 $0xFFFFFC00  }
0x3ed: {  	_ =	swait.ge [sflag:s5], $0x400  }
0x3ee: {  	[sflag:s5] =	ssyncset.done $0x0  }
0x3ef: {  	[sflag:s5] =	ssyncadd.s32 $0xFFFFFC00  }
0x3f0: {  	_ =	swait.ge [sflag:s5], $0x400  }
0x3f1: {  	[sflag:s5] =	ssyncset.done $0x0  }
0x3f2: {  	[sflag:s5] =	ssyncadd.s32 $0xFFFFFC00  }
0x3f3: {  	_ =	swait.ge [sflag:s5], $0x400  }
0x3f4: {  	[sflag:s5] =	ssyncset.done $0x0  }
0x3f5: {  	s19 =	simm.s32 $0x6;
	[sflag:s5] =	ssyncadd.s32 $0xFFFFFC00  }
0x3f6: {  	_ =	swait.ge [sflag:s19], $0x400  }
0x3f7: {  	[sflag:s19] =	ssyncset.done $0x0  }
0x3f8: {  	[sflag:s19] =	ssyncadd.s32 $0xFFFFFC00  }
0x3f9: {  	_ =	swait.ge [sflag:s19], $0x400  }
0x3fa: {  	[sflag:s19] =	ssyncset.done $0x0  }
0x3fb: {  	[sflag:s19] =	ssyncadd.s32 $0xFFFFFC00  }
0x3fc: {  	_ =	swait.ge [sflag:s19], $0x400  }
0x3fd: {  	[sflag:s19] =	ssyncset.done $0x0  }
0x3fe: {  	[sflag:s19] =	ssyncadd.s32 $0xFFFFFC00  }
0x3ff: {  	_ =	swait.ge [sflag:s19], $0x400  }
0x400: {  	[sflag:s19] =	ssyncset.done $0x0  }
0x401: {  	[sflag:s19] =	ssyncadd.s32 $0xFFFFFC00  }
0x402: {  	_ =	swait.ge [sflag:s19], $0x400  }
0x403: {  	[sflag:s19] =	ssyncset.done $0x0  }
0x404: {  	[sflag:s19] =	ssyncadd.s32 $0xFFFFFC00  }
0x405: {  	_ =	swait.ge [sflag:s19], $0x400  }
0x406: {  	[sflag:s19] =	ssyncset.done $0x0  }
0x407: {  	[sflag:s19] =	ssyncadd.s32 $0xFFFFFC00  }
0x408: {  	_ =	swait.ge [sflag:s19], $0x400  }
0x409: {  	[sflag:s19] =	ssyncset.done $0x0  }
0x40a: {  	[sflag:s19] =	ssyncadd.s32 $0xFFFFFC00  }
0x40b: {  	_ =	swait.ge [sflag:s19], $0x400  }
0x40c: {  	[sflag:s19] =	ssyncset.done $0x0  }
0x40d: {  	s22 =	simm.s32 $0x7;
	[sflag:s19] =	ssyncadd.s32 $0xFFFFFC00  }
0x40e: {  	_ =	swait.ge [sflag:s22], $0x400  }
0x40f: {  	[sflag:s22] =	ssyncset.done $0x0  }
0x410: {  	[sflag:s22] =	ssyncadd.s32 $0xFFFFFC00  }
0x411: {  	_ =	swait.ge [sflag:s22], $0x400  }
0x412: {  	[sflag:s22] =	ssyncset.done $0x0  }
0x413: {  	[sflag:s22] =	ssyncadd.s32 $0xFFFFFC00  }
0x414: {  	_ =	swait.ge [sflag:s22], $0x400  }
0x415: {  	[sflag:s22] =	ssyncset.done $0x0  }
0x416: {  	[sflag:s22] =	ssyncadd.s32 $0xFFFFFC00  }
0x417: {  	_ =	swait.ge [sflag:s22], $0x400  }
0x418: {  	[sflag:s22] =	ssyncset.done $0x0  }
0x419: {  	[sflag:s22] =	ssyncadd.s32 $0xFFFFFC00  }
0x41a: {  	_ =	swait.ge [sflag:s22], $0x400  }
0x41b: {  	[sflag:s22] =	ssyncset.done $0x0  }
0x41c: {  	[sflag:s22] =	ssyncadd.s32 $0xFFFFFC00  }
0x41d: {  	_ =	swait.ge [sflag:s22], $0x400  }
0x41e: {  	[sflag:s22] =	ssyncset.done $0x0  }
0x41f: {  	[sflag:s22] =	ssyncadd.s32 $0xFFFFFC00  }
0x420: {  	_ =	swait.ge [sflag:s22], $0x400  }
0x421: {  	[sflag:s22] =	ssyncset.done $0x0  }
0x422: {  	[sflag:s22] =	ssyncadd.s32 $0xFFFFFC00  }
0x423: {  	_ =	swait.ge [sflag:s22], $0x400  }
0x424: {  	[sflag:s22] =	ssyncset.done $0x0  }
0x425: {  	s14 =	simm.s32 $0x8;
	[sflag:s22] =	ssyncadd.s32 $0xFFFFFC00  }
0x426: {  	_ =	swait.ge [sflag:s14], $0x400  }
0x427: {  	[sflag:s14] =	ssyncset.done $0x0  }
0x428: {  	[sflag:s14] =	ssyncadd.s32 $0xFFFFFC00  }
0x429: {  	_ =	swait.ge [sflag:s14], $0x400  }
0x42a: {  	[sflag:s14] =	ssyncset.done $0x0  }
0x42b: {  	[sflag:s14] =	ssyncadd.s32 $0xFFFFFC00  }
0x42c: {  	_ =	swait.ge [sflag:s14], $0x400  }
0x42d: {  	[sflag:s14] =	ssyncset.done $0x0  }
0x42e: {  	[sflag:s14] =	ssyncadd.s32 $0xFFFFFC00  }
0x42f: {  	_ =	swait.ge [sflag:s14], $0x400  }
0x430: {  	[sflag:s14] =	ssyncset.done $0x0  }
0x431: {  	[sflag:s14] =	ssyncadd.s32 $0xFFFFFC00  }
0x432: {  	_ =	swait.ge [sflag:s14], $0x400  }
0x433: {  	[sflag:s14] =	ssyncset.done $0x0  }
0x434: {  	[sflag:s14] =	ssyncadd.s32 $0xFFFFFC00  }
0x435: {  	_ =	swait.ge [sflag:s14], $0x400  }
0x436: {  	[sflag:s14] =	ssyncset.done $0x0  }
0x437: {  	[sflag:s14] =	ssyncadd.s32 $0xFFFFFC00  }
0x438: {  	_ =	swait.ge [sflag:s14], $0x400  }
0x439: {  	[sflag:s14] =	ssyncset.done $0x0  }
0x43a: {  	[sflag:s14] =	ssyncadd.s32 $0xFFFFFC00  }
0x43b: {  	_ =	swait.ge [sflag:s14], $0x400  }
0x43c: {  	s15 =	rddreg [dreg:$0xb]  }
0x43d: {  	s25 =	rddreg [dreg:$0xa];
	s15 =	sadd.s32 $0x1, s15  }
0x43e: {  	p0 =	sne.s32 s15, s25  }
.Ltmp5:
0x43f: {  	_ = 	snop;
	(pc) =	sbr.rel @p0 .LBB2_1-.Ltmp5, $3  }
0x440: {  	_ =	sdelay $0x1  }
0x441: {  	[sflag:s14] =	ssyncset.done $0x0  }
0x442: {  	[sflag:s14] =	ssyncadd.s32 $0xFFFFFC00  }
0x443: {  	_ =	sfence.sel $0x180000  }
0x444: {  	[bflag:$0x0] =	sbarrier.arrive $0xFFFF  }
0x445: {  	_ =	strace $0x90000047  }
0x446: {  	s0 =	stileid.u32;
	[bflag:$0x2] =	sbarrier.arrive $0xFFFF  }
0x447: {  	p0 =	sne.s32 s0, $0x0;
	s0 =	rddreg [dreg:$0x2]  }
0x448: {  	s0 =	sadd.s32 @!p0 $0x100000, s0  }
0x449: {  	[sflag:s0] =	ssyncadd.tile.s32 @!p0 $0x1;
	_ =	shalt  }
.Lfunc_end2:
_tile_overlayer_lowered:
.L_overlay_start_2:
0x44a: {  	(tag) =	ssettag $0x2  }
0x44b: {  	s0 =	rddreg [dreg:$0x0];
	s2 =	stileid.u32  }
0x44c: {  	s1 =	rddreg [dreg:$0x1];
	p0 =	sne.s32 s2, $0x0  }
0x44d: {  	s3 =	rddreg [dreg:$0x2];
	[bflag:$0x3] =	sbarrier.arrive $0xFFFF;
	s2 =	simm.s32 @!p0 $0x1C09  }
0x44e: {  	[timem:s3], [sflag:s2] =	dma.local @!p0 [hbm:s0], s1  }
0x44f: {  	s0 =	simm.s32 @!p0 $0x9  }
0x450: {  	_ =	swait.ge @!p0 [sflag:s0], s1  }
0x451: {  	s1 =	ssub.s32 @!p0 $0x0, s1;
	[sflag:s0] =	ssyncset.done @!p0 $0x0  }
0x452: {  	[sflag:s0] =	ssyncadd.s32 @!p0 s1  }
0x453: {  	[bflag:$0x3] =	sbarrier.arrive $0xFFFF  }
0x454: {  	_ =	shalt  }

</sc_bundles>
